<compile_context>
chip_gen: v7x
topology: tpu7x:2x2x1
jax: 0.10.2.dev20260603
libtpu: 0.0.44.dev20260713+nightly
codegen_flags: <defaults>
</compile_context>

<pallas_src>
import functools

import jax
import jax.numpy as jnp
import numpy as np
from jax import lax
from jax.experimental import pallas as pl
from jax.experimental.pallas import tpu as pltpu, tpu_sc as plsc

N = 6400000
B = 50000
NC = 2
NS = 16
NW = NC * NS
L = 16

BPW = 1664
BP = NW * BPW
CHUNK = 2048
NCHUNKS = N // CHUNK
BIG = NCHUNKS - NW * (NCHUNKS // NW)
NCH = NCHUNKS // NW + 1
MAGIC = np.int32(0x5F3759DF)


def _wid():
    return lax.axis_index("s") * NC + lax.axis_index("c")


def _tile_span(wid):
    lo = 97 * wid + jnp.minimum(wid, BIG)
    nchunks = 97 + jnp.where(wid < BIG, 1, 0)
    return lo, nchunks


def _hi_ehi(en, hard, epsv):
    x2 = hard * hard + epsv
    i = plsc.bitcast(x2, jnp.int32)
    i = MAGIC - lax.shift_right_logical(i, 1)
    y = plsc.bitcast(i, jnp.float32)
    half_x2 = x2 * jnp.float32(0.5)
    for _ in range(2):
        y = y * (jnp.float32(1.5) - half_x2 * y * y)
    hi = y - epsv * (y * y)
    return hi, en * hi


def _k1_body(node_ref, batch_ref, eps_ref, phi_ref, pehi_ref,
             nbuf, bbuf, ebuf, acc_hi, acc_ehi, sem0, sem1):
    wid = _wid()
    lo, nchunks = _tile_span(wid)
    pltpu.sync_copy(eps_ref, ebuf)
    epsv = ebuf[...]

    @plsc.parallel_loop(0, BP // L, 1, unroll=4)
    def _zero(j):
        z = jnp.zeros((L,), jnp.float32)
        acc_hi[pl.ds(j * L, L)] = z
        acc_ehi[pl.ds(j * L, L)] = z

    sems = (sem0, sem1)

    def srcs(c):
        cc = jnp.minimum(c, nchunks - 1)
        off = (lo + cc) * CHUNK
        return (node_ref.at[pl.ds(off * 2, CHUNK * 2)],
                batch_ref.at[pl.ds(off, CHUNK)])

    def bufs(s):
        return (nbuf.at[pl.ds(s * CHUNK * 2, CHUNK * 2)],
                bbuf.at[pl.ds(s * CHUNK, CHUNK)])

    def fetch(c, s):
        nsrc, bsrc = srcs(c)
        ndst, bdst = bufs(s)
        pltpu.async_copy(nsrc, ndst, sems[s])
        pltpu.async_copy(bsrc, bdst, sems[s])

    def drain(c, s):
        nsrc, bsrc = srcs(c)
        ndst, bdst = bufs(s)
        pltpu.make_async_copy(nsrc, ndst, sems[s]).wait()
        pltpu.make_async_copy(bsrc, bdst, sems[s]).wait()

    fetch(0, 0)
    fetch(1, 1)

    lane0 = lax.iota(jnp.int32, L) == 0
    zv = jnp.zeros((L,), jnp.float32)

    def flush(cr):
        ci, vh, ve = cr

        @pl.when(ci >= 0)
        def _():
            idxv = jnp.broadcast_to(ci, (L,))
            plsc.addupdate_scatter(
                acc_hi, [idxv], jnp.broadcast_to(jnp.sum(vh), (L,)),
                mask=lane0)
            plsc.addupdate_scatter(
                acc_ehi, [idxv], jnp.broadcast_to(jnp.sum(ve), (L,)),
                mask=lane0)

    def process_chunk(s, carry):
        def inner(v, cr):
            w = s * CHUNK * 2 + ((v >> 3) << 8) + ((v & 7) << 4)
            k = s * CHUNK + (v << 4)
            en = nbuf[pl.ds(w, L)]
            hard = nbuf[pl.ds(w + 128, L)]
            hi, ehi = _hi_ehi(en, hard, epsv)
            bidx = bbuf[pl.ds(k, L)]
            ci, vh, ve = cr
            b15 = bidx[15]
            m_tail = bidx == jnp.broadcast_to(b15, (L,))
            m_closed = jnp.logical_not(m_tail)
            plsc.addupdate_scatter(acc_hi, [bidx], hi, mask=m_closed)
            plsc.addupdate_scatter(acc_ehi, [bidx], ehi, mask=m_closed)
            same = b15 == ci
            fmask = lane0 & jnp.broadcast_to(
                (ci >= 0) & jnp.logical_not(same), (L,))
            civ = jnp.broadcast_to(jnp.maximum(ci, 0), (L,))
            plsc.addupdate_scatter(
                acc_hi, [civ], jnp.broadcast_to(jnp.sum(vh), (L,)),
                mask=fmask)
            plsc.addupdate_scatter(
                acc_ehi, [civ], jnp.broadcast_to(jnp.sum(ve), (L,)),
                mask=fmask)
            samev = jnp.broadcast_to(same, (L,))
            vh = jnp.where(m_tail, hi, zv) + jnp.where(samev, vh, zv)
            ve = jnp.where(m_tail, ehi, zv) + jnp.where(samev, ve, zv)
            return (b15, vh, ve)
        return plsc.parallel_loop(
            0, CHUNK // L, 1, unroll=4, carry=carry)(inner)

    def pair_body(p, carry):
        for s in (0, 1):
            c = p * 2 + s
            drain(c, s)
            carry = lax.cond(c < nchunks,
                             functools.partial(process_chunk, s),
                             lambda cr: cr, carry)
            fetch(c + 2, s)
        return carry
    carry0 = (jnp.int32(-1), zv, zv)
    carry = lax.fori_loop(0, NCH // 2, pair_body, carry0)
    flush(carry)
    drain(NCH, 0)
    drain(NCH + 1, 1)

    pltpu.sync_copy(acc_hi, phi_ref.at[pl.ds(wid * BP, BP)])
    pltpu.sync_copy(acc_ehi, pehi_ref.at[pl.ds(wid * BP, BP)])


def _k2_body(phi_ref, pehi_ref, tc_ref, eps_ref, tmp_ref,
             sbuf_hi, sbuf_ehi, tcbuf, obuf, ebuf, sem):
    wid = _wid()
    base = wid * BPW
    pltpu.sync_copy(eps_ref, ebuf)
    epsv = ebuf[...]
    pltpu.sync_copy(tc_ref.at[pl.ds(base, BPW)], tcbuf)
    copies = []
    for t in range(NW):
        copies.append(pltpu.async_copy(
            phi_ref.at[pl.ds(t * BP + base, BPW)],
            sbuf_hi.at[pl.ds(t * BPW, BPW)], sem))
        copies.append(pltpu.async_copy(
            pehi_ref.at[pl.ds(t * BP + base, BPW)],
            sbuf_ehi.at[pl.ds(t * BPW, BPW)], sem))
    for c in copies:
        c.wait()

    def body(j, _):
        sl = pl.ds(j * L, L)
        shi = jnp.zeros((L,), jnp.float32)
        sehi = jnp.zeros((L,), jnp.float32)
        for t in range(NW):
            shi = shi + sbuf_hi[pl.ds(t * BPW + j * L, L)]
            sehi = sehi + sbuf_ehi[pl.ds(t * BPW + j * L, L)]
        obuf[sl] = (tcbuf[sl] + sehi) / (shi + epsv)
        return 0
    lax.fori_loop(0, BPW // L, body, 0)
    pltpu.sync_copy(obuf, tmp_ref.at[pl.ds(base, BPW)])


def _k3_body(node_ref, batch_ref, tmp_ref, eps_ref, out_ref,
             nbuf, bbuf, obuf, ebuf, tbuf, sem0, sem1, osem0, osem1):
    wid = _wid()
    lo, nchunks = _tile_span(wid)
    pltpu.sync_copy(eps_ref, ebuf)
    epsv = ebuf[...]
    pltpu.sync_copy(tmp_ref, tbuf)

    sems = (sem0, sem1)
    osems = (osem0, osem1)

    def srcs(c):
        cc = jnp.minimum(c, nchunks - 1)
        off = (lo + cc) * CHUNK
        return (node_ref.at[pl.ds(off * 2, CHUNK * 2)],
                batch_ref.at[pl.ds(off, CHUNK)])

    def odst(c):
        cc = jnp.minimum(c, nchunks - 1)
        return out_ref.at[pl.ds((lo + cc) * CHUNK, CHUNK)]

    def bufs(s):
        return (nbuf.at[pl.ds(s * CHUNK * 2, CHUNK * 2)],
                bbuf.at[pl.ds(s * CHUNK, CHUNK)])

    def oslot(s):
        return obuf.at[pl.ds(s * CHUNK, CHUNK)]

    def fetch(c, s):
        nsrc, bsrc = srcs(c)
        ndst, bdst = bufs(s)
        pltpu.async_copy(nsrc, ndst, sems[s])
        pltpu.async_copy(bsrc, bdst, sems[s])

    def drain(c, s):
        nsrc, bsrc = srcs(c)
        ndst, bdst = bufs(s)
        pltpu.make_async_copy(nsrc, ndst, sems[s]).wait()
        pltpu.make_async_copy(bsrc, bdst, sems[s]).wait()

    fetch(0, 0)
    fetch(1, 1)

    def pair_body(p, _):
        for s in (0, 1):
            c = p * 2 + s
            drain(c, s)

            @pl.when(p >= 1)
            def _():
                pltpu.make_async_copy(oslot(s), odst(c - 2), osems[s]).wait()

            @plsc.parallel_loop(0, CHUNK // L, 1, unroll=4)
            def inner(v):
                w = s * CHUNK * 2 + ((v >> 3) << 8) + ((v & 7) << 4)
                k = s * CHUNK + (v << 4)
                en = nbuf[pl.ds(w, L)]
                hard = nbuf[pl.ds(w + 128, L)]
                hi, ehi = _hi_ehi(en, hard, epsv)
                bidx = bbuf[pl.ds(k, L)]
                tv = plsc.load_gather(tbuf, [bidx])
                obuf[pl.ds(k, L)] = tv * hi - ehi
            pltpu.async_copy(oslot(s), odst(c), osems[s])
            fetch(c + 2, s)
        return 0
    lax.fori_loop(0, NCH // 2, pair_body, 0)
    drain(NCH, 0)
    drain(NCH + 1, 1)
    pltpu.make_async_copy(oslot(0), odst(NCH - 2), osems[0]).wait()
    pltpu.make_async_copy(oslot(1), odst(NCH - 1), osems[1]).wait()


@functools.lru_cache(maxsize=1)
def _build():
    mesh = plsc.VectorSubcoreMesh(
        core_axis_name="c", subcore_axis_name="s",
        num_cores=NC, num_subcores=NS)
    params = pltpu.CompilerParams(needs_layout_passes=False)
    k1 = pl.kernel(
        _k1_body,
        out_type=(jax.ShapeDtypeStruct((NW * BP,), jnp.float32),
                  jax.ShapeDtypeStruct((NW * BP,), jnp.float32)),
        mesh=mesh,
        compiler_params=params,
        scratch_types=[
            pltpu.VMEM((2 * CHUNK * 2,), jnp.float32),
            pltpu.VMEM((2 * CHUNK,), jnp.int32),
            pltpu.VMEM((L,), jnp.float32),
            pltpu.VMEM((BP,), jnp.float32),
            pltpu.VMEM((BP,), jnp.float32),
            pltpu.SemaphoreType.DMA,
            pltpu.SemaphoreType.DMA,
        ],
    )
    k2 = pl.kernel(
        _k2_body,
        out_type=jax.ShapeDtypeStruct((BP,), jnp.float32),
        mesh=mesh,
        compiler_params=params,
        scratch_types=[
            pltpu.VMEM((NW * BPW,), jnp.float32),
            pltpu.VMEM((NW * BPW,), jnp.float32),
            pltpu.VMEM((BPW,), jnp.float32),
            pltpu.VMEM((BPW,), jnp.float32),
            pltpu.VMEM((L,), jnp.float32),
            pltpu.SemaphoreType.DMA,
        ],
    )
    k3 = pl.kernel(
        _k3_body,
        out_type=jax.ShapeDtypeStruct((N,), jnp.float32),
        mesh=mesh,
        compiler_params=params,
        scratch_types=[
            pltpu.VMEM((2 * CHUNK * 2,), jnp.float32),
            pltpu.VMEM((2 * CHUNK,), jnp.int32),
            pltpu.VMEM((2 * CHUNK,), jnp.float32),
            pltpu.VMEM((L,), jnp.float32),
            pltpu.VMEM((BP,), jnp.float32),
            pltpu.SemaphoreType.DMA,
            pltpu.SemaphoreType.DMA,
            pltpu.SemaphoreType.DMA,
            pltpu.SemaphoreType.DMA,
        ],
    )
    return k1, k2, k3


def kernel(node_outputs, total_charge, batch, n_atoms, eps):
    nf = jnp.reshape(
        jnp.transpose(jnp.reshape(node_outputs, (N // 128, 128, 2)),
                      (0, 2, 1)), (2 * N,))
    eps16 = jnp.full((L,), eps, jnp.float32)
    tc_pad = jnp.pad(total_charge, (0, BP - B))
    k1, k2, k3 = _build()
    phi, pehi = k1(nf, batch, eps16)
    tmp = k2(phi, pehi, tc_pad, eps16)
    return k3(nf, batch, tmp, eps16)

# --- scband reference (transcript-rebuilt; emitter-appended) ---
"""Pipeline reference for scband-equilibrated-partial-charges-26534307955284 (READ-ONLY COPY).

The authoritative reference and input builder live on the scoring server;
editing this copy changes nothing except your own understanding.
"""

import jax, jax.numpy as jnp
import numpy as np

N = 6400000
B = 50000


def setup_inputs(seed: int = 0) -> dict:
    key = jax.random.key(seed)
    k1, k2, k3, k4 = jax.random.split(key, 4)
    node_outputs = jax.random.normal(k1, (N, 2), dtype=jnp.float32)
    total_charge = jax.random.normal(k2, (B,), dtype=jnp.float32)
    batch = jnp.sort(jax.random.randint(k3, (N,), 0, B, dtype=jnp.int32))
    n_atoms = jax.random.randint(k4, (B,), 1, 200, dtype=jnp.int32)
    return {"node_outputs": node_outputs, "total_charge": total_charge, "batch": batch, "n_atoms": n_atoms, "eps": jnp.float32(1e-12)}


def reference(node_outputs, total_charge, batch, n_atoms, eps=1e-12):
    en = node_outputs[:, 0]
    hard = node_outputs[:, 1]
    hard = jnp.sqrt(jnp.square(hard) + eps)
    hard_inv = (hard + eps) ** (-1)
    en_hard_inv = en * hard_inv
    num_segments = n_atoms.shape[0]
    sum_hard_inv = jax.ops.segment_sum(hard_inv, batch, num_segments=num_segments)
    sum_en_hard_inv = jax.ops.segment_sum(en_hard_inv, batch, num_segments=num_segments)
    tmp = (total_charge + sum_en_hard_inv) / (sum_hard_inv + eps)
    partial_charges = -en * hard_inv + jnp.take(tmp, batch, axis=0) * hard_inv
    return partial_charges

if __name__ == "__main__":
    import jax
    _d = setup_inputs()
    print(jax.jit(kernel)(*tuple(_d.values())))

</pallas_src>

<mosaic_0001>
#map = affine_map<(d0, d1) -> (0)>
module attributes {stable_mosaic.version = 14 : i64} {
  func.func @_k3_body(%arg0: i32, %arg1: i32, %arg2: memref<12800000xf32, #tpu.memory_space<hbm>>, %arg3: memref<6400000xi32, #tpu.memory_space<hbm>>, %arg4: memref<53248xf32, #tpu.memory_space<hbm>>, %arg5: memref<16xf32, #tpu.memory_space<hbm>>, %arg6: memref<6400000xf32, #tpu.memory_space<hbm>>, %arg7: memref<8192xf32, #tpu.memory_space<vmem>>, %arg8: memref<4096xi32, #tpu.memory_space<vmem>>, %arg9: memref<4096xf32, #tpu.memory_space<vmem>>, %arg10: memref<16xf32, #tpu.memory_space<vmem>>, %arg11: memref<53248xf32, #tpu.memory_space<vmem>>, %arg12: memref<!tpu.dma_semaphore, #tpu.memory_space<semaphore_mem>>, %arg13: memref<!tpu.dma_semaphore, #tpu.memory_space<semaphore_mem>>, %arg14: memref<!tpu.dma_semaphore, #tpu.memory_space<semaphore_mem>>, %arg15: memref<!tpu.dma_semaphore, #tpu.memory_space<semaphore_mem>>) attributes {dimension_semantics = [#tpu.dimension_semantics<core_parallel>, #tpu.dimension_semantics<subcore_parallel>], iteration_bounds = array<i64: 2, 16>, scalar_prefetch = 0 : i64, scratch_operands = 9 : i64, tpu.core_type = #tpu.core_type<sc_vector_subcore>, window_params = [{transform_indices = #map}, {transform_indices = #map}, {transform_indices = #map}, {transform_indices = #map}, {transform_indices = #map}]} {
    %mul3A = arith.constant 2 : i32
    %mul3A_0 = arith.muli %arg1, %mul3A : i32
    %add3A = arith.addi %mul3A_0, %arg0 : i32
    %mul3A_1 = arith.constant 97 : i32
    %mul3A_2 = arith.muli %mul3A_1, %add3A : i32
    %min3A = arith.constant 21 : i32
    %min3A_3 = arith.minsi %add3A, %min3A : i32
    %add3A_4 = arith.addi %mul3A_2, %min3A_3 : i32
    %lt3A = arith.constant 21 : i32
    %lt3A_5 = arith.cmpi slt, %add3A, %lt3A : i32
    %jit3A = arith.constant 1 : i32
    %jit3A_6 = arith.constant 0 : i32
    %select_n3A = arith.select %lt3A_5, %jit3A, %jit3A_6 : i32
    %add3A_7 = arith.constant 97 : i32
    %add3A_8 = arith.addi %add3A_7, %select_n3A : i32
    "tpu.region"() ({
      %run_scoped3A = tpu.sem_alloc : memref<!tpu.dma_semaphore, #tpu.memory_space<semaphore_mem>>
      tpu.enqueue_dma source(%arg5 : memref<16xf32, #tpu.memory_space<hbm>>) target(%arg10 : memref<16xf32, #tpu.memory_space<vmem>>) target_semaphore(%run_scoped3A : memref<!tpu.dma_semaphore, #tpu.memory_space<semaphore_mem>>)
      tpu.wait_dma2 semaphore(%run_scoped3A : memref<!tpu.dma_semaphore, #tpu.memory_space<semaphore_mem>>) src(%arg5 : memref<16xf32, #tpu.memory_space<hbm>>) dst(%arg10 : memref<16xf32, #tpu.memory_space<vmem>>)
      tpu.yield
    }) : () -> ()
    %get3A = arith.constant 0 : index
    %get3A_9 = tpu.vector_load %arg10[%get3A] {strides = array<i32>} : memref<16xf32, #tpu.memory_space<vmem>>, vector<16xf32>,
    "tpu.region"() ({
      %run_scoped3A = tpu.sem_alloc : memref<!tpu.dma_semaphore, #tpu.memory_space<semaphore_mem>>
      tpu.enqueue_dma source(%arg4 : memref<53248xf32, #tpu.memory_space<hbm>>) target(%arg11 : memref<53248xf32, #tpu.memory_space<vmem>>) target_semaphore(%run_scoped3A : memref<!tpu.dma_semaphore, #tpu.memory_space<semaphore_mem>>)
      tpu.wait_dma2 semaphore(%run_scoped3A : memref<!tpu.dma_semaphore, #tpu.memory_space<semaphore_mem>>) src(%arg4 : memref<53248xf32, #tpu.memory_space<hbm>>) dst(%arg11 : memref<53248xf32, #tpu.memory_space<vmem>>)
      tpu.yield
    }) : () -> ()
    %sub3A = arith.constant 1 : i32
    %sub3A_10 = arith.subi %add3A_8, %sub3A : i32
    %min3A_11 = arith.constant 0 : i32
    %min3A_12 = arith.minsi %min3A_11, %sub3A_10 : i32
    %add3A_13 = arith.addi %add3A_4, %min3A_12 : i32
    %mul3A_14 = arith.constant 2048 : i32
    %mul3A_15 = arith.muli %add3A_13, %mul3A_14 : i32
    %mul3A_16 = arith.constant 2 : i32
    %mul3A_17 = arith.muli %mul3A_15, %mul3A_16 : i32
    %dma_start3A = arith.constant 0 : i32
    %dma_start3A_18 = tpu.memref_slice %arg7[%dma_start3A] : memref<8192xf32, #tpu.memory_space<vmem>> -> memref<4096xf32, #tpu.memory_space<vmem>>
    %dma_start3A_19 = tpu.memref_slice %arg2[%mul3A_17] : memref<12800000xf32, #tpu.memory_space<hbm>> -> memref<4096xf32, #tpu.memory_space<hbm>>
    %dma_start3A_20 = arith.constant 0 : i32
    %dma_start3A_21 = tpu.memref_slice %arg7[%dma_start3A_20] : memref<8192xf32, #tpu.memory_space<vmem>> -> memref<4096xf32, #tpu.memory_space<vmem>>
    %dma_start3A_22 = tpu.memref_slice %arg2[%mul3A_17] : memref<12800000xf32, #tpu.memory_space<hbm>> -> memref<4096xf32, #tpu.memory_space<hbm>>
    tpu.enqueue_dma source(%dma_start3A_22 : memref<4096xf32, #tpu.memory_space<hbm>>) target(%dma_start3A_21 : memref<4096xf32, #tpu.memory_space<vmem>>) target_semaphore(%arg12 : memref<!tpu.dma_semaphore, #tpu.memory_space<semaphore_mem>>)
    %dma_start3A_23 = arith.constant 0 : i32
    %dma_start3A_24 = tpu.memref_slice %arg8[%dma_start3A_23] : memref<4096xi32, #tpu.memory_space<vmem>> -> memref<2048xi32, #tpu.memory_space<vmem>>
    %dma_start3A_25 = tpu.memref_slice %arg3[%mul3A_15] : memref<6400000xi32, #tpu.memory_space<hbm>> -> memref<2048xi32, #tpu.memory_space<hbm>>
    %dma_start3A_26 = arith.constant 0 : i32
    %dma_start3A_27 = tpu.memref_slice %arg8[%dma_start3A_26] : memref<4096xi32, #tpu.memory_space<vmem>> -> memref<2048xi32, #tpu.memory_space<vmem>>
    %dma_start3A_28 = tpu.memref_slice %arg3[%mul3A_15] : memref<6400000xi32, #tpu.memory_space<hbm>> -> memref<2048xi32, #tpu.memory_space<hbm>>
    tpu.enqueue_dma source(%dma_start3A_28 : memref<2048xi32, #tpu.memory_space<hbm>>) target(%dma_start3A_27 : memref<2048xi32, #tpu.memory_space<vmem>>) target_semaphore(%arg12 : memref<!tpu.dma_semaphore, #tpu.memory_space<semaphore_mem>>)
    %sub3A_29 = arith.constant 1 : i32
    %sub3A_30 = arith.subi %add3A_8, %sub3A_29 : i32
    %min3A_31 = arith.constant 1 : i32
    %min3A_32 = arith.minsi %min3A_31, %sub3A_30 : i32
    %add3A_33 = arith.addi %add3A_4, %min3A_32 : i32
    %mul3A_34 = arith.constant 2048 : i32
    %mul3A_35 = arith.muli %add3A_33, %mul3A_34 : i32
    %mul3A_36 = arith.constant 2 : i32
    %mul3A_37 = arith.muli %mul3A_35, %mul3A_36 : i32
    %dma_start3A_38 = arith.constant 4096 : i32
    %dma_start3A_39 = tpu.memref_slice %arg7[%dma_start3A_38] : memref<8192xf32, #tpu.memory_space<vmem>> -> memref<4096xf32, #tpu.memory_space<vmem>>
    %dma_start3A_40 = tpu.memref_slice %arg2[%mul3A_37] : memref<12800000xf32, #tpu.memory_space<hbm>> -> memref<4096xf32, #tpu.memory_space<hbm>>
    %dma_start3A_41 = arith.constant 4096 : i32
    %dma_start3A_42 = tpu.memref_slice %arg7[%dma_start3A_41] : memref<8192xf32, #tpu.memory_space<vmem>> -> memref<4096xf32, #tpu.memory_space<vmem>>
    %dma_start3A_43 = tpu.memref_slice %arg2[%mul3A_37] : memref<12800000xf32, #tpu.memory_space<hbm>> -> memref<4096xf32, #tpu.memory_space<hbm>>
    tpu.enqueue_dma source(%dma_start3A_43 : memref<4096xf32, #tpu.memory_space<hbm>>) target(%dma_start3A_42 : memref<4096xf32, #tpu.memory_space<vmem>>) target_semaphore(%arg13 : memref<!tpu.dma_semaphore, #tpu.memory_space<semaphore_mem>>)
    %dma_start3A_44 = arith.constant 2048 : i32
    %dma_start3A_45 = tpu.memref_slice %arg8[%dma_start3A_44] : memref<4096xi32, #tpu.memory_space<vmem>> -> memref<2048xi32, #tpu.memory_space<vmem>>
    %dma_start3A_46 = tpu.memref_slice %arg3[%mul3A_35] : memref<6400000xi32, #tpu.memory_space<hbm>> -> memref<2048xi32, #tpu.memory_space<hbm>>
    %dma_start3A_47 = arith.constant 2048 : i32
    %dma_start3A_48 = tpu.memref_slice %arg8[%dma_start3A_47] : memref<4096xi32, #tpu.memory_space<vmem>> -> memref<2048xi32, #tpu.memory_space<vmem>>
    %dma_start3A_49 = tpu.memref_slice %arg3[%mul3A_35] : memref<6400000xi32, #tpu.memory_space<hbm>> -> memref<2048xi32, #tpu.memory_space<hbm>>
    tpu.enqueue_dma source(%dma_start3A_49 : memref<2048xi32, #tpu.memory_space<hbm>>) target(%dma_start3A_48 : memref<2048xi32, #tpu.memory_space<vmem>>) target_semaphore(%arg13 : memref<!tpu.dma_semaphore, #tpu.memory_space<semaphore_mem>>)
    %scan3A = arith.constant 0 : i32
    %scan3A_50 = arith.constant 0 : i32
    %scan3A_51 = arith.constant 49 : i32
    %scan3A_52 = arith.addi %scan3A_50, %scan3A_51 : i32
    %scan3A_53 = arith.constant 1 : i32
    %scan3A_54 = scf.for %scan3A_123 = %scan3A_50 to %scan3A_52 step %scan3A_53 iter_args(%scan3A_124 = %scan3A) -> (i32)  : i32 {
      %mul3A_125 = arith.constant 2 : i32
      %mul3A_126 = arith.muli %scan3A_123, %mul3A_125 : i32
      %add3A_127 = arith.constant 0 : i32
      %add3A_128 = arith.addi %mul3A_126, %add3A_127 : i32
      %sub3A_129 = arith.constant 1 : i32
      %sub3A_130 = arith.subi %add3A_8, %sub3A_129 : i32
      %min3A_131 = arith.minsi %add3A_128, %sub3A_130 : i32
      %add3A_132 = arith.addi %add3A_4, %min3A_131 : i32
      %mul3A_133 = arith.constant 2048 : i32
      %mul3A_134 = arith.muli %add3A_132, %mul3A_133 : i32
      %mul3A_135 = arith.constant 2 : i32
      %mul3A_136 = arith.muli %mul3A_134, %mul3A_135 : i32
      %dma_wait3A_137 = arith.constant 0 : i32
      %dma_wait3A_138 = tpu.memref_slice %arg7[%dma_wait3A_137] : memref<8192xf32, #tpu.memory_space<vmem>> -> memref<4096xf32, #tpu.memory_space<vmem>>
      %dma_wait3A_139 = tpu.memref_slice %arg2[%mul3A_136] : memref<12800000xf32, #tpu.memory_space<hbm>> -> memref<4096xf32, #tpu.memory_space<hbm>>
      %dma_wait3A_140 = arith.constant 0 : i32
      %dma_wait3A_141 = tpu.memref_slice %arg7[%dma_wait3A_140] : memref<8192xf32, #tpu.memory_space<vmem>> -> memref<4096xf32, #tpu.memory_space<vmem>>
      %dma_wait3A_142 = tpu.memref_slice %arg2[%mul3A_136] : memref<12800000xf32, #tpu.memory_space<hbm>> -> memref<4096xf32, #tpu.memory_space<hbm>>
      tpu.wait_dma2 semaphore(%arg12 : memref<!tpu.dma_semaphore, #tpu.memory_space<semaphore_mem>>) src(%dma_wait3A_142 : memref<4096xf32, #tpu.memory_space<hbm>>) dst(%dma_wait3A_141 : memref<4096xf32, #tpu.memory_space<vmem>>)
      %dma_wait3A_143 = arith.constant 0 : i32
      %dma_wait3A_144 = tpu.memref_slice %arg8[%dma_wait3A_143] : memref<4096xi32, #tpu.memory_space<vmem>> -> memref<2048xi32, #tpu.memory_space<vmem>>
      %dma_wait3A_145 = tpu.memref_slice %arg3[%mul3A_134] : memref<6400000xi32, #tpu.memory_space<hbm>> -> memref<2048xi32, #tpu.memory_space<hbm>>
      %dma_wait3A_146 = arith.constant 0 : i32
      %dma_wait3A_147 = tpu.memref_slice %arg8[%dma_wait3A_146] : memref<4096xi32, #tpu.memory_space<vmem>> -> memref<2048xi32, #tpu.memory_space<vmem>>
      %dma_wait3A_148 = tpu.memref_slice %arg3[%mul3A_134] : memref<6400000xi32, #tpu.memory_space<hbm>> -> memref<2048xi32, #tpu.memory_space<hbm>>
      tpu.wait_dma2 semaphore(%arg12 : memref<!tpu.dma_semaphore, #tpu.memory_space<semaphore_mem>>) src(%dma_wait3A_148 : memref<2048xi32, #tpu.memory_space<hbm>>) dst(%dma_wait3A_147 : memref<2048xi32, #tpu.memory_space<vmem>>)
      %ge3A = arith.constant 1 : i32
      %ge3A_149 = arith.cmpi sge, %scan3A_123, %ge3A : i32
      %convert_element_type3A = arith.extui %ge3A_149 : i1 to i32
      %cond3A = arith.constant 0 : i32
      %cond3A_150 = arith.cmpi ne, %convert_element_type3A, %cond3A : i32
      scf.if %cond3A_150 {
        %sub3A_254 = arith.constant 2 : i32
        %sub3A_255 = arith.subi %add3A_128, %sub3A_254 : i32
        %sub3A_256 = arith.constant 1 : i32
        %sub3A_257 = arith.subi %add3A_8, %sub3A_256 : i32
        %min3A_258 = arith.minsi %sub3A_255, %sub3A_257 : i32
        %add3A_259 = arith.addi %add3A_4, %min3A_258 : i32
        %mul3A_260 = arith.constant 2048 : i32
        %mul3A_261 = arith.muli %add3A_259, %mul3A_260 : i32
        %dma_wait3A_262 = arith.constant 0 : i32
        %dma_wait3A_263 = tpu.memref_slice %arg9[%dma_wait3A_262] : memref<4096xf32, #tpu.memory_space<vmem>> -> memref<2048xf32, #tpu.memory_space<vmem>>
        %dma_wait3A_264 = tpu.memref_slice %arg6[%mul3A_261] : memref<6400000xf32, #tpu.memory_space<hbm>> -> memref<2048xf32, #tpu.memory_space<hbm>>
        %dma_wait3A_265 = tpu.memref_slice %arg6[%mul3A_261] : memref<6400000xf32, #tpu.memory_space<hbm>> -> memref<2048xf32, #tpu.memory_space<hbm>>
        %dma_wait3A_266 = arith.constant 0 : i32
        %dma_wait3A_267 = tpu.memref_slice %arg9[%dma_wait3A_266] : memref<4096xf32, #tpu.memory_space<vmem>> -> memref<2048xf32, #tpu.memory_space<vmem>>
        tpu.wait_dma2 semaphore(%arg14 : memref<!tpu.dma_semaphore, #tpu.memory_space<semaphore_mem>>) src(%dma_wait3A_267 : memref<2048xf32, #tpu.memory_space<vmem>>) dst(%dma_wait3A_265 : memref<2048xf32, #tpu.memory_space<hbm>>)
      } else {
      }
      %parallel_loop3A = arith.constant 0 : i32
      %parallel_loop3A_151 = arith.constant 128 : i32
      %parallel_loop3A_152 = arith.constant 1 : i32
      scf.for %parallel_loop3A_254 = %parallel_loop3A to %parallel_loop3A_151 step %parallel_loop3A_152  : i32 {
        %parallel_loop3A_255 = arith.constant 3 : i32
        %parallel_loop3A_256 = arith.shrsi %parallel_loop3A_254, %parallel_loop3A_255 : i32
        %parallel_loop3A_257 = arith.constant 8 : i32
        %parallel_loop3A_258 = arith.shli %parallel_loop3A_256, %parallel_loop3A_257 : i32
        %parallel_loop3A_259 = arith.constant 0 : i32
        %parallel_loop3A_260 = arith.addi %parallel_loop3A_259, %parallel_loop3A_258 : i32
        %parallel_loop3A_261 = arith.constant 7 : i32
        %parallel_loop3A_262 = arith.andi %parallel_loop3A_254, %parallel_loop3A_261 : i32
        %parallel_loop3A_263 = arith.constant 4 : i32
        %parallel_loop3A_264 = arith.shli %parallel_loop3A_262, %parallel_loop3A_263 : i32
        %parallel_loop3A_265 = arith.addi %parallel_loop3A_260, %parallel_loop3A_264 : i32
        %parallel_loop3A_266 = arith.constant 4 : i32
        %parallel_loop3A_267 = arith.shli %parallel_loop3A_254, %parallel_loop3A_266 : i32
        %parallel_loop3A_268 = arith.constant 0 : i32
        %parallel_loop3A_269 = arith.addi %parallel_loop3A_268, %parallel_loop3A_267 : i32
        %parallel_loop3A_270 = arith.index_cast %parallel_loop3A_265 : i32 to index
        %parallel_loop3A_271 = tpu.vector_load %arg7[%parallel_loop3A_270] {strides = array<i32>} : memref<8192xf32, #tpu.memory_space<vmem>>, vector<16xf32>,
        %parallel_loop3A_272 = arith.constant 128 : i32
        %parallel_loop3A_273 = arith.addi %parallel_loop3A_265, %parallel_loop3A_272 : i32
        %parallel_loop3A_274 = arith.index_cast %parallel_loop3A_273 : i32 to index
        %parallel_loop3A_275 = tpu.vector_load %arg7[%parallel_loop3A_274] {strides = array<i32>} : memref<8192xf32, #tpu.memory_space<vmem>>, vector<16xf32>,
        %parallel_loop3A_276 = arith.mulf %parallel_loop3A_275, %parallel_loop3A_275 : vector<16xf32>
        %parallel_loop3A_277 = arith.addf %parallel_loop3A_276, %get3A_9 : vector<16xf32>
        %parallel_loop3A_278 = vector.bitcast %parallel_loop3A_277 : vector<16xf32> to vector<16xi32>
        %parallel_loop3A_279 = arith.constant 1 : i32
        %parallel_loop3A_280 = vector.broadcast %parallel_loop3A_279 : i32 to vector<16xi32>
        %parallel_loop3A_281 = arith.shrui %parallel_loop3A_278, %parallel_loop3A_280 : vector<16xi32>
        %parallel_loop3A_282 = arith.constant 1597463007 : i32
        %parallel_loop3A_283 = vector.broadcast %parallel_loop3A_282 : i32 to vector<16xi32>
        %parallel_loop3A_284 = arith.subi %parallel_loop3A_283, %parallel_loop3A_281 : vector<16xi32>
        %parallel_loop3A_285 = vector.bitcast %parallel_loop3A_284 : vector<16xi32> to vector<16xf32>
        %parallel_loop3A_286 = arith.constant 5.000000e-01 : f32
        %parallel_loop3A_287 = vector.broadcast %parallel_loop3A_286 : f32 to vector<16xf32>
        %parallel_loop3A_288 = arith.mulf %parallel_loop3A_277, %parallel_loop3A_287 : vector<16xf32>
        %parallel_loop3A_289 = arith.mulf %parallel_loop3A_288, %parallel_loop3A_285 : vector<16xf32>
        %parallel_loop3A_290 = arith.mulf %parallel_loop3A_289, %parallel_loop3A_285 : vector<16xf32>
        %parallel_loop3A_291 = arith.constant 1.500000e+00 : f32
        %parallel_loop3A_292 = vector.broadcast %parallel_loop3A_291 : f32 to vector<16xf32>
        %parallel_loop3A_293 = arith.subf %parallel_loop3A_292, %parallel_loop3A_290 : vector<16xf32>
        %parallel_loop3A_294 = arith.mulf %parallel_loop3A_285, %parallel_loop3A_293 : vector<16xf32>
        %parallel_loop3A_295 = arith.mulf %parallel_loop3A_288, %parallel_loop3A_294 : vector<16xf32>
        %parallel_loop3A_296 = arith.mulf %parallel_loop3A_295, %parallel_loop3A_294 : vector<16xf32>
        %parallel_loop3A_297 = arith.constant 1.500000e+00 : f32
        %parallel_loop3A_298 = vector.broadcast %parallel_loop3A_297 : f32 to vector<16xf32>
        %parallel_loop3A_299 = arith.subf %parallel_loop3A_298, %parallel_loop3A_296 : vector<16xf32>
        %parallel_loop3A_300 = arith.mulf %parallel_loop3A_294, %parallel_loop3A_299 : vector<16xf32>
        %parallel_loop3A_301 = arith.mulf %parallel_loop3A_300, %parallel_loop3A_300 : vector<16xf32>
        %parallel_loop3A_302 = arith.mulf %get3A_9, %parallel_loop3A_301 : vector<16xf32>
        %parallel_loop3A_303 = arith.subf %parallel_loop3A_300, %parallel_loop3A_302 : vector<16xf32>
        %parallel_loop3A_304 = arith.mulf %parallel_loop3A_271, %parallel_loop3A_303 : vector<16xf32>
        %parallel_loop3A_305 = arith.index_cast %parallel_loop3A_269 : i32 to index
        %parallel_loop3A_306 = tpu.vector_load %arg8[%parallel_loop3A_305] {strides = array<i32>} : memref<4096xi32, #tpu.memory_space<vmem>>, vector<16xi32>,
        %parallel_loop3A_307 = tpu.vector_load_idx %arg11[%parallel_loop3A_306] : memref<53248xf32, #tpu.memory_space<vmem>>[vector<16xi32>], vector<16xf32>,
        %parallel_loop3A_308 = arith.mulf %parallel_loop3A_307, %parallel_loop3A_303 : vector<16xf32>
        %parallel_loop3A_309 = arith.subf %parallel_loop3A_308, %parallel_loop3A_304 : vector<16xf32>
        %parallel_loop3A_310 = arith.index_cast %parallel_loop3A_269 : i32 to index
        %parallel_loop3A_311 = tpu.vector_load %arg9[%parallel_loop3A_310] {strides = array<i32>} : memref<4096xf32, #tpu.memory_space<vmem>>, vector<16xf32>,
        tpu.vector_store %arg9[%parallel_loop3A_310], %parallel_loop3A_309 {strides = array<i32>} : memref<4096xf32, #tpu.memory_space<vmem>>, vector<16xf32>,
      } {sc.loop_unroll_factor = 4 : i64, sc.parallel_access}
      %sub3A_153 = arith.constant 1 : i32
      %sub3A_154 = arith.subi %add3A_8, %sub3A_153 : i32
      %min3A_155 = arith.minsi %add3A_128, %sub3A_154 : i32
      %add3A_156 = arith.addi %add3A_4, %min3A_155 : i32
      %mul3A_157 = arith.constant 2048 : i32
      %mul3A_158 = arith.muli %add3A_156, %mul3A_157 : i32
      %dma_start3A_159 = arith.constant 0 : i32
      %dma_start3A_160 = tpu.memref_slice %arg9[%dma_start3A_159] : memref<4096xf32, #tpu.memory_space<vmem>> -> memref<2048xf32, #tpu.memory_space<vmem>>
      %dma_start3A_161 = tpu.memref_slice %arg6[%mul3A_158] : memref<6400000xf32, #tpu.memory_space<hbm>> -> memref<2048xf32, #tpu.memory_space<hbm>>
      %dma_start3A_162 = tpu.memref_slice %arg6[%mul3A_158] : memref<6400000xf32, #tpu.memory_space<hbm>> -> memref<2048xf32, #tpu.memory_space<hbm>>
      %dma_start3A_163 = arith.constant 0 : i32
      %dma_start3A_164 = tpu.memref_slice %arg9[%dma_start3A_163] : memref<4096xf32, #tpu.memory_space<vmem>> -> memref<2048xf32, #tpu.memory_space<vmem>>
      tpu.enqueue_dma source(%dma_start3A_164 : memref<2048xf32, #tpu.memory_space<vmem>>) target(%dma_start3A_162 : memref<2048xf32, #tpu.memory_space<hbm>>) target_semaphore(%arg14 : memref<!tpu.dma_semaphore, #tpu.memory_space<semaphore_mem>>)
      %add3A_165 = arith.constant 2 : i32
      %add3A_166 = arith.addi %add3A_128, %add3A_165 : i32
      %sub3A_167 = arith.constant 1 : i32
      %sub3A_168 = arith.subi %add3A_8, %sub3A_167 : i32
      %min3A_169 = arith.minsi %add3A_166, %sub3A_168 : i32
      %add3A_170 = arith.addi %add3A_4, %min3A_169 : i32
      %mul3A_171 = arith.constant 2048 : i32
      %mul3A_172 = arith.muli %add3A_170, %mul3A_171 : i32
      %mul3A_173 = arith.constant 2 : i32
      %mul3A_174 = arith.muli %mul3A_172, %mul3A_173 : i32
      %dma_start3A_175 = arith.constant 0 : i32
      %dma_start3A_176 = tpu.memref_slice %arg7[%dma_start3A_175] : memref<8192xf32, #tpu.memory_space<vmem>> -> memref<4096xf32, #tpu.memory_space<vmem>>
      %dma_start3A_177 = tpu.memref_slice %arg2[%mul3A_174] : memref<12800000xf32, #tpu.memory_space<hbm>> -> memref<4096xf32, #tpu.memory_space<hbm>>
      %dma_start3A_178 = arith.constant 0 : i32
      %dma_start3A_179 = tpu.memref_slice %arg7[%dma_start3A_178] : memref<8192xf32, #tpu.memory_space<vmem>> -> memref<4096xf32, #tpu.memory_space<vmem>>
      %dma_start3A_180 = tpu.memref_slice %arg2[%mul3A_174] : memref<12800000xf32, #tpu.memory_space<hbm>> -> memref<4096xf32, #tpu.memory_space<hbm>>
      tpu.enqueue_dma source(%dma_start3A_180 : memref<4096xf32, #tpu.memory_space<hbm>>) target(%dma_start3A_179 : memref<4096xf32, #tpu.memory_space<vmem>>) target_semaphore(%arg12 : memref<!tpu.dma_semaphore, #tpu.memory_space<semaphore_mem>>)
      %dma_start3A_181 = arith.constant 0 : i32
      %dma_start3A_182 = tpu.memref_slice %arg8[%dma_start3A_181] : memref<4096xi32, #tpu.memory_space<vmem>> -> memref<2048xi32, #tpu.memory_space<vmem>>
      %dma_start3A_183 = tpu.memref_slice %arg3[%mul3A_172] : memref<6400000xi32, #tpu.memory_space<hbm>> -> memref<2048xi32, #tpu.memory_space<hbm>>
      %dma_start3A_184 = arith.constant 0 : i32
      %dma_start3A_185 = tpu.memref_slice %arg8[%dma_start3A_184] : memref<4096xi32, #tpu.memory_space<vmem>> -> memref<2048xi32, #tpu.memory_space<vmem>>
      %dma_start3A_186 = tpu.memref_slice %arg3[%mul3A_172] : memref<6400000xi32, #tpu.memory_space<hbm>> -> memref<2048xi32, #tpu.memory_space<hbm>>
      tpu.enqueue_dma source(%dma_start3A_186 : memref<2048xi32, #tpu.memory_space<hbm>>) target(%dma_start3A_185 : memref<2048xi32, #tpu.memory_space<vmem>>) target_semaphore(%arg12 : memref<!tpu.dma_semaphore, #tpu.memory_space<semaphore_mem>>)
      %mul3A_187 = arith.constant 2 : i32
      %mul3A_188 = arith.muli %scan3A_123, %mul3A_187 : i32
      %add3A_189 = arith.constant 1 : i32
      %add3A_190 = arith.addi %mul3A_188, %add3A_189 : i32
      %sub3A_191 = arith.constant 1 : i32
      %sub3A_192 = arith.subi %add3A_8, %sub3A_191 : i32
      %min3A_193 = arith.minsi %add3A_190, %sub3A_192 : i32
      %add3A_194 = arith.addi %add3A_4, %min3A_193 : i32
      %mul3A_195 = arith.constant 2048 : i32
      %mul3A_196 = arith.muli %add3A_194, %mul3A_195 : i32
      %mul3A_197 = arith.constant 2 : i32
      %mul3A_198 = arith.muli %mul3A_196, %mul3A_197 : i32
      %dma_wait3A_199 = arith.constant 4096 : i32
      %dma_wait3A_200 = tpu.memref_slice %arg7[%dma_wait3A_199] : memref<8192xf32, #tpu.memory_space<vmem>> -> memref<4096xf32, #tpu.memory_space<vmem>>
      %dma_wait3A_201 = tpu.memref_slice %arg2[%mul3A_198] : memref<12800000xf32, #tpu.memory_space<hbm>> -> memref<4096xf32, #tpu.memory_space<hbm>>
      %dma_wait3A_202 = arith.constant 4096 : i32
      %dma_wait3A_203 = tpu.memref_slice %arg7[%dma_wait3A_202] : memref<8192xf32, #tpu.memory_space<vmem>> -> memref<4096xf32, #tpu.memory_space<vmem>>
      %dma_wait3A_204 = tpu.memref_slice %arg2[%mul3A_198] : memref<12800000xf32, #tpu.memory_space<hbm>> -> memref<4096xf32, #tpu.memory_space<hbm>>
      tpu.wait_dma2 semaphore(%arg13 : memref<!tpu.dma_semaphore, #tpu.memory_space<semaphore_mem>>) src(%dma_wait3A_204 : memref<4096xf32, #tpu.memory_space<hbm>>) dst(%dma_wait3A_203 : memref<4096xf32, #tpu.memory_space<vmem>>)
      %dma_wait3A_205 = arith.constant 2048 : i32
      %dma_wait3A_206 = tpu.memref_slice %arg8[%dma_wait3A_205] : memref<4096xi32, #tpu.memory_space<vmem>> -> memref<2048xi32, #tpu.memory_space<vmem>>
      %dma_wait3A_207 = tpu.memref_slice %arg3[%mul3A_196] : memref<6400000xi32, #tpu.memory_space<hbm>> -> memref<2048xi32, #tpu.memory_space<hbm>>
      %dma_wait3A_208 = arith.constant 2048 : i32
      %dma_wait3A_209 = tpu.memref_slice %arg8[%dma_wait3A_208] : memref<4096xi32, #tpu.memory_space<vmem>> -> memref<2048xi32, #tpu.memory_space<vmem>>
      %dma_wait3A_210 = tpu.memref_slice %arg3[%mul3A_196] : memref<6400000xi32, #tpu.memory_space<hbm>> -> memref<2048xi32, #tpu.memory_space<hbm>>
      tpu.wait_dma2 semaphore(%arg13 : memref<!tpu.dma_semaphore, #tpu.memory_space<semaphore_mem>>) src(%dma_wait3A_210 : memref<2048xi32, #tpu.memory_space<hbm>>) dst(%dma_wait3A_209 : memref<2048xi32, #tpu.memory_space<vmem>>)
      %ge3A_211 = arith.constant 1 : i32
      %ge3A_212 = arith.cmpi sge, %scan3A_123, %ge3A_211 : i32
      %convert_element_type3A_213 = arith.extui %ge3A_212 : i1 to i32
      %cond3A_214 = arith.constant 0 : i32
      %cond3A_215 = arith.cmpi ne, %convert_element_type3A_213, %cond3A_214 : i32
      scf.if %cond3A_215 {
        %sub3A_254 = arith.constant 2 : i32
        %sub3A_255 = arith.subi %add3A_190, %sub3A_254 : i32
        %sub3A_256 = arith.constant 1 : i32
        %sub3A_257 = arith.subi %add3A_8, %sub3A_256 : i32
        %min3A_258 = arith.minsi %sub3A_255, %sub3A_257 : i32
        %add3A_259 = arith.addi %add3A_4, %min3A_258 : i32
        %mul3A_260 = arith.constant 2048 : i32
        %mul3A_261 = arith.muli %add3A_259, %mul3A_260 : i32
        %dma_wait3A_262 = arith.constant 2048 : i32
        %dma_wait3A_263 = tpu.memref_slice %arg9[%dma_wait3A_262] : memref<4096xf32, #tpu.memory_space<vmem>> -> memref<2048xf32, #tpu.memory_space<vmem>>
        %dma_wait3A_264 = tpu.memref_slice %arg6[%mul3A_261] : memref<6400000xf32, #tpu.memory_space<hbm>> -> memref<2048xf32, #tpu.memory_space<hbm>>
        %dma_wait3A_265 = tpu.memref_slice %arg6[%mul3A_261] : memref<6400000xf32, #tpu.memory_space<hbm>> -> memref<2048xf32, #tpu.memory_space<hbm>>
        %dma_wait3A_266 = arith.constant 2048 : i32
        %dma_wait3A_267 = tpu.memref_slice %arg9[%dma_wait3A_266] : memref<4096xf32, #tpu.memory_space<vmem>> -> memref<2048xf32, #tpu.memory_space<vmem>>
        tpu.wait_dma2 semaphore(%arg15 : memref<!tpu.dma_semaphore, #tpu.memory_space<semaphore_mem>>) src(%dma_wait3A_267 : memref<2048xf32, #tpu.memory_space<vmem>>) dst(%dma_wait3A_265 : memref<2048xf32, #tpu.memory_space<hbm>>)
      } else {
      }
      %parallel_loop3A_216 = arith.constant 0 : i32
      %parallel_loop3A_217 = arith.constant 128 : i32
      %parallel_loop3A_218 = arith.constant 1 : i32
      scf.for %parallel_loop3A_254 = %parallel_loop3A_216 to %parallel_loop3A_217 step %parallel_loop3A_218  : i32 {
        %parallel_loop3A_255 = arith.constant 3 : i32
        %parallel_loop3A_256 = arith.shrsi %parallel_loop3A_254, %parallel_loop3A_255 : i32
        %parallel_loop3A_257 = arith.constant 8 : i32
        %parallel_loop3A_258 = arith.shli %parallel_loop3A_256, %parallel_loop3A_257 : i32
        %parallel_loop3A_259 = arith.constant 4096 : i32
        %parallel_loop3A_260 = arith.addi %parallel_loop3A_259, %parallel_loop3A_258 : i32
        %parallel_loop3A_261 = arith.constant 7 : i32
        %parallel_loop3A_262 = arith.andi %parallel_loop3A_254, %parallel_loop3A_261 : i32
        %parallel_loop3A_263 = arith.constant 4 : i32
        %parallel_loop3A_264 = arith.shli %parallel_loop3A_262, %parallel_loop3A_263 : i32
        %parallel_loop3A_265 = arith.addi %parallel_loop3A_260, %parallel_loop3A_264 : i32
        %parallel_loop3A_266 = arith.constant 4 : i32
        %parallel_loop3A_267 = arith.shli %parallel_loop3A_254, %parallel_loop3A_266 : i32
        %parallel_loop3A_268 = arith.constant 2048 : i32
        %parallel_loop3A_269 = arith.addi %parallel_loop3A_268, %parallel_loop3A_267 : i32
        %parallel_loop3A_270 = arith.index_cast %parallel_loop3A_265 : i32 to index
        %parallel_loop3A_271 = tpu.vector_load %arg7[%parallel_loop3A_270] {strides = array<i32>} : memref<8192xf32, #tpu.memory_space<vmem>>, vector<16xf32>,
        %parallel_loop3A_272 = arith.constant 128 : i32
        %parallel_loop3A_273 = arith.addi %parallel_loop3A_265, %parallel_loop3A_272 : i32
        %parallel_loop3A_274 = arith.index_cast %parallel_loop3A_273 : i32 to index
        %parallel_loop3A_275 = tpu.vector_load %arg7[%parallel_loop3A_274] {strides = array<i32>} : memref<8192xf32, #tpu.memory_space<vmem>>, vector<16xf32>,
        %parallel_loop3A_276 = arith.mulf %parallel_loop3A_275, %parallel_loop3A_275 : vector<16xf32>
        %parallel_loop3A_277 = arith.addf %parallel_loop3A_276, %get3A_9 : vector<16xf32>
        %parallel_loop3A_278 = vector.bitcast %parallel_loop3A_277 : vector<16xf32> to vector<16xi32>
        %parallel_loop3A_279 = arith.constant 1 : i32
        %parallel_loop3A_280 = vector.broadcast %parallel_loop3A_279 : i32 to vector<16xi32>
        %parallel_loop3A_281 = arith.shrui %parallel_loop3A_278, %parallel_loop3A_280 : vector<16xi32>
        %parallel_loop3A_282 = arith.constant 1597463007 : i32
        %parallel_loop3A_283 = vector.broadcast %parallel_loop3A_282 : i32 to vector<16xi32>
        %parallel_loop3A_284 = arith.subi %parallel_loop3A_283, %parallel_loop3A_281 : vector<16xi32>
        %parallel_loop3A_285 = vector.bitcast %parallel_loop3A_284 : vector<16xi32> to vector<16xf32>
        %parallel_loop3A_286 = arith.constant 5.000000e-01 : f32
        %parallel_loop3A_287 = vector.broadcast %parallel_loop3A_286 : f32 to vector<16xf32>
        %parallel_loop3A_288 = arith.mulf %parallel_loop3A_277, %parallel_loop3A_287 : vector<16xf32>
        %parallel_loop3A_289 = arith.mulf %parallel_loop3A_288, %parallel_loop3A_285 : vector<16xf32>
        %parallel_loop3A_290 = arith.mulf %parallel_loop3A_289, %parallel_loop3A_285 : vector<16xf32>
        %parallel_loop3A_291 = arith.constant 1.500000e+00 : f32
        %parallel_loop3A_292 = vector.broadcast %parallel_loop3A_291 : f32 to vector<16xf32>
        %parallel_loop3A_293 = arith.subf %parallel_loop3A_292, %parallel_loop3A_290 : vector<16xf32>
        %parallel_loop3A_294 = arith.mulf %parallel_loop3A_285, %parallel_loop3A_293 : vector<16xf32>
        %parallel_loop3A_295 = arith.mulf %parallel_loop3A_288, %parallel_loop3A_294 : vector<16xf32>
        %parallel_loop3A_296 = arith.mulf %parallel_loop3A_295, %parallel_loop3A_294 : vector<16xf32>
        %parallel_loop3A_297 = arith.constant 1.500000e+00 : f32
        %parallel_loop3A_298 = vector.broadcast %parallel_loop3A_297 : f32 to vector<16xf32>
        %parallel_loop3A_299 = arith.subf %parallel_loop3A_298, %parallel_loop3A_296 : vector<16xf32>
        %parallel_loop3A_300 = arith.mulf %parallel_loop3A_294, %parallel_loop3A_299 : vector<16xf32>
        %parallel_loop3A_301 = arith.mulf %parallel_loop3A_300, %parallel_loop3A_300 : vector<16xf32>
        %parallel_loop3A_302 = arith.mulf %get3A_9, %parallel_loop3A_301 : vector<16xf32>
        %parallel_loop3A_303 = arith.subf %parallel_loop3A_300, %parallel_loop3A_302 : vector<16xf32>
        %parallel_loop3A_304 = arith.mulf %parallel_loop3A_271, %parallel_loop3A_303 : vector<16xf32>
        %parallel_loop3A_305 = arith.index_cast %parallel_loop3A_269 : i32 to index
        %parallel_loop3A_306 = tpu.vector_load %arg8[%parallel_loop3A_305] {strides = array<i32>} : memref<4096xi32, #tpu.memory_space<vmem>>, vector<16xi32>,
        %parallel_loop3A_307 = tpu.vector_load_idx %arg11[%parallel_loop3A_306] : memref<53248xf32, #tpu.memory_space<vmem>>[vector<16xi32>], vector<16xf32>,
        %parallel_loop3A_308 = arith.mulf %parallel_loop3A_307, %parallel_loop3A_303 : vector<16xf32>
        %parallel_loop3A_309 = arith.subf %parallel_loop3A_308, %parallel_loop3A_304 : vector<16xf32>
        %parallel_loop3A_310 = arith.index_cast %parallel_loop3A_269 : i32 to index
        %parallel_loop3A_311 = tpu.vector_load %arg9[%parallel_loop3A_310] {strides = array<i32>} : memref<4096xf32, #tpu.memory_space<vmem>>, vector<16xf32>,
        tpu.vector_store %arg9[%parallel_loop3A_310], %parallel_loop3A_309 {strides = array<i32>} : memref<4096xf32, #tpu.memory_space<vmem>>, vector<16xf32>,
      } {sc.loop_unroll_factor = 4 : i64, sc.parallel_access}
      %sub3A_219 = arith.constant 1 : i32
      %sub3A_220 = arith.subi %add3A_8, %sub3A_219 : i32
      %min3A_221 = arith.minsi %add3A_190, %sub3A_220 : i32
      %add3A_222 = arith.addi %add3A_4, %min3A_221 : i32
      %mul3A_223 = arith.constant 2048 : i32
      %mul3A_224 = arith.muli %add3A_222, %mul3A_223 : i32
      %dma_start3A_225 = arith.constant 2048 : i32
      %dma_start3A_226 = tpu.memref_slice %arg9[%dma_start3A_225] : memref<4096xf32, #tpu.memory_space<vmem>> -> memref<2048xf32, #tpu.memory_space<vmem>>
      %dma_start3A_227 = tpu.memref_slice %arg6[%mul3A_224] : memref<6400000xf32, #tpu.memory_space<hbm>> -> memref<2048xf32, #tpu.memory_space<hbm>>
      %dma_start3A_228 = tpu.memref_slice %arg6[%mul3A_224] : memref<6400000xf32, #tpu.memory_space<hbm>> -> memref<2048xf32, #tpu.memory_space<hbm>>
      %dma_start3A_229 = arith.constant 2048 : i32
      %dma_start3A_230 = tpu.memref_slice %arg9[%dma_start3A_229] : memref<4096xf32, #tpu.memory_space<vmem>> -> memref<2048xf32, #tpu.memory_space<vmem>>
      tpu.enqueue_dma source(%dma_start3A_230 : memref<2048xf32, #tpu.memory_space<vmem>>) target(%dma_start3A_228 : memref<2048xf32, #tpu.memory_space<hbm>>) target_semaphore(%arg15 : memref<!tpu.dma_semaphore, #tpu.memory_space<semaphore_mem>>)
      %add3A_231 = arith.constant 2 : i32
      %add3A_232 = arith.addi %add3A_190, %add3A_231 : i32
      %sub3A_233 = arith.constant 1 : i32
      %sub3A_234 = arith.subi %add3A_8, %sub3A_233 : i32
      %min3A_235 = arith.minsi %add3A_232, %sub3A_234 : i32
      %add3A_236 = arith.addi %add3A_4, %min3A_235 : i32
      %mul3A_237 = arith.constant 2048 : i32
      %mul3A_238 = arith.muli %add3A_236, %mul3A_237 : i32
      %mul3A_239 = arith.constant 2 : i32
      %mul3A_240 = arith.muli %mul3A_238, %mul3A_239 : i32
      %dma_start3A_241 = arith.constant 4096 : i32
      %dma_start3A_242 = tpu.memref_slice %arg7[%dma_start3A_241] : memref<8192xf32, #tpu.memory_space<vmem>> -> memref<4096xf32, #tpu.memory_space<vmem>>
      %dma_start3A_243 = tpu.memref_slice %arg2[%mul3A_240] : memref<12800000xf32, #tpu.memory_space<hbm>> -> memref<4096xf32, #tpu.memory_space<hbm>>
      %dma_start3A_244 = arith.constant 4096 : i32
      %dma_start3A_245 = tpu.memref_slice %arg7[%dma_start3A_244] : memref<8192xf32, #tpu.memory_space<vmem>> -> memref<4096xf32, #tpu.memory_space<vmem>>
      %dma_start3A_246 = tpu.memref_slice %arg2[%mul3A_240] : memref<12800000xf32, #tpu.memory_space<hbm>> -> memref<4096xf32, #tpu.memory_space<hbm>>
      tpu.enqueue_dma source(%dma_start3A_246 : memref<4096xf32, #tpu.memory_space<hbm>>) target(%dma_start3A_245 : memref<4096xf32, #tpu.memory_space<vmem>>) target_semaphore(%arg13 : memref<!tpu.dma_semaphore, #tpu.memory_space<semaphore_mem>>)
      %dma_start3A_247 = arith.constant 2048 : i32
      %dma_start3A_248 = tpu.memref_slice %arg8[%dma_start3A_247] : memref<4096xi32, #tpu.memory_space<vmem>> -> memref<2048xi32, #tpu.memory_space<vmem>>
      %dma_start3A_249 = tpu.memref_slice %arg3[%mul3A_238] : memref<6400000xi32, #tpu.memory_space<hbm>> -> memref<2048xi32, #tpu.memory_space<hbm>>
      %dma_start3A_250 = arith.constant 2048 : i32
      %dma_start3A_251 = tpu.memref_slice %arg8[%dma_start3A_250] : memref<4096xi32, #tpu.memory_space<vmem>> -> memref<2048xi32, #tpu.memory_space<vmem>>
      %dma_start3A_252 = tpu.memref_slice %arg3[%mul3A_238] : memref<6400000xi32, #tpu.memory_space<hbm>> -> memref<2048xi32, #tpu.memory_space<hbm>>
      tpu.enqueue_dma source(%dma_start3A_252 : memref<2048xi32, #tpu.memory_space<hbm>>) target(%dma_start3A_251 : memref<2048xi32, #tpu.memory_space<vmem>>) target_semaphore(%arg13 : memref<!tpu.dma_semaphore, #tpu.memory_space<semaphore_mem>>)
      %scan3A_253 = arith.constant 0 : i32
      scf.yield %scan3A_253 : i32
    }
    %scan3A_55 = arith.constant 49 : i32
    %sub3A_56 = arith.constant 1 : i32
    %sub3A_57 = arith.subi %add3A_8, %sub3A_56 : i32
    %min3A_58 = arith.constant 98 : i32
    %min3A_59 = arith.minsi %min3A_58, %sub3A_57 : i32
    %add3A_60 = arith.addi %add3A_4, %min3A_59 : i32
    %mul3A_61 = arith.constant 2048 : i32
    %mul3A_62 = arith.muli %add3A_60, %mul3A_61 : i32
    %mul3A_63 = arith.constant 2 : i32
    %mul3A_64 = arith.muli %mul3A_62, %mul3A_63 : i32
    %dma_wait3A = arith.constant 0 : i32
    %dma_wait3A_65 = tpu.memref_slice %arg7[%dma_wait3A] : memref<8192xf32, #tpu.memory_space<vmem>> -> memref<4096xf32, #tpu.memory_space<vmem>>
    %dma_wait3A_66 = tpu.memref_slice %arg2[%mul3A_64] : memref<12800000xf32, #tpu.memory_space<hbm>> -> memref<4096xf32, #tpu.memory_space<hbm>>
    %dma_wait3A_67 = arith.constant 0 : i32
    %dma_wait3A_68 = tpu.memref_slice %arg7[%dma_wait3A_67] : memref<8192xf32, #tpu.memory_space<vmem>> -> memref<4096xf32, #tpu.memory_space<vmem>>
    %dma_wait3A_69 = tpu.memref_slice %arg2[%mul3A_64] : memref<12800000xf32, #tpu.memory_space<hbm>> -> memref<4096xf32, #tpu.memory_space<hbm>>
    tpu.wait_dma2 semaphore(%arg12 : memref<!tpu.dma_semaphore, #tpu.memory_space<semaphore_mem>>) src(%dma_wait3A_69 : memref<4096xf32, #tpu.memory_space<hbm>>) dst(%dma_wait3A_68 : memref<4096xf32, #tpu.memory_space<vmem>>)
    %dma_wait3A_70 = arith.constant 0 : i32
    %dma_wait3A_71 = tpu.memref_slice %arg8[%dma_wait3A_70] : memref<4096xi32, #tpu.memory_space<vmem>> -> memref<2048xi32, #tpu.memory_space<vmem>>
    %dma_wait3A_72 = tpu.memref_slice %arg3[%mul3A_62] : memref<6400000xi32, #tpu.memory_space<hbm>> -> memref<2048xi32, #tpu.memory_space<hbm>>
    %dma_wait3A_73 = arith.constant 0 : i32
    %dma_wait3A_74 = tpu.memref_slice %arg8[%dma_wait3A_73] : memref<4096xi32, #tpu.memory_space<vmem>> -> memref<2048xi32, #tpu.memory_space<vmem>>
    %dma_wait3A_75 = tpu.memref_slice %arg3[%mul3A_62] : memref<6400000xi32, #tpu.memory_space<hbm>> -> memref<2048xi32, #tpu.memory_space<hbm>>
    tpu.wait_dma2 semaphore(%arg12 : memref<!tpu.dma_semaphore, #tpu.memory_space<semaphore_mem>>) src(%dma_wait3A_75 : memref<2048xi32, #tpu.memory_space<hbm>>) dst(%dma_wait3A_74 : memref<2048xi32, #tpu.memory_space<vmem>>)
    %sub3A_76 = arith.constant 1 : i32
    %sub3A_77 = arith.subi %add3A_8, %sub3A_76 : i32
    %min3A_78 = arith.constant 99 : i32
    %min3A_79 = arith.minsi %min3A_78, %sub3A_77 : i32
    %add3A_80 = arith.addi %add3A_4, %min3A_79 : i32
    %mul3A_81 = arith.constant 2048 : i32
    %mul3A_82 = arith.muli %add3A_80, %mul3A_81 : i32
    %mul3A_83 = arith.constant 2 : i32
    %mul3A_84 = arith.muli %mul3A_82, %mul3A_83 : i32
    %dma_wait3A_85 = arith.constant 4096 : i32
    %dma_wait3A_86 = tpu.memref_slice %arg7[%dma_wait3A_85] : memref<8192xf32, #tpu.memory_space<vmem>> -> memref<4096xf32, #tpu.memory_space<vmem>>
    %dma_wait3A_87 = tpu.memref_slice %arg2[%mul3A_84] : memref<12800000xf32, #tpu.memory_space<hbm>> -> memref<4096xf32, #tpu.memory_space<hbm>>
    %dma_wait3A_88 = arith.constant 4096 : i32
    %dma_wait3A_89 = tpu.memref_slice %arg7[%dma_wait3A_88] : memref<8192xf32, #tpu.memory_space<vmem>> -> memref<4096xf32, #tpu.memory_space<vmem>>
    %dma_wait3A_90 = tpu.memref_slice %arg2[%mul3A_84] : memref<12800000xf32, #tpu.memory_space<hbm>> -> memref<4096xf32, #tpu.memory_space<hbm>>
    tpu.wait_dma2 semaphore(%arg13 : memref<!tpu.dma_semaphore, #tpu.memory_space<semaphore_mem>>) src(%dma_wait3A_90 : memref<4096xf32, #tpu.memory_space<hbm>>) dst(%dma_wait3A_89 : memref<4096xf32, #tpu.memory_space<vmem>>)
    %dma_wait3A_91 = arith.constant 2048 : i32
    %dma_wait3A_92 = tpu.memref_slice %arg8[%dma_wait3A_91] : memref<4096xi32, #tpu.memory_space<vmem>> -> memref<2048xi32, #tpu.memory_space<vmem>>
    %dma_wait3A_93 = tpu.memref_slice %arg3[%mul3A_82] : memref<6400000xi32, #tpu.memory_space<hbm>> -> memref<2048xi32, #tpu.memory_space<hbm>>
    %dma_wait3A_94 = arith.constant 2048 : i32
    %dma_wait3A_95 = tpu.memref_slice %arg8[%dma_wait3A_94] : memref<4096xi32, #tpu.memory_space<vmem>> -> memref<2048xi32, #tpu.memory_space<vmem>>
    %dma_wait3A_96 = tpu.memref_slice %arg3[%mul3A_82] : memref<6400000xi32, #tpu.memory_space<hbm>> -> memref<2048xi32, #tpu.memory_space<hbm>>
    tpu.wait_dma2 semaphore(%arg13 : memref<!tpu.dma_semaphore, #tpu.memory_space<semaphore_mem>>) src(%dma_wait3A_96 : memref<2048xi32, #tpu.memory_space<hbm>>) dst(%dma_wait3A_95 : memref<2048xi32, #tpu.memory_space<vmem>>)
    %sub3A_97 = arith.constant 1 : i32
    %sub3A_98 = arith.subi %add3A_8, %sub3A_97 : i32
    %min3A_99 = arith.constant 96 : i32
    %min3A_100 = arith.minsi %min3A_99, %sub3A_98 : i32
    %add3A_101 = arith.addi %add3A_4, %min3A_100 : i32
    %mul3A_102 = arith.constant 2048 : i32
    %mul3A_103 = arith.muli %add3A_101, %mul3A_102 : i32
    %dma_wait3A_104 = arith.constant 0 : i32
    %dma_wait3A_105 = tpu.memref_slice %arg9[%dma_wait3A_104] : memref<4096xf32, #tpu.memory_space<vmem>> -> memref<2048xf32, #tpu.memory_space<vmem>>
    %dma_wait3A_106 = tpu.memref_slice %arg6[%mul3A_103] : memref<6400000xf32, #tpu.memory_space<hbm>> -> memref<2048xf32, #tpu.memory_space<hbm>>
    %dma_wait3A_107 = tpu.memref_slice %arg6[%mul3A_103] : memref<6400000xf32, #tpu.memory_space<hbm>> -> memref<2048xf32, #tpu.memory_space<hbm>>
    %dma_wait3A_108 = arith.constant 0 : i32
    %dma_wait3A_109 = tpu.memref_slice %arg9[%dma_wait3A_108] : memref<4096xf32, #tpu.memory_space<vmem>> -> memref<2048xf32, #tpu.memory_space<vmem>>
    tpu.wait_dma2 semaphore(%arg14 : memref<!tpu.dma_semaphore, #tpu.memory_space<semaphore_mem>>) src(%dma_wait3A_109 : memref<2048xf32, #tpu.memory_space<vmem>>) dst(%dma_wait3A_107 : memref<2048xf32, #tpu.memory_space<hbm>>)
    %sub3A_110 = arith.constant 1 : i32
    %sub3A_111 = arith.subi %add3A_8, %sub3A_110 : i32
    %min3A_112 = arith.constant 97 : i32
    %min3A_113 = arith.minsi %min3A_112, %sub3A_111 : i32
    %add3A_114 = arith.addi %add3A_4, %min3A_113 : i32
    %mul3A_115 = arith.constant 2048 : i32
    %mul3A_116 = arith.muli %add3A_114, %mul3A_115 : i32
    %dma_wait3A_117 = arith.constant 2048 : i32
    %dma_wait3A_118 = tpu.memref_slice %arg9[%dma_wait3A_117] : memref<4096xf32, #tpu.memory_space<vmem>> -> memref<2048xf32, #tpu.memory_space<vmem>>
    %dma_wait3A_119 = tpu.memref_slice %arg6[%mul3A_116] : memref<6400000xf32, #tpu.memory_space<hbm>> -> memref<2048xf32, #tpu.memory_space<hbm>>
    %dma_wait3A_120 = tpu.memref_slice %arg6[%mul3A_116] : memref<6400000xf32, #tpu.memory_space<hbm>> -> memref<2048xf32, #tpu.memory_space<hbm>>
    %dma_wait3A_121 = arith.constant 2048 : i32
    %dma_wait3A_122 = tpu.memref_slice %arg9[%dma_wait3A_121] : memref<4096xf32, #tpu.memory_space<vmem>> -> memref<2048xf32, #tpu.memory_space<vmem>>
    tpu.wait_dma2 semaphore(%arg15 : memref<!tpu.dma_semaphore, #tpu.memory_space<semaphore_mem>>) src(%dma_wait3A_122 : memref<2048xf32, #tpu.memory_space<vmem>>) dst(%dma_wait3A_120 : memref<2048xf32, #tpu.memory_space<hbm>>)
    return
  }
}

#map = affine_map<(d0, d1) -> (0)>
module attributes {stable_mosaic.version = 14 : i64} {
  func.func @_k2_body(%arg0: i32, %arg1: i32, %arg2: memref<1703936xf32, #tpu.memory_space<hbm>>, %arg3: memref<1703936xf32, #tpu.memory_space<hbm>>, %arg4: memref<53248xf32, #tpu.memory_space<hbm>>, %arg5: memref<16xf32, #tpu.memory_space<hbm>>, %arg6: memref<53248xf32, #tpu.memory_space<hbm>>, %arg7: memref<53248xf32, #tpu.memory_space<vmem>>, %arg8: memref<53248xf32, #tpu.memory_space<vmem>>, %arg9: memref<1664xf32, #tpu.memory_space<vmem>>, %arg10: memref<1664xf32, #tpu.memory_space<vmem>>, %arg11: memref<16xf32, #tpu.memory_space<vmem>>, %arg12: memref<!tpu.dma_semaphore, #tpu.memory_space<semaphore_mem>>) attributes {dimension_semantics = [#tpu.dimension_semantics<core_parallel>, #tpu.dimension_semantics<subcore_parallel>], iteration_bounds = array<i64: 2, 16>, scalar_prefetch = 0 : i64, scratch_operands = 6 : i64, tpu.core_type = #tpu.core_type<sc_vector_subcore>, window_params = [{transform_indices = #map}, {transform_indices = #map}, {transform_indices = #map}, {transform_indices = #map}, {transform_indices = #map}]} {
    %mul3A = arith.constant 2 : i32
    %mul3A_0 = arith.muli %arg1, %mul3A : i32
    %add3A = arith.addi %mul3A_0, %arg0 : i32
    %mul3A_1 = arith.constant 1664 : i32
    %mul3A_2 = arith.muli %add3A, %mul3A_1 : i32
    "tpu.region"() ({
      %run_scoped3A = tpu.sem_alloc : memref<!tpu.dma_semaphore, #tpu.memory_space<semaphore_mem>>
      tpu.enqueue_dma source(%arg5 : memref<16xf32, #tpu.memory_space<hbm>>) target(%arg11 : memref<16xf32, #tpu.memory_space<vmem>>) target_semaphore(%run_scoped3A : memref<!tpu.dma_semaphore, #tpu.memory_space<semaphore_mem>>)
      tpu.wait_dma2 semaphore(%run_scoped3A : memref<!tpu.dma_semaphore, #tpu.memory_space<semaphore_mem>>) src(%arg5 : memref<16xf32, #tpu.memory_space<hbm>>) dst(%arg11 : memref<16xf32, #tpu.memory_space<vmem>>)
      tpu.yield
    }) : () -> ()
    %get3A = arith.constant 0 : index
    %get3A_3 = tpu.vector_load %arg11[%get3A] {strides = array<i32>} : memref<16xf32, #tpu.memory_space<vmem>>, vector<16xf32>,
    "tpu.region"() ({
      %run_scoped3A = tpu.sem_alloc : memref<!tpu.dma_semaphore, #tpu.memory_space<semaphore_mem>>
      %dma_start3A_904 = tpu.memref_slice %arg4[%mul3A_2] : memref<53248xf32, #tpu.memory_space<hbm>> -> memref<1664xf32, #tpu.memory_space<hbm>>
      %dma_start3A_905 = tpu.memref_slice %arg4[%mul3A_2] : memref<53248xf32, #tpu.memory_space<hbm>> -> memref<1664xf32, #tpu.memory_space<hbm>>
      tpu.enqueue_dma source(%dma_start3A_905 : memref<1664xf32, #tpu.memory_space<hbm>>) target(%arg9 : memref<1664xf32, #tpu.memory_space<vmem>>) target_semaphore(%run_scoped3A : memref<!tpu.dma_semaphore, #tpu.memory_space<semaphore_mem>>)
      %dma_wait3A_906 = tpu.memref_slice %arg4[%mul3A_2] : memref<53248xf32, #tpu.memory_space<hbm>> -> memref<1664xf32, #tpu.memory_space<hbm>>
      %dma_wait3A_907 = tpu.memref_slice %arg4[%mul3A_2] : memref<53248xf32, #tpu.memory_space<hbm>> -> memref<1664xf32, #tpu.memory_space<hbm>>
      tpu.wait_dma2 semaphore(%run_scoped3A : memref<!tpu.dma_semaphore, #tpu.memory_space<semaphore_mem>>) src(%dma_wait3A_907 : memref<1664xf32, #tpu.memory_space<hbm>>) dst(%arg9 : memref<1664xf32, #tpu.memory_space<vmem>>)
      tpu.yield
    }) : () -> ()
    %add3A_4 = arith.constant 0 : i32
    %add3A_5 = arith.addi %add3A_4, %mul3A_2 : i32
    %dma_start3A = arith.constant 0 : i32
    %dma_start3A_6 = tpu.memref_slice %arg7[%dma_start3A] : memref<53248xf32, #tpu.memory_space<vmem>> -> memref<1664xf32, #tpu.memory_space<vmem>>
    %dma_start3A_7 = tpu.memref_slice %arg2[%add3A_5] : memref<1703936xf32, #tpu.memory_space<hbm>> -> memref<1664xf32, #tpu.memory_space<hbm>>
    %dma_start3A_8 = arith.constant 0 : i32
    %dma_start3A_9 = tpu.memref_slice %arg7[%dma_start3A_8] : memref<53248xf32, #tpu.memory_space<vmem>> -> memref<1664xf32, #tpu.memory_space<vmem>>
    %dma_start3A_10 = tpu.memref_slice %arg2[%add3A_5] : memref<1703936xf32, #tpu.memory_space<hbm>> -> memref<1664xf32, #tpu.memory_space<hbm>>
    tpu.enqueue_dma source(%dma_start3A_10 : memref<1664xf32, #tpu.memory_space<hbm>>) target(%dma_start3A_9 : memref<1664xf32, #tpu.memory_space<vmem>>) target_semaphore(%arg12 : memref<!tpu.dma_semaphore, #tpu.memory_space<semaphore_mem>>)
    %add3A_11 = arith.constant 0 : i32
    %add3A_12 = arith.addi %add3A_11, %mul3A_2 : i32
    %dma_start3A_13 = arith.constant 0 : i32
    %dma_start3A_14 = tpu.memref_slice %arg8[%dma_start3A_13] : memref<53248xf32, #tpu.memory_space<vmem>> -> memref<1664xf32, #tpu.memory_space<vmem>>
    %dma_start3A_15 = tpu.memref_slice %arg3[%add3A_12] : memref<1703936xf32, #tpu.memory_space<hbm>> -> memref<1664xf32, #tpu.memory_space<hbm>>
    %dma_start3A_16 = arith.constant 0 : i32
    %dma_start3A_17 = tpu.memref_slice %arg8[%dma_start3A_16] : memref<53248xf32, #tpu.memory_space<vmem>> -> memref<1664xf32, #tpu.memory_space<vmem>>
    %dma_start3A_18 = tpu.memref_slice %arg3[%add3A_12] : memref<1703936xf32, #tpu.memory_space<hbm>> -> memref<1664xf32, #tpu.memory_space<hbm>>
    tpu.enqueue_dma source(%dma_start3A_18 : memref<1664xf32, #tpu.memory_space<hbm>>) target(%dma_start3A_17 : memref<1664xf32, #tpu.memory_space<vmem>>) target_semaphore(%arg12 : memref<!tpu.dma_semaphore, #tpu.memory_space<semaphore_mem>>)
    %add3A_19 = arith.constant 53248 : i32
    %add3A_20 = arith.addi %add3A_19, %mul3A_2 : i32
    %dma_start3A_21 = arith.constant 1664 : i32
    %dma_start3A_22 = tpu.memref_slice %arg7[%dma_start3A_21] : memref<53248xf32, #tpu.memory_space<vmem>> -> memref<1664xf32, #tpu.memory_space<vmem>>
    %dma_start3A_23 = tpu.memref_slice %arg2[%add3A_20] : memref<1703936xf32, #tpu.memory_space<hbm>> -> memref<1664xf32, #tpu.memory_space<hbm>>
    %dma_start3A_24 = arith.constant 1664 : i32
    %dma_start3A_25 = tpu.memref_slice %arg7[%dma_start3A_24] : memref<53248xf32, #tpu.memory_space<vmem>> -> memref<1664xf32, #tpu.memory_space<vmem>>
    %dma_start3A_26 = tpu.memref_slice %arg2[%add3A_20] : memref<1703936xf32, #tpu.memory_space<hbm>> -> memref<1664xf32, #tpu.memory_space<hbm>>
    tpu.enqueue_dma source(%dma_start3A_26 : memref<1664xf32, #tpu.memory_space<hbm>>) target(%dma_start3A_25 : memref<1664xf32, #tpu.memory_space<vmem>>) target_semaphore(%arg12 : memref<!tpu.dma_semaphore, #tpu.memory_space<semaphore_mem>>)
    %add3A_27 = arith.constant 53248 : i32
    %add3A_28 = arith.addi %add3A_27, %mul3A_2 : i32
    %dma_start3A_29 = arith.constant 1664 : i32
    %dma_start3A_30 = tpu.memref_slice %arg8[%dma_start3A_29] : memref<53248xf32, #tpu.memory_space<vmem>> -> memref<1664xf32, #tpu.memory_space<vmem>>
    %dma_start3A_31 = tpu.memref_slice %arg3[%add3A_28] : memref<1703936xf32, #tpu.memory_space<hbm>> -> memref<1664xf32, #tpu.memory_space<hbm>>
    %dma_start3A_32 = arith.constant 1664 : i32
    %dma_start3A_33 = tpu.memref_slice %arg8[%dma_start3A_32] : memref<53248xf32, #tpu.memory_space<vmem>> -> memref<1664xf32, #tpu.memory_space<vmem>>
    %dma_start3A_34 = tpu.memref_slice %arg3[%add3A_28] : memref<1703936xf32, #tpu.memory_space<hbm>> -> memref<1664xf32, #tpu.memory_space<hbm>>
    tpu.enqueue_dma source(%dma_start3A_34 : memref<1664xf32, #tpu.memory_space<hbm>>) target(%dma_start3A_33 : memref<1664xf32, #tpu.memory_space<vmem>>) target_semaphore(%arg12 : memref<!tpu.dma_semaphore, #tpu.memory_space<semaphore_mem>>)
    %add3A_35 = arith.constant 106496 : i32
    %add3A_36 = arith.addi %add3A_35, %mul3A_2 : i32
    %dma_start3A_37 = arith.constant 3328 : i32
    %dma_start3A_38 = tpu.memref_slice %arg7[%dma_start3A_37] : memref<53248xf32, #tpu.memory_space<vmem>> -> memref<1664xf32, #tpu.memory_space<vmem>>
    %dma_start3A_39 = tpu.memref_slice %arg2[%add3A_36] : memref<1703936xf32, #tpu.memory_space<hbm>> -> memref<1664xf32, #tpu.memory_space<hbm>>
    %dma_start3A_40 = arith.constant 3328 : i32
    %dma_start3A_41 = tpu.memref_slice %arg7[%dma_start3A_40] : memref<53248xf32, #tpu.memory_space<vmem>> -> memref<1664xf32, #tpu.memory_space<vmem>>
    %dma_start3A_42 = tpu.memref_slice %arg2[%add3A_36] : memref<1703936xf32, #tpu.memory_space<hbm>> -> memref<1664xf32, #tpu.memory_space<hbm>>
    tpu.enqueue_dma source(%dma_start3A_42 : memref<1664xf32, #tpu.memory_space<hbm>>) target(%dma_start3A_41 : memref<1664xf32, #tpu.memory_space<vmem>>) target_semaphore(%arg12 : memref<!tpu.dma_semaphore, #tpu.memory_space<semaphore_mem>>)
    %add3A_43 = arith.constant 106496 : i32
    %add3A_44 = arith.addi %add3A_43, %mul3A_2 : i32
    %dma_start3A_45 = arith.constant 3328 : i32
    %dma_start3A_46 = tpu.memref_slice %arg8[%dma_start3A_45] : memref<53248xf32, #tpu.memory_space<vmem>> -> memref<1664xf32, #tpu.memory_space<vmem>>
    %dma_start3A_47 = tpu.memref_slice %arg3[%add3A_44] : memref<1703936xf32, #tpu.memory_space<hbm>> -> memref<1664xf32, #tpu.memory_space<hbm>>
    %dma_start3A_48 = arith.constant 3328 : i32
    %dma_start3A_49 = tpu.memref_slice %arg8[%dma_start3A_48] : memref<53248xf32, #tpu.memory_space<vmem>> -> memref<1664xf32, #tpu.memory_space<vmem>>
    %dma_start3A_50 = tpu.memref_slice %arg3[%add3A_44] : memref<1703936xf32, #tpu.memory_space<hbm>> -> memref<1664xf32, #tpu.memory_space<hbm>>
    tpu.enqueue_dma source(%dma_start3A_50 : memref<1664xf32, #tpu.memory_space<hbm>>) target(%dma_start3A_49 : memref<1664xf32, #tpu.memory_space<vmem>>) target_semaphore(%arg12 : memref<!tpu.dma_semaphore, #tpu.memory_space<semaphore_mem>>)
    %add3A_51 = arith.constant 159744 : i32
    %add3A_52 = arith.addi %add3A_51, %mul3A_2 : i32
    %dma_start3A_53 = arith.constant 4992 : i32
    %dma_start3A_54 = tpu.memref_slice %arg7[%dma_start3A_53] : memref<53248xf32, #tpu.memory_space<vmem>> -> memref<1664xf32, #tpu.memory_space<vmem>>
    %dma_start3A_55 = tpu.memref_slice %arg2[%add3A_52] : memref<1703936xf32, #tpu.memory_space<hbm>> -> memref<1664xf32, #tpu.memory_space<hbm>>
    %dma_start3A_56 = arith.constant 4992 : i32
    %dma_start3A_57 = tpu.memref_slice %arg7[%dma_start3A_56] : memref<53248xf32, #tpu.memory_space<vmem>> -> memref<1664xf32, #tpu.memory_space<vmem>>
    %dma_start3A_58 = tpu.memref_slice %arg2[%add3A_52] : memref<1703936xf32, #tpu.memory_space<hbm>> -> memref<1664xf32, #tpu.memory_space<hbm>>
    tpu.enqueue_dma source(%dma_start3A_58 : memref<1664xf32, #tpu.memory_space<hbm>>) target(%dma_start3A_57 : memref<1664xf32, #tpu.memory_space<vmem>>) target_semaphore(%arg12 : memref<!tpu.dma_semaphore, #tpu.memory_space<semaphore_mem>>)
    %add3A_59 = arith.constant 159744 : i32
    %add3A_60 = arith.addi %add3A_59, %mul3A_2 : i32
    %dma_start3A_61 = arith.constant 4992 : i32
    %dma_start3A_62 = tpu.memref_slice %arg8[%dma_start3A_61] : memref<53248xf32, #tpu.memory_space<vmem>> -> memref<1664xf32, #tpu.memory_space<vmem>>
    %dma_start3A_63 = tpu.memref_slice %arg3[%add3A_60] : memref<1703936xf32, #tpu.memory_space<hbm>> -> memref<1664xf32, #tpu.memory_space<hbm>>
    %dma_start3A_64 = arith.constant 4992 : i32
    %dma_start3A_65 = tpu.memref_slice %arg8[%dma_start3A_64] : memref<53248xf32, #tpu.memory_space<vmem>> -> memref<1664xf32, #tpu.memory_space<vmem>>
    %dma_start3A_66 = tpu.memref_slice %arg3[%add3A_60] : memref<1703936xf32, #tpu.memory_space<hbm>> -> memref<1664xf32, #tpu.memory_space<hbm>>
    tpu.enqueue_dma source(%dma_start3A_66 : memref<1664xf32, #tpu.memory_space<hbm>>) target(%dma_start3A_65 : memref<1664xf32, #tpu.memory_space<vmem>>) target_semaphore(%arg12 : memref<!tpu.dma_semaphore, #tpu.memory_space<semaphore_mem>>)
    %add3A_67 = arith.constant 212992 : i32
    %add3A_68 = arith.addi %add3A_67, %mul3A_2 : i32
    %dma_start3A_69 = arith.constant 6656 : i32
    %dma_start3A_70 = tpu.memref_slice %arg7[%dma_start3A_69] : memref<53248xf32, #tpu.memory_space<vmem>> -> memref<1664xf32, #tpu.memory_space<vmem>>
    %dma_start3A_71 = tpu.memref_slice %arg2[%add3A_68] : memref<1703936xf32, #tpu.memory_space<hbm>> -> memref<1664xf32, #tpu.memory_space<hbm>>
    %dma_start3A_72 = arith.constant 6656 : i32
    %dma_start3A_73 = tpu.memref_slice %arg7[%dma_start3A_72] : memref<53248xf32, #tpu.memory_space<vmem>> -> memref<1664xf32, #tpu.memory_space<vmem>>
    %dma_start3A_74 = tpu.memref_slice %arg2[%add3A_68] : memref<1703936xf32, #tpu.memory_space<hbm>> -> memref<1664xf32, #tpu.memory_space<hbm>>
    tpu.enqueue_dma source(%dma_start3A_74 : memref<1664xf32, #tpu.memory_space<hbm>>) target(%dma_start3A_73 : memref<1664xf32, #tpu.memory_space<vmem>>) target_semaphore(%arg12 : memref<!tpu.dma_semaphore, #tpu.memory_space<semaphore_mem>>)
    %add3A_75 = arith.constant 212992 : i32
    %add3A_76 = arith.addi %add3A_75, %mul3A_2 : i32
    %dma_start3A_77 = arith.constant 6656 : i32
    %dma_start3A_78 = tpu.memref_slice %arg8[%dma_start3A_77] : memref<53248xf32, #tpu.memory_space<vmem>> -> memref<1664xf32, #tpu.memory_space<vmem>>
    %dma_start3A_79 = tpu.memref_slice %arg3[%add3A_76] : memref<1703936xf32, #tpu.memory_space<hbm>> -> memref<1664xf32, #tpu.memory_space<hbm>>
    %dma_start3A_80 = arith.constant 6656 : i32
    %dma_start3A_81 = tpu.memref_slice %arg8[%dma_start3A_80] : memref<53248xf32, #tpu.memory_space<vmem>> -> memref<1664xf32, #tpu.memory_space<vmem>>
    %dma_start3A_82 = tpu.memref_slice %arg3[%add3A_76] : memref<1703936xf32, #tpu.memory_space<hbm>> -> memref<1664xf32, #tpu.memory_space<hbm>>
    tpu.enqueue_dma source(%dma_start3A_82 : memref<1664xf32, #tpu.memory_space<hbm>>) target(%dma_start3A_81 : memref<1664xf32, #tpu.memory_space<vmem>>) target_semaphore(%arg12 : memref<!tpu.dma_semaphore, #tpu.memory_space<semaphore_mem>>)
    %add3A_83 = arith.constant 266240 : i32
    %add3A_84 = arith.addi %add3A_83, %mul3A_2 : i32
    %dma_start3A_85 = arith.constant 8320 : i32
    %dma_start3A_86 = tpu.memref_slice %arg7[%dma_start3A_85] : memref<53248xf32, #tpu.memory_space<vmem>> -> memref<1664xf32, #tpu.memory_space<vmem>>
    %dma_start3A_87 = tpu.memref_slice %arg2[%add3A_84] : memref<1703936xf32, #tpu.memory_space<hbm>> -> memref<1664xf32, #tpu.memory_space<hbm>>
    %dma_start3A_88 = arith.constant 8320 : i32
    %dma_start3A_89 = tpu.memref_slice %arg7[%dma_start3A_88] : memref<53248xf32, #tpu.memory_space<vmem>> -> memref<1664xf32, #tpu.memory_space<vmem>>
    %dma_start3A_90 = tpu.memref_slice %arg2[%add3A_84] : memref<1703936xf32, #tpu.memory_space<hbm>> -> memref<1664xf32, #tpu.memory_space<hbm>>
    tpu.enqueue_dma source(%dma_start3A_90 : memref<1664xf32, #tpu.memory_space<hbm>>) target(%dma_start3A_89 : memref<1664xf32, #tpu.memory_space<vmem>>) target_semaphore(%arg12 : memref<!tpu.dma_semaphore, #tpu.memory_space<semaphore_mem>>)
    %add3A_91 = arith.constant 266240 : i32
    %add3A_92 = arith.addi %add3A_91, %mul3A_2 : i32
    %dma_start3A_93 = arith.constant 8320 : i32
    %dma_start3A_94 = tpu.memref_slice %arg8[%dma_start3A_93] : memref<53248xf32, #tpu.memory_space<vmem>> -> memref<1664xf32, #tpu.memory_space<vmem>>
    %dma_start3A_95 = tpu.memref_slice %arg3[%add3A_92] : memref<1703936xf32, #tpu.memory_space<hbm>> -> memref<1664xf32, #tpu.memory_space<hbm>>
    %dma_start3A_96 = arith.constant 8320 : i32
    %dma_start3A_97 = tpu.memref_slice %arg8[%dma_start3A_96] : memref<53248xf32, #tpu.memory_space<vmem>> -> memref<1664xf32, #tpu.memory_space<vmem>>
    %dma_start3A_98 = tpu.memref_slice %arg3[%add3A_92] : memref<1703936xf32, #tpu.memory_space<hbm>> -> memref<1664xf32, #tpu.memory_space<hbm>>
    tpu.enqueue_dma source(%dma_start3A_98 : memref<1664xf32, #tpu.memory_space<hbm>>) target(%dma_start3A_97 : memref<1664xf32, #tpu.memory_space<vmem>>) target_semaphore(%arg12 : memref<!tpu.dma_semaphore, #tpu.memory_space<semaphore_mem>>)
    %add3A_99 = arith.constant 319488 : i32
    %add3A_100 = arith.addi %add3A_99, %mul3A_2 : i32
    %dma_start3A_101 = arith.constant 9984 : i32
    %dma_start3A_102 = tpu.memref_slice %arg7[%dma_start3A_101] : memref<53248xf32, #tpu.memory_space<vmem>> -> memref<1664xf32, #tpu.memory_space<vmem>>
    %dma_start3A_103 = tpu.memref_slice %arg2[%add3A_100] : memref<1703936xf32, #tpu.memory_space<hbm>> -> memref<1664xf32, #tpu.memory_space<hbm>>
    %dma_start3A_104 = arith.constant 9984 : i32
    %dma_start3A_105 = tpu.memref_slice %arg7[%dma_start3A_104] : memref<53248xf32, #tpu.memory_space<vmem>> -> memref<1664xf32, #tpu.memory_space<vmem>>
    %dma_start3A_106 = tpu.memref_slice %arg2[%add3A_100] : memref<1703936xf32, #tpu.memory_space<hbm>> -> memref<1664xf32, #tpu.memory_space<hbm>>
    tpu.enqueue_dma source(%dma_start3A_106 : memref<1664xf32, #tpu.memory_space<hbm>>) target(%dma_start3A_105 : memref<1664xf32, #tpu.memory_space<vmem>>) target_semaphore(%arg12 : memref<!tpu.dma_semaphore, #tpu.memory_space<semaphore_mem>>)
    %add3A_107 = arith.constant 319488 : i32
    %add3A_108 = arith.addi %add3A_107, %mul3A_2 : i32
    %dma_start3A_109 = arith.constant 9984 : i32
    %dma_start3A_110 = tpu.memref_slice %arg8[%dma_start3A_109] : memref<53248xf32, #tpu.memory_space<vmem>> -> memref<1664xf32, #tpu.memory_space<vmem>>
    %dma_start3A_111 = tpu.memref_slice %arg3[%add3A_108] : memref<1703936xf32, #tpu.memory_space<hbm>> -> memref<1664xf32, #tpu.memory_space<hbm>>
    %dma_start3A_112 = arith.constant 9984 : i32
    %dma_start3A_113 = tpu.memref_slice %arg8[%dma_start3A_112] : memref<53248xf32, #tpu.memory_space<vmem>> -> memref<1664xf32, #tpu.memory_space<vmem>>
    %dma_start3A_114 = tpu.memref_slice %arg3[%add3A_108] : memref<1703936xf32, #tpu.memory_space<hbm>> -> memref<1664xf32, #tpu.memory_space<hbm>>
    tpu.enqueue_dma source(%dma_start3A_114 : memref<1664xf32, #tpu.memory_space<hbm>>) target(%dma_start3A_113 : memref<1664xf32, #tpu.memory_space<vmem>>) target_semaphore(%arg12 : memref<!tpu.dma_semaphore, #tpu.memory_space<semaphore_mem>>)
    %add3A_115 = arith.constant 372736 : i32
    %add3A_116 = arith.addi %add3A_115, %mul3A_2 : i32
    %dma_start3A_117 = arith.constant 11648 : i32
    %dma_start3A_118 = tpu.memref_slice %arg7[%dma_start3A_117] : memref<53248xf32, #tpu.memory_space<vmem>> -> memref<1664xf32, #tpu.memory_space<vmem>>
    %dma_start3A_119 = tpu.memref_slice %arg2[%add3A_116] : memref<1703936xf32, #tpu.memory_space<hbm>> -> memref<1664xf32, #tpu.memory_space<hbm>>
    %dma_start3A_120 = arith.constant 11648 : i32
    %dma_start3A_121 = tpu.memref_slice %arg7[%dma_start3A_120] : memref<53248xf32, #tpu.memory_space<vmem>> -> memref<1664xf32, #tpu.memory_space<vmem>>
    %dma_start3A_122 = tpu.memref_slice %arg2[%add3A_116] : memref<1703936xf32, #tpu.memory_space<hbm>> -> memref<1664xf32, #tpu.memory_space<hbm>>
    tpu.enqueue_dma source(%dma_start3A_122 : memref<1664xf32, #tpu.memory_space<hbm>>) target(%dma_start3A_121 : memref<1664xf32, #tpu.memory_space<vmem>>) target_semaphore(%arg12 : memref<!tpu.dma_semaphore, #tpu.memory_space<semaphore_mem>>)
    %add3A_123 = arith.constant 372736 : i32
    %add3A_124 = arith.addi %add3A_123, %mul3A_2 : i32
    %dma_start3A_125 = arith.constant 11648 : i32
    %dma_start3A_126 = tpu.memref_slice %arg8[%dma_start3A_125] : memref<53248xf32, #tpu.memory_space<vmem>> -> memref<1664xf32, #tpu.memory_space<vmem>>
    %dma_start3A_127 = tpu.memref_slice %arg3[%add3A_124] : memref<1703936xf32, #tpu.memory_space<hbm>> -> memref<1664xf32, #tpu.memory_space<hbm>>
    %dma_start3A_128 = arith.constant 11648 : i32
    %dma_start3A_129 = tpu.memref_slice %arg8[%dma_start3A_128] : memref<53248xf32, #tpu.memory_space<vmem>> -> memref<1664xf32, #tpu.memory_space<vmem>>
    %dma_start3A_130 = tpu.memref_slice %arg3[%add3A_124] : memref<1703936xf32, #tpu.memory_space<hbm>> -> memref<1664xf32, #tpu.memory_space<hbm>>
    tpu.enqueue_dma source(%dma_start3A_130 : memref<1664xf32, #tpu.memory_space<hbm>>) target(%dma_start3A_129 : memref<1664xf32, #tpu.memory_space<vmem>>) target_semaphore(%arg12 : memref<!tpu.dma_semaphore, #tpu.memory_space<semaphore_mem>>)
    %add3A_131 = arith.constant 425984 : i32
    %add3A_132 = arith.addi %add3A_131, %mul3A_2 : i32
    %dma_start3A_133 = arith.constant 13312 : i32
    %dma_start3A_134 = tpu.memref_slice %arg7[%dma_start3A_133] : memref<53248xf32, #tpu.memory_space<vmem>> -> memref<1664xf32, #tpu.memory_space<vmem>>
    %dma_start3A_135 = tpu.memref_slice %arg2[%add3A_132] : memref<1703936xf32, #tpu.memory_space<hbm>> -> memref<1664xf32, #tpu.memory_space<hbm>>
    %dma_start3A_136 = arith.constant 13312 : i32
    %dma_start3A_137 = tpu.memref_slice %arg7[%dma_start3A_136] : memref<53248xf32, #tpu.memory_space<vmem>> -> memref<1664xf32, #tpu.memory_space<vmem>>
    %dma_start3A_138 = tpu.memref_slice %arg2[%add3A_132] : memref<1703936xf32, #tpu.memory_space<hbm>> -> memref<1664xf32, #tpu.memory_space<hbm>>
    tpu.enqueue_dma source(%dma_start3A_138 : memref<1664xf32, #tpu.memory_space<hbm>>) target(%dma_start3A_137 : memref<1664xf32, #tpu.memory_space<vmem>>) target_semaphore(%arg12 : memref<!tpu.dma_semaphore, #tpu.memory_space<semaphore_mem>>)
    %add3A_139 = arith.constant 425984 : i32
    %add3A_140 = arith.addi %add3A_139, %mul3A_2 : i32
    %dma_start3A_141 = arith.constant 13312 : i32
    %dma_start3A_142 = tpu.memref_slice %arg8[%dma_start3A_141] : memref<53248xf32, #tpu.memory_space<vmem>> -> memref<1664xf32, #tpu.memory_space<vmem>>
    %dma_start3A_143 = tpu.memref_slice %arg3[%add3A_140] : memref<1703936xf32, #tpu.memory_space<hbm>> -> memref<1664xf32, #tpu.memory_space<hbm>>
    %dma_start3A_144 = arith.constant 13312 : i32
    %dma_start3A_145 = tpu.memref_slice %arg8[%dma_start3A_144] : memref<53248xf32, #tpu.memory_space<vmem>> -> memref<1664xf32, #tpu.memory_space<vmem>>
    %dma_start3A_146 = tpu.memref_slice %arg3[%add3A_140] : memref<1703936xf32, #tpu.memory_space<hbm>> -> memref<1664xf32, #tpu.memory_space<hbm>>
    tpu.enqueue_dma source(%dma_start3A_146 : memref<1664xf32, #tpu.memory_space<hbm>>) target(%dma_start3A_145 : memref<1664xf32, #tpu.memory_space<vmem>>) target_semaphore(%arg12 : memref<!tpu.dma_semaphore, #tpu.memory_space<semaphore_mem>>)
    %add3A_147 = arith.constant 479232 : i32
    %add3A_148 = arith.addi %add3A_147, %mul3A_2 : i32
    %dma_start3A_149 = arith.constant 14976 : i32
    %dma_start3A_150 = tpu.memref_slice %arg7[%dma_start3A_149] : memref<53248xf32, #tpu.memory_space<vmem>> -> memref<1664xf32, #tpu.memory_space<vmem>>
    %dma_start3A_151 = tpu.memref_slice %arg2[%add3A_148] : memref<1703936xf32, #tpu.memory_space<hbm>> -> memref<1664xf32, #tpu.memory_space<hbm>>
    %dma_start3A_152 = arith.constant 14976 : i32
    %dma_start3A_153 = tpu.memref_slice %arg7[%dma_start3A_152] : memref<53248xf32, #tpu.memory_space<vmem>> -> memref<1664xf32, #tpu.memory_space<vmem>>
    %dma_start3A_154 = tpu.memref_slice %arg2[%add3A_148] : memref<1703936xf32, #tpu.memory_space<hbm>> -> memref<1664xf32, #tpu.memory_space<hbm>>
    tpu.enqueue_dma source(%dma_start3A_154 : memref<1664xf32, #tpu.memory_space<hbm>>) target(%dma_start3A_153 : memref<1664xf32, #tpu.memory_space<vmem>>) target_semaphore(%arg12 : memref<!tpu.dma_semaphore, #tpu.memory_space<semaphore_mem>>)
    %add3A_155 = arith.constant 479232 : i32
    %add3A_156 = arith.addi %add3A_155, %mul3A_2 : i32
    %dma_start3A_157 = arith.constant 14976 : i32
    %dma_start3A_158 = tpu.memref_slice %arg8[%dma_start3A_157] : memref<53248xf32, #tpu.memory_space<vmem>> -> memref<1664xf32, #tpu.memory_space<vmem>>
    %dma_start3A_159 = tpu.memref_slice %arg3[%add3A_156] : memref<1703936xf32, #tpu.memory_space<hbm>> -> memref<1664xf32, #tpu.memory_space<hbm>>
    %dma_start3A_160 = arith.constant 14976 : i32
    %dma_start3A_161 = tpu.memref_slice %arg8[%dma_start3A_160] : memref<53248xf32, #tpu.memory_space<vmem>> -> memref<1664xf32, #tpu.memory_space<vmem>>
    %dma_start3A_162 = tpu.memref_slice %arg3[%add3A_156] : memref<1703936xf32, #tpu.memory_space<hbm>> -> memref<1664xf32, #tpu.memory_space<hbm>>
    tpu.enqueue_dma source(%dma_start3A_162 : memref<1664xf32, #tpu.memory_space<hbm>>) target(%dma_start3A_161 : memref<1664xf32, #tpu.memory_space<vmem>>) target_semaphore(%arg12 : memref<!tpu.dma_semaphore, #tpu.memory_space<semaphore_mem>>)
    %add3A_163 = arith.constant 532480 : i32
    %add3A_164 = arith.addi %add3A_163, %mul3A_2 : i32
    %dma_start3A_165 = arith.constant 16640 : i32
    %dma_start3A_166 = tpu.memref_slice %arg7[%dma_start3A_165] : memref<53248xf32, #tpu.memory_space<vmem>> -> memref<1664xf32, #tpu.memory_space<vmem>>
    %dma_start3A_167 = tpu.memref_slice %arg2[%add3A_164] : memref<1703936xf32, #tpu.memory_space<hbm>> -> memref<1664xf32, #tpu.memory_space<hbm>>
    %dma_start3A_168 = arith.constant 16640 : i32
    %dma_start3A_169 = tpu.memref_slice %arg7[%dma_start3A_168] : memref<53248xf32, #tpu.memory_space<vmem>> -> memref<1664xf32, #tpu.memory_space<vmem>>
    %dma_start3A_170 = tpu.memref_slice %arg2[%add3A_164] : memref<1703936xf32, #tpu.memory_space<hbm>> -> memref<1664xf32, #tpu.memory_space<hbm>>
    tpu.enqueue_dma source(%dma_start3A_170 : memref<1664xf32, #tpu.memory_space<hbm>>) target(%dma_start3A_169 : memref<1664xf32, #tpu.memory_space<vmem>>) target_semaphore(%arg12 : memref<!tpu.dma_semaphore, #tpu.memory_space<semaphore_mem>>)
    %add3A_171 = arith.constant 532480 : i32
    %add3A_172 = arith.addi %add3A_171, %mul3A_2 : i32
    %dma_start3A_173 = arith.constant 16640 : i32
    %dma_start3A_174 = tpu.memref_slice %arg8[%dma_start3A_173] : memref<53248xf32, #tpu.memory_space<vmem>> -> memref<1664xf32, #tpu.memory_space<vmem>>
    %dma_start3A_175 = tpu.memref_slice %arg3[%add3A_172] : memref<1703936xf32, #tpu.memory_space<hbm>> -> memref<1664xf32, #tpu.memory_space<hbm>>
    %dma_start3A_176 = arith.constant 16640 : i32
    %dma_start3A_177 = tpu.memref_slice %arg8[%dma_start3A_176] : memref<53248xf32, #tpu.memory_space<vmem>> -> memref<1664xf32, #tpu.memory_space<vmem>>
    %dma_start3A_178 = tpu.memref_slice %arg3[%add3A_172] : memref<1703936xf32, #tpu.memory_space<hbm>> -> memref<1664xf32, #tpu.memory_space<hbm>>
    tpu.enqueue_dma source(%dma_start3A_178 : memref<1664xf32, #tpu.memory_space<hbm>>) target(%dma_start3A_177 : memref<1664xf32, #tpu.memory_space<vmem>>) target_semaphore(%arg12 : memref<!tpu.dma_semaphore, #tpu.memory_space<semaphore_mem>>)
    %add3A_179 = arith.constant 585728 : i32
    %add3A_180 = arith.addi %add3A_179, %mul3A_2 : i32
    %dma_start3A_181 = arith.constant 18304 : i32
    %dma_start3A_182 = tpu.memref_slice %arg7[%dma_start3A_181] : memref<53248xf32, #tpu.memory_space<vmem>> -> memref<1664xf32, #tpu.memory_space<vmem>>
    %dma_start3A_183 = tpu.memref_slice %arg2[%add3A_180] : memref<1703936xf32, #tpu.memory_space<hbm>> -> memref<1664xf32, #tpu.memory_space<hbm>>
    %dma_start3A_184 = arith.constant 18304 : i32
    %dma_start3A_185 = tpu.memref_slice %arg7[%dma_start3A_184] : memref<53248xf32, #tpu.memory_space<vmem>> -> memref<1664xf32, #tpu.memory_space<vmem>>
    %dma_start3A_186 = tpu.memref_slice %arg2[%add3A_180] : memref<1703936xf32, #tpu.memory_space<hbm>> -> memref<1664xf32, #tpu.memory_space<hbm>>
    tpu.enqueue_dma source(%dma_start3A_186 : memref<1664xf32, #tpu.memory_space<hbm>>) target(%dma_start3A_185 : memref<1664xf32, #tpu.memory_space<vmem>>) target_semaphore(%arg12 : memref<!tpu.dma_semaphore, #tpu.memory_space<semaphore_mem>>)
    %add3A_187 = arith.constant 585728 : i32
    %add3A_188 = arith.addi %add3A_187, %mul3A_2 : i32
    %dma_start3A_189 = arith.constant 18304 : i32
    %dma_start3A_190 = tpu.memref_slice %arg8[%dma_start3A_189] : memref<53248xf32, #tpu.memory_space<vmem>> -> memref<1664xf32, #tpu.memory_space<vmem>>
    %dma_start3A_191 = tpu.memref_slice %arg3[%add3A_188] : memref<1703936xf32, #tpu.memory_space<hbm>> -> memref<1664xf32, #tpu.memory_space<hbm>>
    %dma_start3A_192 = arith.constant 18304 : i32
    %dma_start3A_193 = tpu.memref_slice %arg8[%dma_start3A_192] : memref<53248xf32, #tpu.memory_space<vmem>> -> memref<1664xf32, #tpu.memory_space<vmem>>
    %dma_start3A_194 = tpu.memref_slice %arg3[%add3A_188] : memref<1703936xf32, #tpu.memory_space<hbm>> -> memref<1664xf32, #tpu.memory_space<hbm>>
    tpu.enqueue_dma source(%dma_start3A_194 : memref<1664xf32, #tpu.memory_space<hbm>>) target(%dma_start3A_193 : memref<1664xf32, #tpu.memory_space<vmem>>) target_semaphore(%arg12 : memref<!tpu.dma_semaphore, #tpu.memory_space<semaphore_mem>>)
    %add3A_195 = arith.constant 638976 : i32
    %add3A_196 = arith.addi %add3A_195, %mul3A_2 : i32
    %dma_start3A_197 = arith.constant 19968 : i32
    %dma_start3A_198 = tpu.memref_slice %arg7[%dma_start3A_197] : memref<53248xf32, #tpu.memory_space<vmem>> -> memref<1664xf32, #tpu.memory_space<vmem>>
    %dma_start3A_199 = tpu.memref_slice %arg2[%add3A_196] : memref<1703936xf32, #tpu.memory_space<hbm>> -> memref<1664xf32, #tpu.memory_space<hbm>>
    %dma_start3A_200 = arith.constant 19968 : i32
    %dma_start3A_201 = tpu.memref_slice %arg7[%dma_start3A_200] : memref<53248xf32, #tpu.memory_space<vmem>> -> memref<1664xf32, #tpu.memory_space<vmem>>
    %dma_start3A_202 = tpu.memref_slice %arg2[%add3A_196] : memref<1703936xf32, #tpu.memory_space<hbm>> -> memref<1664xf32, #tpu.memory_space<hbm>>
    tpu.enqueue_dma source(%dma_start3A_202 : memref<1664xf32, #tpu.memory_space<hbm>>) target(%dma_start3A_201 : memref<1664xf32, #tpu.memory_space<vmem>>) target_semaphore(%arg12 : memref<!tpu.dma_semaphore, #tpu.memory_space<semaphore_mem>>)
    %add3A_203 = arith.constant 638976 : i32
    %add3A_204 = arith.addi %add3A_203, %mul3A_2 : i32
    %dma_start3A_205 = arith.constant 19968 : i32
    %dma_start3A_206 = tpu.memref_slice %arg8[%dma_start3A_205] : memref<53248xf32, #tpu.memory_space<vmem>> -> memref<1664xf32, #tpu.memory_space<vmem>>
    %dma_start3A_207 = tpu.memref_slice %arg3[%add3A_204] : memref<1703936xf32, #tpu.memory_space<hbm>> -> memref<1664xf32, #tpu.memory_space<hbm>>
    %dma_start3A_208 = arith.constant 19968 : i32
    %dma_start3A_209 = tpu.memref_slice %arg8[%dma_start3A_208] : memref<53248xf32, #tpu.memory_space<vmem>> -> memref<1664xf32, #tpu.memory_space<vmem>>
    %dma_start3A_210 = tpu.memref_slice %arg3[%add3A_204] : memref<1703936xf32, #tpu.memory_space<hbm>> -> memref<1664xf32, #tpu.memory_space<hbm>>
    tpu.enqueue_dma source(%dma_start3A_210 : memref<1664xf32, #tpu.memory_space<hbm>>) target(%dma_start3A_209 : memref<1664xf32, #tpu.memory_space<vmem>>) target_semaphore(%arg12 : memref<!tpu.dma_semaphore, #tpu.memory_space<semaphore_mem>>)
    %add3A_211 = arith.constant 692224 : i32
    %add3A_212 = arith.addi %add3A_211, %mul3A_2 : i32
    %dma_start3A_213 = arith.constant 21632 : i32
    %dma_start3A_214 = tpu.memref_slice %arg7[%dma_start3A_213] : memref<53248xf32, #tpu.memory_space<vmem>> -> memref<1664xf32, #tpu.memory_space<vmem>>
    %dma_start3A_215 = tpu.memref_slice %arg2[%add3A_212] : memref<1703936xf32, #tpu.memory_space<hbm>> -> memref<1664xf32, #tpu.memory_space<hbm>>
    %dma_start3A_216 = arith.constant 21632 : i32
    %dma_start3A_217 = tpu.memref_slice %arg7[%dma_start3A_216] : memref<53248xf32, #tpu.memory_space<vmem>> -> memref<1664xf32, #tpu.memory_space<vmem>>
    %dma_start3A_218 = tpu.memref_slice %arg2[%add3A_212] : memref<1703936xf32, #tpu.memory_space<hbm>> -> memref<1664xf32, #tpu.memory_space<hbm>>
    tpu.enqueue_dma source(%dma_start3A_218 : memref<1664xf32, #tpu.memory_space<hbm>>) target(%dma_start3A_217 : memref<1664xf32, #tpu.memory_space<vmem>>) target_semaphore(%arg12 : memref<!tpu.dma_semaphore, #tpu.memory_space<semaphore_mem>>)
    %add3A_219 = arith.constant 692224 : i32
    %add3A_220 = arith.addi %add3A_219, %mul3A_2 : i32
    %dma_start3A_221 = arith.constant 21632 : i32
    %dma_start3A_222 = tpu.memref_slice %arg8[%dma_start3A_221] : memref<53248xf32, #tpu.memory_space<vmem>> -> memref<1664xf32, #tpu.memory_space<vmem>>
    %dma_start3A_223 = tpu.memref_slice %arg3[%add3A_220] : memref<1703936xf32, #tpu.memory_space<hbm>> -> memref<1664xf32, #tpu.memory_space<hbm>>
    %dma_start3A_224 = arith.constant 21632 : i32
    %dma_start3A_225 = tpu.memref_slice %arg8[%dma_start3A_224] : memref<53248xf32, #tpu.memory_space<vmem>> -> memref<1664xf32, #tpu.memory_space<vmem>>
    %dma_start3A_226 = tpu.memref_slice %arg3[%add3A_220] : memref<1703936xf32, #tpu.memory_space<hbm>> -> memref<1664xf32, #tpu.memory_space<hbm>>
    tpu.enqueue_dma source(%dma_start3A_226 : memref<1664xf32, #tpu.memory_space<hbm>>) target(%dma_start3A_225 : memref<1664xf32, #tpu.memory_space<vmem>>) target_semaphore(%arg12 : memref<!tpu.dma_semaphore, #tpu.memory_space<semaphore_mem>>)
    %add3A_227 = arith.constant 745472 : i32
    %add3A_228 = arith.addi %add3A_227, %mul3A_2 : i32
    %dma_start3A_229 = arith.constant 23296 : i32
    %dma_start3A_230 = tpu.memref_slice %arg7[%dma_start3A_229] : memref<53248xf32, #tpu.memory_space<vmem>> -> memref<1664xf32, #tpu.memory_space<vmem>>
    %dma_start3A_231 = tpu.memref_slice %arg2[%add3A_228] : memref<1703936xf32, #tpu.memory_space<hbm>> -> memref<1664xf32, #tpu.memory_space<hbm>>
    %dma_start3A_232 = arith.constant 23296 : i32
    %dma_start3A_233 = tpu.memref_slice %arg7[%dma_start3A_232] : memref<53248xf32, #tpu.memory_space<vmem>> -> memref<1664xf32, #tpu.memory_space<vmem>>
    %dma_start3A_234 = tpu.memref_slice %arg2[%add3A_228] : memref<1703936xf32, #tpu.memory_space<hbm>> -> memref<1664xf32, #tpu.memory_space<hbm>>
    tpu.enqueue_dma source(%dma_start3A_234 : memref<1664xf32, #tpu.memory_space<hbm>>) target(%dma_start3A_233 : memref<1664xf32, #tpu.memory_space<vmem>>) target_semaphore(%arg12 : memref<!tpu.dma_semaphore, #tpu.memory_space<semaphore_mem>>)
    %add3A_235 = arith.constant 745472 : i32
    %add3A_236 = arith.addi %add3A_235, %mul3A_2 : i32
    %dma_start3A_237 = arith.constant 23296 : i32
    %dma_start3A_238 = tpu.memref_slice %arg8[%dma_start3A_237] : memref<53248xf32, #tpu.memory_space<vmem>> -> memref<1664xf32, #tpu.memory_space<vmem>>
    %dma_start3A_239 = tpu.memref_slice %arg3[%add3A_236] : memref<1703936xf32, #tpu.memory_space<hbm>> -> memref<1664xf32, #tpu.memory_space<hbm>>
    %dma_start3A_240 = arith.constant 23296 : i32
    %dma_start3A_241 = tpu.memref_slice %arg8[%dma_start3A_240] : memref<53248xf32, #tpu.memory_space<vmem>> -> memref<1664xf32, #tpu.memory_space<vmem>>
    %dma_start3A_242 = tpu.memref_slice %arg3[%add3A_236] : memref<1703936xf32, #tpu.memory_space<hbm>> -> memref<1664xf32, #tpu.memory_space<hbm>>
    tpu.enqueue_dma source(%dma_start3A_242 : memref<1664xf32, #tpu.memory_space<hbm>>) target(%dma_start3A_241 : memref<1664xf32, #tpu.memory_space<vmem>>) target_semaphore(%arg12 : memref<!tpu.dma_semaphore, #tpu.memory_space<semaphore_mem>>)
    %add3A_243 = arith.constant 798720 : i32
    %add3A_244 = arith.addi %add3A_243, %mul3A_2 : i32
    %dma_start3A_245 = arith.constant 24960 : i32
    %dma_start3A_246 = tpu.memref_slice %arg7[%dma_start3A_245] : memref<53248xf32, #tpu.memory_space<vmem>> -> memref<1664xf32, #tpu.memory_space<vmem>>
    %dma_start3A_247 = tpu.memref_slice %arg2[%add3A_244] : memref<1703936xf32, #tpu.memory_space<hbm>> -> memref<1664xf32, #tpu.memory_space<hbm>>
    %dma_start3A_248 = arith.constant 24960 : i32
    %dma_start3A_249 = tpu.memref_slice %arg7[%dma_start3A_248] : memref<53248xf32, #tpu.memory_space<vmem>> -> memref<1664xf32, #tpu.memory_space<vmem>>
    %dma_start3A_250 = tpu.memref_slice %arg2[%add3A_244] : memref<1703936xf32, #tpu.memory_space<hbm>> -> memref<1664xf32, #tpu.memory_space<hbm>>
    tpu.enqueue_dma source(%dma_start3A_250 : memref<1664xf32, #tpu.memory_space<hbm>>) target(%dma_start3A_249 : memref<1664xf32, #tpu.memory_space<vmem>>) target_semaphore(%arg12 : memref<!tpu.dma_semaphore, #tpu.memory_space<semaphore_mem>>)
    %add3A_251 = arith.constant 798720 : i32
    %add3A_252 = arith.addi %add3A_251, %mul3A_2 : i32
    %dma_start3A_253 = arith.constant 24960 : i32
    %dma_start3A_254 = tpu.memref_slice %arg8[%dma_start3A_253] : memref<53248xf32, #tpu.memory_space<vmem>> -> memref<1664xf32, #tpu.memory_space<vmem>>
    %dma_start3A_255 = tpu.memref_slice %arg3[%add3A_252] : memref<1703936xf32, #tpu.memory_space<hbm>> -> memref<1664xf32, #tpu.memory_space<hbm>>
    %dma_start3A_256 = arith.constant 24960 : i32
    %dma_start3A_257 = tpu.memref_slice %arg8[%dma_start3A_256] : memref<53248xf32, #tpu.memory_space<vmem>> -> memref<1664xf32, #tpu.memory_space<vmem>>
    %dma_start3A_258 = tpu.memref_slice %arg3[%add3A_252] : memref<1703936xf32, #tpu.memory_space<hbm>> -> memref<1664xf32, #tpu.memory_space<hbm>>
    tpu.enqueue_dma source(%dma_start3A_258 : memref<1664xf32, #tpu.memory_space<hbm>>) target(%dma_start3A_257 : memref<1664xf32, #tpu.memory_space<vmem>>) target_semaphore(%arg12 : memref<!tpu.dma_semaphore, #tpu.memory_space<semaphore_mem>>)
    %add3A_259 = arith.constant 851968 : i32
    %add3A_260 = arith.addi %add3A_259, %mul3A_2 : i32
    %dma_start3A_261 = arith.constant 26624 : i32
    %dma_start3A_262 = tpu.memref_slice %arg7[%dma_start3A_261] : memref<53248xf32, #tpu.memory_space<vmem>> -> memref<1664xf32, #tpu.memory_space<vmem>>
    %dma_start3A_263 = tpu.memref_slice %arg2[%add3A_260] : memref<1703936xf32, #tpu.memory_space<hbm>> -> memref<1664xf32, #tpu.memory_space<hbm>>
    %dma_start3A_264 = arith.constant 26624 : i32
    %dma_start3A_265 = tpu.memref_slice %arg7[%dma_start3A_264] : memref<53248xf32, #tpu.memory_space<vmem>> -> memref<1664xf32, #tpu.memory_space<vmem>>
    %dma_start3A_266 = tpu.memref_slice %arg2[%add3A_260] : memref<1703936xf32, #tpu.memory_space<hbm>> -> memref<1664xf32, #tpu.memory_space<hbm>>
    tpu.enqueue_dma source(%dma_start3A_266 : memref<1664xf32, #tpu.memory_space<hbm>>) target(%dma_start3A_265 : memref<1664xf32, #tpu.memory_space<vmem>>) target_semaphore(%arg12 : memref<!tpu.dma_semaphore, #tpu.memory_space<semaphore_mem>>)
    %add3A_267 = arith.constant 851968 : i32
    %add3A_268 = arith.addi %add3A_267, %mul3A_2 : i32
    %dma_start3A_269 = arith.constant 26624 : i32
    %dma_start3A_270 = tpu.memref_slice %arg8[%dma_start3A_269] : memref<53248xf32, #tpu.memory_space<vmem>> -> memref<1664xf32, #tpu.memory_space<vmem>>
    %dma_start3A_271 = tpu.memref_slice %arg3[%add3A_268] : memref<1703936xf32, #tpu.memory_space<hbm>> -> memref<1664xf32, #tpu.memory_space<hbm>>
    %dma_start3A_272 = arith.constant 26624 : i32
    %dma_start3A_273 = tpu.memref_slice %arg8[%dma_start3A_272] : memref<53248xf32, #tpu.memory_space<vmem>> -> memref<1664xf32, #tpu.memory_space<vmem>>
    %dma_start3A_274 = tpu.memref_slice %arg3[%add3A_268] : memref<1703936xf32, #tpu.memory_space<hbm>> -> memref<1664xf32, #tpu.memory_space<hbm>>
    tpu.enqueue_dma source(%dma_start3A_274 : memref<1664xf32, #tpu.memory_space<hbm>>) target(%dma_start3A_273 : memref<1664xf32, #tpu.memory_space<vmem>>) target_semaphore(%arg12 : memref<!tpu.dma_semaphore, #tpu.memory_space<semaphore_mem>>)
    %add3A_275 = arith.constant 905216 : i32
    %add3A_276 = arith.addi %add3A_275, %mul3A_2 : i32
    %dma_start3A_277 = arith.constant 28288 : i32
    %dma_start3A_278 = tpu.memref_slice %arg7[%dma_start3A_277] : memref<53248xf32, #tpu.memory_space<vmem>> -> memref<1664xf32, #tpu.memory_space<vmem>>
    %dma_start3A_279 = tpu.memref_slice %arg2[%add3A_276] : memref<1703936xf32, #tpu.memory_space<hbm>> -> memref<1664xf32, #tpu.memory_space<hbm>>
    %dma_start3A_280 = arith.constant 28288 : i32
    %dma_start3A_281 = tpu.memref_slice %arg7[%dma_start3A_280] : memref<53248xf32, #tpu.memory_space<vmem>> -> memref<1664xf32, #tpu.memory_space<vmem>>
    %dma_start3A_282 = tpu.memref_slice %arg2[%add3A_276] : memref<1703936xf32, #tpu.memory_space<hbm>> -> memref<1664xf32, #tpu.memory_space<hbm>>
    tpu.enqueue_dma source(%dma_start3A_282 : memref<1664xf32, #tpu.memory_space<hbm>>) target(%dma_start3A_281 : memref<1664xf32, #tpu.memory_space<vmem>>) target_semaphore(%arg12 : memref<!tpu.dma_semaphore, #tpu.memory_space<semaphore_mem>>)
    %add3A_283 = arith.constant 905216 : i32
    %add3A_284 = arith.addi %add3A_283, %mul3A_2 : i32
    %dma_start3A_285 = arith.constant 28288 : i32
    %dma_start3A_286 = tpu.memref_slice %arg8[%dma_start3A_285] : memref<53248xf32, #tpu.memory_space<vmem>> -> memref<1664xf32, #tpu.memory_space<vmem>>
    %dma_start3A_287 = tpu.memref_slice %arg3[%add3A_284] : memref<1703936xf32, #tpu.memory_space<hbm>> -> memref<1664xf32, #tpu.memory_space<hbm>>
    %dma_start3A_288 = arith.constant 28288 : i32
    %dma_start3A_289 = tpu.memref_slice %arg8[%dma_start3A_288] : memref<53248xf32, #tpu.memory_space<vmem>> -> memref<1664xf32, #tpu.memory_space<vmem>>
    %dma_start3A_290 = tpu.memref_slice %arg3[%add3A_284] : memref<1703936xf32, #tpu.memory_space<hbm>> -> memref<1664xf32, #tpu.memory_space<hbm>>
    tpu.enqueue_dma source(%dma_start3A_290 : memref<1664xf32, #tpu.memory_space<hbm>>) target(%dma_start3A_289 : memref<1664xf32, #tpu.memory_space<vmem>>) target_semaphore(%arg12 : memref<!tpu.dma_semaphore, #tpu.memory_space<semaphore_mem>>)
    %add3A_291 = arith.constant 958464 : i32
    %add3A_292 = arith.addi %add3A_291, %mul3A_2 : i32
    %dma_start3A_293 = arith.constant 29952 : i32
    %dma_start3A_294 = tpu.memref_slice %arg7[%dma_start3A_293] : memref<53248xf32, #tpu.memory_space<vmem>> -> memref<1664xf32, #tpu.memory_space<vmem>>
    %dma_start3A_295 = tpu.memref_slice %arg2[%add3A_292] : memref<1703936xf32, #tpu.memory_space<hbm>> -> memref<1664xf32, #tpu.memory_space<hbm>>
    %dma_start3A_296 = arith.constant 29952 : i32
    %dma_start3A_297 = tpu.memref_slice %arg7[%dma_start3A_296] : memref<53248xf32, #tpu.memory_space<vmem>> -> memref<1664xf32, #tpu.memory_space<vmem>>
    %dma_start3A_298 = tpu.memref_slice %arg2[%add3A_292] : memref<1703936xf32, #tpu.memory_space<hbm>> -> memref<1664xf32, #tpu.memory_space<hbm>>
    tpu.enqueue_dma source(%dma_start3A_298 : memref<1664xf32, #tpu.memory_space<hbm>>) target(%dma_start3A_297 : memref<1664xf32, #tpu.memory_space<vmem>>) target_semaphore(%arg12 : memref<!tpu.dma_semaphore, #tpu.memory_space<semaphore_mem>>)
    %add3A_299 = arith.constant 958464 : i32
    %add3A_300 = arith.addi %add3A_299, %mul3A_2 : i32
    %dma_start3A_301 = arith.constant 29952 : i32
    %dma_start3A_302 = tpu.memref_slice %arg8[%dma_start3A_301] : memref<53248xf32, #tpu.memory_space<vmem>> -> memref<1664xf32, #tpu.memory_space<vmem>>
    %dma_start3A_303 = tpu.memref_slice %arg3[%add3A_300] : memref<1703936xf32, #tpu.memory_space<hbm>> -> memref<1664xf32, #tpu.memory_space<hbm>>
    %dma_start3A_304 = arith.constant 29952 : i32
    %dma_start3A_305 = tpu.memref_slice %arg8[%dma_start3A_304] : memref<53248xf32, #tpu.memory_space<vmem>> -> memref<1664xf32, #tpu.memory_space<vmem>>
    %dma_start3A_306 = tpu.memref_slice %arg3[%add3A_300] : memref<1703936xf32, #tpu.memory_space<hbm>> -> memref<1664xf32, #tpu.memory_space<hbm>>
    tpu.enqueue_dma source(%dma_start3A_306 : memref<1664xf32, #tpu.memory_space<hbm>>) target(%dma_start3A_305 : memref<1664xf32, #tpu.memory_space<vmem>>) target_semaphore(%arg12 : memref<!tpu.dma_semaphore, #tpu.memory_space<semaphore_mem>>)
    %add3A_307 = arith.constant 1011712 : i32
    %add3A_308 = arith.addi %add3A_307, %mul3A_2 : i32
    %dma_start3A_309 = arith.constant 31616 : i32
    %dma_start3A_310 = tpu.memref_slice %arg7[%dma_start3A_309] : memref<53248xf32, #tpu.memory_space<vmem>> -> memref<1664xf32, #tpu.memory_space<vmem>>
    %dma_start3A_311 = tpu.memref_slice %arg2[%add3A_308] : memref<1703936xf32, #tpu.memory_space<hbm>> -> memref<1664xf32, #tpu.memory_space<hbm>>
    %dma_start3A_312 = arith.constant 31616 : i32
    %dma_start3A_313 = tpu.memref_slice %arg7[%dma_start3A_312] : memref<53248xf32, #tpu.memory_space<vmem>> -> memref<1664xf32, #tpu.memory_space<vmem>>
    %dma_start3A_314 = tpu.memref_slice %arg2[%add3A_308] : memref<1703936xf32, #tpu.memory_space<hbm>> -> memref<1664xf32, #tpu.memory_space<hbm>>
    tpu.enqueue_dma source(%dma_start3A_314 : memref<1664xf32, #tpu.memory_space<hbm>>) target(%dma_start3A_313 : memref<1664xf32, #tpu.memory_space<vmem>>) target_semaphore(%arg12 : memref<!tpu.dma_semaphore, #tpu.memory_space<semaphore_mem>>)
    %add3A_315 = arith.constant 1011712 : i32
    %add3A_316 = arith.addi %add3A_315, %mul3A_2 : i32
    %dma_start3A_317 = arith.constant 31616 : i32
    %dma_start3A_318 = tpu.memref_slice %arg8[%dma_start3A_317] : memref<53248xf32, #tpu.memory_space<vmem>> -> memref<1664xf32, #tpu.memory_space<vmem>>
    %dma_start3A_319 = tpu.memref_slice %arg3[%add3A_316] : memref<1703936xf32, #tpu.memory_space<hbm>> -> memref<1664xf32, #tpu.memory_space<hbm>>
    %dma_start3A_320 = arith.constant 31616 : i32
    %dma_start3A_321 = tpu.memref_slice %arg8[%dma_start3A_320] : memref<53248xf32, #tpu.memory_space<vmem>> -> memref<1664xf32, #tpu.memory_space<vmem>>
    %dma_start3A_322 = tpu.memref_slice %arg3[%add3A_316] : memref<1703936xf32, #tpu.memory_space<hbm>> -> memref<1664xf32, #tpu.memory_space<hbm>>
    tpu.enqueue_dma source(%dma_start3A_322 : memref<1664xf32, #tpu.memory_space<hbm>>) target(%dma_start3A_321 : memref<1664xf32, #tpu.memory_space<vmem>>) target_semaphore(%arg12 : memref<!tpu.dma_semaphore, #tpu.memory_space<semaphore_mem>>)
    %add3A_323 = arith.constant 1064960 : i32
    %add3A_324 = arith.addi %add3A_323, %mul3A_2 : i32
    %dma_start3A_325 = arith.constant 33280 : i32
    %dma_start3A_326 = tpu.memref_slice %arg7[%dma_start3A_325] : memref<53248xf32, #tpu.memory_space<vmem>> -> memref<1664xf32, #tpu.memory_space<vmem>>
    %dma_start3A_327 = tpu.memref_slice %arg2[%add3A_324] : memref<1703936xf32, #tpu.memory_space<hbm>> -> memref<1664xf32, #tpu.memory_space<hbm>>
    %dma_start3A_328 = arith.constant 33280 : i32
    %dma_start3A_329 = tpu.memref_slice %arg7[%dma_start3A_328] : memref<53248xf32, #tpu.memory_space<vmem>> -> memref<1664xf32, #tpu.memory_space<vmem>>
    %dma_start3A_330 = tpu.memref_slice %arg2[%add3A_324] : memref<1703936xf32, #tpu.memory_space<hbm>> -> memref<1664xf32, #tpu.memory_space<hbm>>
    tpu.enqueue_dma source(%dma_start3A_330 : memref<1664xf32, #tpu.memory_space<hbm>>) target(%dma_start3A_329 : memref<1664xf32, #tpu.memory_space<vmem>>) target_semaphore(%arg12 : memref<!tpu.dma_semaphore, #tpu.memory_space<semaphore_mem>>)
    %add3A_331 = arith.constant 1064960 : i32
    %add3A_332 = arith.addi %add3A_331, %mul3A_2 : i32
    %dma_start3A_333 = arith.constant 33280 : i32
    %dma_start3A_334 = tpu.memref_slice %arg8[%dma_start3A_333] : memref<53248xf32, #tpu.memory_space<vmem>> -> memref<1664xf32, #tpu.memory_space<vmem>>
    %dma_start3A_335 = tpu.memref_slice %arg3[%add3A_332] : memref<1703936xf32, #tpu.memory_space<hbm>> -> memref<1664xf32, #tpu.memory_space<hbm>>
    %dma_start3A_336 = arith.constant 33280 : i32
    %dma_start3A_337 = tpu.memref_slice %arg8[%dma_start3A_336] : memref<53248xf32, #tpu.memory_space<vmem>> -> memref<1664xf32, #tpu.memory_space<vmem>>
    %dma_start3A_338 = tpu.memref_slice %arg3[%add3A_332] : memref<1703936xf32, #tpu.memory_space<hbm>> -> memref<1664xf32, #tpu.memory_space<hbm>>
    tpu.enqueue_dma source(%dma_start3A_338 : memref<1664xf32, #tpu.memory_space<hbm>>) target(%dma_start3A_337 : memref<1664xf32, #tpu.memory_space<vmem>>) target_semaphore(%arg12 : memref<!tpu.dma_semaphore, #tpu.memory_space<semaphore_mem>>)
    %add3A_339 = arith.constant 1118208 : i32
    %add3A_340 = arith.addi %add3A_339, %mul3A_2 : i32
    %dma_start3A_341 = arith.constant 34944 : i32
    %dma_start3A_342 = tpu.memref_slice %arg7[%dma_start3A_341] : memref<53248xf32, #tpu.memory_space<vmem>> -> memref<1664xf32, #tpu.memory_space<vmem>>
    %dma_start3A_343 = tpu.memref_slice %arg2[%add3A_340] : memref<1703936xf32, #tpu.memory_space<hbm>> -> memref<1664xf32, #tpu.memory_space<hbm>>
    %dma_start3A_344 = arith.constant 34944 : i32
    %dma_start3A_345 = tpu.memref_slice %arg7[%dma_start3A_344] : memref<53248xf32, #tpu.memory_space<vmem>> -> memref<1664xf32, #tpu.memory_space<vmem>>
    %dma_start3A_346 = tpu.memref_slice %arg2[%add3A_340] : memref<1703936xf32, #tpu.memory_space<hbm>> -> memref<1664xf32, #tpu.memory_space<hbm>>
    tpu.enqueue_dma source(%dma_start3A_346 : memref<1664xf32, #tpu.memory_space<hbm>>) target(%dma_start3A_345 : memref<1664xf32, #tpu.memory_space<vmem>>) target_semaphore(%arg12 : memref<!tpu.dma_semaphore, #tpu.memory_space<semaphore_mem>>)
    %add3A_347 = arith.constant 1118208 : i32
    %add3A_348 = arith.addi %add3A_347, %mul3A_2 : i32
    %dma_start3A_349 = arith.constant 34944 : i32
    %dma_start3A_350 = tpu.memref_slice %arg8[%dma_start3A_349] : memref<53248xf32, #tpu.memory_space<vmem>> -> memref<1664xf32, #tpu.memory_space<vmem>>
    %dma_start3A_351 = tpu.memref_slice %arg3[%add3A_348] : memref<1703936xf32, #tpu.memory_space<hbm>> -> memref<1664xf32, #tpu.memory_space<hbm>>
    %dma_start3A_352 = arith.constant 34944 : i32
    %dma_start3A_353 = tpu.memref_slice %arg8[%dma_start3A_352] : memref<53248xf32, #tpu.memory_space<vmem>> -> memref<1664xf32, #tpu.memory_space<vmem>>
    %dma_start3A_354 = tpu.memref_slice %arg3[%add3A_348] : memref<1703936xf32, #tpu.memory_space<hbm>> -> memref<1664xf32, #tpu.memory_space<hbm>>
    tpu.enqueue_dma source(%dma_start3A_354 : memref<1664xf32, #tpu.memory_space<hbm>>) target(%dma_start3A_353 : memref<1664xf32, #tpu.memory_space<vmem>>) target_semaphore(%arg12 : memref<!tpu.dma_semaphore, #tpu.memory_space<semaphore_mem>>)
    %add3A_355 = arith.constant 1171456 : i32
    %add3A_356 = arith.addi %add3A_355, %mul3A_2 : i32
    %dma_start3A_357 = arith.constant 36608 : i32
    %dma_start3A_358 = tpu.memref_slice %arg7[%dma_start3A_357] : memref<53248xf32, #tpu.memory_space<vmem>> -> memref<1664xf32, #tpu.memory_space<vmem>>
    %dma_start3A_359 = tpu.memref_slice %arg2[%add3A_356] : memref<1703936xf32, #tpu.memory_space<hbm>> -> memref<1664xf32, #tpu.memory_space<hbm>>
    %dma_start3A_360 = arith.constant 36608 : i32
    %dma_start3A_361 = tpu.memref_slice %arg7[%dma_start3A_360] : memref<53248xf32, #tpu.memory_space<vmem>> -> memref<1664xf32, #tpu.memory_space<vmem>>
    %dma_start3A_362 = tpu.memref_slice %arg2[%add3A_356] : memref<1703936xf32, #tpu.memory_space<hbm>> -> memref<1664xf32, #tpu.memory_space<hbm>>
    tpu.enqueue_dma source(%dma_start3A_362 : memref<1664xf32, #tpu.memory_space<hbm>>) target(%dma_start3A_361 : memref<1664xf32, #tpu.memory_space<vmem>>) target_semaphore(%arg12 : memref<!tpu.dma_semaphore, #tpu.memory_space<semaphore_mem>>)
    %add3A_363 = arith.constant 1171456 : i32
    %add3A_364 = arith.addi %add3A_363, %mul3A_2 : i32
    %dma_start3A_365 = arith.constant 36608 : i32
    %dma_start3A_366 = tpu.memref_slice %arg8[%dma_start3A_365] : memref<53248xf32, #tpu.memory_space<vmem>> -> memref<1664xf32, #tpu.memory_space<vmem>>
    %dma_start3A_367 = tpu.memref_slice %arg3[%add3A_364] : memref<1703936xf32, #tpu.memory_space<hbm>> -> memref<1664xf32, #tpu.memory_space<hbm>>
    %dma_start3A_368 = arith.constant 36608 : i32
    %dma_start3A_369 = tpu.memref_slice %arg8[%dma_start3A_368] : memref<53248xf32, #tpu.memory_space<vmem>> -> memref<1664xf32, #tpu.memory_space<vmem>>
    %dma_start3A_370 = tpu.memref_slice %arg3[%add3A_364] : memref<1703936xf32, #tpu.memory_space<hbm>> -> memref<1664xf32, #tpu.memory_space<hbm>>
    tpu.enqueue_dma source(%dma_start3A_370 : memref<1664xf32, #tpu.memory_space<hbm>>) target(%dma_start3A_369 : memref<1664xf32, #tpu.memory_space<vmem>>) target_semaphore(%arg12 : memref<!tpu.dma_semaphore, #tpu.memory_space<semaphore_mem>>)
    %add3A_371 = arith.constant 1224704 : i32
    %add3A_372 = arith.addi %add3A_371, %mul3A_2 : i32
    %dma_start3A_373 = arith.constant 38272 : i32
    %dma_start3A_374 = tpu.memref_slice %arg7[%dma_start3A_373] : memref<53248xf32, #tpu.memory_space<vmem>> -> memref<1664xf32, #tpu.memory_space<vmem>>
    %dma_start3A_375 = tpu.memref_slice %arg2[%add3A_372] : memref<1703936xf32, #tpu.memory_space<hbm>> -> memref<1664xf32, #tpu.memory_space<hbm>>
    %dma_start3A_376 = arith.constant 38272 : i32
    %dma_start3A_377 = tpu.memref_slice %arg7[%dma_start3A_376] : memref<53248xf32, #tpu.memory_space<vmem>> -> memref<1664xf32, #tpu.memory_space<vmem>>
    %dma_start3A_378 = tpu.memref_slice %arg2[%add3A_372] : memref<1703936xf32, #tpu.memory_space<hbm>> -> memref<1664xf32, #tpu.memory_space<hbm>>
    tpu.enqueue_dma source(%dma_start3A_378 : memref<1664xf32, #tpu.memory_space<hbm>>) target(%dma_start3A_377 : memref<1664xf32, #tpu.memory_space<vmem>>) target_semaphore(%arg12 : memref<!tpu.dma_semaphore, #tpu.memory_space<semaphore_mem>>)
    %add3A_379 = arith.constant 1224704 : i32
    %add3A_380 = arith.addi %add3A_379, %mul3A_2 : i32
    %dma_start3A_381 = arith.constant 38272 : i32
    %dma_start3A_382 = tpu.memref_slice %arg8[%dma_start3A_381] : memref<53248xf32, #tpu.memory_space<vmem>> -> memref<1664xf32, #tpu.memory_space<vmem>>
    %dma_start3A_383 = tpu.memref_slice %arg3[%add3A_380] : memref<1703936xf32, #tpu.memory_space<hbm>> -> memref<1664xf32, #tpu.memory_space<hbm>>
    %dma_start3A_384 = arith.constant 38272 : i32
    %dma_start3A_385 = tpu.memref_slice %arg8[%dma_start3A_384] : memref<53248xf32, #tpu.memory_space<vmem>> -> memref<1664xf32, #tpu.memory_space<vmem>>
    %dma_start3A_386 = tpu.memref_slice %arg3[%add3A_380] : memref<1703936xf32, #tpu.memory_space<hbm>> -> memref<1664xf32, #tpu.memory_space<hbm>>
    tpu.enqueue_dma source(%dma_start3A_386 : memref<1664xf32, #tpu.memory_space<hbm>>) target(%dma_start3A_385 : memref<1664xf32, #tpu.memory_space<vmem>>) target_semaphore(%arg12 : memref<!tpu.dma_semaphore, #tpu.memory_space<semaphore_mem>>)
    %add3A_387 = arith.constant 1277952 : i32
    %add3A_388 = arith.addi %add3A_387, %mul3A_2 : i32
    %dma_start3A_389 = arith.constant 39936 : i32
    %dma_start3A_390 = tpu.memref_slice %arg7[%dma_start3A_389] : memref<53248xf32, #tpu.memory_space<vmem>> -> memref<1664xf32, #tpu.memory_space<vmem>>
    %dma_start3A_391 = tpu.memref_slice %arg2[%add3A_388] : memref<1703936xf32, #tpu.memory_space<hbm>> -> memref<1664xf32, #tpu.memory_space<hbm>>
    %dma_start3A_392 = arith.constant 39936 : i32
    %dma_start3A_393 = tpu.memref_slice %arg7[%dma_start3A_392] : memref<53248xf32, #tpu.memory_space<vmem>> -> memref<1664xf32, #tpu.memory_space<vmem>>
    %dma_start3A_394 = tpu.memref_slice %arg2[%add3A_388] : memref<1703936xf32, #tpu.memory_space<hbm>> -> memref<1664xf32, #tpu.memory_space<hbm>>
    tpu.enqueue_dma source(%dma_start3A_394 : memref<1664xf32, #tpu.memory_space<hbm>>) target(%dma_start3A_393 : memref<1664xf32, #tpu.memory_space<vmem>>) target_semaphore(%arg12 : memref<!tpu.dma_semaphore, #tpu.memory_space<semaphore_mem>>)
    %add3A_395 = arith.constant 1277952 : i32
    %add3A_396 = arith.addi %add3A_395, %mul3A_2 : i32
    %dma_start3A_397 = arith.constant 39936 : i32
    %dma_start3A_398 = tpu.memref_slice %arg8[%dma_start3A_397] : memref<53248xf32, #tpu.memory_space<vmem>> -> memref<1664xf32, #tpu.memory_space<vmem>>
    %dma_start3A_399 = tpu.memref_slice %arg3[%add3A_396] : memref<1703936xf32, #tpu.memory_space<hbm>> -> memref<1664xf32, #tpu.memory_space<hbm>>
    %dma_start3A_400 = arith.constant 39936 : i32
    %dma_start3A_401 = tpu.memref_slice %arg8[%dma_start3A_400] : memref<53248xf32, #tpu.memory_space<vmem>> -> memref<1664xf32, #tpu.memory_space<vmem>>
    %dma_start3A_402 = tpu.memref_slice %arg3[%add3A_396] : memref<1703936xf32, #tpu.memory_space<hbm>> -> memref<1664xf32, #tpu.memory_space<hbm>>
    tpu.enqueue_dma source(%dma_start3A_402 : memref<1664xf32, #tpu.memory_space<hbm>>) target(%dma_start3A_401 : memref<1664xf32, #tpu.memory_space<vmem>>) target_semaphore(%arg12 : memref<!tpu.dma_semaphore, #tpu.memory_space<semaphore_mem>>)
    %add3A_403 = arith.constant 1331200 : i32
    %add3A_404 = arith.addi %add3A_403, %mul3A_2 : i32
    %dma_start3A_405 = arith.constant 41600 : i32
    %dma_start3A_406 = tpu.memref_slice %arg7[%dma_start3A_405] : memref<53248xf32, #tpu.memory_space<vmem>> -> memref<1664xf32, #tpu.memory_space<vmem>>
    %dma_start3A_407 = tpu.memref_slice %arg2[%add3A_404] : memref<1703936xf32, #tpu.memory_space<hbm>> -> memref<1664xf32, #tpu.memory_space<hbm>>
    %dma_start3A_408 = arith.constant 41600 : i32
    %dma_start3A_409 = tpu.memref_slice %arg7[%dma_start3A_408] : memref<53248xf32, #tpu.memory_space<vmem>> -> memref<1664xf32, #tpu.memory_space<vmem>>
    %dma_start3A_410 = tpu.memref_slice %arg2[%add3A_404] : memref<1703936xf32, #tpu.memory_space<hbm>> -> memref<1664xf32, #tpu.memory_space<hbm>>
    tpu.enqueue_dma source(%dma_start3A_410 : memref<1664xf32, #tpu.memory_space<hbm>>) target(%dma_start3A_409 : memref<1664xf32, #tpu.memory_space<vmem>>) target_semaphore(%arg12 : memref<!tpu.dma_semaphore, #tpu.memory_space<semaphore_mem>>)
    %add3A_411 = arith.constant 1331200 : i32
    %add3A_412 = arith.addi %add3A_411, %mul3A_2 : i32
    %dma_start3A_413 = arith.constant 41600 : i32
    %dma_start3A_414 = tpu.memref_slice %arg8[%dma_start3A_413] : memref<53248xf32, #tpu.memory_space<vmem>> -> memref<1664xf32, #tpu.memory_space<vmem>>
    %dma_start3A_415 = tpu.memref_slice %arg3[%add3A_412] : memref<1703936xf32, #tpu.memory_space<hbm>> -> memref<1664xf32, #tpu.memory_space<hbm>>
    %dma_start3A_416 = arith.constant 41600 : i32
    %dma_start3A_417 = tpu.memref_slice %arg8[%dma_start3A_416] : memref<53248xf32, #tpu.memory_space<vmem>> -> memref<1664xf32, #tpu.memory_space<vmem>>
    %dma_start3A_418 = tpu.memref_slice %arg3[%add3A_412] : memref<1703936xf32, #tpu.memory_space<hbm>> -> memref<1664xf32, #tpu.memory_space<hbm>>
    tpu.enqueue_dma source(%dma_start3A_418 : memref<1664xf32, #tpu.memory_space<hbm>>) target(%dma_start3A_417 : memref<1664xf32, #tpu.memory_space<vmem>>) target_semaphore(%arg12 : memref<!tpu.dma_semaphore, #tpu.memory_space<semaphore_mem>>)
    %add3A_419 = arith.constant 1384448 : i32
    %add3A_420 = arith.addi %add3A_419, %mul3A_2 : i32
    %dma_start3A_421 = arith.constant 43264 : i32
    %dma_start3A_422 = tpu.memref_slice %arg7[%dma_start3A_421] : memref<53248xf32, #tpu.memory_space<vmem>> -> memref<1664xf32, #tpu.memory_space<vmem>>
    %dma_start3A_423 = tpu.memref_slice %arg2[%add3A_420] : memref<1703936xf32, #tpu.memory_space<hbm>> -> memref<1664xf32, #tpu.memory_space<hbm>>
    %dma_start3A_424 = arith.constant 43264 : i32
    %dma_start3A_425 = tpu.memref_slice %arg7[%dma_start3A_424] : memref<53248xf32, #tpu.memory_space<vmem>> -> memref<1664xf32, #tpu.memory_space<vmem>>
    %dma_start3A_426 = tpu.memref_slice %arg2[%add3A_420] : memref<1703936xf32, #tpu.memory_space<hbm>> -> memref<1664xf32, #tpu.memory_space<hbm>>
    tpu.enqueue_dma source(%dma_start3A_426 : memref<1664xf32, #tpu.memory_space<hbm>>) target(%dma_start3A_425 : memref<1664xf32, #tpu.memory_space<vmem>>) target_semaphore(%arg12 : memref<!tpu.dma_semaphore, #tpu.memory_space<semaphore_mem>>)
    %add3A_427 = arith.constant 1384448 : i32
    %add3A_428 = arith.addi %add3A_427, %mul3A_2 : i32
    %dma_start3A_429 = arith.constant 43264 : i32
    %dma_start3A_430 = tpu.memref_slice %arg8[%dma_start3A_429] : memref<53248xf32, #tpu.memory_space<vmem>> -> memref<1664xf32, #tpu.memory_space<vmem>>
    %dma_start3A_431 = tpu.memref_slice %arg3[%add3A_428] : memref<1703936xf32, #tpu.memory_space<hbm>> -> memref<1664xf32, #tpu.memory_space<hbm>>
    %dma_start3A_432 = arith.constant 43264 : i32
    %dma_start3A_433 = tpu.memref_slice %arg8[%dma_start3A_432] : memref<53248xf32, #tpu.memory_space<vmem>> -> memref<1664xf32, #tpu.memory_space<vmem>>
    %dma_start3A_434 = tpu.memref_slice %arg3[%add3A_428] : memref<1703936xf32, #tpu.memory_space<hbm>> -> memref<1664xf32, #tpu.memory_space<hbm>>
    tpu.enqueue_dma source(%dma_start3A_434 : memref<1664xf32, #tpu.memory_space<hbm>>) target(%dma_start3A_433 : memref<1664xf32, #tpu.memory_space<vmem>>) target_semaphore(%arg12 : memref<!tpu.dma_semaphore, #tpu.memory_space<semaphore_mem>>)
    %add3A_435 = arith.constant 1437696 : i32
    %add3A_436 = arith.addi %add3A_435, %mul3A_2 : i32
    %dma_start3A_437 = arith.constant 44928 : i32
    %dma_start3A_438 = tpu.memref_slice %arg7[%dma_start3A_437] : memref<53248xf32, #tpu.memory_space<vmem>> -> memref<1664xf32, #tpu.memory_space<vmem>>
    %dma_start3A_439 = tpu.memref_slice %arg2[%add3A_436] : memref<1703936xf32, #tpu.memory_space<hbm>> -> memref<1664xf32, #tpu.memory_space<hbm>>
    %dma_start3A_440 = arith.constant 44928 : i32
    %dma_start3A_441 = tpu.memref_slice %arg7[%dma_start3A_440] : memref<53248xf32, #tpu.memory_space<vmem>> -> memref<1664xf32, #tpu.memory_space<vmem>>
    %dma_start3A_442 = tpu.memref_slice %arg2[%add3A_436] : memref<1703936xf32, #tpu.memory_space<hbm>> -> memref<1664xf32, #tpu.memory_space<hbm>>
    tpu.enqueue_dma source(%dma_start3A_442 : memref<1664xf32, #tpu.memory_space<hbm>>) target(%dma_start3A_441 : memref<1664xf32, #tpu.memory_space<vmem>>) target_semaphore(%arg12 : memref<!tpu.dma_semaphore, #tpu.memory_space<semaphore_mem>>)
    %add3A_443 = arith.constant 1437696 : i32
    %add3A_444 = arith.addi %add3A_443, %mul3A_2 : i32
    %dma_start3A_445 = arith.constant 44928 : i32
    %dma_start3A_446 = tpu.memref_slice %arg8[%dma_start3A_445] : memref<53248xf32, #tpu.memory_space<vmem>> -> memref<1664xf32, #tpu.memory_space<vmem>>
    %dma_start3A_447 = tpu.memref_slice %arg3[%add3A_444] : memref<1703936xf32, #tpu.memory_space<hbm>> -> memref<1664xf32, #tpu.memory_space<hbm>>
    %dma_start3A_448 = arith.constant 44928 : i32
    %dma_start3A_449 = tpu.memref_slice %arg8[%dma_start3A_448] : memref<53248xf32, #tpu.memory_space<vmem>> -> memref<1664xf32, #tpu.memory_space<vmem>>
    %dma_start3A_450 = tpu.memref_slice %arg3[%add3A_444] : memref<1703936xf32, #tpu.memory_space<hbm>> -> memref<1664xf32, #tpu.memory_space<hbm>>
    tpu.enqueue_dma source(%dma_start3A_450 : memref<1664xf32, #tpu.memory_space<hbm>>) target(%dma_start3A_449 : memref<1664xf32, #tpu.memory_space<vmem>>) target_semaphore(%arg12 : memref<!tpu.dma_semaphore, #tpu.memory_space<semaphore_mem>>)
    %add3A_451 = arith.constant 1490944 : i32
    %add3A_452 = arith.addi %add3A_451, %mul3A_2 : i32
    %dma_start3A_453 = arith.constant 46592 : i32
    %dma_start3A_454 = tpu.memref_slice %arg7[%dma_start3A_453] : memref<53248xf32, #tpu.memory_space<vmem>> -> memref<1664xf32, #tpu.memory_space<vmem>>
    %dma_start3A_455 = tpu.memref_slice %arg2[%add3A_452] : memref<1703936xf32, #tpu.memory_space<hbm>> -> memref<1664xf32, #tpu.memory_space<hbm>>
    %dma_start3A_456 = arith.constant 46592 : i32
    %dma_start3A_457 = tpu.memref_slice %arg7[%dma_start3A_456] : memref<53248xf32, #tpu.memory_space<vmem>> -> memref<1664xf32, #tpu.memory_space<vmem>>
    %dma_start3A_458 = tpu.memref_slice %arg2[%add3A_452] : memref<1703936xf32, #tpu.memory_space<hbm>> -> memref<1664xf32, #tpu.memory_space<hbm>>
    tpu.enqueue_dma source(%dma_start3A_458 : memref<1664xf32, #tpu.memory_space<hbm>>) target(%dma_start3A_457 : memref<1664xf32, #tpu.memory_space<vmem>>) target_semaphore(%arg12 : memref<!tpu.dma_semaphore, #tpu.memory_space<semaphore_mem>>)
    %add3A_459 = arith.constant 1490944 : i32
    %add3A_460 = arith.addi %add3A_459, %mul3A_2 : i32
    %dma_start3A_461 = arith.constant 46592 : i32
    %dma_start3A_462 = tpu.memref_slice %arg8[%dma_start3A_461] : memref<53248xf32, #tpu.memory_space<vmem>> -> memref<1664xf32, #tpu.memory_space<vmem>>
    %dma_start3A_463 = tpu.memref_slice %arg3[%add3A_460] : memref<1703936xf32, #tpu.memory_space<hbm>> -> memref<1664xf32, #tpu.memory_space<hbm>>
    %dma_start3A_464 = arith.constant 46592 : i32
    %dma_start3A_465 = tpu.memref_slice %arg8[%dma_start3A_464] : memref<53248xf32, #tpu.memory_space<vmem>> -> memref<1664xf32, #tpu.memory_space<vmem>>
    %dma_start3A_466 = tpu.memref_slice %arg3[%add3A_460] : memref<1703936xf32, #tpu.memory_space<hbm>> -> memref<1664xf32, #tpu.memory_space<hbm>>
    tpu.enqueue_dma source(%dma_start3A_466 : memref<1664xf32, #tpu.memory_space<hbm>>) target(%dma_start3A_465 : memref<1664xf32, #tpu.memory_space<vmem>>) target_semaphore(%arg12 : memref<!tpu.dma_semaphore, #tpu.memory_space<semaphore_mem>>)
    %add3A_467 = arith.constant 1544192 : i32
    %add3A_468 = arith.addi %add3A_467, %mul3A_2 : i32
    %dma_start3A_469 = arith.constant 48256 : i32
    %dma_start3A_470 = tpu.memref_slice %arg7[%dma_start3A_469] : memref<53248xf32, #tpu.memory_space<vmem>> -> memref<1664xf32, #tpu.memory_space<vmem>>
    %dma_start3A_471 = tpu.memref_slice %arg2[%add3A_468] : memref<1703936xf32, #tpu.memory_space<hbm>> -> memref<1664xf32, #tpu.memory_space<hbm>>
    %dma_start3A_472 = arith.constant 48256 : i32
    %dma_start3A_473 = tpu.memref_slice %arg7[%dma_start3A_472] : memref<53248xf32, #tpu.memory_space<vmem>> -> memref<1664xf32, #tpu.memory_space<vmem>>
    %dma_start3A_474 = tpu.memref_slice %arg2[%add3A_468] : memref<1703936xf32, #tpu.memory_space<hbm>> -> memref<1664xf32, #tpu.memory_space<hbm>>
    tpu.enqueue_dma source(%dma_start3A_474 : memref<1664xf32, #tpu.memory_space<hbm>>) target(%dma_start3A_473 : memref<1664xf32, #tpu.memory_space<vmem>>) target_semaphore(%arg12 : memref<!tpu.dma_semaphore, #tpu.memory_space<semaphore_mem>>)
    %add3A_475 = arith.constant 1544192 : i32
    %add3A_476 = arith.addi %add3A_475, %mul3A_2 : i32
    %dma_start3A_477 = arith.constant 48256 : i32
    %dma_start3A_478 = tpu.memref_slice %arg8[%dma_start3A_477] : memref<53248xf32, #tpu.memory_space<vmem>> -> memref<1664xf32, #tpu.memory_space<vmem>>
    %dma_start3A_479 = tpu.memref_slice %arg3[%add3A_476] : memref<1703936xf32, #tpu.memory_space<hbm>> -> memref<1664xf32, #tpu.memory_space<hbm>>
    %dma_start3A_480 = arith.constant 48256 : i32
    %dma_start3A_481 = tpu.memref_slice %arg8[%dma_start3A_480] : memref<53248xf32, #tpu.memory_space<vmem>> -> memref<1664xf32, #tpu.memory_space<vmem>>
    %dma_start3A_482 = tpu.memref_slice %arg3[%add3A_476] : memref<1703936xf32, #tpu.memory_space<hbm>> -> memref<1664xf32, #tpu.memory_space<hbm>>
    tpu.enqueue_dma source(%dma_start3A_482 : memref<1664xf32, #tpu.memory_space<hbm>>) target(%dma_start3A_481 : memref<1664xf32, #tpu.memory_space<vmem>>) target_semaphore(%arg12 : memref<!tpu.dma_semaphore, #tpu.memory_space<semaphore_mem>>)
    %add3A_483 = arith.constant 1597440 : i32
    %add3A_484 = arith.addi %add3A_483, %mul3A_2 : i32
    %dma_start3A_485 = arith.constant 49920 : i32
    %dma_start3A_486 = tpu.memref_slice %arg7[%dma_start3A_485] : memref<53248xf32, #tpu.memory_space<vmem>> -> memref<1664xf32, #tpu.memory_space<vmem>>
    %dma_start3A_487 = tpu.memref_slice %arg2[%add3A_484] : memref<1703936xf32, #tpu.memory_space<hbm>> -> memref<1664xf32, #tpu.memory_space<hbm>>
    %dma_start3A_488 = arith.constant 49920 : i32
    %dma_start3A_489 = tpu.memref_slice %arg7[%dma_start3A_488] : memref<53248xf32, #tpu.memory_space<vmem>> -> memref<1664xf32, #tpu.memory_space<vmem>>
    %dma_start3A_490 = tpu.memref_slice %arg2[%add3A_484] : memref<1703936xf32, #tpu.memory_space<hbm>> -> memref<1664xf32, #tpu.memory_space<hbm>>
    tpu.enqueue_dma source(%dma_start3A_490 : memref<1664xf32, #tpu.memory_space<hbm>>) target(%dma_start3A_489 : memref<1664xf32, #tpu.memory_space<vmem>>) target_semaphore(%arg12 : memref<!tpu.dma_semaphore, #tpu.memory_space<semaphore_mem>>)
    %add3A_491 = arith.constant 1597440 : i32
    %add3A_492 = arith.addi %add3A_491, %mul3A_2 : i32
    %dma_start3A_493 = arith.constant 49920 : i32
    %dma_start3A_494 = tpu.memref_slice %arg8[%dma_start3A_493] : memref<53248xf32, #tpu.memory_space<vmem>> -> memref<1664xf32, #tpu.memory_space<vmem>>
    %dma_start3A_495 = tpu.memref_slice %arg3[%add3A_492] : memref<1703936xf32, #tpu.memory_space<hbm>> -> memref<1664xf32, #tpu.memory_space<hbm>>
    %dma_start3A_496 = arith.constant 49920 : i32
    %dma_start3A_497 = tpu.memref_slice %arg8[%dma_start3A_496] : memref<53248xf32, #tpu.memory_space<vmem>> -> memref<1664xf32, #tpu.memory_space<vmem>>
    %dma_start3A_498 = tpu.memref_slice %arg3[%add3A_492] : memref<1703936xf32, #tpu.memory_space<hbm>> -> memref<1664xf32, #tpu.memory_space<hbm>>
    tpu.enqueue_dma source(%dma_start3A_498 : memref<1664xf32, #tpu.memory_space<hbm>>) target(%dma_start3A_497 : memref<1664xf32, #tpu.memory_space<vmem>>) target_semaphore(%arg12 : memref<!tpu.dma_semaphore, #tpu.memory_space<semaphore_mem>>)
    %add3A_499 = arith.constant 1650688 : i32
    %add3A_500 = arith.addi %add3A_499, %mul3A_2 : i32
    %dma_start3A_501 = arith.constant 51584 : i32
    %dma_start3A_502 = tpu.memref_slice %arg7[%dma_start3A_501] : memref<53248xf32, #tpu.memory_space<vmem>> -> memref<1664xf32, #tpu.memory_space<vmem>>
    %dma_start3A_503 = tpu.memref_slice %arg2[%add3A_500] : memref<1703936xf32, #tpu.memory_space<hbm>> -> memref<1664xf32, #tpu.memory_space<hbm>>
    %dma_start3A_504 = arith.constant 51584 : i32
    %dma_start3A_505 = tpu.memref_slice %arg7[%dma_start3A_504] : memref<53248xf32, #tpu.memory_space<vmem>> -> memref<1664xf32, #tpu.memory_space<vmem>>
    %dma_start3A_506 = tpu.memref_slice %arg2[%add3A_500] : memref<1703936xf32, #tpu.memory_space<hbm>> -> memref<1664xf32, #tpu.memory_space<hbm>>
    tpu.enqueue_dma source(%dma_start3A_506 : memref<1664xf32, #tpu.memory_space<hbm>>) target(%dma_start3A_505 : memref<1664xf32, #tpu.memory_space<vmem>>) target_semaphore(%arg12 : memref<!tpu.dma_semaphore, #tpu.memory_space<semaphore_mem>>)
    %add3A_507 = arith.constant 1650688 : i32
    %add3A_508 = arith.addi %add3A_507, %mul3A_2 : i32
    %dma_start3A_509 = arith.constant 51584 : i32
    %dma_start3A_510 = tpu.memref_slice %arg8[%dma_start3A_509] : memref<53248xf32, #tpu.memory_space<vmem>> -> memref<1664xf32, #tpu.memory_space<vmem>>
    %dma_start3A_511 = tpu.memref_slice %arg3[%add3A_508] : memref<1703936xf32, #tpu.memory_space<hbm>> -> memref<1664xf32, #tpu.memory_space<hbm>>
    %dma_start3A_512 = arith.constant 51584 : i32
    %dma_start3A_513 = tpu.memref_slice %arg8[%dma_start3A_512] : memref<53248xf32, #tpu.memory_space<vmem>> -> memref<1664xf32, #tpu.memory_space<vmem>>
    %dma_start3A_514 = tpu.memref_slice %arg3[%add3A_508] : memref<1703936xf32, #tpu.memory_space<hbm>> -> memref<1664xf32, #tpu.memory_space<hbm>>
    tpu.enqueue_dma source(%dma_start3A_514 : memref<1664xf32, #tpu.memory_space<hbm>>) target(%dma_start3A_513 : memref<1664xf32, #tpu.memory_space<vmem>>) target_semaphore(%arg12 : memref<!tpu.dma_semaphore, #tpu.memory_space<semaphore_mem>>)
    %dma_wait3A = arith.constant 0 : i32
    %dma_wait3A_515 = tpu.memref_slice %arg7[%dma_wait3A] : memref<53248xf32, #tpu.memory_space<vmem>> -> memref<1664xf32, #tpu.memory_space<vmem>>
    %dma_wait3A_516 = tpu.memref_slice %arg2[%add3A_5] : memref<1703936xf32, #tpu.memory_space<hbm>> -> memref<1664xf32, #tpu.memory_space<hbm>>
    %dma_wait3A_517 = arith.constant 0 : i32
    %dma_wait3A_518 = tpu.memref_slice %arg7[%dma_wait3A_517] : memref<53248xf32, #tpu.memory_space<vmem>> -> memref<1664xf32, #tpu.memory_space<vmem>>
    %dma_wait3A_519 = tpu.memref_slice %arg2[%add3A_5] : memref<1703936xf32, #tpu.memory_space<hbm>> -> memref<1664xf32, #tpu.memory_space<hbm>>
    tpu.wait_dma2 semaphore(%arg12 : memref<!tpu.dma_semaphore, #tpu.memory_space<semaphore_mem>>) src(%dma_wait3A_519 : memref<1664xf32, #tpu.memory_space<hbm>>) dst(%dma_wait3A_518 : memref<1664xf32, #tpu.memory_space<vmem>>)
    %dma_wait3A_520 = arith.constant 0 : i32
    %dma_wait3A_521 = tpu.memref_slice %arg8[%dma_wait3A_520] : memref<53248xf32, #tpu.memory_space<vmem>> -> memref<1664xf32, #tpu.memory_space<vmem>>
    %dma_wait3A_522 = tpu.memref_slice %arg3[%add3A_12] : memref<1703936xf32, #tpu.memory_space<hbm>> -> memref<1664xf32, #tpu.memory_space<hbm>>
    %dma_wait3A_523 = arith.constant 0 : i32
    %dma_wait3A_524 = tpu.memref_slice %arg8[%dma_wait3A_523] : memref<53248xf32, #tpu.memory_space<vmem>> -> memref<1664xf32, #tpu.memory_space<vmem>>
    %dma_wait3A_525 = tpu.memref_slice %arg3[%add3A_12] : memref<1703936xf32, #tpu.memory_space<hbm>> -> memref<1664xf32, #tpu.memory_space<hbm>>
    tpu.wait_dma2 semaphore(%arg12 : memref<!tpu.dma_semaphore, #tpu.memory_space<semaphore_mem>>) src(%dma_wait3A_525 : memref<1664xf32, #tpu.memory_space<hbm>>) dst(%dma_wait3A_524 : memref<1664xf32, #tpu.memory_space<vmem>>)
    %dma_wait3A_526 = arith.constant 1664 : i32
    %dma_wait3A_527 = tpu.memref_slice %arg7[%dma_wait3A_526] : memref<53248xf32, #tpu.memory_space<vmem>> -> memref<1664xf32, #tpu.memory_space<vmem>>
    %dma_wait3A_528 = tpu.memref_slice %arg2[%add3A_20] : memref<1703936xf32, #tpu.memory_space<hbm>> -> memref<1664xf32, #tpu.memory_space<hbm>>
    %dma_wait3A_529 = arith.constant 1664 : i32
    %dma_wait3A_530 = tpu.memref_slice %arg7[%dma_wait3A_529] : memref<53248xf32, #tpu.memory_space<vmem>> -> memref<1664xf32, #tpu.memory_space<vmem>>
    %dma_wait3A_531 = tpu.memref_slice %arg2[%add3A_20] : memref<1703936xf32, #tpu.memory_space<hbm>> -> memref<1664xf32, #tpu.memory_space<hbm>>
    tpu.wait_dma2 semaphore(%arg12 : memref<!tpu.dma_semaphore, #tpu.memory_space<semaphore_mem>>) src(%dma_wait3A_531 : memref<1664xf32, #tpu.memory_space<hbm>>) dst(%dma_wait3A_530 : memref<1664xf32, #tpu.memory_space<vmem>>)
    %dma_wait3A_532 = arith.constant 1664 : i32
    %dma_wait3A_533 = tpu.memref_slice %arg8[%dma_wait3A_532] : memref<53248xf32, #tpu.memory_space<vmem>> -> memref<1664xf32, #tpu.memory_space<vmem>>
    %dma_wait3A_534 = tpu.memref_slice %arg3[%add3A_28] : memref<1703936xf32, #tpu.memory_space<hbm>> -> memref<1664xf32, #tpu.memory_space<hbm>>
    %dma_wait3A_535 = arith.constant 1664 : i32
    %dma_wait3A_536 = tpu.memref_slice %arg8[%dma_wait3A_535] : memref<53248xf32, #tpu.memory_space<vmem>> -> memref<1664xf32, #tpu.memory_space<vmem>>
    %dma_wait3A_537 = tpu.memref_slice %arg3[%add3A_28] : memref<1703936xf32, #tpu.memory_space<hbm>> -> memref<1664xf32, #tpu.memory_space<hbm>>
    tpu.wait_dma2 semaphore(%arg12 : memref<!tpu.dma_semaphore, #tpu.memory_space<semaphore_mem>>) src(%dma_wait3A_537 : memref<1664xf32, #tpu.memory_space<hbm>>) dst(%dma_wait3A_536 : memref<1664xf32, #tpu.memory_space<vmem>>)
    %dma_wait3A_538 = arith.constant 3328 : i32
    %dma_wait3A_539 = tpu.memref_slice %arg7[%dma_wait3A_538] : memref<53248xf32, #tpu.memory_space<vmem>> -> memref<1664xf32, #tpu.memory_space<vmem>>
    %dma_wait3A_540 = tpu.memref_slice %arg2[%add3A_36] : memref<1703936xf32, #tpu.memory_space<hbm>> -> memref<1664xf32, #tpu.memory_space<hbm>>
    %dma_wait3A_541 = arith.constant 3328 : i32
    %dma_wait3A_542 = tpu.memref_slice %arg7[%dma_wait3A_541] : memref<53248xf32, #tpu.memory_space<vmem>> -> memref<1664xf32, #tpu.memory_space<vmem>>
    %dma_wait3A_543 = tpu.memref_slice %arg2[%add3A_36] : memref<1703936xf32, #tpu.memory_space<hbm>> -> memref<1664xf32, #tpu.memory_space<hbm>>
    tpu.wait_dma2 semaphore(%arg12 : memref<!tpu.dma_semaphore, #tpu.memory_space<semaphore_mem>>) src(%dma_wait3A_543 : memref<1664xf32, #tpu.memory_space<hbm>>) dst(%dma_wait3A_542 : memref<1664xf32, #tpu.memory_space<vmem>>)
    %dma_wait3A_544 = arith.constant 3328 : i32
    %dma_wait3A_545 = tpu.memref_slice %arg8[%dma_wait3A_544] : memref<53248xf32, #tpu.memory_space<vmem>> -> memref<1664xf32, #tpu.memory_space<vmem>>
    %dma_wait3A_546 = tpu.memref_slice %arg3[%add3A_44] : memref<1703936xf32, #tpu.memory_space<hbm>> -> memref<1664xf32, #tpu.memory_space<hbm>>
    %dma_wait3A_547 = arith.constant 3328 : i32
    %dma_wait3A_548 = tpu.memref_slice %arg8[%dma_wait3A_547] : memref<53248xf32, #tpu.memory_space<vmem>> -> memref<1664xf32, #tpu.memory_space<vmem>>
    %dma_wait3A_549 = tpu.memref_slice %arg3[%add3A_44] : memref<1703936xf32, #tpu.memory_space<hbm>> -> memref<1664xf32, #tpu.memory_space<hbm>>
    tpu.wait_dma2 semaphore(%arg12 : memref<!tpu.dma_semaphore, #tpu.memory_space<semaphore_mem>>) src(%dma_wait3A_549 : memref<1664xf32, #tpu.memory_space<hbm>>) dst(%dma_wait3A_548 : memref<1664xf32, #tpu.memory_space<vmem>>)
    %dma_wait3A_550 = arith.constant 4992 : i32
    %dma_wait3A_551 = tpu.memref_slice %arg7[%dma_wait3A_550] : memref<53248xf32, #tpu.memory_space<vmem>> -> memref<1664xf32, #tpu.memory_space<vmem>>
    %dma_wait3A_552 = tpu.memref_slice %arg2[%add3A_52] : memref<1703936xf32, #tpu.memory_space<hbm>> -> memref<1664xf32, #tpu.memory_space<hbm>>
    %dma_wait3A_553 = arith.constant 4992 : i32
    %dma_wait3A_554 = tpu.memref_slice %arg7[%dma_wait3A_553] : memref<53248xf32, #tpu.memory_space<vmem>> -> memref<1664xf32, #tpu.memory_space<vmem>>
    %dma_wait3A_555 = tpu.memref_slice %arg2[%add3A_52] : memref<1703936xf32, #tpu.memory_space<hbm>> -> memref<1664xf32, #tpu.memory_space<hbm>>
    tpu.wait_dma2 semaphore(%arg12 : memref<!tpu.dma_semaphore, #tpu.memory_space<semaphore_mem>>) src(%dma_wait3A_555 : memref<1664xf32, #tpu.memory_space<hbm>>) dst(%dma_wait3A_554 : memref<1664xf32, #tpu.memory_space<vmem>>)
    %dma_wait3A_556 = arith.constant 4992 : i32
    %dma_wait3A_557 = tpu.memref_slice %arg8[%dma_wait3A_556] : memref<53248xf32, #tpu.memory_space<vmem>> -> memref<1664xf32, #tpu.memory_space<vmem>>
    %dma_wait3A_558 = tpu.memref_slice %arg3[%add3A_60] : memref<1703936xf32, #tpu.memory_space<hbm>> -> memref<1664xf32, #tpu.memory_space<hbm>>
    %dma_wait3A_559 = arith.constant 4992 : i32
    %dma_wait3A_560 = tpu.memref_slice %arg8[%dma_wait3A_559] : memref<53248xf32, #tpu.memory_space<vmem>> -> memref<1664xf32, #tpu.memory_space<vmem>>
    %dma_wait3A_561 = tpu.memref_slice %arg3[%add3A_60] : memref<1703936xf32, #tpu.memory_space<hbm>> -> memref<1664xf32, #tpu.memory_space<hbm>>
    tpu.wait_dma2 semaphore(%arg12 : memref<!tpu.dma_semaphore, #tpu.memory_space<semaphore_mem>>) src(%dma_wait3A_561 : memref<1664xf32, #tpu.memory_space<hbm>>) dst(%dma_wait3A_560 : memref<1664xf32, #tpu.memory_space<vmem>>)
    %dma_wait3A_562 = arith.constant 6656 : i32
    %dma_wait3A_563 = tpu.memref_slice %arg7[%dma_wait3A_562] : memref<53248xf32, #tpu.memory_space<vmem>> -> memref<1664xf32, #tpu.memory_space<vmem>>
    %dma_wait3A_564 = tpu.memref_slice %arg2[%add3A_68] : memref<1703936xf32, #tpu.memory_space<hbm>> -> memref<1664xf32, #tpu.memory_space<hbm>>
    %dma_wait3A_565 = arith.constant 6656 : i32
    %dma_wait3A_566 = tpu.memref_slice %arg7[%dma_wait3A_565] : memref<53248xf32, #tpu.memory_space<vmem>> -> memref<1664xf32, #tpu.memory_space<vmem>>
    %dma_wait3A_567 = tpu.memref_slice %arg2[%add3A_68] : memref<1703936xf32, #tpu.memory_space<hbm>> -> memref<1664xf32, #tpu.memory_space<hbm>>
    tpu.wait_dma2 semaphore(%arg12 : memref<!tpu.dma_semaphore, #tpu.memory_space<semaphore_mem>>) src(%dma_wait3A_567 : memref<1664xf32, #tpu.memory_space<hbm>>) dst(%dma_wait3A_566 : memref<1664xf32, #tpu.memory_space<vmem>>)
    %dma_wait3A_568 = arith.constant 6656 : i32
    %dma_wait3A_569 = tpu.memref_slice %arg8[%dma_wait3A_568] : memref<53248xf32, #tpu.memory_space<vmem>> -> memref<1664xf32, #tpu.memory_space<vmem>>
    %dma_wait3A_570 = tpu.memref_slice %arg3[%add3A_76] : memref<1703936xf32, #tpu.memory_space<hbm>> -> memref<1664xf32, #tpu.memory_space<hbm>>
    %dma_wait3A_571 = arith.constant 6656 : i32
    %dma_wait3A_572 = tpu.memref_slice %arg8[%dma_wait3A_571] : memref<53248xf32, #tpu.memory_space<vmem>> -> memref<1664xf32, #tpu.memory_space<vmem>>
    %dma_wait3A_573 = tpu.memref_slice %arg3[%add3A_76] : memref<1703936xf32, #tpu.memory_space<hbm>> -> memref<1664xf32, #tpu.memory_space<hbm>>
    tpu.wait_dma2 semaphore(%arg12 : memref<!tpu.dma_semaphore, #tpu.memory_space<semaphore_mem>>) src(%dma_wait3A_573 : memref<1664xf32, #tpu.memory_space<hbm>>) dst(%dma_wait3A_572 : memref<1664xf32, #tpu.memory_space<vmem>>)
    %dma_wait3A_574 = arith.constant 8320 : i32
    %dma_wait3A_575 = tpu.memref_slice %arg7[%dma_wait3A_574] : memref<53248xf32, #tpu.memory_space<vmem>> -> memref<1664xf32, #tpu.memory_space<vmem>>
    %dma_wait3A_576 = tpu.memref_slice %arg2[%add3A_84] : memref<1703936xf32, #tpu.memory_space<hbm>> -> memref<1664xf32, #tpu.memory_space<hbm>>
    %dma_wait3A_577 = arith.constant 8320 : i32
    %dma_wait3A_578 = tpu.memref_slice %arg7[%dma_wait3A_577] : memref<53248xf32, #tpu.memory_space<vmem>> -> memref<1664xf32, #tpu.memory_space<vmem>>
    %dma_wait3A_579 = tpu.memref_slice %arg2[%add3A_84] : memref<1703936xf32, #tpu.memory_space<hbm>> -> memref<1664xf32, #tpu.memory_space<hbm>>
    tpu.wait_dma2 semaphore(%arg12 : memref<!tpu.dma_semaphore, #tpu.memory_space<semaphore_mem>>) src(%dma_wait3A_579 : memref<1664xf32, #tpu.memory_space<hbm>>) dst(%dma_wait3A_578 : memref<1664xf32, #tpu.memory_space<vmem>>)
    %dma_wait3A_580 = arith.constant 8320 : i32
    %dma_wait3A_581 = tpu.memref_slice %arg8[%dma_wait3A_580] : memref<53248xf32, #tpu.memory_space<vmem>> -> memref<1664xf32, #tpu.memory_space<vmem>>
    %dma_wait3A_582 = tpu.memref_slice %arg3[%add3A_92] : memref<1703936xf32, #tpu.memory_space<hbm>> -> memref<1664xf32, #tpu.memory_space<hbm>>
    %dma_wait3A_583 = arith.constant 8320 : i32
    %dma_wait3A_584 = tpu.memref_slice %arg8[%dma_wait3A_583] : memref<53248xf32, #tpu.memory_space<vmem>> -> memref<1664xf32, #tpu.memory_space<vmem>>
    %dma_wait3A_585 = tpu.memref_slice %arg3[%add3A_92] : memref<1703936xf32, #tpu.memory_space<hbm>> -> memref<1664xf32, #tpu.memory_space<hbm>>
    tpu.wait_dma2 semaphore(%arg12 : memref<!tpu.dma_semaphore, #tpu.memory_space<semaphore_mem>>) src(%dma_wait3A_585 : memref<1664xf32, #tpu.memory_space<hbm>>) dst(%dma_wait3A_584 : memref<1664xf32, #tpu.memory_space<vmem>>)
    %dma_wait3A_586 = arith.constant 9984 : i32
    %dma_wait3A_587 = tpu.memref_slice %arg7[%dma_wait3A_586] : memref<53248xf32, #tpu.memory_space<vmem>> -> memref<1664xf32, #tpu.memory_space<vmem>>
    %dma_wait3A_588 = tpu.memref_slice %arg2[%add3A_100] : memref<1703936xf32, #tpu.memory_space<hbm>> -> memref<1664xf32, #tpu.memory_space<hbm>>
    %dma_wait3A_589 = arith.constant 9984 : i32
    %dma_wait3A_590 = tpu.memref_slice %arg7[%dma_wait3A_589] : memref<53248xf32, #tpu.memory_space<vmem>> -> memref<1664xf32, #tpu.memory_space<vmem>>
    %dma_wait3A_591 = tpu.memref_slice %arg2[%add3A_100] : memref<1703936xf32, #tpu.memory_space<hbm>> -> memref<1664xf32, #tpu.memory_space<hbm>>
    tpu.wait_dma2 semaphore(%arg12 : memref<!tpu.dma_semaphore, #tpu.memory_space<semaphore_mem>>) src(%dma_wait3A_591 : memref<1664xf32, #tpu.memory_space<hbm>>) dst(%dma_wait3A_590 : memref<1664xf32, #tpu.memory_space<vmem>>)
    %dma_wait3A_592 = arith.constant 9984 : i32
    %dma_wait3A_593 = tpu.memref_slice %arg8[%dma_wait3A_592] : memref<53248xf32, #tpu.memory_space<vmem>> -> memref<1664xf32, #tpu.memory_space<vmem>>
    %dma_wait3A_594 = tpu.memref_slice %arg3[%add3A_108] : memref<1703936xf32, #tpu.memory_space<hbm>> -> memref<1664xf32, #tpu.memory_space<hbm>>
    %dma_wait3A_595 = arith.constant 9984 : i32
    %dma_wait3A_596 = tpu.memref_slice %arg8[%dma_wait3A_595] : memref<53248xf32, #tpu.memory_space<vmem>> -> memref<1664xf32, #tpu.memory_space<vmem>>
    %dma_wait3A_597 = tpu.memref_slice %arg3[%add3A_108] : memref<1703936xf32, #tpu.memory_space<hbm>> -> memref<1664xf32, #tpu.memory_space<hbm>>
    tpu.wait_dma2 semaphore(%arg12 : memref<!tpu.dma_semaphore, #tpu.memory_space<semaphore_mem>>) src(%dma_wait3A_597 : memref<1664xf32, #tpu.memory_space<hbm>>) dst(%dma_wait3A_596 : memref<1664xf32, #tpu.memory_space<vmem>>)
    %dma_wait3A_598 = arith.constant 11648 : i32
    %dma_wait3A_599 = tpu.memref_slice %arg7[%dma_wait3A_598] : memref<53248xf32, #tpu.memory_space<vmem>> -> memref<1664xf32, #tpu.memory_space<vmem>>
    %dma_wait3A_600 = tpu.memref_slice %arg2[%add3A_116] : memref<1703936xf32, #tpu.memory_space<hbm>> -> memref<1664xf32, #tpu.memory_space<hbm>>
    %dma_wait3A_601 = arith.constant 11648 : i32
    %dma_wait3A_602 = tpu.memref_slice %arg7[%dma_wait3A_601] : memref<53248xf32, #tpu.memory_space<vmem>> -> memref<1664xf32, #tpu.memory_space<vmem>>
    %dma_wait3A_603 = tpu.memref_slice %arg2[%add3A_116] : memref<1703936xf32, #tpu.memory_space<hbm>> -> memref<1664xf32, #tpu.memory_space<hbm>>
    tpu.wait_dma2 semaphore(%arg12 : memref<!tpu.dma_semaphore, #tpu.memory_space<semaphore_mem>>) src(%dma_wait3A_603 : memref<1664xf32, #tpu.memory_space<hbm>>) dst(%dma_wait3A_602 : memref<1664xf32, #tpu.memory_space<vmem>>)
    %dma_wait3A_604 = arith.constant 11648 : i32
    %dma_wait3A_605 = tpu.memref_slice %arg8[%dma_wait3A_604] : memref<53248xf32, #tpu.memory_space<vmem>> -> memref<1664xf32, #tpu.memory_space<vmem>>
    %dma_wait3A_606 = tpu.memref_slice %arg3[%add3A_124] : memref<1703936xf32, #tpu.memory_space<hbm>> -> memref<1664xf32, #tpu.memory_space<hbm>>
    %dma_wait3A_607 = arith.constant 11648 : i32
    %dma_wait3A_608 = tpu.memref_slice %arg8[%dma_wait3A_607] : memref<53248xf32, #tpu.memory_space<vmem>> -> memref<1664xf32, #tpu.memory_space<vmem>>
    %dma_wait3A_609 = tpu.memref_slice %arg3[%add3A_124] : memref<1703936xf32, #tpu.memory_space<hbm>> -> memref<1664xf32, #tpu.memory_space<hbm>>
    tpu.wait_dma2 semaphore(%arg12 : memref<!tpu.dma_semaphore, #tpu.memory_space<semaphore_mem>>) src(%dma_wait3A_609 : memref<1664xf32, #tpu.memory_space<hbm>>) dst(%dma_wait3A_608 : memref<1664xf32, #tpu.memory_space<vmem>>)
    %dma_wait3A_610 = arith.constant 13312 : i32
    %dma_wait3A_611 = tpu.memref_slice %arg7[%dma_wait3A_610] : memref<53248xf32, #tpu.memory_space<vmem>> -> memref<1664xf32, #tpu.memory_space<vmem>>
    %dma_wait3A_612 = tpu.memref_slice %arg2[%add3A_132] : memref<1703936xf32, #tpu.memory_space<hbm>> -> memref<1664xf32, #tpu.memory_space<hbm>>
    %dma_wait3A_613 = arith.constant 13312 : i32
    %dma_wait3A_614 = tpu.memref_slice %arg7[%dma_wait3A_613] : memref<53248xf32, #tpu.memory_space<vmem>> -> memref<1664xf32, #tpu.memory_space<vmem>>
    %dma_wait3A_615 = tpu.memref_slice %arg2[%add3A_132] : memref<1703936xf32, #tpu.memory_space<hbm>> -> memref<1664xf32, #tpu.memory_space<hbm>>
    tpu.wait_dma2 semaphore(%arg12 : memref<!tpu.dma_semaphore, #tpu.memory_space<semaphore_mem>>) src(%dma_wait3A_615 : memref<1664xf32, #tpu.memory_space<hbm>>) dst(%dma_wait3A_614 : memref<1664xf32, #tpu.memory_space<vmem>>)
    %dma_wait3A_616 = arith.constant 13312 : i32
    %dma_wait3A_617 = tpu.memref_slice %arg8[%dma_wait3A_616] : memref<53248xf32, #tpu.memory_space<vmem>> -> memref<1664xf32, #tpu.memory_space<vmem>>
    %dma_wait3A_618 = tpu.memref_slice %arg3[%add3A_140] : memref<1703936xf32, #tpu.memory_space<hbm>> -> memref<1664xf32, #tpu.memory_space<hbm>>
    %dma_wait3A_619 = arith.constant 13312 : i32
    %dma_wait3A_620 = tpu.memref_slice %arg8[%dma_wait3A_619] : memref<53248xf32, #tpu.memory_space<vmem>> -> memref<1664xf32, #tpu.memory_space<vmem>>
    %dma_wait3A_621 = tpu.memref_slice %arg3[%add3A_140] : memref<1703936xf32, #tpu.memory_space<hbm>> -> memref<1664xf32, #tpu.memory_space<hbm>>
    tpu.wait_dma2 semaphore(%arg12 : memref<!tpu.dma_semaphore, #tpu.memory_space<semaphore_mem>>) src(%dma_wait3A_621 : memref<1664xf32, #tpu.memory_space<hbm>>) dst(%dma_wait3A_620 : memref<1664xf32, #tpu.memory_space<vmem>>)
    %dma_wait3A_622 = arith.constant 14976 : i32
    %dma_wait3A_623 = tpu.memref_slice %arg7[%dma_wait3A_622] : memref<53248xf32, #tpu.memory_space<vmem>> -> memref<1664xf32, #tpu.memory_space<vmem>>
    %dma_wait3A_624 = tpu.memref_slice %arg2[%add3A_148] : memref<1703936xf32, #tpu.memory_space<hbm>> -> memref<1664xf32, #tpu.memory_space<hbm>>
    %dma_wait3A_625 = arith.constant 14976 : i32
    %dma_wait3A_626 = tpu.memref_slice %arg7[%dma_wait3A_625] : memref<53248xf32, #tpu.memory_space<vmem>> -> memref<1664xf32, #tpu.memory_space<vmem>>
    %dma_wait3A_627 = tpu.memref_slice %arg2[%add3A_148] : memref<1703936xf32, #tpu.memory_space<hbm>> -> memref<1664xf32, #tpu.memory_space<hbm>>
    tpu.wait_dma2 semaphore(%arg12 : memref<!tpu.dma_semaphore, #tpu.memory_space<semaphore_mem>>) src(%dma_wait3A_627 : memref<1664xf32, #tpu.memory_space<hbm>>) dst(%dma_wait3A_626 : memref<1664xf32, #tpu.memory_space<vmem>>)
    %dma_wait3A_628 = arith.constant 14976 : i32
    %dma_wait3A_629 = tpu.memref_slice %arg8[%dma_wait3A_628] : memref<53248xf32, #tpu.memory_space<vmem>> -> memref<1664xf32, #tpu.memory_space<vmem>>
    %dma_wait3A_630 = tpu.memref_slice %arg3[%add3A_156] : memref<1703936xf32, #tpu.memory_space<hbm>> -> memref<1664xf32, #tpu.memory_space<hbm>>
    %dma_wait3A_631 = arith.constant 14976 : i32
    %dma_wait3A_632 = tpu.memref_slice %arg8[%dma_wait3A_631] : memref<53248xf32, #tpu.memory_space<vmem>> -> memref<1664xf32, #tpu.memory_space<vmem>>
    %dma_wait3A_633 = tpu.memref_slice %arg3[%add3A_156] : memref<1703936xf32, #tpu.memory_space<hbm>> -> memref<1664xf32, #tpu.memory_space<hbm>>
    tpu.wait_dma2 semaphore(%arg12 : memref<!tpu.dma_semaphore, #tpu.memory_space<semaphore_mem>>) src(%dma_wait3A_633 : memref<1664xf32, #tpu.memory_space<hbm>>) dst(%dma_wait3A_632 : memref<1664xf32, #tpu.memory_space<vmem>>)
    %dma_wait3A_634 = arith.constant 16640 : i32
    %dma_wait3A_635 = tpu.memref_slice %arg7[%dma_wait3A_634] : memref<53248xf32, #tpu.memory_space<vmem>> -> memref<1664xf32, #tpu.memory_space<vmem>>
    %dma_wait3A_636 = tpu.memref_slice %arg2[%add3A_164] : memref<1703936xf32, #tpu.memory_space<hbm>> -> memref<1664xf32, #tpu.memory_space<hbm>>
    %dma_wait3A_637 = arith.constant 16640 : i32
    %dma_wait3A_638 = tpu.memref_slice %arg7[%dma_wait3A_637] : memref<53248xf32, #tpu.memory_space<vmem>> -> memref<1664xf32, #tpu.memory_space<vmem>>
    %dma_wait3A_639 = tpu.memref_slice %arg2[%add3A_164] : memref<1703936xf32, #tpu.memory_space<hbm>> -> memref<1664xf32, #tpu.memory_space<hbm>>
    tpu.wait_dma2 semaphore(%arg12 : memref<!tpu.dma_semaphore, #tpu.memory_space<semaphore_mem>>) src(%dma_wait3A_639 : memref<1664xf32, #tpu.memory_space<hbm>>) dst(%dma_wait3A_638 : memref<1664xf32, #tpu.memory_space<vmem>>)
    %dma_wait3A_640 = arith.constant 16640 : i32
    %dma_wait3A_641 = tpu.memref_slice %arg8[%dma_wait3A_640] : memref<53248xf32, #tpu.memory_space<vmem>> -> memref<1664xf32, #tpu.memory_space<vmem>>
    %dma_wait3A_642 = tpu.memref_slice %arg3[%add3A_172] : memref<1703936xf32, #tpu.memory_space<hbm>> -> memref<1664xf32, #tpu.memory_space<hbm>>
    %dma_wait3A_643 = arith.constant 16640 : i32
    %dma_wait3A_644 = tpu.memref_slice %arg8[%dma_wait3A_643] : memref<53248xf32, #tpu.memory_space<vmem>> -> memref<1664xf32, #tpu.memory_space<vmem>>
    %dma_wait3A_645 = tpu.memref_slice %arg3[%add3A_172] : memref<1703936xf32, #tpu.memory_space<hbm>> -> memref<1664xf32, #tpu.memory_space<hbm>>
    tpu.wait_dma2 semaphore(%arg12 : memref<!tpu.dma_semaphore, #tpu.memory_space<semaphore_mem>>) src(%dma_wait3A_645 : memref<1664xf32, #tpu.memory_space<hbm>>) dst(%dma_wait3A_644 : memref<1664xf32, #tpu.memory_space<vmem>>)
    %dma_wait3A_646 = arith.constant 18304 : i32
    %dma_wait3A_647 = tpu.memref_slice %arg7[%dma_wait3A_646] : memref<53248xf32, #tpu.memory_space<vmem>> -> memref<1664xf32, #tpu.memory_space<vmem>>
    %dma_wait3A_648 = tpu.memref_slice %arg2[%add3A_180] : memref<1703936xf32, #tpu.memory_space<hbm>> -> memref<1664xf32, #tpu.memory_space<hbm>>
    %dma_wait3A_649 = arith.constant 18304 : i32
    %dma_wait3A_650 = tpu.memref_slice %arg7[%dma_wait3A_649] : memref<53248xf32, #tpu.memory_space<vmem>> -> memref<1664xf32, #tpu.memory_space<vmem>>
    %dma_wait3A_651 = tpu.memref_slice %arg2[%add3A_180] : memref<1703936xf32, #tpu.memory_space<hbm>> -> memref<1664xf32, #tpu.memory_space<hbm>>
    tpu.wait_dma2 semaphore(%arg12 : memref<!tpu.dma_semaphore, #tpu.memory_space<semaphore_mem>>) src(%dma_wait3A_651 : memref<1664xf32, #tpu.memory_space<hbm>>) dst(%dma_wait3A_650 : memref<1664xf32, #tpu.memory_space<vmem>>)
    %dma_wait3A_652 = arith.constant 18304 : i32
    %dma_wait3A_653 = tpu.memref_slice %arg8[%dma_wait3A_652] : memref<53248xf32, #tpu.memory_space<vmem>> -> memref<1664xf32, #tpu.memory_space<vmem>>
    %dma_wait3A_654 = tpu.memref_slice %arg3[%add3A_188] : memref<1703936xf32, #tpu.memory_space<hbm>> -> memref<1664xf32, #tpu.memory_space<hbm>>
    %dma_wait3A_655 = arith.constant 18304 : i32
    %dma_wait3A_656 = tpu.memref_slice %arg8[%dma_wait3A_655] : memref<53248xf32, #tpu.memory_space<vmem>> -> memref<1664xf32, #tpu.memory_space<vmem>>
    %dma_wait3A_657 = tpu.memref_slice %arg3[%add3A_188] : memref<1703936xf32, #tpu.memory_space<hbm>> -> memref<1664xf32, #tpu.memory_space<hbm>>
    tpu.wait_dma2 semaphore(%arg12 : memref<!tpu.dma_semaphore, #tpu.memory_space<semaphore_mem>>) src(%dma_wait3A_657 : memref<1664xf32, #tpu.memory_space<hbm>>) dst(%dma_wait3A_656 : memref<1664xf32, #tpu.memory_space<vmem>>)
    %dma_wait3A_658 = arith.constant 19968 : i32
    %dma_wait3A_659 = tpu.memref_slice %arg7[%dma_wait3A_658] : memref<53248xf32, #tpu.memory_space<vmem>> -> memref<1664xf32, #tpu.memory_space<vmem>>
    %dma_wait3A_660 = tpu.memref_slice %arg2[%add3A_196] : memref<1703936xf32, #tpu.memory_space<hbm>> -> memref<1664xf32, #tpu.memory_space<hbm>>
    %dma_wait3A_661 = arith.constant 19968 : i32
    %dma_wait3A_662 = tpu.memref_slice %arg7[%dma_wait3A_661] : memref<53248xf32, #tpu.memory_space<vmem>> -> memref<1664xf32, #tpu.memory_space<vmem>>
    %dma_wait3A_663 = tpu.memref_slice %arg2[%add3A_196] : memref<1703936xf32, #tpu.memory_space<hbm>> -> memref<1664xf32, #tpu.memory_space<hbm>>
    tpu.wait_dma2 semaphore(%arg12 : memref<!tpu.dma_semaphore, #tpu.memory_space<semaphore_mem>>) src(%dma_wait3A_663 : memref<1664xf32, #tpu.memory_space<hbm>>) dst(%dma_wait3A_662 : memref<1664xf32, #tpu.memory_space<vmem>>)
    %dma_wait3A_664 = arith.constant 19968 : i32
    %dma_wait3A_665 = tpu.memref_slice %arg8[%dma_wait3A_664] : memref<53248xf32, #tpu.memory_space<vmem>> -> memref<1664xf32, #tpu.memory_space<vmem>>
    %dma_wait3A_666 = tpu.memref_slice %arg3[%add3A_204] : memref<1703936xf32, #tpu.memory_space<hbm>> -> memref<1664xf32, #tpu.memory_space<hbm>>
    %dma_wait3A_667 = arith.constant 19968 : i32
    %dma_wait3A_668 = tpu.memref_slice %arg8[%dma_wait3A_667] : memref<53248xf32, #tpu.memory_space<vmem>> -> memref<1664xf32, #tpu.memory_space<vmem>>
    %dma_wait3A_669 = tpu.memref_slice %arg3[%add3A_204] : memref<1703936xf32, #tpu.memory_space<hbm>> -> memref<1664xf32, #tpu.memory_space<hbm>>
    tpu.wait_dma2 semaphore(%arg12 : memref<!tpu.dma_semaphore, #tpu.memory_space<semaphore_mem>>) src(%dma_wait3A_669 : memref<1664xf32, #tpu.memory_space<hbm>>) dst(%dma_wait3A_668 : memref<1664xf32, #tpu.memory_space<vmem>>)
    %dma_wait3A_670 = arith.constant 21632 : i32
    %dma_wait3A_671 = tpu.memref_slice %arg7[%dma_wait3A_670] : memref<53248xf32, #tpu.memory_space<vmem>> -> memref<1664xf32, #tpu.memory_space<vmem>>
    %dma_wait3A_672 = tpu.memref_slice %arg2[%add3A_212] : memref<1703936xf32, #tpu.memory_space<hbm>> -> memref<1664xf32, #tpu.memory_space<hbm>>
    %dma_wait3A_673 = arith.constant 21632 : i32
    %dma_wait3A_674 = tpu.memref_slice %arg7[%dma_wait3A_673] : memref<53248xf32, #tpu.memory_space<vmem>> -> memref<1664xf32, #tpu.memory_space<vmem>>
    %dma_wait3A_675 = tpu.memref_slice %arg2[%add3A_212] : memref<1703936xf32, #tpu.memory_space<hbm>> -> memref<1664xf32, #tpu.memory_space<hbm>>
    tpu.wait_dma2 semaphore(%arg12 : memref<!tpu.dma_semaphore, #tpu.memory_space<semaphore_mem>>) src(%dma_wait3A_675 : memref<1664xf32, #tpu.memory_space<hbm>>) dst(%dma_wait3A_674 : memref<1664xf32, #tpu.memory_space<vmem>>)
    %dma_wait3A_676 = arith.constant 21632 : i32
    %dma_wait3A_677 = tpu.memref_slice %arg8[%dma_wait3A_676] : memref<53248xf32, #tpu.memory_space<vmem>> -> memref<1664xf32, #tpu.memory_space<vmem>>
    %dma_wait3A_678 = tpu.memref_slice %arg3[%add3A_220] : memref<1703936xf32, #tpu.memory_space<hbm>> -> memref<1664xf32, #tpu.memory_space<hbm>>
    %dma_wait3A_679 = arith.constant 21632 : i32
    %dma_wait3A_680 = tpu.memref_slice %arg8[%dma_wait3A_679] : memref<53248xf32, #tpu.memory_space<vmem>> -> memref<1664xf32, #tpu.memory_space<vmem>>
    %dma_wait3A_681 = tpu.memref_slice %arg3[%add3A_220] : memref<1703936xf32, #tpu.memory_space<hbm>> -> memref<1664xf32, #tpu.memory_space<hbm>>
    tpu.wait_dma2 semaphore(%arg12 : memref<!tpu.dma_semaphore, #tpu.memory_space<semaphore_mem>>) src(%dma_wait3A_681 : memref<1664xf32, #tpu.memory_space<hbm>>) dst(%dma_wait3A_680 : memref<1664xf32, #tpu.memory_space<vmem>>)
    %dma_wait3A_682 = arith.constant 23296 : i32
    %dma_wait3A_683 = tpu.memref_slice %arg7[%dma_wait3A_682] : memref<53248xf32, #tpu.memory_space<vmem>> -> memref<1664xf32, #tpu.memory_space<vmem>>
    %dma_wait3A_684 = tpu.memref_slice %arg2[%add3A_228] : memref<1703936xf32, #tpu.memory_space<hbm>> -> memref<1664xf32, #tpu.memory_space<hbm>>
    %dma_wait3A_685 = arith.constant 23296 : i32
    %dma_wait3A_686 = tpu.memref_slice %arg7[%dma_wait3A_685] : memref<53248xf32, #tpu.memory_space<vmem>> -> memref<1664xf32, #tpu.memory_space<vmem>>
    %dma_wait3A_687 = tpu.memref_slice %arg2[%add3A_228] : memref<1703936xf32, #tpu.memory_space<hbm>> -> memref<1664xf32, #tpu.memory_space<hbm>>
    tpu.wait_dma2 semaphore(%arg12 : memref<!tpu.dma_semaphore, #tpu.memory_space<semaphore_mem>>) src(%dma_wait3A_687 : memref<1664xf32, #tpu.memory_space<hbm>>) dst(%dma_wait3A_686 : memref<1664xf32, #tpu.memory_space<vmem>>)
    %dma_wait3A_688 = arith.constant 23296 : i32
    %dma_wait3A_689 = tpu.memref_slice %arg8[%dma_wait3A_688] : memref<53248xf32, #tpu.memory_space<vmem>> -> memref<1664xf32, #tpu.memory_space<vmem>>
    %dma_wait3A_690 = tpu.memref_slice %arg3[%add3A_236] : memref<1703936xf32, #tpu.memory_space<hbm>> -> memref<1664xf32, #tpu.memory_space<hbm>>
    %dma_wait3A_691 = arith.constant 23296 : i32
    %dma_wait3A_692 = tpu.memref_slice %arg8[%dma_wait3A_691] : memref<53248xf32, #tpu.memory_space<vmem>> -> memref<1664xf32, #tpu.memory_space<vmem>>
    %dma_wait3A_693 = tpu.memref_slice %arg3[%add3A_236] : memref<1703936xf32, #tpu.memory_space<hbm>> -> memref<1664xf32, #tpu.memory_space<hbm>>
    tpu.wait_dma2 semaphore(%arg12 : memref<!tpu.dma_semaphore, #tpu.memory_space<semaphore_mem>>) src(%dma_wait3A_693 : memref<1664xf32, #tpu.memory_space<hbm>>) dst(%dma_wait3A_692 : memref<1664xf32, #tpu.memory_space<vmem>>)
    %dma_wait3A_694 = arith.constant 24960 : i32
    %dma_wait3A_695 = tpu.memref_slice %arg7[%dma_wait3A_694] : memref<53248xf32, #tpu.memory_space<vmem>> -> memref<1664xf32, #tpu.memory_space<vmem>>
    %dma_wait3A_696 = tpu.memref_slice %arg2[%add3A_244] : memref<1703936xf32, #tpu.memory_space<hbm>> -> memref<1664xf32, #tpu.memory_space<hbm>>
    %dma_wait3A_697 = arith.constant 24960 : i32
    %dma_wait3A_698 = tpu.memref_slice %arg7[%dma_wait3A_697] : memref<53248xf32, #tpu.memory_space<vmem>> -> memref<1664xf32, #tpu.memory_space<vmem>>
    %dma_wait3A_699 = tpu.memref_slice %arg2[%add3A_244] : memref<1703936xf32, #tpu.memory_space<hbm>> -> memref<1664xf32, #tpu.memory_space<hbm>>
    tpu.wait_dma2 semaphore(%arg12 : memref<!tpu.dma_semaphore, #tpu.memory_space<semaphore_mem>>) src(%dma_wait3A_699 : memref<1664xf32, #tpu.memory_space<hbm>>) dst(%dma_wait3A_698 : memref<1664xf32, #tpu.memory_space<vmem>>)
    %dma_wait3A_700 = arith.constant 24960 : i32
    %dma_wait3A_701 = tpu.memref_slice %arg8[%dma_wait3A_700] : memref<53248xf32, #tpu.memory_space<vmem>> -> memref<1664xf32, #tpu.memory_space<vmem>>
    %dma_wait3A_702 = tpu.memref_slice %arg3[%add3A_252] : memref<1703936xf32, #tpu.memory_space<hbm>> -> memref<1664xf32, #tpu.memory_space<hbm>>
    %dma_wait3A_703 = arith.constant 24960 : i32
    %dma_wait3A_704 = tpu.memref_slice %arg8[%dma_wait3A_703] : memref<53248xf32, #tpu.memory_space<vmem>> -> memref<1664xf32, #tpu.memory_space<vmem>>
    %dma_wait3A_705 = tpu.memref_slice %arg3[%add3A_252] : memref<1703936xf32, #tpu.memory_space<hbm>> -> memref<1664xf32, #tpu.memory_space<hbm>>
    tpu.wait_dma2 semaphore(%arg12 : memref<!tpu.dma_semaphore, #tpu.memory_space<semaphore_mem>>) src(%dma_wait3A_705 : memref<1664xf32, #tpu.memory_space<hbm>>) dst(%dma_wait3A_704 : memref<1664xf32, #tpu.memory_space<vmem>>)
    %dma_wait3A_706 = arith.constant 26624 : i32
    %dma_wait3A_707 = tpu.memref_slice %arg7[%dma_wait3A_706] : memref<53248xf32, #tpu.memory_space<vmem>> -> memref<1664xf32, #tpu.memory_space<vmem>>
    %dma_wait3A_708 = tpu.memref_slice %arg2[%add3A_260] : memref<1703936xf32, #tpu.memory_space<hbm>> -> memref<1664xf32, #tpu.memory_space<hbm>>
    %dma_wait3A_709 = arith.constant 26624 : i32
    %dma_wait3A_710 = tpu.memref_slice %arg7[%dma_wait3A_709] : memref<53248xf32, #tpu.memory_space<vmem>> -> memref<1664xf32, #tpu.memory_space<vmem>>
    %dma_wait3A_711 = tpu.memref_slice %arg2[%add3A_260] : memref<1703936xf32, #tpu.memory_space<hbm>> -> memref<1664xf32, #tpu.memory_space<hbm>>
    tpu.wait_dma2 semaphore(%arg12 : memref<!tpu.dma_semaphore, #tpu.memory_space<semaphore_mem>>) src(%dma_wait3A_711 : memref<1664xf32, #tpu.memory_space<hbm>>) dst(%dma_wait3A_710 : memref<1664xf32, #tpu.memory_space<vmem>>)
    %dma_wait3A_712 = arith.constant 26624 : i32
    %dma_wait3A_713 = tpu.memref_slice %arg8[%dma_wait3A_712] : memref<53248xf32, #tpu.memory_space<vmem>> -> memref<1664xf32, #tpu.memory_space<vmem>>
    %dma_wait3A_714 = tpu.memref_slice %arg3[%add3A_268] : memref<1703936xf32, #tpu.memory_space<hbm>> -> memref<1664xf32, #tpu.memory_space<hbm>>
    %dma_wait3A_715 = arith.constant 26624 : i32
    %dma_wait3A_716 = tpu.memref_slice %arg8[%dma_wait3A_715] : memref<53248xf32, #tpu.memory_space<vmem>> -> memref<1664xf32, #tpu.memory_space<vmem>>
    %dma_wait3A_717 = tpu.memref_slice %arg3[%add3A_268] : memref<1703936xf32, #tpu.memory_space<hbm>> -> memref<1664xf32, #tpu.memory_space<hbm>>
    tpu.wait_dma2 semaphore(%arg12 : memref<!tpu.dma_semaphore, #tpu.memory_space<semaphore_mem>>) src(%dma_wait3A_717 : memref<1664xf32, #tpu.memory_space<hbm>>) dst(%dma_wait3A_716 : memref<1664xf32, #tpu.memory_space<vmem>>)
    %dma_wait3A_718 = arith.constant 28288 : i32
    %dma_wait3A_719 = tpu.memref_slice %arg7[%dma_wait3A_718] : memref<53248xf32, #tpu.memory_space<vmem>> -> memref<1664xf32, #tpu.memory_space<vmem>>
    %dma_wait3A_720 = tpu.memref_slice %arg2[%add3A_276] : memref<1703936xf32, #tpu.memory_space<hbm>> -> memref<1664xf32, #tpu.memory_space<hbm>>
    %dma_wait3A_721 = arith.constant 28288 : i32
    %dma_wait3A_722 = tpu.memref_slice %arg7[%dma_wait3A_721] : memref<53248xf32, #tpu.memory_space<vmem>> -> memref<1664xf32, #tpu.memory_space<vmem>>
    %dma_wait3A_723 = tpu.memref_slice %arg2[%add3A_276] : memref<1703936xf32, #tpu.memory_space<hbm>> -> memref<1664xf32, #tpu.memory_space<hbm>>
    tpu.wait_dma2 semaphore(%arg12 : memref<!tpu.dma_semaphore, #tpu.memory_space<semaphore_mem>>) src(%dma_wait3A_723 : memref<1664xf32, #tpu.memory_space<hbm>>) dst(%dma_wait3A_722 : memref<1664xf32, #tpu.memory_space<vmem>>)
    %dma_wait3A_724 = arith.constant 28288 : i32
    %dma_wait3A_725 = tpu.memref_slice %arg8[%dma_wait3A_724] : memref<53248xf32, #tpu.memory_space<vmem>> -> memref<1664xf32, #tpu.memory_space<vmem>>
    %dma_wait3A_726 = tpu.memref_slice %arg3[%add3A_284] : memref<1703936xf32, #tpu.memory_space<hbm>> -> memref<1664xf32, #tpu.memory_space<hbm>>
    %dma_wait3A_727 = arith.constant 28288 : i32
    %dma_wait3A_728 = tpu.memref_slice %arg8[%dma_wait3A_727] : memref<53248xf32, #tpu.memory_space<vmem>> -> memref<1664xf32, #tpu.memory_space<vmem>>
    %dma_wait3A_729 = tpu.memref_slice %arg3[%add3A_284] : memref<1703936xf32, #tpu.memory_space<hbm>> -> memref<1664xf32, #tpu.memory_space<hbm>>
    tpu.wait_dma2 semaphore(%arg12 : memref<!tpu.dma_semaphore, #tpu.memory_space<semaphore_mem>>) src(%dma_wait3A_729 : memref<1664xf32, #tpu.memory_space<hbm>>) dst(%dma_wait3A_728 : memref<1664xf32, #tpu.memory_space<vmem>>)
    %dma_wait3A_730 = arith.constant 29952 : i32
    %dma_wait3A_731 = tpu.memref_slice %arg7[%dma_wait3A_730] : memref<53248xf32, #tpu.memory_space<vmem>> -> memref<1664xf32, #tpu.memory_space<vmem>>
    %dma_wait3A_732 = tpu.memref_slice %arg2[%add3A_292] : memref<1703936xf32, #tpu.memory_space<hbm>> -> memref<1664xf32, #tpu.memory_space<hbm>>
    %dma_wait3A_733 = arith.constant 29952 : i32
    %dma_wait3A_734 = tpu.memref_slice %arg7[%dma_wait3A_733] : memref<53248xf32, #tpu.memory_space<vmem>> -> memref<1664xf32, #tpu.memory_space<vmem>>
    %dma_wait3A_735 = tpu.memref_slice %arg2[%add3A_292] : memref<1703936xf32, #tpu.memory_space<hbm>> -> memref<1664xf32, #tpu.memory_space<hbm>>
    tpu.wait_dma2 semaphore(%arg12 : memref<!tpu.dma_semaphore, #tpu.memory_space<semaphore_mem>>) src(%dma_wait3A_735 : memref<1664xf32, #tpu.memory_space<hbm>>) dst(%dma_wait3A_734 : memref<1664xf32, #tpu.memory_space<vmem>>)
    %dma_wait3A_736 = arith.constant 29952 : i32
    %dma_wait3A_737 = tpu.memref_slice %arg8[%dma_wait3A_736] : memref<53248xf32, #tpu.memory_space<vmem>> -> memref<1664xf32, #tpu.memory_space<vmem>>
    %dma_wait3A_738 = tpu.memref_slice %arg3[%add3A_300] : memref<1703936xf32, #tpu.memory_space<hbm>> -> memref<1664xf32, #tpu.memory_space<hbm>>
    %dma_wait3A_739 = arith.constant 29952 : i32
    %dma_wait3A_740 = tpu.memref_slice %arg8[%dma_wait3A_739] : memref<53248xf32, #tpu.memory_space<vmem>> -> memref<1664xf32, #tpu.memory_space<vmem>>
    %dma_wait3A_741 = tpu.memref_slice %arg3[%add3A_300] : memref<1703936xf32, #tpu.memory_space<hbm>> -> memref<1664xf32, #tpu.memory_space<hbm>>
    tpu.wait_dma2 semaphore(%arg12 : memref<!tpu.dma_semaphore, #tpu.memory_space<semaphore_mem>>) src(%dma_wait3A_741 : memref<1664xf32, #tpu.memory_space<hbm>>) dst(%dma_wait3A_740 : memref<1664xf32, #tpu.memory_space<vmem>>)
    %dma_wait3A_742 = arith.constant 31616 : i32
    %dma_wait3A_743 = tpu.memref_slice %arg7[%dma_wait3A_742] : memref<53248xf32, #tpu.memory_space<vmem>> -> memref<1664xf32, #tpu.memory_space<vmem>>
    %dma_wait3A_744 = tpu.memref_slice %arg2[%add3A_308] : memref<1703936xf32, #tpu.memory_space<hbm>> -> memref<1664xf32, #tpu.memory_space<hbm>>
    %dma_wait3A_745 = arith.constant 31616 : i32
    %dma_wait3A_746 = tpu.memref_slice %arg7[%dma_wait3A_745] : memref<53248xf32, #tpu.memory_space<vmem>> -> memref<1664xf32, #tpu.memory_space<vmem>>
    %dma_wait3A_747 = tpu.memref_slice %arg2[%add3A_308] : memref<1703936xf32, #tpu.memory_space<hbm>> -> memref<1664xf32, #tpu.memory_space<hbm>>
    tpu.wait_dma2 semaphore(%arg12 : memref<!tpu.dma_semaphore, #tpu.memory_space<semaphore_mem>>) src(%dma_wait3A_747 : memref<1664xf32, #tpu.memory_space<hbm>>) dst(%dma_wait3A_746 : memref<1664xf32, #tpu.memory_space<vmem>>)
    %dma_wait3A_748 = arith.constant 31616 : i32
    %dma_wait3A_749 = tpu.memref_slice %arg8[%dma_wait3A_748] : memref<53248xf32, #tpu.memory_space<vmem>> -> memref<1664xf32, #tpu.memory_space<vmem>>
    %dma_wait3A_750 = tpu.memref_slice %arg3[%add3A_316] : memref<1703936xf32, #tpu.memory_space<hbm>> -> memref<1664xf32, #tpu.memory_space<hbm>>
    %dma_wait3A_751 = arith.constant 31616 : i32
    %dma_wait3A_752 = tpu.memref_slice %arg8[%dma_wait3A_751] : memref<53248xf32, #tpu.memory_space<vmem>> -> memref<1664xf32, #tpu.memory_space<vmem>>
    %dma_wait3A_753 = tpu.memref_slice %arg3[%add3A_316] : memref<1703936xf32, #tpu.memory_space<hbm>> -> memref<1664xf32, #tpu.memory_space<hbm>>
    tpu.wait_dma2 semaphore(%arg12 : memref<!tpu.dma_semaphore, #tpu.memory_space<semaphore_mem>>) src(%dma_wait3A_753 : memref<1664xf32, #tpu.memory_space<hbm>>) dst(%dma_wait3A_752 : memref<1664xf32, #tpu.memory_space<vmem>>)
    %dma_wait3A_754 = arith.constant 33280 : i32
    %dma_wait3A_755 = tpu.memref_slice %arg7[%dma_wait3A_754] : memref<53248xf32, #tpu.memory_space<vmem>> -> memref<1664xf32, #tpu.memory_space<vmem>>
    %dma_wait3A_756 = tpu.memref_slice %arg2[%add3A_324] : memref<1703936xf32, #tpu.memory_space<hbm>> -> memref<1664xf32, #tpu.memory_space<hbm>>
    %dma_wait3A_757 = arith.constant 33280 : i32
    %dma_wait3A_758 = tpu.memref_slice %arg7[%dma_wait3A_757] : memref<53248xf32, #tpu.memory_space<vmem>> -> memref<1664xf32, #tpu.memory_space<vmem>>
    %dma_wait3A_759 = tpu.memref_slice %arg2[%add3A_324] : memref<1703936xf32, #tpu.memory_space<hbm>> -> memref<1664xf32, #tpu.memory_space<hbm>>
    tpu.wait_dma2 semaphore(%arg12 : memref<!tpu.dma_semaphore, #tpu.memory_space<semaphore_mem>>) src(%dma_wait3A_759 : memref<1664xf32, #tpu.memory_space<hbm>>) dst(%dma_wait3A_758 : memref<1664xf32, #tpu.memory_space<vmem>>)
    %dma_wait3A_760 = arith.constant 33280 : i32
    %dma_wait3A_761 = tpu.memref_slice %arg8[%dma_wait3A_760] : memref<53248xf32, #tpu.memory_space<vmem>> -> memref<1664xf32, #tpu.memory_space<vmem>>
    %dma_wait3A_762 = tpu.memref_slice %arg3[%add3A_332] : memref<1703936xf32, #tpu.memory_space<hbm>> -> memref<1664xf32, #tpu.memory_space<hbm>>
    %dma_wait3A_763 = arith.constant 33280 : i32
    %dma_wait3A_764 = tpu.memref_slice %arg8[%dma_wait3A_763] : memref<53248xf32, #tpu.memory_space<vmem>> -> memref<1664xf32, #tpu.memory_space<vmem>>
    %dma_wait3A_765 = tpu.memref_slice %arg3[%add3A_332] : memref<1703936xf32, #tpu.memory_space<hbm>> -> memref<1664xf32, #tpu.memory_space<hbm>>
    tpu.wait_dma2 semaphore(%arg12 : memref<!tpu.dma_semaphore, #tpu.memory_space<semaphore_mem>>) src(%dma_wait3A_765 : memref<1664xf32, #tpu.memory_space<hbm>>) dst(%dma_wait3A_764 : memref<1664xf32, #tpu.memory_space<vmem>>)
    %dma_wait3A_766 = arith.constant 34944 : i32
    %dma_wait3A_767 = tpu.memref_slice %arg7[%dma_wait3A_766] : memref<53248xf32, #tpu.memory_space<vmem>> -> memref<1664xf32, #tpu.memory_space<vmem>>
    %dma_wait3A_768 = tpu.memref_slice %arg2[%add3A_340] : memref<1703936xf32, #tpu.memory_space<hbm>> -> memref<1664xf32, #tpu.memory_space<hbm>>
    %dma_wait3A_769 = arith.constant 34944 : i32
    %dma_wait3A_770 = tpu.memref_slice %arg7[%dma_wait3A_769] : memref<53248xf32, #tpu.memory_space<vmem>> -> memref<1664xf32, #tpu.memory_space<vmem>>
    %dma_wait3A_771 = tpu.memref_slice %arg2[%add3A_340] : memref<1703936xf32, #tpu.memory_space<hbm>> -> memref<1664xf32, #tpu.memory_space<hbm>>
    tpu.wait_dma2 semaphore(%arg12 : memref<!tpu.dma_semaphore, #tpu.memory_space<semaphore_mem>>) src(%dma_wait3A_771 : memref<1664xf32, #tpu.memory_space<hbm>>) dst(%dma_wait3A_770 : memref<1664xf32, #tpu.memory_space<vmem>>)
    %dma_wait3A_772 = arith.constant 34944 : i32
    %dma_wait3A_773 = tpu.memref_slice %arg8[%dma_wait3A_772] : memref<53248xf32, #tpu.memory_space<vmem>> -> memref<1664xf32, #tpu.memory_space<vmem>>
    %dma_wait3A_774 = tpu.memref_slice %arg3[%add3A_348] : memref<1703936xf32, #tpu.memory_space<hbm>> -> memref<1664xf32, #tpu.memory_space<hbm>>
    %dma_wait3A_775 = arith.constant 34944 : i32
    %dma_wait3A_776 = tpu.memref_slice %arg8[%dma_wait3A_775] : memref<53248xf32, #tpu.memory_space<vmem>> -> memref<1664xf32, #tpu.memory_space<vmem>>
    %dma_wait3A_777 = tpu.memref_slice %arg3[%add3A_348] : memref<1703936xf32, #tpu.memory_space<hbm>> -> memref<1664xf32, #tpu.memory_space<hbm>>
    tpu.wait_dma2 semaphore(%arg12 : memref<!tpu.dma_semaphore, #tpu.memory_space<semaphore_mem>>) src(%dma_wait3A_777 : memref<1664xf32, #tpu.memory_space<hbm>>) dst(%dma_wait3A_776 : memref<1664xf32, #tpu.memory_space<vmem>>)
    %dma_wait3A_778 = arith.constant 36608 : i32
    %dma_wait3A_779 = tpu.memref_slice %arg7[%dma_wait3A_778] : memref<53248xf32, #tpu.memory_space<vmem>> -> memref<1664xf32, #tpu.memory_space<vmem>>
    %dma_wait3A_780 = tpu.memref_slice %arg2[%add3A_356] : memref<1703936xf32, #tpu.memory_space<hbm>> -> memref<1664xf32, #tpu.memory_space<hbm>>
    %dma_wait3A_781 = arith.constant 36608 : i32
    %dma_wait3A_782 = tpu.memref_slice %arg7[%dma_wait3A_781] : memref<53248xf32, #tpu.memory_space<vmem>> -> memref<1664xf32, #tpu.memory_space<vmem>>
    %dma_wait3A_783 = tpu.memref_slice %arg2[%add3A_356] : memref<1703936xf32, #tpu.memory_space<hbm>> -> memref<1664xf32, #tpu.memory_space<hbm>>
    tpu.wait_dma2 semaphore(%arg12 : memref<!tpu.dma_semaphore, #tpu.memory_space<semaphore_mem>>) src(%dma_wait3A_783 : memref<1664xf32, #tpu.memory_space<hbm>>) dst(%dma_wait3A_782 : memref<1664xf32, #tpu.memory_space<vmem>>)
    %dma_wait3A_784 = arith.constant 36608 : i32
    %dma_wait3A_785 = tpu.memref_slice %arg8[%dma_wait3A_784] : memref<53248xf32, #tpu.memory_space<vmem>> -> memref<1664xf32, #tpu.memory_space<vmem>>
    %dma_wait3A_786 = tpu.memref_slice %arg3[%add3A_364] : memref<1703936xf32, #tpu.memory_space<hbm>> -> memref<1664xf32, #tpu.memory_space<hbm>>
    %dma_wait3A_787 = arith.constant 36608 : i32
    %dma_wait3A_788 = tpu.memref_slice %arg8[%dma_wait3A_787] : memref<53248xf32, #tpu.memory_space<vmem>> -> memref<1664xf32, #tpu.memory_space<vmem>>
    %dma_wait3A_789 = tpu.memref_slice %arg3[%add3A_364] : memref<1703936xf32, #tpu.memory_space<hbm>> -> memref<1664xf32, #tpu.memory_space<hbm>>
    tpu.wait_dma2 semaphore(%arg12 : memref<!tpu.dma_semaphore, #tpu.memory_space<semaphore_mem>>) src(%dma_wait3A_789 : memref<1664xf32, #tpu.memory_space<hbm>>) dst(%dma_wait3A_788 : memref<1664xf32, #tpu.memory_space<vmem>>)
    %dma_wait3A_790 = arith.constant 38272 : i32
    %dma_wait3A_791 = tpu.memref_slice %arg7[%dma_wait3A_790] : memref<53248xf32, #tpu.memory_space<vmem>> -> memref<1664xf32, #tpu.memory_space<vmem>>
    %dma_wait3A_792 = tpu.memref_slice %arg2[%add3A_372] : memref<1703936xf32, #tpu.memory_space<hbm>> -> memref<1664xf32, #tpu.memory_space<hbm>>
    %dma_wait3A_793 = arith.constant 38272 : i32
    %dma_wait3A_794 = tpu.memref_slice %arg7[%dma_wait3A_793] : memref<53248xf32, #tpu.memory_space<vmem>> -> memref<1664xf32, #tpu.memory_space<vmem>>
    %dma_wait3A_795 = tpu.memref_slice %arg2[%add3A_372] : memref<1703936xf32, #tpu.memory_space<hbm>> -> memref<1664xf32, #tpu.memory_space<hbm>>
    tpu.wait_dma2 semaphore(%arg12 : memref<!tpu.dma_semaphore, #tpu.memory_space<semaphore_mem>>) src(%dma_wait3A_795 : memref<1664xf32, #tpu.memory_space<hbm>>) dst(%dma_wait3A_794 : memref<1664xf32, #tpu.memory_space<vmem>>)
    %dma_wait3A_796 = arith.constant 38272 : i32
    %dma_wait3A_797 = tpu.memref_slice %arg8[%dma_wait3A_796] : memref<53248xf32, #tpu.memory_space<vmem>> -> memref<1664xf32, #tpu.memory_space<vmem>>
    %dma_wait3A_798 = tpu.memref_slice %arg3[%add3A_380] : memref<1703936xf32, #tpu.memory_space<hbm>> -> memref<1664xf32, #tpu.memory_space<hbm>>
    %dma_wait3A_799 = arith.constant 38272 : i32
    %dma_wait3A_800 = tpu.memref_slice %arg8[%dma_wait3A_799] : memref<53248xf32, #tpu.memory_space<vmem>> -> memref<1664xf32, #tpu.memory_space<vmem>>
    %dma_wait3A_801 = tpu.memref_slice %arg3[%add3A_380] : memref<1703936xf32, #tpu.memory_space<hbm>> -> memref<1664xf32, #tpu.memory_space<hbm>>
    tpu.wait_dma2 semaphore(%arg12 : memref<!tpu.dma_semaphore, #tpu.memory_space<semaphore_mem>>) src(%dma_wait3A_801 : memref<1664xf32, #tpu.memory_space<hbm>>) dst(%dma_wait3A_800 : memref<1664xf32, #tpu.memory_space<vmem>>)
    %dma_wait3A_802 = arith.constant 39936 : i32
    %dma_wait3A_803 = tpu.memref_slice %arg7[%dma_wait3A_802] : memref<53248xf32, #tpu.memory_space<vmem>> -> memref<1664xf32, #tpu.memory_space<vmem>>
    %dma_wait3A_804 = tpu.memref_slice %arg2[%add3A_388] : memref<1703936xf32, #tpu.memory_space<hbm>> -> memref<1664xf32, #tpu.memory_space<hbm>>
    %dma_wait3A_805 = arith.constant 39936 : i32
    %dma_wait3A_806 = tpu.memref_slice %arg7[%dma_wait3A_805] : memref<53248xf32, #tpu.memory_space<vmem>> -> memref<1664xf32, #tpu.memory_space<vmem>>
    %dma_wait3A_807 = tpu.memref_slice %arg2[%add3A_388] : memref<1703936xf32, #tpu.memory_space<hbm>> -> memref<1664xf32, #tpu.memory_space<hbm>>
    tpu.wait_dma2 semaphore(%arg12 : memref<!tpu.dma_semaphore, #tpu.memory_space<semaphore_mem>>) src(%dma_wait3A_807 : memref<1664xf32, #tpu.memory_space<hbm>>) dst(%dma_wait3A_806 : memref<1664xf32, #tpu.memory_space<vmem>>)
    %dma_wait3A_808 = arith.constant 39936 : i32
    %dma_wait3A_809 = tpu.memref_slice %arg8[%dma_wait3A_808] : memref<53248xf32, #tpu.memory_space<vmem>> -> memref<1664xf32, #tpu.memory_space<vmem>>
    %dma_wait3A_810 = tpu.memref_slice %arg3[%add3A_396] : memref<1703936xf32, #tpu.memory_space<hbm>> -> memref<1664xf32, #tpu.memory_space<hbm>>
    %dma_wait3A_811 = arith.constant 39936 : i32
    %dma_wait3A_812 = tpu.memref_slice %arg8[%dma_wait3A_811] : memref<53248xf32, #tpu.memory_space<vmem>> -> memref<1664xf32, #tpu.memory_space<vmem>>
    %dma_wait3A_813 = tpu.memref_slice %arg3[%add3A_396] : memref<1703936xf32, #tpu.memory_space<hbm>> -> memref<1664xf32, #tpu.memory_space<hbm>>
    tpu.wait_dma2 semaphore(%arg12 : memref<!tpu.dma_semaphore, #tpu.memory_space<semaphore_mem>>) src(%dma_wait3A_813 : memref<1664xf32, #tpu.memory_space<hbm>>) dst(%dma_wait3A_812 : memref<1664xf32, #tpu.memory_space<vmem>>)
    %dma_wait3A_814 = arith.constant 41600 : i32
    %dma_wait3A_815 = tpu.memref_slice %arg7[%dma_wait3A_814] : memref<53248xf32, #tpu.memory_space<vmem>> -> memref<1664xf32, #tpu.memory_space<vmem>>
    %dma_wait3A_816 = tpu.memref_slice %arg2[%add3A_404] : memref<1703936xf32, #tpu.memory_space<hbm>> -> memref<1664xf32, #tpu.memory_space<hbm>>
    %dma_wait3A_817 = arith.constant 41600 : i32
    %dma_wait3A_818 = tpu.memref_slice %arg7[%dma_wait3A_817] : memref<53248xf32, #tpu.memory_space<vmem>> -> memref<1664xf32, #tpu.memory_space<vmem>>
    %dma_wait3A_819 = tpu.memref_slice %arg2[%add3A_404] : memref<1703936xf32, #tpu.memory_space<hbm>> -> memref<1664xf32, #tpu.memory_space<hbm>>
    tpu.wait_dma2 semaphore(%arg12 : memref<!tpu.dma_semaphore, #tpu.memory_space<semaphore_mem>>) src(%dma_wait3A_819 : memref<1664xf32, #tpu.memory_space<hbm>>) dst(%dma_wait3A_818 : memref<1664xf32, #tpu.memory_space<vmem>>)
    %dma_wait3A_820 = arith.constant 41600 : i32
    %dma_wait3A_821 = tpu.memref_slice %arg8[%dma_wait3A_820] : memref<53248xf32, #tpu.memory_space<vmem>> -> memref<1664xf32, #tpu.memory_space<vmem>>
    %dma_wait3A_822 = tpu.memref_slice %arg3[%add3A_412] : memref<1703936xf32, #tpu.memory_space<hbm>> -> memref<1664xf32, #tpu.memory_space<hbm>>
    %dma_wait3A_823 = arith.constant 41600 : i32
    %dma_wait3A_824 = tpu.memref_slice %arg8[%dma_wait3A_823] : memref<53248xf32, #tpu.memory_space<vmem>> -> memref<1664xf32, #tpu.memory_space<vmem>>
    %dma_wait3A_825 = tpu.memref_slice %arg3[%add3A_412] : memref<1703936xf32, #tpu.memory_space<hbm>> -> memref<1664xf32, #tpu.memory_space<hbm>>
    tpu.wait_dma2 semaphore(%arg12 : memref<!tpu.dma_semaphore, #tpu.memory_space<semaphore_mem>>) src(%dma_wait3A_825 : memref<1664xf32, #tpu.memory_space<hbm>>) dst(%dma_wait3A_824 : memref<1664xf32, #tpu.memory_space<vmem>>)
    %dma_wait3A_826 = arith.constant 43264 : i32
    %dma_wait3A_827 = tpu.memref_slice %arg7[%dma_wait3A_826] : memref<53248xf32, #tpu.memory_space<vmem>> -> memref<1664xf32, #tpu.memory_space<vmem>>
    %dma_wait3A_828 = tpu.memref_slice %arg2[%add3A_420] : memref<1703936xf32, #tpu.memory_space<hbm>> -> memref<1664xf32, #tpu.memory_space<hbm>>
    %dma_wait3A_829 = arith.constant 43264 : i32
    %dma_wait3A_830 = tpu.memref_slice %arg7[%dma_wait3A_829] : memref<53248xf32, #tpu.memory_space<vmem>> -> memref<1664xf32, #tpu.memory_space<vmem>>
    %dma_wait3A_831 = tpu.memref_slice %arg2[%add3A_420] : memref<1703936xf32, #tpu.memory_space<hbm>> -> memref<1664xf32, #tpu.memory_space<hbm>>
    tpu.wait_dma2 semaphore(%arg12 : memref<!tpu.dma_semaphore, #tpu.memory_space<semaphore_mem>>) src(%dma_wait3A_831 : memref<1664xf32, #tpu.memory_space<hbm>>) dst(%dma_wait3A_830 : memref<1664xf32, #tpu.memory_space<vmem>>)
    %dma_wait3A_832 = arith.constant 43264 : i32
    %dma_wait3A_833 = tpu.memref_slice %arg8[%dma_wait3A_832] : memref<53248xf32, #tpu.memory_space<vmem>> -> memref<1664xf32, #tpu.memory_space<vmem>>
    %dma_wait3A_834 = tpu.memref_slice %arg3[%add3A_428] : memref<1703936xf32, #tpu.memory_space<hbm>> -> memref<1664xf32, #tpu.memory_space<hbm>>
    %dma_wait3A_835 = arith.constant 43264 : i32
    %dma_wait3A_836 = tpu.memref_slice %arg8[%dma_wait3A_835] : memref<53248xf32, #tpu.memory_space<vmem>> -> memref<1664xf32, #tpu.memory_space<vmem>>
    %dma_wait3A_837 = tpu.memref_slice %arg3[%add3A_428] : memref<1703936xf32, #tpu.memory_space<hbm>> -> memref<1664xf32, #tpu.memory_space<hbm>>
    tpu.wait_dma2 semaphore(%arg12 : memref<!tpu.dma_semaphore, #tpu.memory_space<semaphore_mem>>) src(%dma_wait3A_837 : memref<1664xf32, #tpu.memory_space<hbm>>) dst(%dma_wait3A_836 : memref<1664xf32, #tpu.memory_space<vmem>>)
    %dma_wait3A_838 = arith.constant 44928 : i32
    %dma_wait3A_839 = tpu.memref_slice %arg7[%dma_wait3A_838] : memref<53248xf32, #tpu.memory_space<vmem>> -> memref<1664xf32, #tpu.memory_space<vmem>>
    %dma_wait3A_840 = tpu.memref_slice %arg2[%add3A_436] : memref<1703936xf32, #tpu.memory_space<hbm>> -> memref<1664xf32, #tpu.memory_space<hbm>>
    %dma_wait3A_841 = arith.constant 44928 : i32
    %dma_wait3A_842 = tpu.memref_slice %arg7[%dma_wait3A_841] : memref<53248xf32, #tpu.memory_space<vmem>> -> memref<1664xf32, #tpu.memory_space<vmem>>
    %dma_wait3A_843 = tpu.memref_slice %arg2[%add3A_436] : memref<1703936xf32, #tpu.memory_space<hbm>> -> memref<1664xf32, #tpu.memory_space<hbm>>
    tpu.wait_dma2 semaphore(%arg12 : memref<!tpu.dma_semaphore, #tpu.memory_space<semaphore_mem>>) src(%dma_wait3A_843 : memref<1664xf32, #tpu.memory_space<hbm>>) dst(%dma_wait3A_842 : memref<1664xf32, #tpu.memory_space<vmem>>)
    %dma_wait3A_844 = arith.constant 44928 : i32
    %dma_wait3A_845 = tpu.memref_slice %arg8[%dma_wait3A_844] : memref<53248xf32, #tpu.memory_space<vmem>> -> memref<1664xf32, #tpu.memory_space<vmem>>
    %dma_wait3A_846 = tpu.memref_slice %arg3[%add3A_444] : memref<1703936xf32, #tpu.memory_space<hbm>> -> memref<1664xf32, #tpu.memory_space<hbm>>
    %dma_wait3A_847 = arith.constant 44928 : i32
    %dma_wait3A_848 = tpu.memref_slice %arg8[%dma_wait3A_847] : memref<53248xf32, #tpu.memory_space<vmem>> -> memref<1664xf32, #tpu.memory_space<vmem>>
    %dma_wait3A_849 = tpu.memref_slice %arg3[%add3A_444] : memref<1703936xf32, #tpu.memory_space<hbm>> -> memref<1664xf32, #tpu.memory_space<hbm>>
    tpu.wait_dma2 semaphore(%arg12 : memref<!tpu.dma_semaphore, #tpu.memory_space<semaphore_mem>>) src(%dma_wait3A_849 : memref<1664xf32, #tpu.memory_space<hbm>>) dst(%dma_wait3A_848 : memref<1664xf32, #tpu.memory_space<vmem>>)
    %dma_wait3A_850 = arith.constant 46592 : i32
    %dma_wait3A_851 = tpu.memref_slice %arg7[%dma_wait3A_850] : memref<53248xf32, #tpu.memory_space<vmem>> -> memref<1664xf32, #tpu.memory_space<vmem>>
    %dma_wait3A_852 = tpu.memref_slice %arg2[%add3A_452] : memref<1703936xf32, #tpu.memory_space<hbm>> -> memref<1664xf32, #tpu.memory_space<hbm>>
    %dma_wait3A_853 = arith.constant 46592 : i32
    %dma_wait3A_854 = tpu.memref_slice %arg7[%dma_wait3A_853] : memref<53248xf32, #tpu.memory_space<vmem>> -> memref<1664xf32, #tpu.memory_space<vmem>>
    %dma_wait3A_855 = tpu.memref_slice %arg2[%add3A_452] : memref<1703936xf32, #tpu.memory_space<hbm>> -> memref<1664xf32, #tpu.memory_space<hbm>>
    tpu.wait_dma2 semaphore(%arg12 : memref<!tpu.dma_semaphore, #tpu.memory_space<semaphore_mem>>) src(%dma_wait3A_855 : memref<1664xf32, #tpu.memory_space<hbm>>) dst(%dma_wait3A_854 : memref<1664xf32, #tpu.memory_space<vmem>>)
    %dma_wait3A_856 = arith.constant 46592 : i32
    %dma_wait3A_857 = tpu.memref_slice %arg8[%dma_wait3A_856] : memref<53248xf32, #tpu.memory_space<vmem>> -> memref<1664xf32, #tpu.memory_space<vmem>>
    %dma_wait3A_858 = tpu.memref_slice %arg3[%add3A_460] : memref<1703936xf32, #tpu.memory_space<hbm>> -> memref<1664xf32, #tpu.memory_space<hbm>>
    %dma_wait3A_859 = arith.constant 46592 : i32
    %dma_wait3A_860 = tpu.memref_slice %arg8[%dma_wait3A_859] : memref<53248xf32, #tpu.memory_space<vmem>> -> memref<1664xf32, #tpu.memory_space<vmem>>
    %dma_wait3A_861 = tpu.memref_slice %arg3[%add3A_460] : memref<1703936xf32, #tpu.memory_space<hbm>> -> memref<1664xf32, #tpu.memory_space<hbm>>
    tpu.wait_dma2 semaphore(%arg12 : memref<!tpu.dma_semaphore, #tpu.memory_space<semaphore_mem>>) src(%dma_wait3A_861 : memref<1664xf32, #tpu.memory_space<hbm>>) dst(%dma_wait3A_860 : memref<1664xf32, #tpu.memory_space<vmem>>)
    %dma_wait3A_862 = arith.constant 48256 : i32
    %dma_wait3A_863 = tpu.memref_slice %arg7[%dma_wait3A_862] : memref<53248xf32, #tpu.memory_space<vmem>> -> memref<1664xf32, #tpu.memory_space<vmem>>
    %dma_wait3A_864 = tpu.memref_slice %arg2[%add3A_468] : memref<1703936xf32, #tpu.memory_space<hbm>> -> memref<1664xf32, #tpu.memory_space<hbm>>
    %dma_wait3A_865 = arith.constant 48256 : i32
    %dma_wait3A_866 = tpu.memref_slice %arg7[%dma_wait3A_865] : memref<53248xf32, #tpu.memory_space<vmem>> -> memref<1664xf32, #tpu.memory_space<vmem>>
    %dma_wait3A_867 = tpu.memref_slice %arg2[%add3A_468] : memref<1703936xf32, #tpu.memory_space<hbm>> -> memref<1664xf32, #tpu.memory_space<hbm>>
    tpu.wait_dma2 semaphore(%arg12 : memref<!tpu.dma_semaphore, #tpu.memory_space<semaphore_mem>>) src(%dma_wait3A_867 : memref<1664xf32, #tpu.memory_space<hbm>>) dst(%dma_wait3A_866 : memref<1664xf32, #tpu.memory_space<vmem>>)
    %dma_wait3A_868 = arith.constant 48256 : i32
    %dma_wait3A_869 = tpu.memref_slice %arg8[%dma_wait3A_868] : memref<53248xf32, #tpu.memory_space<vmem>> -> memref<1664xf32, #tpu.memory_space<vmem>>
    %dma_wait3A_870 = tpu.memref_slice %arg3[%add3A_476] : memref<1703936xf32, #tpu.memory_space<hbm>> -> memref<1664xf32, #tpu.memory_space<hbm>>
    %dma_wait3A_871 = arith.constant 48256 : i32
    %dma_wait3A_872 = tpu.memref_slice %arg8[%dma_wait3A_871] : memref<53248xf32, #tpu.memory_space<vmem>> -> memref<1664xf32, #tpu.memory_space<vmem>>
    %dma_wait3A_873 = tpu.memref_slice %arg3[%add3A_476] : memref<1703936xf32, #tpu.memory_space<hbm>> -> memref<1664xf32, #tpu.memory_space<hbm>>
    tpu.wait_dma2 semaphore(%arg12 : memref<!tpu.dma_semaphore, #tpu.memory_space<semaphore_mem>>) src(%dma_wait3A_873 : memref<1664xf32, #tpu.memory_space<hbm>>) dst(%dma_wait3A_872 : memref<1664xf32, #tpu.memory_space<vmem>>)
    %dma_wait3A_874 = arith.constant 49920 : i32
    %dma_wait3A_875 = tpu.memref_slice %arg7[%dma_wait3A_874] : memref<53248xf32, #tpu.memory_space<vmem>> -> memref<1664xf32, #tpu.memory_space<vmem>>
    %dma_wait3A_876 = tpu.memref_slice %arg2[%add3A_484] : memref<1703936xf32, #tpu.memory_space<hbm>> -> memref<1664xf32, #tpu.memory_space<hbm>>
    %dma_wait3A_877 = arith.constant 49920 : i32
    %dma_wait3A_878 = tpu.memref_slice %arg7[%dma_wait3A_877] : memref<53248xf32, #tpu.memory_space<vmem>> -> memref<1664xf32, #tpu.memory_space<vmem>>
    %dma_wait3A_879 = tpu.memref_slice %arg2[%add3A_484] : memref<1703936xf32, #tpu.memory_space<hbm>> -> memref<1664xf32, #tpu.memory_space<hbm>>
    tpu.wait_dma2 semaphore(%arg12 : memref<!tpu.dma_semaphore, #tpu.memory_space<semaphore_mem>>) src(%dma_wait3A_879 : memref<1664xf32, #tpu.memory_space<hbm>>) dst(%dma_wait3A_878 : memref<1664xf32, #tpu.memory_space<vmem>>)
    %dma_wait3A_880 = arith.constant 49920 : i32
    %dma_wait3A_881 = tpu.memref_slice %arg8[%dma_wait3A_880] : memref<53248xf32, #tpu.memory_space<vmem>> -> memref<1664xf32, #tpu.memory_space<vmem>>
    %dma_wait3A_882 = tpu.memref_slice %arg3[%add3A_492] : memref<1703936xf32, #tpu.memory_space<hbm>> -> memref<1664xf32, #tpu.memory_space<hbm>>
    %dma_wait3A_883 = arith.constant 49920 : i32
    %dma_wait3A_884 = tpu.memref_slice %arg8[%dma_wait3A_883] : memref<53248xf32, #tpu.memory_space<vmem>> -> memref<1664xf32, #tpu.memory_space<vmem>>
    %dma_wait3A_885 = tpu.memref_slice %arg3[%add3A_492] : memref<1703936xf32, #tpu.memory_space<hbm>> -> memref<1664xf32, #tpu.memory_space<hbm>>
    tpu.wait_dma2 semaphore(%arg12 : memref<!tpu.dma_semaphore, #tpu.memory_space<semaphore_mem>>) src(%dma_wait3A_885 : memref<1664xf32, #tpu.memory_space<hbm>>) dst(%dma_wait3A_884 : memref<1664xf32, #tpu.memory_space<vmem>>)
    %dma_wait3A_886 = arith.constant 51584 : i32
    %dma_wait3A_887 = tpu.memref_slice %arg7[%dma_wait3A_886] : memref<53248xf32, #tpu.memory_space<vmem>> -> memref<1664xf32, #tpu.memory_space<vmem>>
    %dma_wait3A_888 = tpu.memref_slice %arg2[%add3A_500] : memref<1703936xf32, #tpu.memory_space<hbm>> -> memref<1664xf32, #tpu.memory_space<hbm>>
    %dma_wait3A_889 = arith.constant 51584 : i32
    %dma_wait3A_890 = tpu.memref_slice %arg7[%dma_wait3A_889] : memref<53248xf32, #tpu.memory_space<vmem>> -> memref<1664xf32, #tpu.memory_space<vmem>>
    %dma_wait3A_891 = tpu.memref_slice %arg2[%add3A_500] : memref<1703936xf32, #tpu.memory_space<hbm>> -> memref<1664xf32, #tpu.memory_space<hbm>>
    tpu.wait_dma2 semaphore(%arg12 : memref<!tpu.dma_semaphore, #tpu.memory_space<semaphore_mem>>) src(%dma_wait3A_891 : memref<1664xf32, #tpu.memory_space<hbm>>) dst(%dma_wait3A_890 : memref<1664xf32, #tpu.memory_space<vmem>>)
    %dma_wait3A_892 = arith.constant 51584 : i32
    %dma_wait3A_893 = tpu.memref_slice %arg8[%dma_wait3A_892] : memref<53248xf32, #tpu.memory_space<vmem>> -> memref<1664xf32, #tpu.memory_space<vmem>>
    %dma_wait3A_894 = tpu.memref_slice %arg3[%add3A_508] : memref<1703936xf32, #tpu.memory_space<hbm>> -> memref<1664xf32, #tpu.memory_space<hbm>>
    %dma_wait3A_895 = arith.constant 51584 : i32
    %dma_wait3A_896 = tpu.memref_slice %arg8[%dma_wait3A_895] : memref<53248xf32, #tpu.memory_space<vmem>> -> memref<1664xf32, #tpu.memory_space<vmem>>
    %dma_wait3A_897 = tpu.memref_slice %arg3[%add3A_508] : memref<1703936xf32, #tpu.memory_space<hbm>> -> memref<1664xf32, #tpu.memory_space<hbm>>
    tpu.wait_dma2 semaphore(%arg12 : memref<!tpu.dma_semaphore, #tpu.memory_space<semaphore_mem>>) src(%dma_wait3A_897 : memref<1664xf32, #tpu.memory_space<hbm>>) dst(%dma_wait3A_896 : memref<1664xf32, #tpu.memory_space<vmem>>)
    %scan3A = arith.constant 0 : i32
    %scan3A_898 = arith.constant 0 : i32
    %scan3A_899 = arith.constant 104 : i32
    %scan3A_900 = arith.addi %scan3A_898, %scan3A_899 : i32
    %scan3A_901 = arith.constant 1 : i32
    %scan3A_902 = scf.for %scan3A_904 = %scan3A_898 to %scan3A_900 step %scan3A_901 iter_args(%scan3A_905 = %scan3A) -> (i32)  : i32 {
      %mul3A_906 = arith.constant 16 : i32
      %mul3A_907 = arith.muli %scan3A_904, %mul3A_906 : i32
      %broadcast_in_dim3A = arith.constant 0.000000e+00 : f32
      %broadcast_in_dim3A_908 = vector.broadcast %broadcast_in_dim3A : f32 to vector<16xf32>
      %broadcast_in_dim3A_909 = arith.constant 0.000000e+00 : f32
      %broadcast_in_dim3A_910 = vector.broadcast %broadcast_in_dim3A_909 : f32 to vector<16xf32>
      %mul3A_911 = arith.constant 16 : i32
      %mul3A_912 = arith.muli %scan3A_904, %mul3A_911 : i32
      %add3A_913 = arith.constant 0 : i32
      %add3A_914 = arith.addi %add3A_913, %mul3A_912 : i32
      %get3A_915 = arith.index_cast %add3A_914 : i32 to index
      %get3A_916 = tpu.vector_load %arg7[%get3A_915] {strides = array<i32>} : memref<53248xf32, #tpu.memory_space<vmem>>, vector<16xf32>,
      %add3A_917 = arith.addf %broadcast_in_dim3A_908, %get3A_916 : vector<16xf32>
      %mul3A_918 = arith.constant 16 : i32
      %mul3A_919 = arith.muli %scan3A_904, %mul3A_918 : i32
      %add3A_920 = arith.constant 0 : i32
      %add3A_921 = arith.addi %add3A_920, %mul3A_919 : i32
      %get3A_922 = arith.index_cast %add3A_921 : i32 to index
      %get3A_923 = tpu.vector_load %arg8[%get3A_922] {strides = array<i32>} : memref<53248xf32, #tpu.memory_space<vmem>>, vector<16xf32>,
      %add3A_924 = arith.addf %broadcast_in_dim3A_910, %get3A_923 : vector<16xf32>
      %mul3A_925 = arith.constant 16 : i32
      %mul3A_926 = arith.muli %scan3A_904, %mul3A_925 : i32
      %add3A_927 = arith.constant 1664 : i32
      %add3A_928 = arith.addi %add3A_927, %mul3A_926 : i32
      %get3A_929 = arith.index_cast %add3A_928 : i32 to index
      %get3A_930 = tpu.vector_load %arg7[%get3A_929] {strides = array<i32>} : memref<53248xf32, #tpu.memory_space<vmem>>, vector<16xf32>,
      %add3A_931 = arith.addf %add3A_917, %get3A_930 : vector<16xf32>
      %mul3A_932 = arith.constant 16 : i32
      %mul3A_933 = arith.muli %scan3A_904, %mul3A_932 : i32
      %add3A_934 = arith.constant 1664 : i32
      %add3A_935 = arith.addi %add3A_934, %mul3A_933 : i32
      %get3A_936 = arith.index_cast %add3A_935 : i32 to index
      %get3A_937 = tpu.vector_load %arg8[%get3A_936] {strides = array<i32>} : memref<53248xf32, #tpu.memory_space<vmem>>, vector<16xf32>,
      %add3A_938 = arith.addf %add3A_924, %get3A_937 : vector<16xf32>
      %mul3A_939 = arith.constant 16 : i32
      %mul3A_940 = arith.muli %scan3A_904, %mul3A_939 : i32
      %add3A_941 = arith.constant 3328 : i32
      %add3A_942 = arith.addi %add3A_941, %mul3A_940 : i32
      %get3A_943 = arith.index_cast %add3A_942 : i32 to index
      %get3A_944 = tpu.vector_load %arg7[%get3A_943] {strides = array<i32>} : memref<53248xf32, #tpu.memory_space<vmem>>, vector<16xf32>,
      %add3A_945 = arith.addf %add3A_931, %get3A_944 : vector<16xf32>
      %mul3A_946 = arith.constant 16 : i32
      %mul3A_947 = arith.muli %scan3A_904, %mul3A_946 : i32
      %add3A_948 = arith.constant 3328 : i32
      %add3A_949 = arith.addi %add3A_948, %mul3A_947 : i32
      %get3A_950 = arith.index_cast %add3A_949 : i32 to index
      %get3A_951 = tpu.vector_load %arg8[%get3A_950] {strides = array<i32>} : memref<53248xf32, #tpu.memory_space<vmem>>, vector<16xf32>,
      %add3A_952 = arith.addf %add3A_938, %get3A_951 : vector<16xf32>
      %mul3A_953 = arith.constant 16 : i32
      %mul3A_954 = arith.muli %scan3A_904, %mul3A_953 : i32
      %add3A_955 = arith.constant 4992 : i32
      %add3A_956 = arith.addi %add3A_955, %mul3A_954 : i32
      %get3A_957 = arith.index_cast %add3A_956 : i32 to index
      %get3A_958 = tpu.vector_load %arg7[%get3A_957] {strides = array<i32>} : memref<53248xf32, #tpu.memory_space<vmem>>, vector<16xf32>,
      %add3A_959 = arith.addf %add3A_945, %get3A_958 : vector<16xf32>
      %mul3A_960 = arith.constant 16 : i32
      %mul3A_961 = arith.muli %scan3A_904, %mul3A_960 : i32
      %add3A_962 = arith.constant 4992 : i32
      %add3A_963 = arith.addi %add3A_962, %mul3A_961 : i32
      %get3A_964 = arith.index_cast %add3A_963 : i32 to index
      %get3A_965 = tpu.vector_load %arg8[%get3A_964] {strides = array<i32>} : memref<53248xf32, #tpu.memory_space<vmem>>, vector<16xf32>,
      %add3A_966 = arith.addf %add3A_952, %get3A_965 : vector<16xf32>
      %mul3A_967 = arith.constant 16 : i32
      %mul3A_968 = arith.muli %scan3A_904, %mul3A_967 : i32
      %add3A_969 = arith.constant 6656 : i32
      %add3A_970 = arith.addi %add3A_969, %mul3A_968 : i32
      %get3A_971 = arith.index_cast %add3A_970 : i32 to index
      %get3A_972 = tpu.vector_load %arg7[%get3A_971] {strides = array<i32>} : memref<53248xf32, #tpu.memory_space<vmem>>, vector<16xf32>,
      %add3A_973 = arith.addf %add3A_959, %get3A_972 : vector<16xf32>
      %mul3A_974 = arith.constant 16 : i32
      %mul3A_975 = arith.muli %scan3A_904, %mul3A_974 : i32
      %add3A_976 = arith.constant 6656 : i32
      %add3A_977 = arith.addi %add3A_976, %mul3A_975 : i32
      %get3A_978 = arith.index_cast %add3A_977 : i32 to index
      %get3A_979 = tpu.vector_load %arg8[%get3A_978] {strides = array<i32>} : memref<53248xf32, #tpu.memory_space<vmem>>, vector<16xf32>,
      %add3A_980 = arith.addf %add3A_966, %get3A_979 : vector<16xf32>
      %mul3A_981 = arith.constant 16 : i32
      %mul3A_982 = arith.muli %scan3A_904, %mul3A_981 : i32
      %add3A_983 = arith.constant 8320 : i32
      %add3A_984 = arith.addi %add3A_983, %mul3A_982 : i32
      %get3A_985 = arith.index_cast %add3A_984 : i32 to index
      %get3A_986 = tpu.vector_load %arg7[%get3A_985] {strides = array<i32>} : memref<53248xf32, #tpu.memory_space<vmem>>, vector<16xf32>,
      %add3A_987 = arith.addf %add3A_973, %get3A_986 : vector<16xf32>
      %mul3A_988 = arith.constant 16 : i32
      %mul3A_989 = arith.muli %scan3A_904, %mul3A_988 : i32
      %add3A_990 = arith.constant 8320 : i32
      %add3A_991 = arith.addi %add3A_990, %mul3A_989 : i32
      %get3A_992 = arith.index_cast %add3A_991 : i32 to index
      %get3A_993 = tpu.vector_load %arg8[%get3A_992] {strides = array<i32>} : memref<53248xf32, #tpu.memory_space<vmem>>, vector<16xf32>,
      %add3A_994 = arith.addf %add3A_980, %get3A_993 : vector<16xf32>
      %mul3A_995 = arith.constant 16 : i32
      %mul3A_996 = arith.muli %scan3A_904, %mul3A_995 : i32
      %add3A_997 = arith.constant 9984 : i32
      %add3A_998 = arith.addi %add3A_997, %mul3A_996 : i32
      %get3A_999 = arith.index_cast %add3A_998 : i32 to index
      %get3A_1000 = tpu.vector_load %arg7[%get3A_999] {strides = array<i32>} : memref<53248xf32, #tpu.memory_space<vmem>>, vector<16xf32>,
      %add3A_1001 = arith.addf %add3A_987, %get3A_1000 : vector<16xf32>
      %mul3A_1002 = arith.constant 16 : i32
      %mul3A_1003 = arith.muli %scan3A_904, %mul3A_1002 : i32
      %add3A_1004 = arith.constant 9984 : i32
      %add3A_1005 = arith.addi %add3A_1004, %mul3A_1003 : i32
      %get3A_1006 = arith.index_cast %add3A_1005 : i32 to index
      %get3A_1007 = tpu.vector_load %arg8[%get3A_1006] {strides = array<i32>} : memref<53248xf32, #tpu.memory_space<vmem>>, vector<16xf32>,
      %add3A_1008 = arith.addf %add3A_994, %get3A_1007 : vector<16xf32>
      %mul3A_1009 = arith.constant 16 : i32
      %mul3A_1010 = arith.muli %scan3A_904, %mul3A_1009 : i32
      %add3A_1011 = arith.constant 11648 : i32
      %add3A_1012 = arith.addi %add3A_1011, %mul3A_1010 : i32
      %get3A_1013 = arith.index_cast %add3A_1012 : i32 to index
      %get3A_1014 = tpu.vector_load %arg7[%get3A_1013] {strides = array<i32>} : memref<53248xf32, #tpu.memory_space<vmem>>, vector<16xf32>,
      %add3A_1015 = arith.addf %add3A_1001, %get3A_1014 : vector<16xf32>
      %mul3A_1016 = arith.constant 16 : i32
      %mul3A_1017 = arith.muli %scan3A_904, %mul3A_1016 : i32
      %add3A_1018 = arith.constant 11648 : i32
      %add3A_1019 = arith.addi %add3A_1018, %mul3A_1017 : i32
      %get3A_1020 = arith.index_cast %add3A_1019 : i32 to index
      %get3A_1021 = tpu.vector_load %arg8[%get3A_1020] {strides = array<i32>} : memref<53248xf32, #tpu.memory_space<vmem>>, vector<16xf32>,
      %add3A_1022 = arith.addf %add3A_1008, %get3A_1021 : vector<16xf32>
      %mul3A_1023 = arith.constant 16 : i32
      %mul3A_1024 = arith.muli %scan3A_904, %mul3A_1023 : i32
      %add3A_1025 = arith.constant 13312 : i32
      %add3A_1026 = arith.addi %add3A_1025, %mul3A_1024 : i32
      %get3A_1027 = arith.index_cast %add3A_1026 : i32 to index
      %get3A_1028 = tpu.vector_load %arg7[%get3A_1027] {strides = array<i32>} : memref<53248xf32, #tpu.memory_space<vmem>>, vector<16xf32>,
      %add3A_1029 = arith.addf %add3A_1015, %get3A_1028 : vector<16xf32>
      %mul3A_1030 = arith.constant 16 : i32
      %mul3A_1031 = arith.muli %scan3A_904, %mul3A_1030 : i32
      %add3A_1032 = arith.constant 13312 : i32
      %add3A_1033 = arith.addi %add3A_1032, %mul3A_1031 : i32
      %get3A_1034 = arith.index_cast %add3A_1033 : i32 to index
      %get3A_1035 = tpu.vector_load %arg8[%get3A_1034] {strides = array<i32>} : memref<53248xf32, #tpu.memory_space<vmem>>, vector<16xf32>,
      %add3A_1036 = arith.addf %add3A_1022, %get3A_1035 : vector<16xf32>
      %mul3A_1037 = arith.constant 16 : i32
      %mul3A_1038 = arith.muli %scan3A_904, %mul3A_1037 : i32
      %add3A_1039 = arith.constant 14976 : i32
      %add3A_1040 = arith.addi %add3A_1039, %mul3A_1038 : i32
      %get3A_1041 = arith.index_cast %add3A_1040 : i32 to index
      %get3A_1042 = tpu.vector_load %arg7[%get3A_1041] {strides = array<i32>} : memref<53248xf32, #tpu.memory_space<vmem>>, vector<16xf32>,
      %add3A_1043 = arith.addf %add3A_1029, %get3A_1042 : vector<16xf32>
      %mul3A_1044 = arith.constant 16 : i32
      %mul3A_1045 = arith.muli %scan3A_904, %mul3A_1044 : i32
      %add3A_1046 = arith.constant 14976 : i32
      %add3A_1047 = arith.addi %add3A_1046, %mul3A_1045 : i32
      %get3A_1048 = arith.index_cast %add3A_1047 : i32 to index
      %get3A_1049 = tpu.vector_load %arg8[%get3A_1048] {strides = array<i32>} : memref<53248xf32, #tpu.memory_space<vmem>>, vector<16xf32>,
      %add3A_1050 = arith.addf %add3A_1036, %get3A_1049 : vector<16xf32>
      %mul3A_1051 = arith.constant 16 : i32
      %mul3A_1052 = arith.muli %scan3A_904, %mul3A_1051 : i32
      %add3A_1053 = arith.constant 16640 : i32
      %add3A_1054 = arith.addi %add3A_1053, %mul3A_1052 : i32
      %get3A_1055 = arith.index_cast %add3A_1054 : i32 to index
      %get3A_1056 = tpu.vector_load %arg7[%get3A_1055] {strides = array<i32>} : memref<53248xf32, #tpu.memory_space<vmem>>, vector<16xf32>,
      %add3A_1057 = arith.addf %add3A_1043, %get3A_1056 : vector<16xf32>
      %mul3A_1058 = arith.constant 16 : i32
      %mul3A_1059 = arith.muli %scan3A_904, %mul3A_1058 : i32
      %add3A_1060 = arith.constant 16640 : i32
      %add3A_1061 = arith.addi %add3A_1060, %mul3A_1059 : i32
      %get3A_1062 = arith.index_cast %add3A_1061 : i32 to index
      %get3A_1063 = tpu.vector_load %arg8[%get3A_1062] {strides = array<i32>} : memref<53248xf32, #tpu.memory_space<vmem>>, vector<16xf32>,
      %add3A_1064 = arith.addf %add3A_1050, %get3A_1063 : vector<16xf32>
      %mul3A_1065 = arith.constant 16 : i32
      %mul3A_1066 = arith.muli %scan3A_904, %mul3A_1065 : i32
      %add3A_1067 = arith.constant 18304 : i32
      %add3A_1068 = arith.addi %add3A_1067, %mul3A_1066 : i32
      %get3A_1069 = arith.index_cast %add3A_1068 : i32 to index
      %get3A_1070 = tpu.vector_load %arg7[%get3A_1069] {strides = array<i32>} : memref<53248xf32, #tpu.memory_space<vmem>>, vector<16xf32>,
      %add3A_1071 = arith.addf %add3A_1057, %get3A_1070 : vector<16xf32>
      %mul3A_1072 = arith.constant 16 : i32
      %mul3A_1073 = arith.muli %scan3A_904, %mul3A_1072 : i32
      %add3A_1074 = arith.constant 18304 : i32
      %add3A_1075 = arith.addi %add3A_1074, %mul3A_1073 : i32
      %get3A_1076 = arith.index_cast %add3A_1075 : i32 to index
      %get3A_1077 = tpu.vector_load %arg8[%get3A_1076] {strides = array<i32>} : memref<53248xf32, #tpu.memory_space<vmem>>, vector<16xf32>,
      %add3A_1078 = arith.addf %add3A_1064, %get3A_1077 : vector<16xf32>
      %mul3A_1079 = arith.constant 16 : i32
      %mul3A_1080 = arith.muli %scan3A_904, %mul3A_1079 : i32
      %add3A_1081 = arith.constant 19968 : i32
      %add3A_1082 = arith.addi %add3A_1081, %mul3A_1080 : i32
      %get3A_1083 = arith.index_cast %add3A_1082 : i32 to index
      %get3A_1084 = tpu.vector_load %arg7[%get3A_1083] {strides = array<i32>} : memref<53248xf32, #tpu.memory_space<vmem>>, vector<16xf32>,
      %add3A_1085 = arith.addf %add3A_1071, %get3A_1084 : vector<16xf32>
      %mul3A_1086 = arith.constant 16 : i32
      %mul3A_1087 = arith.muli %scan3A_904, %mul3A_1086 : i32
      %add3A_1088 = arith.constant 19968 : i32
      %add3A_1089 = arith.addi %add3A_1088, %mul3A_1087 : i32
      %get3A_1090 = arith.index_cast %add3A_1089 : i32 to index
      %get3A_1091 = tpu.vector_load %arg8[%get3A_1090] {strides = array<i32>} : memref<53248xf32, #tpu.memory_space<vmem>>, vector<16xf32>,
      %add3A_1092 = arith.addf %add3A_1078, %get3A_1091 : vector<16xf32>
      %mul3A_1093 = arith.constant 16 : i32
      %mul3A_1094 = arith.muli %scan3A_904, %mul3A_1093 : i32
      %add3A_1095 = arith.constant 21632 : i32
      %add3A_1096 = arith.addi %add3A_1095, %mul3A_1094 : i32
      %get3A_1097 = arith.index_cast %add3A_1096 : i32 to index
      %get3A_1098 = tpu.vector_load %arg7[%get3A_1097] {strides = array<i32>} : memref<53248xf32, #tpu.memory_space<vmem>>, vector<16xf32>,
      %add3A_1099 = arith.addf %add3A_1085, %get3A_1098 : vector<16xf32>
      %mul3A_1100 = arith.constant 16 : i32
      %mul3A_1101 = arith.muli %scan3A_904, %mul3A_1100 : i32
      %add3A_1102 = arith.constant 21632 : i32
      %add3A_1103 = arith.addi %add3A_1102, %mul3A_1101 : i32
      %get3A_1104 = arith.index_cast %add3A_1103 : i32 to index
      %get3A_1105 = tpu.vector_load %arg8[%get3A_1104] {strides = array<i32>} : memref<53248xf32, #tpu.memory_space<vmem>>, vector<16xf32>,
      %add3A_1106 = arith.addf %add3A_1092, %get3A_1105 : vector<16xf32>
      %mul3A_1107 = arith.constant 16 : i32
      %mul3A_1108 = arith.muli %scan3A_904, %mul3A_1107 : i32
      %add3A_1109 = arith.constant 23296 : i32
      %add3A_1110 = arith.addi %add3A_1109, %mul3A_1108 : i32
      %get3A_1111 = arith.index_cast %add3A_1110 : i32 to index
      %get3A_1112 = tpu.vector_load %arg7[%get3A_1111] {strides = array<i32>} : memref<53248xf32, #tpu.memory_space<vmem>>, vector<16xf32>,
      %add3A_1113 = arith.addf %add3A_1099, %get3A_1112 : vector<16xf32>
      %mul3A_1114 = arith.constant 16 : i32
      %mul3A_1115 = arith.muli %scan3A_904, %mul3A_1114 : i32
      %add3A_1116 = arith.constant 23296 : i32
      %add3A_1117 = arith.addi %add3A_1116, %mul3A_1115 : i32
      %get3A_1118 = arith.index_cast %add3A_1117 : i32 to index
      %get3A_1119 = tpu.vector_load %arg8[%get3A_1118] {strides = array<i32>} : memref<53248xf32, #tpu.memory_space<vmem>>, vector<16xf32>,
      %add3A_1120 = arith.addf %add3A_1106, %get3A_1119 : vector<16xf32>
      %mul3A_1121 = arith.constant 16 : i32
      %mul3A_1122 = arith.muli %scan3A_904, %mul3A_1121 : i32
      %add3A_1123 = arith.constant 24960 : i32
      %add3A_1124 = arith.addi %add3A_1123, %mul3A_1122 : i32
      %get3A_1125 = arith.index_cast %add3A_1124 : i32 to index
      %get3A_1126 = tpu.vector_load %arg7[%get3A_1125] {strides = array<i32>} : memref<53248xf32, #tpu.memory_space<vmem>>, vector<16xf32>,
      %add3A_1127 = arith.addf %add3A_1113, %get3A_1126 : vector<16xf32>
      %mul3A_1128 = arith.constant 16 : i32
      %mul3A_1129 = arith.muli %scan3A_904, %mul3A_1128 : i32
      %add3A_1130 = arith.constant 24960 : i32
      %add3A_1131 = arith.addi %add3A_1130, %mul3A_1129 : i32
      %get3A_1132 = arith.index_cast %add3A_1131 : i32 to index
      %get3A_1133 = tpu.vector_load %arg8[%get3A_1132] {strides = array<i32>} : memref<53248xf32, #tpu.memory_space<vmem>>, vector<16xf32>,
      %add3A_1134 = arith.addf %add3A_1120, %get3A_1133 : vector<16xf32>
      %mul3A_1135 = arith.constant 16 : i32
      %mul3A_1136 = arith.muli %scan3A_904, %mul3A_1135 : i32
      %add3A_1137 = arith.constant 26624 : i32
      %add3A_1138 = arith.addi %add3A_1137, %mul3A_1136 : i32
      %get3A_1139 = arith.index_cast %add3A_1138 : i32 to index
      %get3A_1140 = tpu.vector_load %arg7[%get3A_1139] {strides = array<i32>} : memref<53248xf32, #tpu.memory_space<vmem>>, vector<16xf32>,
      %add3A_1141 = arith.addf %add3A_1127, %get3A_1140 : vector<16xf32>
      %mul3A_1142 = arith.constant 16 : i32
      %mul3A_1143 = arith.muli %scan3A_904, %mul3A_1142 : i32
      %add3A_1144 = arith.constant 26624 : i32
      %add3A_1145 = arith.addi %add3A_1144, %mul3A_1143 : i32
      %get3A_1146 = arith.index_cast %add3A_1145 : i32 to index
      %get3A_1147 = tpu.vector_load %arg8[%get3A_1146] {strides = array<i32>} : memref<53248xf32, #tpu.memory_space<vmem>>, vector<16xf32>,
      %add3A_1148 = arith.addf %add3A_1134, %get3A_1147 : vector<16xf32>
      %mul3A_1149 = arith.constant 16 : i32
      %mul3A_1150 = arith.muli %scan3A_904, %mul3A_1149 : i32
      %add3A_1151 = arith.constant 28288 : i32
      %add3A_1152 = arith.addi %add3A_1151, %mul3A_1150 : i32
      %get3A_1153 = arith.index_cast %add3A_1152 : i32 to index
      %get3A_1154 = tpu.vector_load %arg7[%get3A_1153] {strides = array<i32>} : memref<53248xf32, #tpu.memory_space<vmem>>, vector<16xf32>,
      %add3A_1155 = arith.addf %add3A_1141, %get3A_1154 : vector<16xf32>
      %mul3A_1156 = arith.constant 16 : i32
      %mul3A_1157 = arith.muli %scan3A_904, %mul3A_1156 : i32
      %add3A_1158 = arith.constant 28288 : i32
      %add3A_1159 = arith.addi %add3A_1158, %mul3A_1157 : i32
      %get3A_1160 = arith.index_cast %add3A_1159 : i32 to index
      %get3A_1161 = tpu.vector_load %arg8[%get3A_1160] {strides = array<i32>} : memref<53248xf32, #tpu.memory_space<vmem>>, vector<16xf32>,
      %add3A_1162 = arith.addf %add3A_1148, %get3A_1161 : vector<16xf32>
      %mul3A_1163 = arith.constant 16 : i32
      %mul3A_1164 = arith.muli %scan3A_904, %mul3A_1163 : i32
      %add3A_1165 = arith.constant 29952 : i32
      %add3A_1166 = arith.addi %add3A_1165, %mul3A_1164 : i32
      %get3A_1167 = arith.index_cast %add3A_1166 : i32 to index
      %get3A_1168 = tpu.vector_load %arg7[%get3A_1167] {strides = array<i32>} : memref<53248xf32, #tpu.memory_space<vmem>>, vector<16xf32>,
      %add3A_1169 = arith.addf %add3A_1155, %get3A_1168 : vector<16xf32>
      %mul3A_1170 = arith.constant 16 : i32
      %mul3A_1171 = arith.muli %scan3A_904, %mul3A_1170 : i32
      %add3A_1172 = arith.constant 29952 : i32
      %add3A_1173 = arith.addi %add3A_1172, %mul3A_1171 : i32
      %get3A_1174 = arith.index_cast %add3A_1173 : i32 to index
      %get3A_1175 = tpu.vector_load %arg8[%get3A_1174] {strides = array<i32>} : memref<53248xf32, #tpu.memory_space<vmem>>, vector<16xf32>,
      %add3A_1176 = arith.addf %add3A_1162, %get3A_1175 : vector<16xf32>
      %mul3A_1177 = arith.constant 16 : i32
      %mul3A_1178 = arith.muli %scan3A_904, %mul3A_1177 : i32
      %add3A_1179 = arith.constant 31616 : i32
      %add3A_1180 = arith.addi %add3A_1179, %mul3A_1178 : i32
      %get3A_1181 = arith.index_cast %add3A_1180 : i32 to index
      %get3A_1182 = tpu.vector_load %arg7[%get3A_1181] {strides = array<i32>} : memref<53248xf32, #tpu.memory_space<vmem>>, vector<16xf32>,
      %add3A_1183 = arith.addf %add3A_1169, %get3A_1182 : vector<16xf32>
      %mul3A_1184 = arith.constant 16 : i32
      %mul3A_1185 = arith.muli %scan3A_904, %mul3A_1184 : i32
      %add3A_1186 = arith.constant 31616 : i32
      %add3A_1187 = arith.addi %add3A_1186, %mul3A_1185 : i32
      %get3A_1188 = arith.index_cast %add3A_1187 : i32 to index
      %get3A_1189 = tpu.vector_load %arg8[%get3A_1188] {strides = array<i32>} : memref<53248xf32, #tpu.memory_space<vmem>>, vector<16xf32>,
      %add3A_1190 = arith.addf %add3A_1176, %get3A_1189 : vector<16xf32>
      %mul3A_1191 = arith.constant 16 : i32
      %mul3A_1192 = arith.muli %scan3A_904, %mul3A_1191 : i32
      %add3A_1193 = arith.constant 33280 : i32
      %add3A_1194 = arith.addi %add3A_1193, %mul3A_1192 : i32
      %get3A_1195 = arith.index_cast %add3A_1194 : i32 to index
      %get3A_1196 = tpu.vector_load %arg7[%get3A_1195] {strides = array<i32>} : memref<53248xf32, #tpu.memory_space<vmem>>, vector<16xf32>,
      %add3A_1197 = arith.addf %add3A_1183, %get3A_1196 : vector<16xf32>
      %mul3A_1198 = arith.constant 16 : i32
      %mul3A_1199 = arith.muli %scan3A_904, %mul3A_1198 : i32
      %add3A_1200 = arith.constant 33280 : i32
      %add3A_1201 = arith.addi %add3A_1200, %mul3A_1199 : i32
      %get3A_1202 = arith.index_cast %add3A_1201 : i32 to index
      %get3A_1203 = tpu.vector_load %arg8[%get3A_1202] {strides = array<i32>} : memref<53248xf32, #tpu.memory_space<vmem>>, vector<16xf32>,
      %add3A_1204 = arith.addf %add3A_1190, %get3A_1203 : vector<16xf32>
      %mul3A_1205 = arith.constant 16 : i32
      %mul3A_1206 = arith.muli %scan3A_904, %mul3A_1205 : i32
      %add3A_1207 = arith.constant 34944 : i32
      %add3A_1208 = arith.addi %add3A_1207, %mul3A_1206 : i32
      %get3A_1209 = arith.index_cast %add3A_1208 : i32 to index
      %get3A_1210 = tpu.vector_load %arg7[%get3A_1209] {strides = array<i32>} : memref<53248xf32, #tpu.memory_space<vmem>>, vector<16xf32>,
      %add3A_1211 = arith.addf %add3A_1197, %get3A_1210 : vector<16xf32>
      %mul3A_1212 = arith.constant 16 : i32
      %mul3A_1213 = arith.muli %scan3A_904, %mul3A_1212 : i32
      %add3A_1214 = arith.constant 34944 : i32
      %add3A_1215 = arith.addi %add3A_1214, %mul3A_1213 : i32
      %get3A_1216 = arith.index_cast %add3A_1215 : i32 to index
      %get3A_1217 = tpu.vector_load %arg8[%get3A_1216] {strides = array<i32>} : memref<53248xf32, #tpu.memory_space<vmem>>, vector<16xf32>,
      %add3A_1218 = arith.addf %add3A_1204, %get3A_1217 : vector<16xf32>
      %mul3A_1219 = arith.constant 16 : i32
      %mul3A_1220 = arith.muli %scan3A_904, %mul3A_1219 : i32
      %add3A_1221 = arith.constant 36608 : i32
      %add3A_1222 = arith.addi %add3A_1221, %mul3A_1220 : i32
      %get3A_1223 = arith.index_cast %add3A_1222 : i32 to index
      %get3A_1224 = tpu.vector_load %arg7[%get3A_1223] {strides = array<i32>} : memref<53248xf32, #tpu.memory_space<vmem>>, vector<16xf32>,
      %add3A_1225 = arith.addf %add3A_1211, %get3A_1224 : vector<16xf32>
      %mul3A_1226 = arith.constant 16 : i32
      %mul3A_1227 = arith.muli %scan3A_904, %mul3A_1226 : i32
      %add3A_1228 = arith.constant 36608 : i32
      %add3A_1229 = arith.addi %add3A_1228, %mul3A_1227 : i32
      %get3A_1230 = arith.index_cast %add3A_1229 : i32 to index
      %get3A_1231 = tpu.vector_load %arg8[%get3A_1230] {strides = array<i32>} : memref<53248xf32, #tpu.memory_space<vmem>>, vector<16xf32>,
      %add3A_1232 = arith.addf %add3A_1218, %get3A_1231 : vector<16xf32>
      %mul3A_1233 = arith.constant 16 : i32
      %mul3A_1234 = arith.muli %scan3A_904, %mul3A_1233 : i32
      %add3A_1235 = arith.constant 38272 : i32
      %add3A_1236 = arith.addi %add3A_1235, %mul3A_1234 : i32
      %get3A_1237 = arith.index_cast %add3A_1236 : i32 to index
      %get3A_1238 = tpu.vector_load %arg7[%get3A_1237] {strides = array<i32>} : memref<53248xf32, #tpu.memory_space<vmem>>, vector<16xf32>,
      %add3A_1239 = arith.addf %add3A_1225, %get3A_1238 : vector<16xf32>
      %mul3A_1240 = arith.constant 16 : i32
      %mul3A_1241 = arith.muli %scan3A_904, %mul3A_1240 : i32
      %add3A_1242 = arith.constant 38272 : i32
      %add3A_1243 = arith.addi %add3A_1242, %mul3A_1241 : i32
      %get3A_1244 = arith.index_cast %add3A_1243 : i32 to index
      %get3A_1245 = tpu.vector_load %arg8[%get3A_1244] {strides = array<i32>} : memref<53248xf32, #tpu.memory_space<vmem>>, vector<16xf32>,
      %add3A_1246 = arith.addf %add3A_1232, %get3A_1245 : vector<16xf32>
      %mul3A_1247 = arith.constant 16 : i32
      %mul3A_1248 = arith.muli %scan3A_904, %mul3A_1247 : i32
      %add3A_1249 = arith.constant 39936 : i32
      %add3A_1250 = arith.addi %add3A_1249, %mul3A_1248 : i32
      %get3A_1251 = arith.index_cast %add3A_1250 : i32 to index
      %get3A_1252 = tpu.vector_load %arg7[%get3A_1251] {strides = array<i32>} : memref<53248xf32, #tpu.memory_space<vmem>>, vector<16xf32>,
      %add3A_1253 = arith.addf %add3A_1239, %get3A_1252 : vector<16xf32>
      %mul3A_1254 = arith.constant 16 : i32
      %mul3A_1255 = arith.muli %scan3A_904, %mul3A_1254 : i32
      %add3A_1256 = arith.constant 39936 : i32
      %add3A_1257 = arith.addi %add3A_1256, %mul3A_1255 : i32
      %get3A_1258 = arith.index_cast %add3A_1257 : i32 to index
      %get3A_1259 = tpu.vector_load %arg8[%get3A_1258] {strides = array<i32>} : memref<53248xf32, #tpu.memory_space<vmem>>, vector<16xf32>,
      %add3A_1260 = arith.addf %add3A_1246, %get3A_1259 : vector<16xf32>
      %mul3A_1261 = arith.constant 16 : i32
      %mul3A_1262 = arith.muli %scan3A_904, %mul3A_1261 : i32
      %add3A_1263 = arith.constant 41600 : i32
      %add3A_1264 = arith.addi %add3A_1263, %mul3A_1262 : i32
      %get3A_1265 = arith.index_cast %add3A_1264 : i32 to index
      %get3A_1266 = tpu.vector_load %arg7[%get3A_1265] {strides = array<i32>} : memref<53248xf32, #tpu.memory_space<vmem>>, vector<16xf32>,
      %add3A_1267 = arith.addf %add3A_1253, %get3A_1266 : vector<16xf32>
      %mul3A_1268 = arith.constant 16 : i32
      %mul3A_1269 = arith.muli %scan3A_904, %mul3A_1268 : i32
      %add3A_1270 = arith.constant 41600 : i32
      %add3A_1271 = arith.addi %add3A_1270, %mul3A_1269 : i32
      %get3A_1272 = arith.index_cast %add3A_1271 : i32 to index
      %get3A_1273 = tpu.vector_load %arg8[%get3A_1272] {strides = array<i32>} : memref<53248xf32, #tpu.memory_space<vmem>>, vector<16xf32>,
      %add3A_1274 = arith.addf %add3A_1260, %get3A_1273 : vector<16xf32>
      %mul3A_1275 = arith.constant 16 : i32
      %mul3A_1276 = arith.muli %scan3A_904, %mul3A_1275 : i32
      %add3A_1277 = arith.constant 43264 : i32
      %add3A_1278 = arith.addi %add3A_1277, %mul3A_1276 : i32
      %get3A_1279 = arith.index_cast %add3A_1278 : i32 to index
      %get3A_1280 = tpu.vector_load %arg7[%get3A_1279] {strides = array<i32>} : memref<53248xf32, #tpu.memory_space<vmem>>, vector<16xf32>,
      %add3A_1281 = arith.addf %add3A_1267, %get3A_1280 : vector<16xf32>
      %mul3A_1282 = arith.constant 16 : i32
      %mul3A_1283 = arith.muli %scan3A_904, %mul3A_1282 : i32
      %add3A_1284 = arith.constant 43264 : i32
      %add3A_1285 = arith.addi %add3A_1284, %mul3A_1283 : i32
      %get3A_1286 = arith.index_cast %add3A_1285 : i32 to index
      %get3A_1287 = tpu.vector_load %arg8[%get3A_1286] {strides = array<i32>} : memref<53248xf32, #tpu.memory_space<vmem>>, vector<16xf32>,
      %add3A_1288 = arith.addf %add3A_1274, %get3A_1287 : vector<16xf32>
      %mul3A_1289 = arith.constant 16 : i32
      %mul3A_1290 = arith.muli %scan3A_904, %mul3A_1289 : i32
      %add3A_1291 = arith.constant 44928 : i32
      %add3A_1292 = arith.addi %add3A_1291, %mul3A_1290 : i32
      %get3A_1293 = arith.index_cast %add3A_1292 : i32 to index
      %get3A_1294 = tpu.vector_load %arg7[%get3A_1293] {strides = array<i32>} : memref<53248xf32, #tpu.memory_space<vmem>>, vector<16xf32>,
      %add3A_1295 = arith.addf %add3A_1281, %get3A_1294 : vector<16xf32>
      %mul3A_1296 = arith.constant 16 : i32
      %mul3A_1297 = arith.muli %scan3A_904, %mul3A_1296 : i32
      %add3A_1298 = arith.constant 44928 : i32
      %add3A_1299 = arith.addi %add3A_1298, %mul3A_1297 : i32
      %get3A_1300 = arith.index_cast %add3A_1299 : i32 to index
      %get3A_1301 = tpu.vector_load %arg8[%get3A_1300] {strides = array<i32>} : memref<53248xf32, #tpu.memory_space<vmem>>, vector<16xf32>,
      %add3A_1302 = arith.addf %add3A_1288, %get3A_1301 : vector<16xf32>
      %mul3A_1303 = arith.constant 16 : i32
      %mul3A_1304 = arith.muli %scan3A_904, %mul3A_1303 : i32
      %add3A_1305 = arith.constant 46592 : i32
      %add3A_1306 = arith.addi %add3A_1305, %mul3A_1304 : i32
      %get3A_1307 = arith.index_cast %add3A_1306 : i32 to index
      %get3A_1308 = tpu.vector_load %arg7[%get3A_1307] {strides = array<i32>} : memref<53248xf32, #tpu.memory_space<vmem>>, vector<16xf32>,
      %add3A_1309 = arith.addf %add3A_1295, %get3A_1308 : vector<16xf32>
      %mul3A_1310 = arith.constant 16 : i32
      %mul3A_1311 = arith.muli %scan3A_904, %mul3A_1310 : i32
      %add3A_1312 = arith.constant 46592 : i32
      %add3A_1313 = arith.addi %add3A_1312, %mul3A_1311 : i32
      %get3A_1314 = arith.index_cast %add3A_1313 : i32 to index
      %get3A_1315 = tpu.vector_load %arg8[%get3A_1314] {strides = array<i32>} : memref<53248xf32, #tpu.memory_space<vmem>>, vector<16xf32>,
      %add3A_1316 = arith.addf %add3A_1302, %get3A_1315 : vector<16xf32>
      %mul3A_1317 = arith.constant 16 : i32
      %mul3A_1318 = arith.muli %scan3A_904, %mul3A_1317 : i32
      %add3A_1319 = arith.constant 48256 : i32
      %add3A_1320 = arith.addi %add3A_1319, %mul3A_1318 : i32
      %get3A_1321 = arith.index_cast %add3A_1320 : i32 to index
      %get3A_1322 = tpu.vector_load %arg7[%get3A_1321] {strides = array<i32>} : memref<53248xf32, #tpu.memory_space<vmem>>, vector<16xf32>,
      %add3A_1323 = arith.addf %add3A_1309, %get3A_1322 : vector<16xf32>
      %mul3A_1324 = arith.constant 16 : i32
      %mul3A_1325 = arith.muli %scan3A_904, %mul3A_1324 : i32
      %add3A_1326 = arith.constant 48256 : i32
      %add3A_1327 = arith.addi %add3A_1326, %mul3A_1325 : i32
      %get3A_1328 = arith.index_cast %add3A_1327 : i32 to index
      %get3A_1329 = tpu.vector_load %arg8[%get3A_1328] {strides = array<i32>} : memref<53248xf32, #tpu.memory_space<vmem>>, vector<16xf32>,
      %add3A_1330 = arith.addf %add3A_1316, %get3A_1329 : vector<16xf32>
      %mul3A_1331 = arith.constant 16 : i32
      %mul3A_1332 = arith.muli %scan3A_904, %mul3A_1331 : i32
      %add3A_1333 = arith.constant 49920 : i32
      %add3A_1334 = arith.addi %add3A_1333, %mul3A_1332 : i32
      %get3A_1335 = arith.index_cast %add3A_1334 : i32 to index
      %get3A_1336 = tpu.vector_load %arg7[%get3A_1335] {strides = array<i32>} : memref<53248xf32, #tpu.memory_space<vmem>>, vector<16xf32>,
      %add3A_1337 = arith.addf %add3A_1323, %get3A_1336 : vector<16xf32>
      %mul3A_1338 = arith.constant 16 : i32
      %mul3A_1339 = arith.muli %scan3A_904, %mul3A_1338 : i32
      %add3A_1340 = arith.constant 49920 : i32
      %add3A_1341 = arith.addi %add3A_1340, %mul3A_1339 : i32
      %get3A_1342 = arith.index_cast %add3A_1341 : i32 to index
      %get3A_1343 = tpu.vector_load %arg8[%get3A_1342] {strides = array<i32>} : memref<53248xf32, #tpu.memory_space<vmem>>, vector<16xf32>,
      %add3A_1344 = arith.addf %add3A_1330, %get3A_1343 : vector<16xf32>
      %mul3A_1345 = arith.constant 16 : i32
      %mul3A_1346 = arith.muli %scan3A_904, %mul3A_1345 : i32
      %add3A_1347 = arith.constant 51584 : i32
      %add3A_1348 = arith.addi %add3A_1347, %mul3A_1346 : i32
      %get3A_1349 = arith.index_cast %add3A_1348 : i32 to index
      %get3A_1350 = tpu.vector_load %arg7[%get3A_1349] {strides = array<i32>} : memref<53248xf32, #tpu.memory_space<vmem>>, vector<16xf32>,
      %add3A_1351 = arith.addf %add3A_1337, %get3A_1350 : vector<16xf32>
      %mul3A_1352 = arith.constant 16 : i32
      %mul3A_1353 = arith.muli %scan3A_904, %mul3A_1352 : i32
      %add3A_1354 = arith.constant 51584 : i32
      %add3A_1355 = arith.addi %add3A_1354, %mul3A_1353 : i32
      %get3A_1356 = arith.index_cast %add3A_1355 : i32 to index
      %get3A_1357 = tpu.vector_load %arg8[%get3A_1356] {strides = array<i32>} : memref<53248xf32, #tpu.memory_space<vmem>>, vector<16xf32>,
      %add3A_1358 = arith.addf %add3A_1344, %get3A_1357 : vector<16xf32>
      %get3A_1359 = arith.index_cast %mul3A_907 : i32 to index
      %get3A_1360 = tpu.vector_load %arg9[%get3A_1359] {strides = array<i32>} : memref<1664xf32, #tpu.memory_space<vmem>>, vector<16xf32>,
      %add3A_1361 = arith.addf %get3A_1360, %add3A_1358 : vector<16xf32>
      %add3A_1362 = arith.addf %add3A_1351, %get3A_3 : vector<16xf32>
      %div3A = arith.divf %add3A_1361, %add3A_1362 : vector<16xf32>
      %swap3A = arith.index_cast %mul3A_907 : i32 to index
      %swap3A_1363 = tpu.vector_load %arg10[%swap3A] {strides = array<i32>} : memref<1664xf32, #tpu.memory_space<vmem>>, vector<16xf32>,
      tpu.vector_store %arg10[%swap3A], %div3A {strides = array<i32>} : memref<1664xf32, #tpu.memory_space<vmem>>, vector<16xf32>,
      %scan3A_1364 = arith.constant 0 : i32
      scf.yield %scan3A_1364 : i32
    }
    %scan3A_903 = arith.constant 104 : i32
    "tpu.region"() ({
      %run_scoped3A = tpu.sem_alloc : memref<!tpu.dma_semaphore, #tpu.memory_space<semaphore_mem>>
      %dma_start3A_904 = tpu.memref_slice %arg6[%mul3A_2] : memref<53248xf32, #tpu.memory_space<hbm>> -> memref<1664xf32, #tpu.memory_space<hbm>>
      %dma_start3A_905 = tpu.memref_slice %arg6[%mul3A_2] : memref<53248xf32, #tpu.memory_space<hbm>> -> memref<1664xf32, #tpu.memory_space<hbm>>
      tpu.enqueue_dma source(%arg10 : memref<1664xf32, #tpu.memory_space<vmem>>) target(%dma_start3A_905 : memref<1664xf32, #tpu.memory_space<hbm>>) target_semaphore(%run_scoped3A : memref<!tpu.dma_semaphore, #tpu.memory_space<semaphore_mem>>)
      %dma_wait3A_906 = tpu.memref_slice %arg6[%mul3A_2] : memref<53248xf32, #tpu.memory_space<hbm>> -> memref<1664xf32, #tpu.memory_space<hbm>>
      %dma_wait3A_907 = tpu.memref_slice %arg6[%mul3A_2] : memref<53248xf32, #tpu.memory_space<hbm>> -> memref<1664xf32, #tpu.memory_space<hbm>>
      tpu.wait_dma2 semaphore(%run_scoped3A : memref<!tpu.dma_semaphore, #tpu.memory_space<semaphore_mem>>) src(%arg10 : memref<1664xf32, #tpu.memory_space<vmem>>) dst(%dma_wait3A_907 : memref<1664xf32, #tpu.memory_space<hbm>>)
      tpu.yield
    }) : () -> ()
    return
  }
}

#map = affine_map<(d0, d1) -> (0)>
module attributes {stable_mosaic.version = 14 : i64} {
  func.func @_k1_body(%arg0: i32, %arg1: i32, %arg2: memref<12800000xf32, #tpu.memory_space<hbm>>, %arg3: memref<6400000xi32, #tpu.memory_space<hbm>>, %arg4: memref<16xf32, #tpu.memory_space<hbm>>, %arg5: memref<1703936xf32, #tpu.memory_space<hbm>>, %arg6: memref<1703936xf32, #tpu.memory_space<hbm>>, %arg7: memref<8192xf32, #tpu.memory_space<vmem>>, %arg8: memref<4096xi32, #tpu.memory_space<vmem>>, %arg9: memref<16xf32, #tpu.memory_space<vmem>>, %arg10: memref<53248xf32, #tpu.memory_space<vmem>>, %arg11: memref<53248xf32, #tpu.memory_space<vmem>>, %arg12: memref<!tpu.dma_semaphore, #tpu.memory_space<semaphore_mem>>, %arg13: memref<!tpu.dma_semaphore, #tpu.memory_space<semaphore_mem>>) attributes {dimension_semantics = [#tpu.dimension_semantics<core_parallel>, #tpu.dimension_semantics<subcore_parallel>], iteration_bounds = array<i64: 2, 16>, scalar_prefetch = 0 : i64, scratch_operands = 7 : i64, tpu.core_type = #tpu.core_type<sc_vector_subcore>, window_params = [{transform_indices = #map}, {transform_indices = #map}, {transform_indices = #map}, {transform_indices = #map}, {transform_indices = #map}]} {
    %mul3A = arith.constant 2 : i32
    %mul3A_0 = arith.muli %arg1, %mul3A : i32
    %add3A = arith.addi %mul3A_0, %arg0 : i32
    %mul3A_1 = arith.constant 97 : i32
    %mul3A_2 = arith.muli %mul3A_1, %add3A : i32
    %min3A = arith.constant 21 : i32
    %min3A_3 = arith.minsi %add3A, %min3A : i32
    %add3A_4 = arith.addi %mul3A_2, %min3A_3 : i32
    %lt3A = arith.constant 21 : i32
    %lt3A_5 = arith.cmpi slt, %add3A, %lt3A : i32
    %jit3A = arith.constant 1 : i32
    %jit3A_6 = arith.constant 0 : i32
    %select_n3A = arith.select %lt3A_5, %jit3A, %jit3A_6 : i32
    %add3A_7 = arith.constant 97 : i32
    %add3A_8 = arith.addi %add3A_7, %select_n3A : i32
    "tpu.region"() ({
      %run_scoped3A = tpu.sem_alloc : memref<!tpu.dma_semaphore, #tpu.memory_space<semaphore_mem>>
      tpu.enqueue_dma source(%arg4 : memref<16xf32, #tpu.memory_space<hbm>>) target(%arg9 : memref<16xf32, #tpu.memory_space<vmem>>) target_semaphore(%run_scoped3A : memref<!tpu.dma_semaphore, #tpu.memory_space<semaphore_mem>>)
      tpu.wait_dma2 semaphore(%run_scoped3A : memref<!tpu.dma_semaphore, #tpu.memory_space<semaphore_mem>>) src(%arg4 : memref<16xf32, #tpu.memory_space<hbm>>) dst(%arg9 : memref<16xf32, #tpu.memory_space<vmem>>)
      tpu.yield
    }) : () -> ()
    %get3A = arith.constant 0 : index
    %get3A_9 = tpu.vector_load %arg9[%get3A] {strides = array<i32>} : memref<16xf32, #tpu.memory_space<vmem>>, vector<16xf32>,
    %parallel_loop3A = arith.constant 0 : i32
    %parallel_loop3A_10 = arith.constant 3328 : i32
    %parallel_loop3A_11 = arith.constant 1 : i32
    scf.for %parallel_loop3A_108 = %parallel_loop3A to %parallel_loop3A_10 step %parallel_loop3A_11  : i32 {
      %parallel_loop3A_109 = arith.constant 0.000000e+00 : f32
      %parallel_loop3A_110 = vector.broadcast %parallel_loop3A_109 : f32 to vector<16xf32>
      %parallel_loop3A_111 = arith.constant 16 : i32
      %parallel_loop3A_112 = arith.muli %parallel_loop3A_108, %parallel_loop3A_111 : i32
      %parallel_loop3A_113 = arith.index_cast %parallel_loop3A_112 : i32 to index
      %parallel_loop3A_114 = tpu.vector_load %arg10[%parallel_loop3A_113] {strides = array<i32>} : memref<53248xf32, #tpu.memory_space<vmem>>, vector<16xf32>,
      tpu.vector_store %arg10[%parallel_loop3A_113], %parallel_loop3A_110 {strides = array<i32>} : memref<53248xf32, #tpu.memory_space<vmem>>, vector<16xf32>,
      %parallel_loop3A_115 = arith.constant 16 : i32
      %parallel_loop3A_116 = arith.muli %parallel_loop3A_108, %parallel_loop3A_115 : i32
      %parallel_loop3A_117 = arith.index_cast %parallel_loop3A_116 : i32 to index
      %parallel_loop3A_118 = tpu.vector_load %arg11[%parallel_loop3A_117] {strides = array<i32>} : memref<53248xf32, #tpu.memory_space<vmem>>, vector<16xf32>,
      tpu.vector_store %arg11[%parallel_loop3A_117], %parallel_loop3A_110 {strides = array<i32>} : memref<53248xf32, #tpu.memory_space<vmem>>, vector<16xf32>,
    } {sc.loop_unroll_factor = 4 : i64, sc.parallel_access}
    %sub3A = arith.constant 1 : i32
    %sub3A_12 = arith.subi %add3A_8, %sub3A : i32
    %min3A_13 = arith.constant 0 : i32
    %min3A_14 = arith.minsi %min3A_13, %sub3A_12 : i32
    %add3A_15 = arith.addi %add3A_4, %min3A_14 : i32
    %mul3A_16 = arith.constant 2048 : i32
    %mul3A_17 = arith.muli %add3A_15, %mul3A_16 : i32
    %mul3A_18 = arith.constant 2 : i32
    %mul3A_19 = arith.muli %mul3A_17, %mul3A_18 : i32
    %dma_start3A = arith.constant 0 : i32
    %dma_start3A_20 = tpu.memref_slice %arg7[%dma_start3A] : memref<8192xf32, #tpu.memory_space<vmem>> -> memref<4096xf32, #tpu.memory_space<vmem>>
    %dma_start3A_21 = tpu.memref_slice %arg2[%mul3A_19] : memref<12800000xf32, #tpu.memory_space<hbm>> -> memref<4096xf32, #tpu.memory_space<hbm>>
    %dma_start3A_22 = arith.constant 0 : i32
    %dma_start3A_23 = tpu.memref_slice %arg7[%dma_start3A_22] : memref<8192xf32, #tpu.memory_space<vmem>> -> memref<4096xf32, #tpu.memory_space<vmem>>
    %dma_start3A_24 = tpu.memref_slice %arg2[%mul3A_19] : memref<12800000xf32, #tpu.memory_space<hbm>> -> memref<4096xf32, #tpu.memory_space<hbm>>
    tpu.enqueue_dma source(%dma_start3A_24 : memref<4096xf32, #tpu.memory_space<hbm>>) target(%dma_start3A_23 : memref<4096xf32, #tpu.memory_space<vmem>>) target_semaphore(%arg12 : memref<!tpu.dma_semaphore, #tpu.memory_space<semaphore_mem>>)
    %dma_start3A_25 = arith.constant 0 : i32
    %dma_start3A_26 = tpu.memref_slice %arg8[%dma_start3A_25] : memref<4096xi32, #tpu.memory_space<vmem>> -> memref<2048xi32, #tpu.memory_space<vmem>>
    %dma_start3A_27 = tpu.memref_slice %arg3[%mul3A_17] : memref<6400000xi32, #tpu.memory_space<hbm>> -> memref<2048xi32, #tpu.memory_space<hbm>>
    %dma_start3A_28 = arith.constant 0 : i32
    %dma_start3A_29 = tpu.memref_slice %arg8[%dma_start3A_28] : memref<4096xi32, #tpu.memory_space<vmem>> -> memref<2048xi32, #tpu.memory_space<vmem>>
    %dma_start3A_30 = tpu.memref_slice %arg3[%mul3A_17] : memref<6400000xi32, #tpu.memory_space<hbm>> -> memref<2048xi32, #tpu.memory_space<hbm>>
    tpu.enqueue_dma source(%dma_start3A_30 : memref<2048xi32, #tpu.memory_space<hbm>>) target(%dma_start3A_29 : memref<2048xi32, #tpu.memory_space<vmem>>) target_semaphore(%arg12 : memref<!tpu.dma_semaphore, #tpu.memory_space<semaphore_mem>>)
    %sub3A_31 = arith.constant 1 : i32
    %sub3A_32 = arith.subi %add3A_8, %sub3A_31 : i32
    %min3A_33 = arith.constant 1 : i32
    %min3A_34 = arith.minsi %min3A_33, %sub3A_32 : i32
    %add3A_35 = arith.addi %add3A_4, %min3A_34 : i32
    %mul3A_36 = arith.constant 2048 : i32
    %mul3A_37 = arith.muli %add3A_35, %mul3A_36 : i32
    %mul3A_38 = arith.constant 2 : i32
    %mul3A_39 = arith.muli %mul3A_37, %mul3A_38 : i32
    %dma_start3A_40 = arith.constant 4096 : i32
    %dma_start3A_41 = tpu.memref_slice %arg7[%dma_start3A_40] : memref<8192xf32, #tpu.memory_space<vmem>> -> memref<4096xf32, #tpu.memory_space<vmem>>
    %dma_start3A_42 = tpu.memref_slice %arg2[%mul3A_39] : memref<12800000xf32, #tpu.memory_space<hbm>> -> memref<4096xf32, #tpu.memory_space<hbm>>
    %dma_start3A_43 = arith.constant 4096 : i32
    %dma_start3A_44 = tpu.memref_slice %arg7[%dma_start3A_43] : memref<8192xf32, #tpu.memory_space<vmem>> -> memref<4096xf32, #tpu.memory_space<vmem>>
    %dma_start3A_45 = tpu.memref_slice %arg2[%mul3A_39] : memref<12800000xf32, #tpu.memory_space<hbm>> -> memref<4096xf32, #tpu.memory_space<hbm>>
    tpu.enqueue_dma source(%dma_start3A_45 : memref<4096xf32, #tpu.memory_space<hbm>>) target(%dma_start3A_44 : memref<4096xf32, #tpu.memory_space<vmem>>) target_semaphore(%arg13 : memref<!tpu.dma_semaphore, #tpu.memory_space<semaphore_mem>>)
    %dma_start3A_46 = arith.constant 2048 : i32
    %dma_start3A_47 = tpu.memref_slice %arg8[%dma_start3A_46] : memref<4096xi32, #tpu.memory_space<vmem>> -> memref<2048xi32, #tpu.memory_space<vmem>>
    %dma_start3A_48 = tpu.memref_slice %arg3[%mul3A_37] : memref<6400000xi32, #tpu.memory_space<hbm>> -> memref<2048xi32, #tpu.memory_space<hbm>>
    %dma_start3A_49 = arith.constant 2048 : i32
    %dma_start3A_50 = tpu.memref_slice %arg8[%dma_start3A_49] : memref<4096xi32, #tpu.memory_space<vmem>> -> memref<2048xi32, #tpu.memory_space<vmem>>
    %dma_start3A_51 = tpu.memref_slice %arg3[%mul3A_37] : memref<6400000xi32, #tpu.memory_space<hbm>> -> memref<2048xi32, #tpu.memory_space<hbm>>
    tpu.enqueue_dma source(%dma_start3A_51 : memref<2048xi32, #tpu.memory_space<hbm>>) target(%dma_start3A_50 : memref<2048xi32, #tpu.memory_space<vmem>>) target_semaphore(%arg13 : memref<!tpu.dma_semaphore, #tpu.memory_space<semaphore_mem>>)
    %iota3A = tpu.iota {dimensions = array<i32: 0>} : vector<16xi32>
    %eq3A = arith.constant 0 : i32
    %eq3A_52 = vector.broadcast %eq3A : i32 to vector<16xi32>
    %eq3A_53 = arith.cmpi eq, %iota3A, %eq3A_52 : vector<16xi32>
    %broadcast_in_dim3A = arith.constant 0.000000e+00 : f32
    %broadcast_in_dim3A_54 = vector.broadcast %broadcast_in_dim3A : f32 to vector<16xf32>
    %scan3A = arith.constant -1 : i32
    %scan3A_55 = arith.constant 0 : i32
    %scan3A_56 = arith.constant 49 : i32
    %scan3A_57 = arith.addi %scan3A_55, %scan3A_56 : i32
    %scan3A_58 = arith.constant 1 : i32
    %scan3A_59:3 = scf.for %scan3A_108 = %scan3A_55 to %scan3A_57 step %scan3A_58 iter_args(%scan3A_109 = %scan3A, %scan3A_110 = %broadcast_in_dim3A_54, %scan3A_111 = %broadcast_in_dim3A_54) -> (i32, vector<16xf32>, vector<16xf32>)  : i32 {
      %mul3A_112 = arith.constant 2 : i32
      %mul3A_113 = arith.muli %scan3A_108, %mul3A_112 : i32
      %add3A_114 = arith.constant 0 : i32
      %add3A_115 = arith.addi %mul3A_113, %add3A_114 : i32
      %sub3A_116 = arith.constant 1 : i32
      %sub3A_117 = arith.subi %add3A_8, %sub3A_116 : i32
      %min3A_118 = arith.minsi %add3A_115, %sub3A_117 : i32
      %add3A_119 = arith.addi %add3A_4, %min3A_118 : i32
      %mul3A_120 = arith.constant 2048 : i32
      %mul3A_121 = arith.muli %add3A_119, %mul3A_120 : i32
      %mul3A_122 = arith.constant 2 : i32
      %mul3A_123 = arith.muli %mul3A_121, %mul3A_122 : i32
      %dma_wait3A_124 = arith.constant 0 : i32
      %dma_wait3A_125 = tpu.memref_slice %arg7[%dma_wait3A_124] : memref<8192xf32, #tpu.memory_space<vmem>> -> memref<4096xf32, #tpu.memory_space<vmem>>
      %dma_wait3A_126 = tpu.memref_slice %arg2[%mul3A_123] : memref<12800000xf32, #tpu.memory_space<hbm>> -> memref<4096xf32, #tpu.memory_space<hbm>>
      %dma_wait3A_127 = arith.constant 0 : i32
      %dma_wait3A_128 = tpu.memref_slice %arg7[%dma_wait3A_127] : memref<8192xf32, #tpu.memory_space<vmem>> -> memref<4096xf32, #tpu.memory_space<vmem>>
      %dma_wait3A_129 = tpu.memref_slice %arg2[%mul3A_123] : memref<12800000xf32, #tpu.memory_space<hbm>> -> memref<4096xf32, #tpu.memory_space<hbm>>
      tpu.wait_dma2 semaphore(%arg12 : memref<!tpu.dma_semaphore, #tpu.memory_space<semaphore_mem>>) src(%dma_wait3A_129 : memref<4096xf32, #tpu.memory_space<hbm>>) dst(%dma_wait3A_128 : memref<4096xf32, #tpu.memory_space<vmem>>)
      %dma_wait3A_130 = arith.constant 0 : i32
      %dma_wait3A_131 = tpu.memref_slice %arg8[%dma_wait3A_130] : memref<4096xi32, #tpu.memory_space<vmem>> -> memref<2048xi32, #tpu.memory_space<vmem>>
      %dma_wait3A_132 = tpu.memref_slice %arg3[%mul3A_121] : memref<6400000xi32, #tpu.memory_space<hbm>> -> memref<2048xi32, #tpu.memory_space<hbm>>
      %dma_wait3A_133 = arith.constant 0 : i32
      %dma_wait3A_134 = tpu.memref_slice %arg8[%dma_wait3A_133] : memref<4096xi32, #tpu.memory_space<vmem>> -> memref<2048xi32, #tpu.memory_space<vmem>>
      %dma_wait3A_135 = tpu.memref_slice %arg3[%mul3A_121] : memref<6400000xi32, #tpu.memory_space<hbm>> -> memref<2048xi32, #tpu.memory_space<hbm>>
      tpu.wait_dma2 semaphore(%arg12 : memref<!tpu.dma_semaphore, #tpu.memory_space<semaphore_mem>>) src(%dma_wait3A_135 : memref<2048xi32, #tpu.memory_space<hbm>>) dst(%dma_wait3A_134 : memref<2048xi32, #tpu.memory_space<vmem>>)
      %lt3A_136 = arith.cmpi slt, %add3A_115, %add3A_8 : i32
      %convert_element_type3A_137 = arith.extui %lt3A_136 : i1 to i32
      %cond3A_138 = arith.constant 0 : i32
      %cond3A_139 = arith.cmpi ne, %convert_element_type3A_137, %cond3A_138 : i32
      %cond3A_140:3 = scf.if %cond3A_139 -> (i32, vector<16xf32>, vector<16xf32>) {
        %parallel_loop3A_214 = arith.constant 0 : i32
        %parallel_loop3A_215 = arith.constant 128 : i32
        %parallel_loop3A_216 = arith.constant 1 : i32
        %parallel_loop3A_217:3 = scf.for %parallel_loop3A_218 = %parallel_loop3A_214 to %parallel_loop3A_215 step %parallel_loop3A_216 iter_args(%parallel_loop3A_219 = %scan3A_109, %parallel_loop3A_220 = %scan3A_110, %parallel_loop3A_221 = %scan3A_111) -> (i32, vector<16xf32>, vector<16xf32>)  : i32 {
          %parallel_loop3A_222 = arith.constant 3 : i32
          %parallel_loop3A_223 = arith.shrsi %parallel_loop3A_218, %parallel_loop3A_222 : i32
          %parallel_loop3A_224 = arith.constant 8 : i32
          %parallel_loop3A_225 = arith.shli %parallel_loop3A_223, %parallel_loop3A_224 : i32
          %parallel_loop3A_226 = arith.constant 0 : i32
          %parallel_loop3A_227 = arith.addi %parallel_loop3A_226, %parallel_loop3A_225 : i32
          %parallel_loop3A_228 = arith.constant 7 : i32
          %parallel_loop3A_229 = arith.andi %parallel_loop3A_218, %parallel_loop3A_228 : i32
          %parallel_loop3A_230 = arith.constant 4 : i32
          %parallel_loop3A_231 = arith.shli %parallel_loop3A_229, %parallel_loop3A_230 : i32
          %parallel_loop3A_232 = arith.addi %parallel_loop3A_227, %parallel_loop3A_231 : i32
          %parallel_loop3A_233 = arith.constant 4 : i32
          %parallel_loop3A_234 = arith.shli %parallel_loop3A_218, %parallel_loop3A_233 : i32
          %parallel_loop3A_235 = arith.constant 0 : i32
          %parallel_loop3A_236 = arith.addi %parallel_loop3A_235, %parallel_loop3A_234 : i32
          %parallel_loop3A_237 = arith.index_cast %parallel_loop3A_232 : i32 to index
          %parallel_loop3A_238 = tpu.vector_load %arg7[%parallel_loop3A_237] {strides = array<i32>} : memref<8192xf32, #tpu.memory_space<vmem>>, vector<16xf32>,
          %parallel_loop3A_239 = arith.constant 128 : i32
          %parallel_loop3A_240 = arith.addi %parallel_loop3A_232, %parallel_loop3A_239 : i32
          %parallel_loop3A_241 = arith.index_cast %parallel_loop3A_240 : i32 to index
          %parallel_loop3A_242 = tpu.vector_load %arg7[%parallel_loop3A_241] {strides = array<i32>} : memref<8192xf32, #tpu.memory_space<vmem>>, vector<16xf32>,
          %parallel_loop3A_243 = arith.mulf %parallel_loop3A_242, %parallel_loop3A_242 : vector<16xf32>
          %parallel_loop3A_244 = arith.addf %parallel_loop3A_243, %get3A_9 : vector<16xf32>
          %parallel_loop3A_245 = vector.bitcast %parallel_loop3A_244 : vector<16xf32> to vector<16xi32>
          %parallel_loop3A_246 = arith.constant 1 : i32
          %parallel_loop3A_247 = vector.broadcast %parallel_loop3A_246 : i32 to vector<16xi32>
          %parallel_loop3A_248 = arith.shrui %parallel_loop3A_245, %parallel_loop3A_247 : vector<16xi32>
          %parallel_loop3A_249 = arith.constant 1597463007 : i32
          %parallel_loop3A_250 = vector.broadcast %parallel_loop3A_249 : i32 to vector<16xi32>
          %parallel_loop3A_251 = arith.subi %parallel_loop3A_250, %parallel_loop3A_248 : vector<16xi32>
          %parallel_loop3A_252 = vector.bitcast %parallel_loop3A_251 : vector<16xi32> to vector<16xf32>
          %parallel_loop3A_253 = arith.constant 5.000000e-01 : f32
          %parallel_loop3A_254 = vector.broadcast %parallel_loop3A_253 : f32 to vector<16xf32>
          %parallel_loop3A_255 = arith.mulf %parallel_loop3A_244, %parallel_loop3A_254 : vector<16xf32>
          %parallel_loop3A_256 = arith.mulf %parallel_loop3A_255, %parallel_loop3A_252 : vector<16xf32>
          %parallel_loop3A_257 = arith.mulf %parallel_loop3A_256, %parallel_loop3A_252 : vector<16xf32>
          %parallel_loop3A_258 = arith.constant 1.500000e+00 : f32
          %parallel_loop3A_259 = vector.broadcast %parallel_loop3A_258 : f32 to vector<16xf32>
          %parallel_loop3A_260 = arith.subf %parallel_loop3A_259, %parallel_loop3A_257 : vector<16xf32>
          %parallel_loop3A_261 = arith.mulf %parallel_loop3A_252, %parallel_loop3A_260 : vector<16xf32>
          %parallel_loop3A_262 = arith.mulf %parallel_loop3A_255, %parallel_loop3A_261 : vector<16xf32>
          %parallel_loop3A_263 = arith.mulf %parallel_loop3A_262, %parallel_loop3A_261 : vector<16xf32>
          %parallel_loop3A_264 = arith.constant 1.500000e+00 : f32
          %parallel_loop3A_265 = vector.broadcast %parallel_loop3A_264 : f32 to vector<16xf32>
          %parallel_loop3A_266 = arith.subf %parallel_loop3A_265, %parallel_loop3A_263 : vector<16xf32>
          %parallel_loop3A_267 = arith.mulf %parallel_loop3A_261, %parallel_loop3A_266 : vector<16xf32>
          %parallel_loop3A_268 = arith.mulf %parallel_loop3A_267, %parallel_loop3A_267 : vector<16xf32>
          %parallel_loop3A_269 = arith.mulf %get3A_9, %parallel_loop3A_268 : vector<16xf32>
          %parallel_loop3A_270 = arith.subf %parallel_loop3A_267, %parallel_loop3A_269 : vector<16xf32>
          %parallel_loop3A_271 = arith.mulf %parallel_loop3A_238, %parallel_loop3A_270 : vector<16xf32>
          %parallel_loop3A_272 = arith.index_cast %parallel_loop3A_236 : i32 to index
          %parallel_loop3A_273 = tpu.vector_load %arg8[%parallel_loop3A_272] {strides = array<i32>} : memref<4096xi32, #tpu.memory_space<vmem>>, vector<16xi32>,
          %parallel_loop3A_274 = vector.extract_strided_slice %parallel_loop3A_273 {offsets = [15], sizes = [1], strides = [1]} : vector<16xi32> to vector<1xi32>
          %parallel_loop3A_275 = vector.extract %parallel_loop3A_274[0] : i32 from vector<1xi32>
          %parallel_loop3A_276 = vector.broadcast %parallel_loop3A_275 : i32 to vector<16xi32>
          %parallel_loop3A_277 = arith.cmpi eq, %parallel_loop3A_273, %parallel_loop3A_276 : vector<16xi32>
          %parallel_loop3A_278 = arith.constant dense<true> : vector<16xi1>
          %parallel_loop3A_279 = arith.xori %parallel_loop3A_277, %parallel_loop3A_278 : vector<16xi1>
          tpu.vector_store_idx %arg10[%parallel_loop3A_273], %parallel_loop3A_270 masked %parallel_loop3A_279 {add = true} : memref<53248xf32, #tpu.memory_space<vmem>>[vector<16xi32>], vector<16xf32>, vector<16xi1>
          tpu.vector_store_idx %arg11[%parallel_loop3A_273], %parallel_loop3A_271 masked %parallel_loop3A_279 {add = true} : memref<53248xf32, #tpu.memory_space<vmem>>[vector<16xi32>], vector<16xf32>, vector<16xi1>
          %parallel_loop3A_280 = arith.cmpi eq, %parallel_loop3A_275, %parallel_loop3A_219 : i32
          %parallel_loop3A_281 = arith.constant 0 : i32
          %parallel_loop3A_282 = arith.cmpi sge, %parallel_loop3A_219, %parallel_loop3A_281 : i32
          %parallel_loop3A_283 = arith.constant true
          %parallel_loop3A_284 = arith.xori %parallel_loop3A_280, %parallel_loop3A_283 : i1
          %parallel_loop3A_285 = arith.andi %parallel_loop3A_282, %parallel_loop3A_284 : i1
          %parallel_loop3A_286 = vector.broadcast %parallel_loop3A_285 : i1 to vector<16xi1>
          %parallel_loop3A_287 = arith.andi %eq3A_53, %parallel_loop3A_286 : vector<16xi1>
          %parallel_loop3A_288 = arith.constant 0 : i32
          %parallel_loop3A_289 = arith.maxsi %parallel_loop3A_219, %parallel_loop3A_288 : i32
          %parallel_loop3A_290 = vector.broadcast %parallel_loop3A_289 : i32 to vector<16xi32>
          %parallel_loop3A_291 = arith.constant true
          %parallel_loop3A_292 = vector.broadcast %parallel_loop3A_291 : i1 to vector<16xi1>
          %parallel_loop3A_293 = tpu.scan <sum>, %parallel_loop3A_220 masked %parallel_loop3A_292 : vector<16xf32>, vector<16xi1> -> vector<16xf32>
          %parallel_loop3A_294 = vector.extract %parallel_loop3A_293[15] : f32 from vector<16xf32>
          %parallel_loop3A_295 = vector.broadcast %parallel_loop3A_294 : f32 to vector<16xf32>
          tpu.vector_store_idx %arg10[%parallel_loop3A_290], %parallel_loop3A_295 masked %parallel_loop3A_287 {add = true} : memref<53248xf32, #tpu.memory_space<vmem>>[vector<16xi32>], vector<16xf32>, vector<16xi1>
          %parallel_loop3A_296 = arith.constant true
          %parallel_loop3A_297 = vector.broadcast %parallel_loop3A_296 : i1 to vector<16xi1>
          %parallel_loop3A_298 = tpu.scan <sum>, %parallel_loop3A_221 masked %parallel_loop3A_297 : vector<16xf32>, vector<16xi1> -> vector<16xf32>
          %parallel_loop3A_299 = vector.extract %parallel_loop3A_298[15] : f32 from vector<16xf32>
          %parallel_loop3A_300 = vector.broadcast %parallel_loop3A_299 : f32 to vector<16xf32>
          tpu.vector_store_idx %arg11[%parallel_loop3A_290], %parallel_loop3A_300 masked %parallel_loop3A_287 {add = true} : memref<53248xf32, #tpu.memory_space<vmem>>[vector<16xi32>], vector<16xf32>, vector<16xi1>
          %parallel_loop3A_301 = vector.broadcast %parallel_loop3A_280 : i1 to vector<16xi1>
          %parallel_loop3A_302 = arith.select %parallel_loop3A_277, %parallel_loop3A_270, %broadcast_in_dim3A_54 : vector<16xi1>, vector<16xf32>
          %parallel_loop3A_303 = arith.select %parallel_loop3A_301, %parallel_loop3A_220, %broadcast_in_dim3A_54 : vector<16xi1>, vector<16xf32>
          %parallel_loop3A_304 = arith.addf %parallel_loop3A_302, %parallel_loop3A_303 : vector<16xf32>
          %parallel_loop3A_305 = arith.select %parallel_loop3A_277, %parallel_loop3A_271, %broadcast_in_dim3A_54 : vector<16xi1>, vector<16xf32>
          %parallel_loop3A_306 = arith.select %parallel_loop3A_301, %parallel_loop3A_221, %broadcast_in_dim3A_54 : vector<16xi1>, vector<16xf32>
          %parallel_loop3A_307 = arith.addf %parallel_loop3A_305, %parallel_loop3A_306 : vector<16xf32>
          scf.yield %parallel_loop3A_275, %parallel_loop3A_304, %parallel_loop3A_307 : i32, vector<16xf32>, vector<16xf32>
        } {sc.loop_unroll_factor = 4 : i64, sc.parallel_access}
        scf.yield %parallel_loop3A_217#0, %parallel_loop3A_217#1, %parallel_loop3A_217#2 : i32, vector<16xf32>, vector<16xf32>
      } else {
        scf.yield %scan3A_109, %scan3A_110, %scan3A_111 : i32, vector<16xf32>, vector<16xf32>
      }
      %add3A_141 = arith.constant 2 : i32
      %add3A_142 = arith.addi %add3A_115, %add3A_141 : i32
      %sub3A_143 = arith.constant 1 : i32
      %sub3A_144 = arith.subi %add3A_8, %sub3A_143 : i32
      %min3A_145 = arith.minsi %add3A_142, %sub3A_144 : i32
      %add3A_146 = arith.addi %add3A_4, %min3A_145 : i32
      %mul3A_147 = arith.constant 2048 : i32
      %mul3A_148 = arith.muli %add3A_146, %mul3A_147 : i32
      %mul3A_149 = arith.constant 2 : i32
      %mul3A_150 = arith.muli %mul3A_148, %mul3A_149 : i32
      %dma_start3A_151 = arith.constant 0 : i32
      %dma_start3A_152 = tpu.memref_slice %arg7[%dma_start3A_151] : memref<8192xf32, #tpu.memory_space<vmem>> -> memref<4096xf32, #tpu.memory_space<vmem>>
      %dma_start3A_153 = tpu.memref_slice %arg2[%mul3A_150] : memref<12800000xf32, #tpu.memory_space<hbm>> -> memref<4096xf32, #tpu.memory_space<hbm>>
      %dma_start3A_154 = arith.constant 0 : i32
      %dma_start3A_155 = tpu.memref_slice %arg7[%dma_start3A_154] : memref<8192xf32, #tpu.memory_space<vmem>> -> memref<4096xf32, #tpu.memory_space<vmem>>
      %dma_start3A_156 = tpu.memref_slice %arg2[%mul3A_150] : memref<12800000xf32, #tpu.memory_space<hbm>> -> memref<4096xf32, #tpu.memory_space<hbm>>
      tpu.enqueue_dma source(%dma_start3A_156 : memref<4096xf32, #tpu.memory_space<hbm>>) target(%dma_start3A_155 : memref<4096xf32, #tpu.memory_space<vmem>>) target_semaphore(%arg12 : memref<!tpu.dma_semaphore, #tpu.memory_space<semaphore_mem>>)
      %dma_start3A_157 = arith.constant 0 : i32
      %dma_start3A_158 = tpu.memref_slice %arg8[%dma_start3A_157] : memref<4096xi32, #tpu.memory_space<vmem>> -> memref<2048xi32, #tpu.memory_space<vmem>>
      %dma_start3A_159 = tpu.memref_slice %arg3[%mul3A_148] : memref<6400000xi32, #tpu.memory_space<hbm>> -> memref<2048xi32, #tpu.memory_space<hbm>>
      %dma_start3A_160 = arith.constant 0 : i32
      %dma_start3A_161 = tpu.memref_slice %arg8[%dma_start3A_160] : memref<4096xi32, #tpu.memory_space<vmem>> -> memref<2048xi32, #tpu.memory_space<vmem>>
      %dma_start3A_162 = tpu.memref_slice %arg3[%mul3A_148] : memref<6400000xi32, #tpu.memory_space<hbm>> -> memref<2048xi32, #tpu.memory_space<hbm>>
      tpu.enqueue_dma source(%dma_start3A_162 : memref<2048xi32, #tpu.memory_space<hbm>>) target(%dma_start3A_161 : memref<2048xi32, #tpu.memory_space<vmem>>) target_semaphore(%arg12 : memref<!tpu.dma_semaphore, #tpu.memory_space<semaphore_mem>>)
      %mul3A_163 = arith.constant 2 : i32
      %mul3A_164 = arith.muli %scan3A_108, %mul3A_163 : i32
      %add3A_165 = arith.constant 1 : i32
      %add3A_166 = arith.addi %mul3A_164, %add3A_165 : i32
      %sub3A_167 = arith.constant 1 : i32
      %sub3A_168 = arith.subi %add3A_8, %sub3A_167 : i32
      %min3A_169 = arith.minsi %add3A_166, %sub3A_168 : i32
      %add3A_170 = arith.addi %add3A_4, %min3A_169 : i32
      %mul3A_171 = arith.constant 2048 : i32
      %mul3A_172 = arith.muli %add3A_170, %mul3A_171 : i32
      %mul3A_173 = arith.constant 2 : i32
      %mul3A_174 = arith.muli %mul3A_172, %mul3A_173 : i32
      %dma_wait3A_175 = arith.constant 4096 : i32
      %dma_wait3A_176 = tpu.memref_slice %arg7[%dma_wait3A_175] : memref<8192xf32, #tpu.memory_space<vmem>> -> memref<4096xf32, #tpu.memory_space<vmem>>
      %dma_wait3A_177 = tpu.memref_slice %arg2[%mul3A_174] : memref<12800000xf32, #tpu.memory_space<hbm>> -> memref<4096xf32, #tpu.memory_space<hbm>>
      %dma_wait3A_178 = arith.constant 4096 : i32
      %dma_wait3A_179 = tpu.memref_slice %arg7[%dma_wait3A_178] : memref<8192xf32, #tpu.memory_space<vmem>> -> memref<4096xf32, #tpu.memory_space<vmem>>
      %dma_wait3A_180 = tpu.memref_slice %arg2[%mul3A_174] : memref<12800000xf32, #tpu.memory_space<hbm>> -> memref<4096xf32, #tpu.memory_space<hbm>>
      tpu.wait_dma2 semaphore(%arg13 : memref<!tpu.dma_semaphore, #tpu.memory_space<semaphore_mem>>) src(%dma_wait3A_180 : memref<4096xf32, #tpu.memory_space<hbm>>) dst(%dma_wait3A_179 : memref<4096xf32, #tpu.memory_space<vmem>>)
      %dma_wait3A_181 = arith.constant 2048 : i32
      %dma_wait3A_182 = tpu.memref_slice %arg8[%dma_wait3A_181] : memref<4096xi32, #tpu.memory_space<vmem>> -> memref<2048xi32, #tpu.memory_space<vmem>>
      %dma_wait3A_183 = tpu.memref_slice %arg3[%mul3A_172] : memref<6400000xi32, #tpu.memory_space<hbm>> -> memref<2048xi32, #tpu.memory_space<hbm>>
      %dma_wait3A_184 = arith.constant 2048 : i32
      %dma_wait3A_185 = tpu.memref_slice %arg8[%dma_wait3A_184] : memref<4096xi32, #tpu.memory_space<vmem>> -> memref<2048xi32, #tpu.memory_space<vmem>>
      %dma_wait3A_186 = tpu.memref_slice %arg3[%mul3A_172] : memref<6400000xi32, #tpu.memory_space<hbm>> -> memref<2048xi32, #tpu.memory_space<hbm>>
      tpu.wait_dma2 semaphore(%arg13 : memref<!tpu.dma_semaphore, #tpu.memory_space<semaphore_mem>>) src(%dma_wait3A_186 : memref<2048xi32, #tpu.memory_space<hbm>>) dst(%dma_wait3A_185 : memref<2048xi32, #tpu.memory_space<vmem>>)
      %lt3A_187 = arith.cmpi slt, %add3A_166, %add3A_8 : i32
      %convert_element_type3A_188 = arith.extui %lt3A_187 : i1 to i32
      %cond3A_189 = arith.constant 0 : i32
      %cond3A_190 = arith.cmpi ne, %convert_element_type3A_188, %cond3A_189 : i32
      %cond3A_191:3 = scf.if %cond3A_190 -> (i32, vector<16xf32>, vector<16xf32>) {
        %parallel_loop3A_214 = arith.constant 0 : i32
        %parallel_loop3A_215 = arith.constant 128 : i32
        %parallel_loop3A_216 = arith.constant 1 : i32
        %parallel_loop3A_217:3 = scf.for %parallel_loop3A_218 = %parallel_loop3A_214 to %parallel_loop3A_215 step %parallel_loop3A_216 iter_args(%parallel_loop3A_219 = %cond3A_140#0, %parallel_loop3A_220 = %cond3A_140#1, %parallel_loop3A_221 = %cond3A_140#2) -> (i32, vector<16xf32>, vector<16xf32>)  : i32 {
          %parallel_loop3A_222 = arith.constant 3 : i32
          %parallel_loop3A_223 = arith.shrsi %parallel_loop3A_218, %parallel_loop3A_222 : i32
          %parallel_loop3A_224 = arith.constant 8 : i32
          %parallel_loop3A_225 = arith.shli %parallel_loop3A_223, %parallel_loop3A_224 : i32
          %parallel_loop3A_226 = arith.constant 4096 : i32
          %parallel_loop3A_227 = arith.addi %parallel_loop3A_226, %parallel_loop3A_225 : i32
          %parallel_loop3A_228 = arith.constant 7 : i32
          %parallel_loop3A_229 = arith.andi %parallel_loop3A_218, %parallel_loop3A_228 : i32
          %parallel_loop3A_230 = arith.constant 4 : i32
          %parallel_loop3A_231 = arith.shli %parallel_loop3A_229, %parallel_loop3A_230 : i32
          %parallel_loop3A_232 = arith.addi %parallel_loop3A_227, %parallel_loop3A_231 : i32
          %parallel_loop3A_233 = arith.constant 4 : i32
          %parallel_loop3A_234 = arith.shli %parallel_loop3A_218, %parallel_loop3A_233 : i32
          %parallel_loop3A_235 = arith.constant 2048 : i32
          %parallel_loop3A_236 = arith.addi %parallel_loop3A_235, %parallel_loop3A_234 : i32
          %parallel_loop3A_237 = arith.index_cast %parallel_loop3A_232 : i32 to index
          %parallel_loop3A_238 = tpu.vector_load %arg7[%parallel_loop3A_237] {strides = array<i32>} : memref<8192xf32, #tpu.memory_space<vmem>>, vector<16xf32>,
          %parallel_loop3A_239 = arith.constant 128 : i32
          %parallel_loop3A_240 = arith.addi %parallel_loop3A_232, %parallel_loop3A_239 : i32
          %parallel_loop3A_241 = arith.index_cast %parallel_loop3A_240 : i32 to index
          %parallel_loop3A_242 = tpu.vector_load %arg7[%parallel_loop3A_241] {strides = array<i32>} : memref<8192xf32, #tpu.memory_space<vmem>>, vector<16xf32>,
          %parallel_loop3A_243 = arith.mulf %parallel_loop3A_242, %parallel_loop3A_242 : vector<16xf32>
          %parallel_loop3A_244 = arith.addf %parallel_loop3A_243, %get3A_9 : vector<16xf32>
          %parallel_loop3A_245 = vector.bitcast %parallel_loop3A_244 : vector<16xf32> to vector<16xi32>
          %parallel_loop3A_246 = arith.constant 1 : i32
          %parallel_loop3A_247 = vector.broadcast %parallel_loop3A_246 : i32 to vector<16xi32>
          %parallel_loop3A_248 = arith.shrui %parallel_loop3A_245, %parallel_loop3A_247 : vector<16xi32>
          %parallel_loop3A_249 = arith.constant 1597463007 : i32
          %parallel_loop3A_250 = vector.broadcast %parallel_loop3A_249 : i32 to vector<16xi32>
          %parallel_loop3A_251 = arith.subi %parallel_loop3A_250, %parallel_loop3A_248 : vector<16xi32>
          %parallel_loop3A_252 = vector.bitcast %parallel_loop3A_251 : vector<16xi32> to vector<16xf32>
          %parallel_loop3A_253 = arith.constant 5.000000e-01 : f32
          %parallel_loop3A_254 = vector.broadcast %parallel_loop3A_253 : f32 to vector<16xf32>
          %parallel_loop3A_255 = arith.mulf %parallel_loop3A_244, %parallel_loop3A_254 : vector<16xf32>
          %parallel_loop3A_256 = arith.mulf %parallel_loop3A_255, %parallel_loop3A_252 : vector<16xf32>
          %parallel_loop3A_257 = arith.mulf %parallel_loop3A_256, %parallel_loop3A_252 : vector<16xf32>
          %parallel_loop3A_258 = arith.constant 1.500000e+00 : f32
          %parallel_loop3A_259 = vector.broadcast %parallel_loop3A_258 : f32 to vector<16xf32>
          %parallel_loop3A_260 = arith.subf %parallel_loop3A_259, %parallel_loop3A_257 : vector<16xf32>
          %parallel_loop3A_261 = arith.mulf %parallel_loop3A_252, %parallel_loop3A_260 : vector<16xf32>
          %parallel_loop3A_262 = arith.mulf %parallel_loop3A_255, %parallel_loop3A_261 : vector<16xf32>
          %parallel_loop3A_263 = arith.mulf %parallel_loop3A_262, %parallel_loop3A_261 : vector<16xf32>
          %parallel_loop3A_264 = arith.constant 1.500000e+00 : f32
          %parallel_loop3A_265 = vector.broadcast %parallel_loop3A_264 : f32 to vector<16xf32>
          %parallel_loop3A_266 = arith.subf %parallel_loop3A_265, %parallel_loop3A_263 : vector<16xf32>
          %parallel_loop3A_267 = arith.mulf %parallel_loop3A_261, %parallel_loop3A_266 : vector<16xf32>
          %parallel_loop3A_268 = arith.mulf %parallel_loop3A_267, %parallel_loop3A_267 : vector<16xf32>
          %parallel_loop3A_269 = arith.mulf %get3A_9, %parallel_loop3A_268 : vector<16xf32>
          %parallel_loop3A_270 = arith.subf %parallel_loop3A_267, %parallel_loop3A_269 : vector<16xf32>
          %parallel_loop3A_271 = arith.mulf %parallel_loop3A_238, %parallel_loop3A_270 : vector<16xf32>
          %parallel_loop3A_272 = arith.index_cast %parallel_loop3A_236 : i32 to index
          %parallel_loop3A_273 = tpu.vector_load %arg8[%parallel_loop3A_272] {strides = array<i32>} : memref<4096xi32, #tpu.memory_space<vmem>>, vector<16xi32>,
          %parallel_loop3A_274 = vector.extract_strided_slice %parallel_loop3A_273 {offsets = [15], sizes = [1], strides = [1]} : vector<16xi32> to vector<1xi32>
          %parallel_loop3A_275 = vector.extract %parallel_loop3A_274[0] : i32 from vector<1xi32>
          %parallel_loop3A_276 = vector.broadcast %parallel_loop3A_275 : i32 to vector<16xi32>
          %parallel_loop3A_277 = arith.cmpi eq, %parallel_loop3A_273, %parallel_loop3A_276 : vector<16xi32>
          %parallel_loop3A_278 = arith.constant dense<true> : vector<16xi1>
          %parallel_loop3A_279 = arith.xori %parallel_loop3A_277, %parallel_loop3A_278 : vector<16xi1>
          tpu.vector_store_idx %arg10[%parallel_loop3A_273], %parallel_loop3A_270 masked %parallel_loop3A_279 {add = true} : memref<53248xf32, #tpu.memory_space<vmem>>[vector<16xi32>], vector<16xf32>, vector<16xi1>
          tpu.vector_store_idx %arg11[%parallel_loop3A_273], %parallel_loop3A_271 masked %parallel_loop3A_279 {add = true} : memref<53248xf32, #tpu.memory_space<vmem>>[vector<16xi32>], vector<16xf32>, vector<16xi1>
          %parallel_loop3A_280 = arith.cmpi eq, %parallel_loop3A_275, %parallel_loop3A_219 : i32
          %parallel_loop3A_281 = arith.constant 0 : i32
          %parallel_loop3A_282 = arith.cmpi sge, %parallel_loop3A_219, %parallel_loop3A_281 : i32
          %parallel_loop3A_283 = arith.constant true
          %parallel_loop3A_284 = arith.xori %parallel_loop3A_280, %parallel_loop3A_283 : i1
          %parallel_loop3A_285 = arith.andi %parallel_loop3A_282, %parallel_loop3A_284 : i1
          %parallel_loop3A_286 = vector.broadcast %parallel_loop3A_285 : i1 to vector<16xi1>
          %parallel_loop3A_287 = arith.andi %eq3A_53, %parallel_loop3A_286 : vector<16xi1>
          %parallel_loop3A_288 = arith.constant 0 : i32
          %parallel_loop3A_289 = arith.maxsi %parallel_loop3A_219, %parallel_loop3A_288 : i32
          %parallel_loop3A_290 = vector.broadcast %parallel_loop3A_289 : i32 to vector<16xi32>
          %parallel_loop3A_291 = arith.constant true
          %parallel_loop3A_292 = vector.broadcast %parallel_loop3A_291 : i1 to vector<16xi1>
          %parallel_loop3A_293 = tpu.scan <sum>, %parallel_loop3A_220 masked %parallel_loop3A_292 : vector<16xf32>, vector<16xi1> -> vector<16xf32>
          %parallel_loop3A_294 = vector.extract %parallel_loop3A_293[15] : f32 from vector<16xf32>
          %parallel_loop3A_295 = vector.broadcast %parallel_loop3A_294 : f32 to vector<16xf32>
          tpu.vector_store_idx %arg10[%parallel_loop3A_290], %parallel_loop3A_295 masked %parallel_loop3A_287 {add = true} : memref<53248xf32, #tpu.memory_space<vmem>>[vector<16xi32>], vector<16xf32>, vector<16xi1>
          %parallel_loop3A_296 = arith.constant true
          %parallel_loop3A_297 = vector.broadcast %parallel_loop3A_296 : i1 to vector<16xi1>
          %parallel_loop3A_298 = tpu.scan <sum>, %parallel_loop3A_221 masked %parallel_loop3A_297 : vector<16xf32>, vector<16xi1> -> vector<16xf32>
          %parallel_loop3A_299 = vector.extract %parallel_loop3A_298[15] : f32 from vector<16xf32>
          %parallel_loop3A_300 = vector.broadcast %parallel_loop3A_299 : f32 to vector<16xf32>
          tpu.vector_store_idx %arg11[%parallel_loop3A_290], %parallel_loop3A_300 masked %parallel_loop3A_287 {add = true} : memref<53248xf32, #tpu.memory_space<vmem>>[vector<16xi32>], vector<16xf32>, vector<16xi1>
          %parallel_loop3A_301 = vector.broadcast %parallel_loop3A_280 : i1 to vector<16xi1>
          %parallel_loop3A_302 = arith.select %parallel_loop3A_277, %parallel_loop3A_270, %broadcast_in_dim3A_54 : vector<16xi1>, vector<16xf32>
          %parallel_loop3A_303 = arith.select %parallel_loop3A_301, %parallel_loop3A_220, %broadcast_in_dim3A_54 : vector<16xi1>, vector<16xf32>
          %parallel_loop3A_304 = arith.addf %parallel_loop3A_302, %parallel_loop3A_303 : vector<16xf32>
          %parallel_loop3A_305 = arith.select %parallel_loop3A_277, %parallel_loop3A_271, %broadcast_in_dim3A_54 : vector<16xi1>, vector<16xf32>
          %parallel_loop3A_306 = arith.select %parallel_loop3A_301, %parallel_loop3A_221, %broadcast_in_dim3A_54 : vector<16xi1>, vector<16xf32>
          %parallel_loop3A_307 = arith.addf %parallel_loop3A_305, %parallel_loop3A_306 : vector<16xf32>
          scf.yield %parallel_loop3A_275, %parallel_loop3A_304, %parallel_loop3A_307 : i32, vector<16xf32>, vector<16xf32>
        } {sc.loop_unroll_factor = 4 : i64, sc.parallel_access}
        scf.yield %parallel_loop3A_217#0, %parallel_loop3A_217#1, %parallel_loop3A_217#2 : i32, vector<16xf32>, vector<16xf32>
      } else {
        scf.yield %cond3A_140#0, %cond3A_140#1, %cond3A_140#2 : i32, vector<16xf32>, vector<16xf32>
      }
      %add3A_192 = arith.constant 2 : i32
      %add3A_193 = arith.addi %add3A_166, %add3A_192 : i32
      %sub3A_194 = arith.constant 1 : i32
      %sub3A_195 = arith.subi %add3A_8, %sub3A_194 : i32
      %min3A_196 = arith.minsi %add3A_193, %sub3A_195 : i32
      %add3A_197 = arith.addi %add3A_4, %min3A_196 : i32
      %mul3A_198 = arith.constant 2048 : i32
      %mul3A_199 = arith.muli %add3A_197, %mul3A_198 : i32
      %mul3A_200 = arith.constant 2 : i32
      %mul3A_201 = arith.muli %mul3A_199, %mul3A_200 : i32
      %dma_start3A_202 = arith.constant 4096 : i32
      %dma_start3A_203 = tpu.memref_slice %arg7[%dma_start3A_202] : memref<8192xf32, #tpu.memory_space<vmem>> -> memref<4096xf32, #tpu.memory_space<vmem>>
      %dma_start3A_204 = tpu.memref_slice %arg2[%mul3A_201] : memref<12800000xf32, #tpu.memory_space<hbm>> -> memref<4096xf32, #tpu.memory_space<hbm>>
      %dma_start3A_205 = arith.constant 4096 : i32
      %dma_start3A_206 = tpu.memref_slice %arg7[%dma_start3A_205] : memref<8192xf32, #tpu.memory_space<vmem>> -> memref<4096xf32, #tpu.memory_space<vmem>>
      %dma_start3A_207 = tpu.memref_slice %arg2[%mul3A_201] : memref<12800000xf32, #tpu.memory_space<hbm>> -> memref<4096xf32, #tpu.memory_space<hbm>>
      tpu.enqueue_dma source(%dma_start3A_207 : memref<4096xf32, #tpu.memory_space<hbm>>) target(%dma_start3A_206 : memref<4096xf32, #tpu.memory_space<vmem>>) target_semaphore(%arg13 : memref<!tpu.dma_semaphore, #tpu.memory_space<semaphore_mem>>)
      %dma_start3A_208 = arith.constant 2048 : i32
      %dma_start3A_209 = tpu.memref_slice %arg8[%dma_start3A_208] : memref<4096xi32, #tpu.memory_space<vmem>> -> memref<2048xi32, #tpu.memory_space<vmem>>
      %dma_start3A_210 = tpu.memref_slice %arg3[%mul3A_199] : memref<6400000xi32, #tpu.memory_space<hbm>> -> memref<2048xi32, #tpu.memory_space<hbm>>
      %dma_start3A_211 = arith.constant 2048 : i32
      %dma_start3A_212 = tpu.memref_slice %arg8[%dma_start3A_211] : memref<4096xi32, #tpu.memory_space<vmem>> -> memref<2048xi32, #tpu.memory_space<vmem>>
      %dma_start3A_213 = tpu.memref_slice %arg3[%mul3A_199] : memref<6400000xi32, #tpu.memory_space<hbm>> -> memref<2048xi32, #tpu.memory_space<hbm>>
      tpu.enqueue_dma source(%dma_start3A_213 : memref<2048xi32, #tpu.memory_space<hbm>>) target(%dma_start3A_212 : memref<2048xi32, #tpu.memory_space<vmem>>) target_semaphore(%arg13 : memref<!tpu.dma_semaphore, #tpu.memory_space<semaphore_mem>>)
      scf.yield %cond3A_191#0, %cond3A_191#1, %cond3A_191#2 : i32, vector<16xf32>, vector<16xf32>
    }
    %scan3A_60 = arith.constant 49 : i32
    %ge3A = arith.constant 0 : i32
    %ge3A_61 = arith.cmpi sge, %scan3A_59#0, %ge3A : i32
    %convert_element_type3A = arith.extui %ge3A_61 : i1 to i32
    %cond3A = arith.constant 0 : i32
    %cond3A_62 = arith.cmpi ne, %convert_element_type3A, %cond3A : i32
    scf.if %cond3A_62 {
      %broadcast_in_dim3A_108 = vector.broadcast %scan3A_59#0 : i32 to vector<16xi32>
      %reduce_sum3A = arith.constant true
      %reduce_sum3A_109 = vector.broadcast %reduce_sum3A : i1 to vector<16xi1>
      %reduce_sum3A_110 = tpu.scan <sum>, %scan3A_59#1 masked %reduce_sum3A_109 : vector<16xf32>, vector<16xi1> -> vector<16xf32>
      %reduce_sum3A_111 = vector.extract %reduce_sum3A_110[15] : f32 from vector<16xf32>
      %broadcast_in_dim3A_112 = vector.broadcast %reduce_sum3A_111 : f32 to vector<16xf32>
      tpu.vector_store_idx %arg10[%broadcast_in_dim3A_108], %broadcast_in_dim3A_112 masked %eq3A_53 {add = true} : memref<53248xf32, #tpu.memory_space<vmem>>[vector<16xi32>], vector<16xf32>, vector<16xi1>
      %reduce_sum3A_113 = arith.constant true
      %reduce_sum3A_114 = vector.broadcast %reduce_sum3A_113 : i1 to vector<16xi1>
      %reduce_sum3A_115 = tpu.scan <sum>, %scan3A_59#2 masked %reduce_sum3A_114 : vector<16xf32>, vector<16xi1> -> vector<16xf32>
      %reduce_sum3A_116 = vector.extract %reduce_sum3A_115[15] : f32 from vector<16xf32>
      %broadcast_in_dim3A_117 = vector.broadcast %reduce_sum3A_116 : f32 to vector<16xf32>
      tpu.vector_store_idx %arg11[%broadcast_in_dim3A_108], %broadcast_in_dim3A_117 masked %eq3A_53 {add = true} : memref<53248xf32, #tpu.memory_space<vmem>>[vector<16xi32>], vector<16xf32>, vector<16xi1>
    } else {
    }
    %sub3A_63 = arith.constant 1 : i32
    %sub3A_64 = arith.subi %add3A_8, %sub3A_63 : i32
    %min3A_65 = arith.constant 98 : i32
    %min3A_66 = arith.minsi %min3A_65, %sub3A_64 : i32
    %add3A_67 = arith.addi %add3A_4, %min3A_66 : i32
    %mul3A_68 = arith.constant 2048 : i32
    %mul3A_69 = arith.muli %add3A_67, %mul3A_68 : i32
    %mul3A_70 = arith.constant 2 : i32
    %mul3A_71 = arith.muli %mul3A_69, %mul3A_70 : i32
    %dma_wait3A = arith.constant 0 : i32
    %dma_wait3A_72 = tpu.memref_slice %arg7[%dma_wait3A] : memref<8192xf32, #tpu.memory_space<vmem>> -> memref<4096xf32, #tpu.memory_space<vmem>>
    %dma_wait3A_73 = tpu.memref_slice %arg2[%mul3A_71] : memref<12800000xf32, #tpu.memory_space<hbm>> -> memref<4096xf32, #tpu.memory_space<hbm>>
    %dma_wait3A_74 = arith.constant 0 : i32
    %dma_wait3A_75 = tpu.memref_slice %arg7[%dma_wait3A_74] : memref<8192xf32, #tpu.memory_space<vmem>> -> memref<4096xf32, #tpu.memory_space<vmem>>
    %dma_wait3A_76 = tpu.memref_slice %arg2[%mul3A_71] : memref<12800000xf32, #tpu.memory_space<hbm>> -> memref<4096xf32, #tpu.memory_space<hbm>>
    tpu.wait_dma2 semaphore(%arg12 : memref<!tpu.dma_semaphore, #tpu.memory_space<semaphore_mem>>) src(%dma_wait3A_76 : memref<4096xf32, #tpu.memory_space<hbm>>) dst(%dma_wait3A_75 : memref<4096xf32, #tpu.memory_space<vmem>>)
    %dma_wait3A_77 = arith.constant 0 : i32
    %dma_wait3A_78 = tpu.memref_slice %arg8[%dma_wait3A_77] : memref<4096xi32, #tpu.memory_space<vmem>> -> memref<2048xi32, #tpu.memory_space<vmem>>
    %dma_wait3A_79 = tpu.memref_slice %arg3[%mul3A_69] : memref<6400000xi32, #tpu.memory_space<hbm>> -> memref<2048xi32, #tpu.memory_space<hbm>>
    %dma_wait3A_80 = arith.constant 0 : i32
    %dma_wait3A_81 = tpu.memref_slice %arg8[%dma_wait3A_80] : memref<4096xi32, #tpu.memory_space<vmem>> -> memref<2048xi32, #tpu.memory_space<vmem>>
    %dma_wait3A_82 = tpu.memref_slice %arg3[%mul3A_69] : memref<6400000xi32, #tpu.memory_space<hbm>> -> memref<2048xi32, #tpu.memory_space<hbm>>
    tpu.wait_dma2 semaphore(%arg12 : memref<!tpu.dma_semaphore, #tpu.memory_space<semaphore_mem>>) src(%dma_wait3A_82 : memref<2048xi32, #tpu.memory_space<hbm>>) dst(%dma_wait3A_81 : memref<2048xi32, #tpu.memory_space<vmem>>)
    %sub3A_83 = arith.constant 1 : i32
    %sub3A_84 = arith.subi %add3A_8, %sub3A_83 : i32
    %min3A_85 = arith.constant 99 : i32
    %min3A_86 = arith.minsi %min3A_85, %sub3A_84 : i32
    %add3A_87 = arith.addi %add3A_4, %min3A_86 : i32
    %mul3A_88 = arith.constant 2048 : i32
    %mul3A_89 = arith.muli %add3A_87, %mul3A_88 : i32
    %mul3A_90 = arith.constant 2 : i32
    %mul3A_91 = arith.muli %mul3A_89, %mul3A_90 : i32
    %dma_wait3A_92 = arith.constant 4096 : i32
    %dma_wait3A_93 = tpu.memref_slice %arg7[%dma_wait3A_92] : memref<8192xf32, #tpu.memory_space<vmem>> -> memref<4096xf32, #tpu.memory_space<vmem>>
    %dma_wait3A_94 = tpu.memref_slice %arg2[%mul3A_91] : memref<12800000xf32, #tpu.memory_space<hbm>> -> memref<4096xf32, #tpu.memory_space<hbm>>
    %dma_wait3A_95 = arith.constant 4096 : i32
    %dma_wait3A_96 = tpu.memref_slice %arg7[%dma_wait3A_95] : memref<8192xf32, #tpu.memory_space<vmem>> -> memref<4096xf32, #tpu.memory_space<vmem>>
    %dma_wait3A_97 = tpu.memref_slice %arg2[%mul3A_91] : memref<12800000xf32, #tpu.memory_space<hbm>> -> memref<4096xf32, #tpu.memory_space<hbm>>
    tpu.wait_dma2 semaphore(%arg13 : memref<!tpu.dma_semaphore, #tpu.memory_space<semaphore_mem>>) src(%dma_wait3A_97 : memref<4096xf32, #tpu.memory_space<hbm>>) dst(%dma_wait3A_96 : memref<4096xf32, #tpu.memory_space<vmem>>)
    %dma_wait3A_98 = arith.constant 2048 : i32
    %dma_wait3A_99 = tpu.memref_slice %arg8[%dma_wait3A_98] : memref<4096xi32, #tpu.memory_space<vmem>> -> memref<2048xi32, #tpu.memory_space<vmem>>
    %dma_wait3A_100 = tpu.memref_slice %arg3[%mul3A_89] : memref<6400000xi32, #tpu.memory_space<hbm>> -> memref<2048xi32, #tpu.memory_space<hbm>>
    %dma_wait3A_101 = arith.constant 2048 : i32
    %dma_wait3A_102 = tpu.memref_slice %arg8[%dma_wait3A_101] : memref<4096xi32, #tpu.memory_space<vmem>> -> memref<2048xi32, #tpu.memory_space<vmem>>
    %dma_wait3A_103 = tpu.memref_slice %arg3[%mul3A_89] : memref<6400000xi32, #tpu.memory_space<hbm>> -> memref<2048xi32, #tpu.memory_space<hbm>>
    tpu.wait_dma2 semaphore(%arg13 : memref<!tpu.dma_semaphore, #tpu.memory_space<semaphore_mem>>) src(%dma_wait3A_103 : memref<2048xi32, #tpu.memory_space<hbm>>) dst(%dma_wait3A_102 : memref<2048xi32, #tpu.memory_space<vmem>>)
    %mul3A_104 = arith.constant 53248 : i32
    %mul3A_105 = arith.muli %add3A, %mul3A_104 : i32
    "tpu.region"() ({
      %run_scoped3A = tpu.sem_alloc : memref<!tpu.dma_semaphore, #tpu.memory_space<semaphore_mem>>
      %dma_start3A_108 = tpu.memref_slice %arg5[%mul3A_105] : memref<1703936xf32, #tpu.memory_space<hbm>> -> memref<53248xf32, #tpu.memory_space<hbm>>
      %dma_start3A_109 = tpu.memref_slice %arg5[%mul3A_105] : memref<1703936xf32, #tpu.memory_space<hbm>> -> memref<53248xf32, #tpu.memory_space<hbm>>
      tpu.enqueue_dma source(%arg10 : memref<53248xf32, #tpu.memory_space<vmem>>) target(%dma_start3A_109 : memref<53248xf32, #tpu.memory_space<hbm>>) target_semaphore(%run_scoped3A : memref<!tpu.dma_semaphore, #tpu.memory_space<semaphore_mem>>)
      %dma_wait3A_110 = tpu.memref_slice %arg5[%mul3A_105] : memref<1703936xf32, #tpu.memory_space<hbm>> -> memref<53248xf32, #tpu.memory_space<hbm>>
      %dma_wait3A_111 = tpu.memref_slice %arg5[%mul3A_105] : memref<1703936xf32, #tpu.memory_space<hbm>> -> memref<53248xf32, #tpu.memory_space<hbm>>
      tpu.wait_dma2 semaphore(%run_scoped3A : memref<!tpu.dma_semaphore, #tpu.memory_space<semaphore_mem>>) src(%arg10 : memref<53248xf32, #tpu.memory_space<vmem>>) dst(%dma_wait3A_111 : memref<53248xf32, #tpu.memory_space<hbm>>)
      tpu.yield
    }) : () -> ()
    %mul3A_106 = arith.constant 53248 : i32
    %mul3A_107 = arith.muli %add3A, %mul3A_106 : i32
    "tpu.region"() ({
      %run_scoped3A = tpu.sem_alloc : memref<!tpu.dma_semaphore, #tpu.memory_space<semaphore_mem>>
      %dma_start3A_108 = tpu.memref_slice %arg6[%mul3A_107] : memref<1703936xf32, #tpu.memory_space<hbm>> -> memref<53248xf32, #tpu.memory_space<hbm>>
      %dma_start3A_109 = tpu.memref_slice %arg6[%mul3A_107] : memref<1703936xf32, #tpu.memory_space<hbm>> -> memref<53248xf32, #tpu.memory_space<hbm>>
      tpu.enqueue_dma source(%arg11 : memref<53248xf32, #tpu.memory_space<vmem>>) target(%dma_start3A_109 : memref<53248xf32, #tpu.memory_space<hbm>>) target_semaphore(%run_scoped3A : memref<!tpu.dma_semaphore, #tpu.memory_space<semaphore_mem>>)
      %dma_wait3A_110 = tpu.memref_slice %arg6[%mul3A_107] : memref<1703936xf32, #tpu.memory_space<hbm>> -> memref<53248xf32, #tpu.memory_space<hbm>>
      %dma_wait3A_111 = tpu.memref_slice %arg6[%mul3A_107] : memref<1703936xf32, #tpu.memory_space<hbm>> -> memref<53248xf32, #tpu.memory_space<hbm>>
      tpu.wait_dma2 semaphore(%run_scoped3A : memref<!tpu.dma_semaphore, #tpu.memory_space<semaphore_mem>>) src(%arg11 : memref<53248xf32, #tpu.memory_space<vmem>>) dst(%dma_wait3A_111 : memref<53248xf32, #tpu.memory_space<hbm>>)
      tpu.yield
    }) : () -> ()
    return
  }
}

</mosaic_0001>

<sc_bundles>
// kernel: kernel.11.cloned.1.call-start
scs
__scs_entry_jumppad:
0x0: {  	(pc) =	sbr.rel $0x88, $3  }
0x1: {  	(tag) =	ssettag $0x0;
	lr =	simm.s32 $0x1  }
0x2: {  	[smem:$0x3F9D] =	sst lr;
	_ =	strace $0xD0000000  }
0x3: {  	_ = 	snop  }
0x4: {  	_ = 	snop  }
0x5: {  	_ = 	snop  }
0x6: {  	_ = 	snop  }
0x7: {  	_ = 	snop  }
__scs_overlays_trampoline_lowered:
0x8: {  	[smem:$0x3FAC] =	sst s0  }
0x9: {  	[smem:$0x3FAD] =	sst s1  }
0xa: {  	[smem:$0x3FAE] =	sst s2  }
0xb: {  	[smem:$0x3FAF] =	sst s3  }
0xc: {  	[smem:$0x3FB0] =	sst s4  }
0xd: {  	[smem:$0x3FB1] =	sst s5  }
0xe: {  	[smem:$0x3FB2] =	sst s6  }
0xf: {  	[smem:$0x3FB3] =	sst s7  }
0x10: {  	[smem:$0x3FB4] =	sst s8  }
0x11: {  	[smem:$0x3FB5] =	sst s9;
	s0 =	simm.s32 @!p0 $0x0  }
0x12: {  	s1 =	sld [smem:$0x3F9B];
	s0 =	simm.s32 @p0 $0x1  }
0x13: {  	[smem:$0x3FB6] =	sst s0;
	s0 =	simm.s32 @!p1 $0x0  }
0x14: {  	s2 =	sld [smem:$0x3F9A];
	s0 =	simm.s32 @p1 $0x1  }
0x15: {  	[smem:$0x3FB7] =	sst s0;
	s0 =	simm.s32 @!p2 $0x0  }
0x16: {  	s3 =	sld [smem:$0x3FDB];
	s0 =	simm.s32 @p2 $0x1  }
0x17: {  	s4 =	simm.s32 $0x1BF5;
	[smem:$0x3FB9] =	sst s0  }
0x18: {  	s0 =	sld [smem:$0x3F9C];
	_ =	swait.ge [sflag:s4], $0x0  }
0x19: {  	s7 =	sld [smem:$0x3F9D]  }
0x1a: {  	s8 =	sadd.s32 $0xFFFFE003, lr  }
0x1b: {  	s9 =	sadd.s32 $0xFFFFFEF7, lr;
	s5 =	simm.s32 $0xFFFFFFFF;
	p2 =	slt.u32 s8, $0xFFFFF086  }
0x1c: {  	p1 =	slt.u32 s9, $0xF7A;
	s5 =	simm.s32 @!p2 $0x0  }
0x1d: {  	s5 =	simm.s32 @p1 $0x1;
	p0 =	seq.s32 s7, s2  }
0x1e: {  	s7 =	smul.u32 @!p0 $0xF7A, s2;
	p2 =	seq.s32 @!p0 s5, $0x0  }
0x1f: {  	s9 =	smul.u32 $0xF7A, s1;
	s8 =	simm.s32 @!p0 $0x1BF5;
	p2 =	por !p2, p0  }
0x20: {  	[sflag:s8] =	ssyncset.s32 @!p0 $0xFFFFF086;
	s6 =	sadd.s32 @!p0 s3, s7;
	s7 =	simm.s32 @!p0 $0x108  }
0x21: {  	s3 =	sadd.s32 s3, s9;
	s6 =	sadd.s32 @!p0 $0x88, s6;
	s7 =	simm.s32 @p2 $0x1082  }
0x22: {  	[simem:s7], [sflag:s8] =	dma.local @!p0 [hbm:s6], $0xF7A  }
0x23: {  	s9 =	sor.u32 $0xD0000000, s2;
	s6 =	simm.s32 $0x108;
	_ =	swait.ge @!p0 [sflag:s8], $0x0  }
0x24: {  	s3 =	sadd.s32 $0x88, s3;
	s6 =	simm.s32 @!p1 $0x1082;
	[sflag:s4] =	ssyncset.s32 $0xFFFFF086  }
0x25: {  	[simem:s6], [sflag:s4] =	dma.local [hbm:s3], $0xF7A  }
0x26: {  	[smem:$0x3F9D] =	sst s1;
	(tag) =	ssettag s2;
	_ =	strace s9  }
0x27: {  	s1 =	sld [smem:$0x3FAD]  }
0x28: {  	s2 =	sld [smem:$0x3FAE]  }
0x29: {  	s4 =	sld [smem:$0x3FB0]  }
0x2a: {  	p0 =	seq.s32 s5, $0x0;
	s5 =	sld [smem:$0x3FB1]  }
0x2b: {  	s6 =	sld [smem:$0x3FB2]  }
0x2c: {  	s7 =	sld [smem:$0x3FB3]  }
0x2d: {  	s3 =	simm.s32 $0x108;
	s8 =	sld [smem:$0x3FB4]  }
0x2e: {  	s3 =	simm.s32 @!p0 $0x1082;
	s9 =	sld [smem:$0x3FB5]  }
0x2f: {  	lr =	sadd.s32 s0, s3;
	s0 =	sld [smem:$0x3FAC]  }
0x30: {  	s3 =	sld [smem:$0x3FAF]  }
0x31: {  	[smem:$0x3FB8] =	sst s10  }
0x32: {  	s10 =	sld [smem:$0x3FB6];
	_ =	sdelay $0x3  }
0x33: {  	p0 =	seq.s32 s10, $0x1;
	s10 =	sld [smem:$0x3FB8];
	_ =	sdelay $0x3  }
0x34: {  	[smem:$0x3FB8] =	sst s10  }
0x35: {  	s10 =	sld [smem:$0x3FB7];
	_ =	sdelay $0x3  }
0x36: {  	p1 =	seq.s32 s10, $0x1;
	s10 =	sld [smem:$0x3FB8];
	_ =	sdelay $0x3  }
0x37: {  	[smem:$0x3FB8] =	sst s10  }
0x38: {  	s10 =	sld [smem:$0x3FB9]  }
0x39: {  	_ = 	snop;
	(pc) =	sbr.ind lr, $3  }
0x3a: {  	_ = 	snop  }
0x3b: {  	_ = 	snop  }
0x3c: {  	p2 =	seq.s32 s10, $0x1;
	s10 =	sld [smem:$0x3FB8]  }
0x3d: {  	_ =	shalt  }
0x3e: {  	_ =	shalt  }
0x3f: {  	_ =	shalt  }
0x40: {  	_ =	shalt  }
0x41: {  	_ =	shalt  }
0x42: {  	_ =	shalt  }
0x43: {  	_ =	shalt  }
0x44: {  	_ =	shalt  }
0x45: {  	_ =	shalt  }
0x46: {  	_ =	shalt  }
0x47: {  	_ =	shalt  }
0x48: {  	_ =	shalt  }
0x49: {  	_ =	shalt  }
0x4a: {  	_ =	shalt  }
0x4b: {  	_ =	shalt  }
0x4c: {  	_ =	shalt  }
0x4d: {  	_ =	shalt  }
0x4e: {  	_ =	shalt  }
0x4f: {  	_ =	shalt  }
0x50: {  	_ =	shalt  }
0x51: {  	_ =	shalt  }
0x52: {  	_ =	shalt  }
0x53: {  	_ =	shalt  }
0x54: {  	_ =	shalt  }
0x55: {  	_ =	shalt  }
0x56: {  	_ =	shalt  }
0x57: {  	_ =	shalt  }
0x58: {  	_ =	shalt  }
0x59: {  	_ =	shalt  }
0x5a: {  	_ =	shalt  }
0x5b: {  	_ =	shalt  }
0x5c: {  	_ =	shalt  }
0x5d: {  	_ =	shalt  }
0x5e: {  	_ =	shalt  }
0x5f: {  	_ =	shalt  }
0x60: {  	_ =	shalt  }
0x61: {  	_ =	shalt  }
0x62: {  	_ =	shalt  }
0x63: {  	_ =	shalt  }
0x64: {  	_ =	shalt  }
0x65: {  	_ =	shalt  }
0x66: {  	_ =	shalt  }
0x67: {  	_ =	shalt  }
0x68: {  	_ =	shalt  }
0x69: {  	_ =	shalt  }
0x6a: {  	_ =	shalt  }
0x6b: {  	_ =	shalt  }
0x6c: {  	_ =	shalt  }
0x6d: {  	_ =	shalt  }
0x6e: {  	_ =	shalt  }
0x6f: {  	_ =	shalt  }
0x70: {  	_ =	shalt  }
0x71: {  	_ =	shalt  }
0x72: {  	_ =	shalt  }
0x73: {  	_ =	shalt  }
0x74: {  	_ =	shalt  }
0x75: {  	_ =	shalt  }
0x76: {  	_ =	shalt  }
0x77: {  	_ =	shalt  }
0x78: {  	_ =	shalt  }
0x79: {  	_ =	shalt  }
0x7a: {  	_ =	shalt  }
0x7b: {  	_ =	shalt  }
0x7c: {  	_ =	shalt  }
0x7d: {  	_ =	shalt  }
0x7e: {  	_ =	shalt  }
0x7f: {  	_ =	shalt  }
0x80: {  	_ =	shalt  }
0x81: {  	_ =	shalt  }
0x82: {  	_ =	shalt  }
0x83: {  	_ =	shalt  }
0x84: {  	_ =	shalt  }
0x85: {  	_ =	shalt  }
0x86: {  	_ =	shalt  }
0x87: {  	_ =	shalt  }
.Lfunc_end0:
.L_simem_size_0:
called_computation.2_lowered:
.L_overlay_start_0:
0x88: {  	s2 =	sld [smem:$0x3FD9]  }
0x89: {  	s3 =	sld [smem:$0x3FFE];
	_ =	sdelay $0x1  }
0x8a: {  	s1 =	srdreg.scid  }
0x8b: {  	s0 =	sand.u32 $0x1, s1  }
0x8c: {  	s17 =	sshll.u32 s0, $0xA;
	s2 =	sadd.s32 s3, s2  }
0x8d: {  	s2 =	sadd.s32 s2, s17  }
0x8e: {  	[smem:$0x3FC4] =	sst s2  }
0x8f: {  	_ = 	snop  }
0x90: {  	s2 =	sld [smem:$0x3FC9]  }
0x91: {  	s18 =	sld [smem:$0x3FC7]  }
0x92: {  	s4 =	sld [smem:$0x3FD0];
	(tm) =	ssettm $0x1  }
0x93: {  	s5 =	sld [smem:$0x3FFB];
	_ =	sdelay $0x3  }
0x94: {  	_ =	strace s5  }
0x95: {  	s5 =	sld [smem:$0x3FFC];
	_ =	sdelay $0x3  }
0x96: {  	_ =	strace s5  }
0x97: {  	s5 =	sld [smem:$0x3FFD];
	_ =	sdelay $0x3  }
0x98: {  	_ =	strace s5  }
0x99: {  	_ =	strace $0x8FFFFFFF  }
0x9a: {  	s19 =	sld [smem:$0x3FDB];
	_ =	sdelay $0x1  }
0x9b: {  	s6 =	simm.s32 $_scs_section_size  }
0x9c: {  	s7 =	simm.s32 $_size__tile_overlayer_lowered;
	s8 =	simm.s32 $_tile_overlayer_lowered  }
0x9d: {  	s22 =	simm.s32 $0x1BFF;
	s21 =	sshll.u32 s8, $0x1;
	s5 =	sadd.s32 s6, s19  }
0x9e: {  	s9 =	simm.s32 $0x0;
	s20 =	sshll.u32 s7, $0x1;
	s7 =	sadd.s32 s21, s5  }
0x9f: {  	[timem:s9], [sflag:s22] =	dma.local [hbm:s7], s20  }
0xa0: {  	_ =	swait.ge [sflag:s22], s20  }
0xa1: {  	s6 =	ssub.s32 $0x0, s20;
	[sflag:s22] =	ssyncset.done $0x0  }
0xa2: {  	[sflag:s22] =	ssyncadd.s32 s6;
	_ =	sdelay $0x1  }
0xa3: {  	s23 =	simm.s32 $0x1B8B  }
0xa4: {  	_ =	swait.ge [sflag:s23], $0x1  }
0xa5: {  	[sflag:s23] =	ssyncset.done $0x0  }
0xa6: {  	s25 =	simm.s32 $0x1B8E;
	s24 =	sld [smem:$0x3FFE];
	[sflag:s23] =	ssyncadd.s32 $0xFFFFFFFF  }
0xa7: {  	s26 =	simm.s32 $execute0_lowered;
	[smem:$0x3FD2] =	sst s25  }
0xa8: {  	s7 =	sshll.u32 s26, $0x1;
	_ =	strace $0x8000004C;
	[dreg:$0x1] =	wrdreg $0xFFFFFFFF  }
0xa9: {  	s28 =	simm.s32 $_size_execute0_lowered;
	s5 =	sadd.s32 s5, s7;
	[dreg:$0x0] =	wrdreg $0x0  }
0xaa: {  	s7 =	sshll.u32 s28, $0x1;
	[dreg:$0x2] =	wrdreg s5  }
0xab: {  	[dreg:$0x3] =	wrdreg s7  }
0xac: {  	[dreg:$0x4] =	wrdreg $0xC0  }
0xad: {  	_ =	task [dreg:s9], $0x5FFFF  }
0xae: {  	[dreg:$0x1] =	wrdreg $0xFFFFFFFF  }
0xaf: {  	[dreg:$0x0] =	wrdreg $0x60  }
0xb0: {  	[dreg:$0x2] =	wrdreg s2  }
0xb1: {  	[dreg:$0x3] =	wrdreg s18  }
0xb2: {  	[dreg:$0x4] =	wrdreg s24  }
0xb3: {  	[dreg:$0x5] =	wrdreg s4  }
0xb4: {  	[dreg:$0x6] =	wrdreg $0x9  }
0xb5: {  	_ =	task.clear_ibuf [dreg:s9], $0x7FFFF;
	_ =	strace $0x9000004C  }
0xb6: {  	s29 =	simm.s32 $0x9;
	_ =	strace $0x8000004E  }
0xb7: {  	_ =	swait.ge [sflag:s29], $0x1  }
0xb8: {  	[sflag:s29] =	ssyncadd.s32 $0xFFFFFFFF  }
0xb9: {  	_ =	strace $0x9000004E  }
0xba: {  	_ =	sfence  }
0xbb: {  	s30 =	sld [smem:$0x0];
	_ =	sdelay $0x2  }
0xbc: {  	s31 =	sshll.u32 s1, $0xD;
	s1 =	sshrl.u32 s1, $0x2  }
0xbd: {  	s3 =	sand.u32 $0x4000, s31;
	s1 =	sadd.s32 s1, s30  }
0xbe: {  	s0 =	sor.u32 s3, s0;
	s1 =	sshll.u32 s1, $0x11  }
0xbf: {  	s0 =	sor.u32 s1, s0  }
0xc0: {  	s0 =	sadd.s32 $0x8F2B, s0  }
0xc1: {  	[sflag:s0] =	ssyncadd.remote.s32 $0x1  }
0xc2: {  	_ =	sfence.sel $0xFFFF  }
0xc3: {  	[dreg:$0x0] =	wrdreg $0xFFFFFFFF;
	(pc) =	sbr.abs _section_cstart, $3  }
0xc4: {  	[dreg:$0x1] =	wrdreg $0xFFFFFFFF  }
0xc5: {  	_ =	task.clear_ibuf [dreg:s9], $0x2FFFF;
	_ =	strace $0x9FFFFFFF  }
0xc6: {  	(tm) =	ssettm $0x7FFFFFFF  }
0xc7: {  	_ =	shalt  }
tec
execute0_lowered:
.L_overlay_start_1:
0x0: {  	(tag) =	ssettag $0x1  }
0x1: {  	s1 =	rddreg [dreg:$0x0]  }
0x2: {  	s2 =	rddreg [dreg:$0x1]  }
0x3: {  	s0 =	rddreg [dreg:$0x2]  }
0x4: {  	s4 =	rddreg [dreg:$0x3]  }
0x5: {  	s5 =	simm.s32 $0x0;
	s3 =	srdreg.scid;
	s6 =	stileid.u32  }
0x6: {  	s9 =	simm.s32 $0x61;
	s17 =	simm.s32 $0x4080;
	s21 =	simm.s32 $0x1  }
0x7: {  	[smem:$0x7FF] =	sst s5;
	s3 =	sand.u32 $0x1, s3;
	s6 =	sshll.u32 s6, $0x1  }
0x8: {  	s7 =	sadd.s32 $0x36E00, s0;
	s0 =	sadd.s32 $0x1200, s0;
	s6 =	sor.u32 s3, s6  }
0x9: {  	_ =	strace $0x8000004D;
	s3 =	ssub.s32 $0x2, s3;
	s25 =	smul.u32 $0x61, s6  }
0xa: {  	[dreg:$0x5] =	wrdreg s7;
	s26 =	sshrl.u32 s3, $0x1;
	s8 =	smin.u32 s6, $0x15  }
0xb: {  	[dreg:$0x6] =	wrdreg s0;
	s0 =	ssub.s32 s3, s26;
	s8 =	sadd.s32 s8, s25  }
0xc: {  	p0 =	slt.u32 s6, $0x15;
	s0 =	smax.u32 s0, $0x1;
	s28 =	sshll.u32 s8, $0x9  }
0xd: {  	s29 =	sadd.s32 $0x1, s8;
	s7 =	sshll.u32 s8, $0x8;
	[dreg:$0xb] =	wrdreg s0  }
0xe: {  	s3 =	sadd.s32 s1, s28;
	s30 =	sshll.u32 s29, $0x9;
	s6 =	sshll.u32 s29, $0x8  }
0xf: {  	s7 =	sadd.s32 s2, s7;
	[dreg:$0x7] =	wrdreg s3;
	s3 =	sand.u32 $0x1FFFFE00, s30  }
0x10: {  	[dreg:$0x8] =	wrdreg s7;
	s31 =	sand.u32 $0x1FFFFF00, s6;
	s3 =	sadd.s32 s1, s3  }
0x11: {  	s23 =	simm.s32 $0x2;
	[dreg:$0x9] =	wrdreg s3;
	s3 =	sadd.s32 s2, s31  }
0x12: {  	s9 =	simm.s32 @!p0 $0x60;
	s6 =	simm.s32 $0x0;
	[dreg:$0xa] =	wrdreg s3  }
.LBB2_1:
0x13: {  	[dreg:$0xc] =	wrdreg s6  }
0x14: {  	s0 =	rddreg [dreg:$0x6];
	s3 =	simm.s32 $0x4000;
	s19 =	simm.s32 $0x5  }
0x15: {  	[tilespmem:s3], [sflag:$0x5] =	stream.linear.gather [hbm4b:s0+s5], $0x80, $0x38;
	[tilespmem:$0x11080] =	vst v63  }
0x16: {  	_ =	swait.ge [sflag:s19], $0x80  }
0x17: {  	[sflag:s19] =	ssyncset.done $0x0  }
0x18: {  	s20 =	rddreg [dreg:$0x5];
	[sflag:s19] =	ssyncadd.s32 $0xFFFFFF80  }
0x19: {  	v0 =	vld [tilespmem:$0x4000];
	[tilespmem:s17], [sflag:$0x5] =	stream.linear.gather [hbm4b:s20+s5], $0xD000, $0x38  }
0x1a: {  	_ =	swait.ge [sflag:s19], $0xD000  }
0x1b: {  	[sflag:s19] =	ssyncset.done $0x0  }
0x1c: {  	s22 =	rddreg [dreg:$0x7];
	[sflag:s19] =	ssyncadd.s32 $0xFFFF3000  }
0x1d: {  	[tilespmem:s5], [sflag:$0x1] =	stream.linear.gather [hbm4b:s22+s5], $0x1000, $0x38;
	[tilespmem:$0x11080] =	vst v63  }
0x1e: {  	s25 =	simm.s32 $0x2000;
	s24 =	rddreg [dreg:$0x8]  }
0x1f: {  	[tilespmem:s25], [sflag:$0x1] =	stream.linear.gather [hbm4b:s24+s5], $0x800, $0x38;
	[tilespmem:$0x11080] =	vst v63  }
0x20: {  	s28 =	simm.s32 $0x1000;
	s26 =	rddreg [dreg:$0x9]  }
0x21: {  	[tilespmem:s28], [sflag:$0x2] =	stream.linear.gather [hbm4b:s26+s5], $0x1000, $0x38;
	[tilespmem:$0x11080] =	vst v63  }
0x22: {  	s31 =	simm.s32 $0x2800;
	s29 =	simm.s32 $0x0;
	s30 =	rddreg [dreg:$0xa]  }
0x23: {  	[tilespmem:s31], [sflag:$0x2] =	stream.linear.gather [hbm4b:s30+s5], $0x800, $0x38;
	[tilespmem:$0x11080] =	vst v63  }
.LBB2_2:
0x24: {  	_ =	swait.ge [sflag:s21], $0x1000  }
0x25: {  	s0 =	simm.s32 $0x0;
	[sflag:s21] =	ssyncset.done $0x0  }
0x26: {  	s3 =	sand.u32 $0x7, s0;
	[sflag:s21] =	ssyncadd.s32 $0xFFFFF000  }
0x27: {  	p0 =	seq.s32 s29, $0x0;
	s3 =	sshll.u32 s3, $0x4;
	_ =	swait.ge [sflag:s21], $0x800  }
0x28: {  	p1 =	por $0x0, $0x0;
	s3 =	sadd.s32 $0x0, s3;
	[sflag:s21] =	ssyncset.done $0x0  }
0x29: {  	s6 =	simm.s32 @!p0 $0x3;
	s7 =	sadd.s32 $0x30, s3;
	[sflag:s21] =	ssyncadd.s32 $0xFFFFF800  }
0x2a: {  	s22 =	sor.u32 $0x80, s7;
	s7 =	simm.s32 $0x1;
	_ =	swait.ge @!p0 [sflag:s6], $0x800  }
0x2b: {  	s7 =	simm.s32 @!p1 $0x0;
	[sflag:s6] =	ssyncset.done @!p0 $0x0  }
0x2c: {  	s3 =	sadd.s32 $0x10, s3;
	s24 =	sshll.u32 s7, $0x6;
	[sflag:s6] =	ssyncadd.s32 @!p0 $0xFFFFF800  }
0x2d: {  	s3 =	sor.u32 $0x80, s3;
	s6 =	sadd.s32 $0x0, s24;
	v1 =	vld [tilespmem:s22+$0x0]  }
0x2e: {  	s6 =	sor.u32 $0x80, s6;
	v2 =	vld [tilespmem:s3+$0x0]  }
0x2f: {  	s25 =	sand.u32 $0x3, s0;
	v3 =	vld [tilespmem:s6+$0x0]  }
0x30: {  	s26 =	sshll.u32 s25, $0x5  }
0x31: {  	s7 =	simm.s32 $0x4;
	s3 =	sadd.s32 $0x0, s26  }
0x32: {  	s3 =	sadd.s32 $0x20, s3;
	s6 =	sand.u32 $0x7, s7;
	v1 =	vmul.f32 v1, v1  }
0x33: {  	s3 =	sor.u32 $0x80, s3;
	s10 =	sshll.u32 s6, $0x4;
	v2 =	vmul.f32 v2, v2  }
0x34: {  	v4 =	vld [tilespmem:s3+$0x0];
	s3 =	sadd.s32 $0x80, s10;
	v3 =	vmul.f32 v3, v3;
	v1 =	vadd.f32 v1, v0  }
0x35: {  	s11 =	sadd.s32 $0x30, s3;
	v2 =	vadd.f32 v2, v0  }
0x36: {  	s6 =	sor.u32 $0x80, s11;
	v3 =	vadd.f32 v3, v0;
	v5 =	vshrl.u32 v1, $0x1;
	v1 =	vmul.f32 $5.000000000e-01, v1  }
0x37: {  	v8 =	vld [tilespmem:s6+$0x0];
	v7 =	vshrl.u32 v2, $0x1;
	v2 =	vmul.f32 $5.000000000e-01, v2;
	v5 =	vsub.s32 $0x5F3759DF, v5  }
0x38: {  	v7 =	vsub.s32 $0x5F3759DF, v7;
	v6 =	vmul.f32 v5, v1  }
0x39: {  	v9 =	vmul.f32 v4, v4;
	v4 =	vshrl.u32 v3, $0x1;
	v10 =	vmul.f32 v7, v2  }
0x3a: {  	v11 =	vsub.s32 $0x5F3759DF, v4;
	v6 =	vmul.f32 v5, v6  }
0x3b: {  	p1 =	por !p1, !p1;
	s6 =	simm.s32 $0x1;
	v4 =	vmul.f32 $5.000000000e-01, v3;
	v3 =	vadd.f32 v9, v0;
	v9 =	vmul.f32 v7, v10  }
0x3c: {  	s3 =	sadd.s32 $0x10, s3;
	s6 =	simm.s32 @!p1 $0x0;
	v8 =	vmul.f32 v8, v8;
	v6 =	vsub.f32 $1.500000000e+00, v6  }
0x3d: {  	s3 =	sor.u32 $0x80, s3;
	s6 =	sshll.u32 s6, $0x6;
	v9 =	vsub.f32 $1.500000000e+00, v9  }
0x3e: {  	v13 =	vld [tilespmem:s3+$0x0];
	s6 =	sadd.s32 $0x80, s6;
	v10 =	vshrl.u32 v3, $0x1;
	v8 =	vadd.f32 v8, v0;
	v5 =	vmul.f32 v5, v6  }
0x3f: {  	s6 =	sor.u32 $0x80, s6;
	v3 =	vmul.f32 $5.000000000e-01, v3;
	v10 =	vsub.s32 $0x5F3759DF, v10;
	v9 =	vmul.f32 v7, v9  }
0x40: {  	v12 =	vld [tilespmem:s6+$0x0];
	v7 =	vshrl.u32 v8, $0x1;
	v8 =	vmul.f32 $5.000000000e-01, v8;
	v1 =	vmul.f32 v5, v1  }
0x41: {  	s12 =	simm.s32 $0x2;
	v14 =	vmul.f32 v10, v3;
	v7 =	vsub.s32 $0x5F3759DF, v7  }
0x42: {  	s13 =	sand.u32 $0x3, s12;
	s7 =	simm.s32 $0x2020;
	v16 =	vmul.f32 v7, v8;
	v1 =	vmul.f32 v1, v5  }
0x43: {  	v15 =	vld [tilespmem:s7+$0x10];
	s3 =	sshll.u32 s13, $0x5;
	v13 =	vmul.f32 v13, v13  }
0x44: {  	s3 =	sadd.s32 $0x80, s3;
	v14 =	vmul.f32 v10, v14;
	v16 =	vmul.f32 v7, v16;
	v1 =	vsub.f32 $1.500000000e+00, v1  }
0x45: {  	s3 =	sadd.s32 $0x20, s3;
	v12 =	vmul.f32 v12, v12;
	v6 =	vmul.f32 v11, v4  }
0x46: {  	s3 =	sor.u32 $0x80, s3;
	v16 =	vsub.f32 $1.500000000e+00, v16;
	v5 =	vmul.f32 v1, v5;
	v1 =	vsub.f32 $1.500000000e+00, v14  }
0x47: {  	s14 =	simm.s32 $0x30;
	v12 =	vadd.f32 v12, v0;
	v2 =	vmul.f32 v9, v2;
	v6 =	vmul.f32 v11, v6;
	v14 =	vld [tilespmem:s3+$0x0]  }
0x48: {  	s15 =	sand.u32 $0x70, s14;
	s22 =	sand.u32 $0xF00, s0;
	v7 =	vmul.f32 v7, v16;
	v10 =	vmul.f32 v10, v1;
	v1 =	vadd.f32 v13, v0  }
0x49: {  	s0 =	sor.u32 s15, s22;
	v17 =	vmul.f32 v5, v5;
	v13 =	vmul.f32 v2, v9;
	v2 =	vshrl.u32 v12, $0x1  }
0x4a: {  	s16 =	simm.s32 $0x8;
	v20 =	vld [tilespmem:s0+$0x0];
	v8 =	vmul.f32 v7, v8;
	v3 =	vmul.f32 v10, v3;
	v18 =	vshrl.u32 v1, $0x1  }
0x4b: {  	s0 =	sand.u32 $0x7, s16;
	v15 =	vld.idx.msk [tilespmem:v15+s17+$0x0], $0xffff;
	v19 =	vmul.f32 $5.000000000e-01, v1;
	v17 =	vmul.f32 v17, v0;
	v1 =	vsub.s32 $0x5F3759DF, v2  }
0x4c: {  	s0 =	sshll.u32 s0, $0x4;
	v2 =	vmul.f32 $5.000000000e-01, v12;
	v18 =	vsub.s32 $0x5F3759DF, v18;
	v14 =	vmul.f32 v14, v14  }
0x4d: {  	s0 =	sadd.s32 $0x100, s0;
	v16 =	vmul.f32 v18, v19;
	v3 =	vmul.f32 v3, v10  }
0x4e: {  	s10 =	sadd.s32 $0x10, s0;
	p1 =	por !p1, !p1;
	s3 =	simm.s32 $0x1;
	v5 =	vsub.f32 v5, v17;
	v21 =	vmul.f32 v1, v2;
	v14 =	vadd.f32 v14, v0  }
0x4f: {  	s19 =	sor.u32 $0x80, s10;
	s3 =	simm.s32 @!p1 $0x0;
	v12 =	vmul.f32 v18, v16;
	v16 =	vsub.f32 $1.500000000e+00, v3;
	v3 =	vmul.f32 v8, v7  }
0x50: {  	s18 =	simm.s32 $0x4;
	s3 =	sshll.u32 s3, $0x6;
	v8 =	vmul.f32 v5, v20;
	v5 =	vmul.f32 v5, v15;
	v20 =	vld [tilespmem:s19+$0x0]  }
0x51: {  	s6 =	sand.u32 $0x3, s18;
	s3 =	sadd.s32 $0x100, s3;
	v17 =	vshrl.u32 v14, $0x1;
	v14 =	vmul.f32 $5.000000000e-01, v14;
	v12 =	vsub.f32 $1.500000000e+00, v12  }
0x52: {  	s0 =	sadd.s32 $0x30, s0;
	s6 =	sshll.u32 s6, $0x5;
	s3 =	sor.u32 $0x80, s3;
	v15 =	vsub.f32 $1.500000000e+00, v3;
	v17 =	vsub.s32 $0x5F3759DF, v17;
	v22 =	vmul.f32 v16, v10  }
0x53: {  	s0 =	sor.u32 $0x80, s0;
	s6 =	sadd.s32 $0x100, s6;
	v3 =	vmul.f32 v18, v12;
	v12 =	vld [tilespmem:s3+$0x0];
	v18 =	vmul.f32 v17, v14  }
0x54: {  	s6 =	sadd.s32 $0x20, s6;
	v6 =	vsub.f32 $1.500000000e+00, v6;
	v15 =	vmul.f32 v15, v7;
	v7 =	vld [tilespmem:s0+$0x0];
	v23 =	vmul.f32 v22, v22  }
0x55: {  	s20 =	sor.u32 $0x80, s6;
	v29 =	vsub.f32 v5, v8;
	v8 =	vmul.f32 v20, v20;
	v10 =	vmul.f32 v3, v19  }
0x56: {  	v13 =	vsub.f32 $1.500000000e+00, v13;
	v16 =	vmul.f32 v17, v18;
	v18 =	vld [tilespmem:s20+$0x0];
	v19 =	vmul.f32 v15, v15  }
0x57: {  	s6 =	simm.s32 $0x2060;
	v23 =	vmul.f32 v23, v0;
	v8 =	vadd.f32 v8, v0;
	v26 =	vmul.f32 v10, v3  }
0x58: {  	v5 =	vld [tilespmem:s6+$0x10];
	v10 =	vsub.f32 $1.500000000e+00, v16;
	v16 =	vmul.f32 v11, v6;
	v12 =	vmul.f32 v12, v12  }
0x59: {  	v11 =	vmul.f32 v13, v9;
	v7 =	vmul.f32 v7, v7;
	v24 =	vshrl.u32 v8, $0x1  }
0x5a: {  	s24 =	simm.s32 $0x80;
	s10 =	simm.s32 $0x70;
	v6 =	vmul.f32 v17, v10;
	v17 =	vld [tilespmem:s7+$0x0];
	v4 =	vmul.f32 v16, v4;
	v12 =	vadd.f32 v12, v0  }
0x5b: {  	s11 =	sand.u32 $0xF00, s24;
	s25 =	sand.u32 $0x70, s10;
	v18 =	vmul.f32 v18, v18;
	v10 =	vadd.f32 v7, v0;
	v7 =	vmul.f32 $5.000000000e-01, v8  }
0x5c: {  	s0 =	sor.u32 s25, s11;
	v8 =	vmul.f32 v19, v0;
	v14 =	vmul.f32 v6, v14;
	v20 =	vshrl.u32 v12, $0x1  }
0x5d: {  	v13 =	vld [tilespmem:s0+$0x0];
	v19 =	vshrl.u32 v10, $0x1;
	v30 =	vmul.f32 $5.000000000e-01, v10;
	v10 =	vsub.s32 $0x5F3759DF, v24  }
0x5e: {  	s30 =	sshll.u32 s29, $0x1;
	v31 =	vld [tilespmem:s7+$0xFFFFFFF0];
	v24 =	vmul.f32 v4, v16;
	v8 =	vsub.f32 v15, v8;
	v9 =	vsub.s32 $0x5F3759DF, v19  }
0x5f: {  	s31 =	sadd.s32 s8, s30;
	v15 =	vmul.f32 v11, v11;
	v4 =	vsub.s32 $0x5F3759DF, v20;
	v20 =	vmul.f32 v9, v30  }
0x60: {  	s14 =	simm.s32 $0x0;
	s12 =	simm.s32 $0x40;
	s26 =	simm.s32 $0x20;
	v27 =	vld.idx.msk [tilespmem:v5+s17+$0x0], $0xffff;
	v5 =	vmul.f32 $5.000000000e-01, v12;
	v12 =	vmul.f32 v1, v21  }
0x61: {  	s15 =	simm.s32 $0x30A0;
	s24 =	sand.u32 $0x40, s14;
	s14 =	simm.s32 $0x20A0;
	v21 =	vld [tilespmem:s7+$0xFFFFFFE0];
	v14 =	vmul.f32 v14, v6;
	v19 =	vadd.f32 v18, v0;
	v18 =	vmul.f32 v9, v20  }
0x62: {  	s13 =	simm.s32 $0x60;
	s18 =	simm.s32 $0x10;
	s0 =	sand.u32 $0x60, s26;
	v25 =	vmul.f32 v10, v7;
	v24 =	vsub.f32 $1.500000000e+00, v24;
	v13 =	vmul.f32 v8, v13;
	v32 =	vld.idx.msk [tilespmem:v17+s17+$0x0], $0xffff  }
0x63: {  	s13 =	sand.u32 $0x60, s13;
	s18 =	sand.u32 $0x50, s18;
	s16 =	sor.u32 s0, s22;
	v14 =	vsub.f32 $1.500000000e+00, v14;
	v20 =	vmul.f32 v15, v0;
	v15 =	vsub.f32 $1.500000000e+00, v18  }
0x64: {  	s13 =	sor.u32 s13, s11;
	s28 =	sor.u32 s18, s22;
	s18 =	sor.u32 s24, s22;
	v25 =	vmul.f32 v10, v25;
	v33 =	vshrl.u32 v19, $0x1;
	v18 =	vmul.f32 v24, v16;
	v24 =	vld [tilespmem:s16+$0x0]  }
0x65: {  	p1 =	por !p1, !p1;
	s3 =	simm.s32 $0x3020;
	s25 =	simm.s32 $0x100;
	v16 =	vmul.f32 v8, v27;
	v27 =	vsub.f32 v22, v23;
	v17 =	vmul.f32 v9, v15  }
0x66: {  	s26 =	simm.s32 $0x8;
	s0 =	simm.s32 $0x3060;
	s22 =	simm.s32 $0x6;
	v8 =	vmul.f32 v4, v5;
	v23 =	vld.idx.msk [tilespmem:v31+s17+$0x0], $0xffff;
	v9 =	vsub.f32 $1.500000000e+00, v26;
	v28 =	vmul.f32 v18, v18  }
0x67: {  	[tilespmem:s3+$0x10] =	vst v29;
	s7 =	simm.s32 $0xB0;
	s16 =	simm.s32 $0x180;
	v26 =	vld [tilespmem:s28+$0x0];
	v15 =	vsub.s32 $0x5F3759DF, v33;
	s28 =	simm.s32 $0xC;
	v29 =	vmul.f32 v17, v30;
	v22 =	vmul.f32 v27, v32  }
.LBB2_3:
0x68: {  	s24 =	simm.s32 $0x1  }
0x69: {  	s19 =	sand.u32 $0x7, s28;
	s20 =	sand.u32 $0x3, s22;
	v25 =	vsub.f32 $1.500000000e+00, v25;
	v19 =	vmul.f32 $5.000000000e-01, v19;
	v21 =	vld.idx.msk [tilespmem:v21+s17+$0x0], $0xffff;
	v24 =	vmul.f32 v27, v24;
	s24 =	simm.s32 @!p1 $0x0  }
0x6a: {  	v28 =	vmul.f32 v28, v0;
	v11 =	vsub.f32 v11, v20;
	s19 =	sshll.u32 s19, $0x4;
	s20 =	sshll.u32 s20, $0x5;
	v27 =	vmul.f32 v29, v17;
	s24 =	sshll.u32 s24, $0x6  }
0x6b: {  	v13 =	vsub.f32 v16, v13;
	s20 =	sadd.s32 s16, s20;
	s19 =	sadd.s32 s19, s16;
	v20 =	vmul.f32 v15, v19;
	v22 =	vsub.f32 v22, v24;
	s24 =	sadd.s32 s24, s16;
	v16 =	vld [tilespmem:s18+$0x0]  }
0x6c: {  	v10 =	vmul.f32 v10, v25;
	s20 =	sadd.s32 $0x20, s20;
	v24 =	vsub.f32 $1.500000000e+00, v27;
	v25 =	vmul.f32 v11, v26;
	s18 =	sor.u32 $0x80, s24;
	s24 =	sadd.s32 $0x10, s19  }
0x6d: {  	v27 =	vmul.f32 v14, v6;
	v6 =	vsub.f32 v18, v28;
	s20 =	sor.u32 $0x80, s20;
	s19 =	sadd.s32 $0x30, s19;
	v20 =	vmul.f32 v15, v20;
	v26 =	vld [tilespmem:s18+$0x0];
	s18 =	sor.u32 $0x80, s24;
	[tilespmem:s3+$0x0] =	vst v22  }
0x6e: {  	s26 =	sadd.s32 $0x4, s26;
	v12 =	vsub.f32 $1.500000000e+00, v12;
	v11 =	vmul.f32 v11, v23;
	v17 =	vmul.f32 v24, v17;
	v14 =	vld [tilespmem:s18+$0x0];
	s18 =	sor.u32 $0x80, s19;
	s19 =	sadd.s32 $0xFFFFFFD0, s7;
	[tilespmem:s0+$0x10] =	vst v13  }
0x6f: {  	p2 =	slt.u32 s26, $0x7C;
	v7 =	vmul.f32 v10, v7;
	v18 =	vmul.f32 v6, v21;
	v13 =	vld [tilespmem:s18+$0x0];
	s18 =	smov.u32 s12;
	s12 =	smov.u32 s19  }
0x70: {  	v23 =	vmul.f32 v27, v27;
	s24 =	smov.u32 s11;
	v20 =	vsub.f32 $1.500000000e+00, v20;
	v22 =	vmul.f32 v17, v17;
	v21 =	vld [tilespmem:s20+$0x0]  }
0x71: {  	v28 =	vmul.f32 v7, v10;
	v7 =	vsub.f32 v11, v25;
	v6 =	vmul.f32 v6, v16  }
0x72: {  	v11 =	vmul.f32 v26, v26;
	v16 =	vld [tilespmem:s14+$0x10];
	v26 =	vmul.f32 v1, v12;
	v1 =	vmov v4  }
0x73: {  	v23 =	vmul.f32 v23, v0;
	v12 =	vsub.f32 v18, v6;
	v4 =	vmul.f32 v14, v14;
	[tilespmem:s3+$0xFFFFFFF0] =	vst v7  }
0x74: {  	v6 =	vmul.f32 v15, v20;
	v14 =	vadd.f32 v11, v0;
	v7 =	vmul.f32 v13, v13;
	v13 =	vld [tilespmem:s6+$0x0]  }
0x75: {  	v18 =	vmul.f32 v26, v2;
	v4 =	vadd.f32 v4, v0;
	v15 =	vmul.f32 v21, v21;
	[tilespmem:s3+$0xFFFFFFE0] =	vst v12;
	s3 =	smov.u32 s0;
	s0 =	smov.u32 s15  }
0x76: {  	s19 =	sadd.s32 $0xFFFFFFF0, s7;
	v19 =	vmul.f32 v6, v19;
	v2 =	vmovc v5;
	v12 =	vshrl.u32 v14, $0x1;
	v11 =	vadd.f32 v7, v0  }
0x77: {  	s11 =	sand.u32 $0xF00, s25;
	s19 =	sand.u32 $0x60, s19;
	s20 =	sand.u32 $0x70, s7;
	v20 =	vmul.f32 v22, v0;
	v5 =	vshrl.u32 v4, $0x1;
	v7 =	vmul.f32 $5.000000000e-01, v4  }
0x78: {  	s25 =	smov.u32 s16;
	s19 =	sor.u32 s19, s11;
	s20 =	sor.u32 s20, s11;
	v4 =	vshrl.u32 v11, $0x1;
	v22 =	vmul.f32 $5.000000000e-01, v11;
	v11 =	vmul.f32 v9, v3;
	v30 =	vld [tilespmem:s6+$0xFFFFFFF0];
	v3 =	vmovc v10  }
0x79: {  	v10 =	vsub.s32 $0x5F3759DF, v5;
	v5 =	vmul.f32 v18, v26;
	v9 =	vsub.s32 $0x5F3759DF, v4;
	v24 =	vld [tilespmem:s20+$0x0]  }
0x7a: {  	v18 =	vmul.f32 v19, v6;
	v4 =	vsub.s32 $0x5F3759DF, v12;
	v12 =	vmul.f32 v9, v22;
	v16 =	vld.idx.msk [tilespmem:v16+s17+$0x0], $0xffff  }
0x7b: {  	v29 =	vsub.f32 v17, v20;
	v25 =	vmul.f32 v10, v7;
	v17 =	vmul.f32 v11, v11;
	v21 =	vld [tilespmem:s6+$0xFFFFFFE0];
	s6 =	smov.u32 s14  }
0x7c: {  	v19 =	vadd.f32 v15, v0;
	v15 =	vsub.f32 $1.500000000e+00, v5;
	v12 =	vmul.f32 v9, v12;
	v31 =	vld.idx.msk [tilespmem:v13+s17+$0x0], $0xffff  }
0x7d: {  	v5 =	vmul.f32 $5.000000000e-01, v14;
	v14 =	vsub.f32 $1.500000000e+00, v18;
	v20 =	vmul.f32 v17, v0  }
.Ltmp0:
0x7e: {  	s10 =	sadd.s32 $0xFFFFFFE0, s10;
	v17 =	vsub.f32 $1.500000000e+00, v12;
	v12 =	vmul.f32 v1, v8;
	v13 =	vmul.f32 v29, v24;
	v24 =	vld [tilespmem:s13+$0x0];
	s13 =	smov.u32 s19;
	(pc) =	sbr.rel @p2 .LBB2_3-.Ltmp0, $4  }
0x7f: {  	s15 =	sadd.s32 $0x40, s15;
	v32 =	vshrl.u32 v19, $0x1;
	v25 =	vmul.f32 v10, v25;
	v18 =	vmul.f32 v15, v26;
	s19 =	sand.u32 $0x50, s10;
	s10 =	smov.u32 s7  }
0x80: {  	s18 =	sand.u32 $0x40, s18;
	v27 =	vsub.f32 v27, v23;
	s7 =	sadd.s32 $0x40, s7;
	v16 =	vmul.f32 v29, v16;
	s19 =	sor.u32 s19, s24;
	v17 =	vmul.f32 v9, v17  }
0x81: {  	s16 =	sadd.s32 $0x80, s16;
	s18 =	sor.u32 s18, s24;
	s14 =	sadd.s32 $0x40, s14;
	v8 =	vmul.f32 v4, v5;
	v9 =	vsub.f32 $1.500000000e+00, v28;
	v28 =	vmul.f32 v18, v18;
	v26 =	vld [tilespmem:s19+$0x0]  }
0x82: {  	s28 =	sadd.s32 $0x4, s28;
	s22 =	sadd.s32 $0x2, s22;
	p1 =	por !p1, !p1;
	v15 =	vsub.s32 $0x5F3759DF, v32;
	v29 =	vmul.f32 v17, v22;
	v23 =	vld.idx.msk [tilespmem:v30+s17+$0x0], $0xffff;
	v22 =	vmul.f32 v27, v31  }
0x83: {  	_ = 	snop  }
0x84: {  	v19 =	vmul.f32 $5.000000000e-01, v19  }
0x85: {  	v25 =	vsub.f32 $1.500000000e+00, v25;
	v24 =	vmul.f32 v27, v24;
	v27 =	vmul.f32 v28, v0  }
0x86: {  	v30 =	vld [tilespmem:s14+$0x10];
	v11 =	vsub.f32 v11, v20;
	v6 =	vmul.f32 v14, v6;
	v8 =	vmul.f32 v4, v8  }
0x87: {  	v21 =	vld.idx.msk [tilespmem:v21+s17+$0x0], $0xffff;
	v12 =	vsub.f32 $1.500000000e+00, v12;
	v3 =	vmul.f32 v9, v3;
	v29 =	vmul.f32 v29, v17  }
0x88: {  	v28 =	vld [tilespmem:s6+$0x0];
	v20 =	vmul.f32 v15, v19;
	v10 =	vmul.f32 v10, v25;
	v14 =	vsub.f32 v18, v27  }
0x89: {  	v1 =	vmul.f32 v1, v12;
	v22 =	vsub.f32 v22, v24;
	v24 =	vmul.f32 v3, v3  }
0x8a: {  	v9 =	vld [tilespmem:s14+$0x0];
	v8 =	vsub.f32 $1.500000000e+00, v8;
	v26 =	vmul.f32 v11, v26;
	v20 =	vmul.f32 v15, v20  }
0x8b: {  	s16 =	sand.u32 $0xF00, s25;
	s22 =	sand.u32 $0x70, s7;
	v25 =	vsub.f32 $1.500000000e+00, v29;
	v29 =	vld [tilespmem:s18+$0x0];
	v11 =	vmul.f32 v11, v23;
	v7 =	vmul.f32 v10, v7  }
0x8c: {  	s18 =	sor.u32 s22, s16;
	v23 =	vld [tilespmem:s6+$0xFFFFFFF0];
	v2 =	vmul.f32 v1, v2;
	v4 =	vmul.f32 v4, v8  }
0x8d: {  	v27 =	vld [tilespmem:s18+$0x0];
	v17 =	vmul.f32 v25, v17;
	v18 =	vmul.f32 v14, v21;
	v20 =	vsub.f32 $1.500000000e+00, v20  }
0x8e: {  	v25 =	vmul.f32 v6, v6;
	v7 =	vmul.f32 v7, v10;
	v12 =	vld.idx.msk [tilespmem:v30+s17+$0x0], $0xffff  }
0x8f: {  	s24 =	sadd.s32 $0xFFFFFFE0, s10;
	v21 =	vmul.f32 v17, v17;
	v15 =	vmul.f32 v15, v20;
	v20 =	vld [tilespmem:s6+$0xFFFFFFE0]  }
0x90: {  	v13 =	vsub.f32 v16, v13;
	s26 =	sadd.s32 $0xFFFFFFF0, s7;
	v2 =	vmul.f32 v2, v1;
	v5 =	vmul.f32 v4, v5;
	v28 =	vld.idx.msk [tilespmem:v28+s17+$0x0], $0xffff;
	s6 =	sand.u32 $0x50, s24  }
0x91: {  	s10 =	sand.u32 $0x60, s26;
	v14 =	vmul.f32 v14, v29;
	v7 =	vsub.f32 $1.500000000e+00, v7;
	v16 =	vmul.f32 v21, v0;
	v21 =	vld [tilespmem:s13+$0x0];
	s6 =	sor.u32 s6, s11  }
0x92: {  	s10 =	sor.u32 s10, s16;
	v11 =	vsub.f32 v11, v26;
	v5 =	vmul.f32 v5, v4;
	v19 =	vmul.f32 v15, v19;
	v29 =	vld [tilespmem:s6+$0x0]  }
0x93: {  	v25 =	vmul.f32 v25, v0;
	v2 =	vsub.f32 $1.500000000e+00, v2;
	v7 =	vmul.f32 v7, v10;
	v10 =	vld [tilespmem:s10+$0x0]  }
0x94: {  	v5 =	vsub.f32 $1.500000000e+00, v5;
	v16 =	vsub.f32 v17, v16;
	v17 =	vld [tilespmem:s14+$0xFFFFFFF0];
	v8 =	vmul.f32 v19, v15  }
0x95: {  	s25 =	sand.u32 $0x40, s12;
	v1 =	vmul.f32 v2, v1;
	v2 =	vsub.f32 v6, v25;
	v19 =	vmul.f32 v24, v0;
	v24 =	vld [tilespmem:s14+$0xFFFFFFE0]  }
0x96: {  	s6 =	sor.u32 s25, s11;
	v6 =	vld.idx.msk [tilespmem:v23+s17+$0x0], $0xffff;
	v4 =	vmul.f32 v5, v4;
	v26 =	vmul.f32 v16, v27;
	v8 =	vsub.f32 $1.500000000e+00, v8  }
0x97: {  	s28 =	sadd.s32 $0xFFFFFFE0, s7;
	v25 =	vld [tilespmem:s6+$0x0];
	v12 =	vmul.f32 v16, v12;
	v23 =	vmul.f32 v2, v28;
	v3 =	vsub.f32 v3, v19  }
0x98: {  	s10 =	sadd.s32 $0xFFFFFFD0, s7;
	s6 =	sand.u32 $0x50, s28;
	v16 =	vld.idx.msk [tilespmem:v20+s17+$0x0], $0xffff;
	v20 =	vmul.f32 v1, v1;
	v8 =	vmul.f32 v8, v15  }
0x99: {  	v9 =	vld.idx.msk [tilespmem:v9+s17+$0x0], $0xffff;
	s11 =	sand.u32 $0x40, s10;
	s6 =	sor.u32 s6, s16;
	v2 =	vmul.f32 v2, v21;
	v19 =	vmul.f32 v3, v29  }
0x9a: {  	[tilespmem:s0+$0x10] =	vst v13;
	v14 =	vsub.f32 v18, v14;
	v5 =	vld [tilespmem:s6+$0x0];
	s6 =	sor.u32 s11, s16;
	v15 =	vmul.f32 v20, v0;
	v18 =	vmul.f32 v8, v8  }
0x9b: {  	[tilespmem:s3+$0x0] =	vst v22;
	v13 =	vld [tilespmem:s6+$0x0];
	v3 =	vmul.f32 v3, v6;
	v20 =	vmul.f32 v7, v7  }
0x9c: {  	v17 =	vld.idx.msk [tilespmem:v17+s17+$0x0], $0xffff;
	v1 =	vsub.f32 v1, v15;
	v15 =	vmul.f32 v18, v0;
	v18 =	vmul.f32 v4, v4  }
0x9d: {  	v12 =	vsub.f32 v12, v26;
	v2 =	vsub.f32 v23, v2;
	v21 =	vld.idx.msk [tilespmem:v24+s17+$0x0], $0xffff;
	v6 =	vmul.f32 v20, v0  }
0x9e: {  	[tilespmem:s3+$0xFFFFFFF0] =	vst v11;
	v3 =	vsub.f32 v3, v19;
	v8 =	vsub.f32 v8, v15;
	v15 =	vmul.f32 v18, v0  }
0x9f: {  	[tilespmem:s3+$0xFFFFFFE0] =	vst v14;
	v11 =	vmul.f32 v1, v16;
	v1 =	vmul.f32 v1, v25;
	v6 =	vsub.f32 v7, v6  }
0xa0: {  	[tilespmem:s0+$0x0] =	vst v2;
	v2 =	vmul.f32 v8, v9;
	v7 =	vmul.f32 v8, v10;
	v4 =	vsub.f32 v4, v15  }
0xa1: {  	[tilespmem:s15+$0x10] =	vst v12;
	v1 =	vsub.f32 v11, v1;
	v5 =	vmul.f32 v6, v5;
	v6 =	vmul.f32 v6, v17  }
0xa2: {  	[tilespmem:s0+$0xFFFFFFF0] =	vst v3;
	v2 =	vsub.f32 v2, v7;
	v3 =	vmul.f32 v4, v21;
	v4 =	vmul.f32 v4, v13  }
0xa3: {  	[tilespmem:s0+$0xFFFFFFE0] =	vst v1;
	v1 =	vsub.f32 v6, v5  }
0xa4: {  	s12 =	sshll.u32 s31, $0x8;
	[tilespmem:s15+$0x0] =	vst v2;
	v2 =	vsub.f32 v3, v4  }
0xa5: {  	s0 =	sand.u32 $0x1FFFFF00, s12;
	[tilespmem:s15+$0xFFFFFFF0] =	vst v1  }
0xa6: {  	s13 =	simm.s32 $0x3000;
	s14 =	sadd.s32 $0x2, s30;
	s0 =	sadd.s32 s4, s0;
	[tilespmem:s15+$0xFFFFFFE0] =	vst v2  }
0xa7: {  	[hbm4b:s0+s5] =	stream.linear.scatter [tilespmem:s13], [sflag:$0x3], $0x800, $0x38;
	[tilespmem:$0x11080] =	vst v63  }
0xa8: {  	s0 =	smin.u32 s14, s9  }
0xa9: {  	s0 =	sadd.s32 s8, s0  }
0xaa: {  	s15 =	sshll.u32 s0, $0x9  }
0xab: {  	s0 =	sshll.u32 s0, $0x8;
	s3 =	sadd.s32 s1, s15  }
0xac: {  	[tilespmem:s5], [sflag:$0x1] =	stream.linear.gather [hbm4b:s3+s5], $0x1000, $0x38;
	[tilespmem:$0x11080] =	vst v63  }
0xad: {  	s16 =	simm.s32 $0x2000;
	s0 =	sadd.s32 s2, s0  }
0xae: {  	[tilespmem:s16], [sflag:$0x1] =	stream.linear.gather [hbm4b:s0+s5], $0x800, $0x38;
	[tilespmem:$0x11080] =	vst v63  }
0xaf: {  	_ =	swait.ge [sflag:s23], $0x1000  }
0xb0: {  	[sflag:s23] =	ssyncset.done $0x0  }
0xb1: {  	[sflag:s23] =	ssyncadd.s32 $0xFFFFF000  }
0xb2: {  	_ =	swait.ge [sflag:s23], $0x800  }
0xb3: {  	[sflag:s23] =	ssyncset.done $0x0  }
0xb4: {  	s0 =	simm.s32 @!p0 $0x4;
	[sflag:s23] =	ssyncadd.s32 $0xFFFFF800  }
0xb5: {  	s18 =	simm.s32 $0x0;
	_ =	swait.ge @!p0 [sflag:s0], $0x800  }
0xb6: {  	s19 =	sand.u32 $0xF00, s18;
	s3 =	sand.u32 $0x40, s18;
	[sflag:s0] =	ssyncset.done @!p0 $0x0  }
0xb7: {  	[sflag:s0] =	ssyncadd.s32 @!p0 $0xFFFFF800;
	s0 =	sor.u32 s3, s19  }
0xb8: {  	v1 =	vld [tilespmem:s0+$0x10B0];
	_ =	sdelay $0x4  }
0xb9: {  	v2 =	vld [tilespmem:s0+$0x10A0];
	v1 =	vmul.f32 v1, v1;
	_ =	sdelay $0x1  }
0xba: {  	v1 =	vadd.f32 v1, v0  }
0xbb: {  	v3 =	vld [tilespmem:s0+$0x1080]  }
0xbc: {  	v5 =	vld [tilespmem:s0+$0x1090];
	v4 =	vshrl.u32 v1, $0x1;
	v1 =	vmul.f32 $5.000000000e-01, v1  }
0xbd: {  	s20 =	simm.s32 $0x80;
	s22 =	simm.s32 $0x40;
	v2 =	vmul.f32 v2, v2;
	v4 =	vsub.s32 $0x5F3759DF, v4  }
0xbe: {  	s6 =	sand.u32 $0x40, s22;
	s3 =	sand.u32 $0xF00, s20;
	v6 =	vmul.f32 v4, v1  }
0xbf: {  	s31 =	sor.u32 s6, s3;
	v2 =	vadd.f32 v2, v0  }
0xc0: {  	v7 =	vld [tilespmem:s31+$0x10B0];
	v3 =	vmul.f32 v3, v3;
	v6 =	vmul.f32 v4, v6  }
0xc1: {  	v5 =	vmul.f32 v5, v5;
	v8 =	vshrl.u32 v2, $0x1;
	v2 =	vmul.f32 $5.000000000e-01, v2  }
0xc2: {  	v3 =	vadd.f32 v3, v0;
	v8 =	vsub.s32 $0x5F3759DF, v8;
	v6 =	vsub.f32 $1.500000000e+00, v6  }
0xc3: {  	v5 =	vadd.f32 v5, v0;
	v10 =	vmul.f32 v8, v2  }
0xc4: {  	v9 =	vshrl.u32 v3, $0x1;
	v3 =	vmul.f32 $5.000000000e-01, v3;
	v4 =	vmul.f32 v4, v6  }
0xc5: {  	v6 =	vmul.f32 v7, v7;
	v7 =	vsub.s32 $0x5F3759DF, v9;
	v9 =	vmul.f32 v8, v10;
	v10 =	vld [tilespmem:s31+$0x10A0]  }
0xc6: {  	v12 =	vshrl.u32 v5, $0x1;
	v11 =	vmul.f32 v7, v3;
	v1 =	vmul.f32 v4, v1  }
0xc7: {  	v13 =	vmul.f32 $5.000000000e-01, v5;
	v6 =	vadd.f32 v6, v0;
	v5 =	vsub.f32 $1.500000000e+00, v9  }
0xc8: {  	v12 =	vsub.s32 $0x5F3759DF, v12;
	v9 =	vmul.f32 v7, v11;
	v1 =	vmul.f32 v1, v4  }
0xc9: {  	v11 =	vld [tilespmem:s31+$0x1080];
	v14 =	vshrl.u32 v6, $0x1;
	v6 =	vmul.f32 $5.000000000e-01, v6;
	v5 =	vmul.f32 v8, v5  }
0xca: {  	v8 =	vsub.s32 $0x5F3759DF, v14;
	v10 =	vmul.f32 v10, v10;
	v1 =	vsub.f32 $1.500000000e+00, v1  }
0xcb: {  	v15 =	vmul.f32 v12, v13;
	v14 =	vmul.f32 v8, v6  }
0xcc: {  	v4 =	vmul.f32 v1, v4;
	v1 =	vmul.f32 v5, v2;
	v2 =	vadd.f32 v10, v0  }
0xcd: {  	v15 =	vmul.f32 v12, v15;
	v10 =	vld [tilespmem:s31+$0x1090];
	v14 =	vmul.f32 v8, v14  }
0xce: {  	v9 =	vsub.f32 $1.500000000e+00, v9;
	v11 =	vmul.f32 v11, v11;
	v17 =	vshrl.u32 v2, $0x1  }
0xcf: {  	v18 =	vmul.f32 $5.000000000e-01, v2;
	v2 =	vsub.f32 $1.500000000e+00, v14;
	v1 =	vmul.f32 v1, v5  }
0xd0: {  	v16 =	vmul.f32 v4, v4;
	v11 =	vadd.f32 v11, v0;
	v14 =	vsub.s32 $0x5F3759DF, v17  }
0xd1: {  	v17 =	vmul.f32 v14, v18;
	v8 =	vmul.f32 v8, v2;
	v2 =	vsub.f32 $1.500000000e+00, v1  }
0xd2: {  	v1 =	vmul.f32 $5.000000000e-01, v11;
	v11 =	vshrl.u32 v11, $0x1;
	v10 =	vmul.f32 v10, v10  }
0xd3: {  	s26 =	simm.s32 $0x80;
	s24 =	simm.s32 $0x2830;
	s25 =	simm.s32 $0x100;
	v31 =	vsub.s32 $0x5F3759DF, v11;
	v17 =	vmul.f32 v14, v17;
	v6 =	vmul.f32 v8, v6  }
0xd4: {  	s7 =	sand.u32 $0x40, s26;
	s3 =	sand.u32 $0xF00, s25;
	v11 =	vld [tilespmem:s24+$0x0];
	v20 =	vmul.f32 v2, v5;
	v5 =	vadd.f32 v10, v0;
	v10 =	vmul.f32 v31, v1  }
0xd5: {  	v19 =	vld [tilespmem:s0+$0x1030];
	s3 =	sor.u32 s7, s3;
	v15 =	vsub.f32 $1.500000000e+00, v15;
	v7 =	vmul.f32 v7, v9;
	v6 =	vmul.f32 v6, v8  }
0xd6: {  	v16 =	vmul.f32 v16, v0;
	v17 =	vsub.f32 $1.500000000e+00, v17;
	v9 =	vmul.f32 v31, v10;
	v10 =	vld [tilespmem:s3+$0x10B0]  }
0xd7: {  	v15 =	vmul.f32 v12, v15;
	v6 =	vsub.f32 $1.500000000e+00, v6  }
0xd8: {  	v3 =	vmul.f32 v7, v3;
	v4 =	vsub.f32 v4, v16;
	v14 =	vmul.f32 v14, v17;
	v17 =	vld [tilespmem:s3+$0x10A0]  }
0xd9: {  	v16 =	vmul.f32 v20, v20;
	v8 =	vmul.f32 v6, v8;
	v6 =	vld [tilespmem:s3+$0x1080]  }
0xda: {  	v29 =	vmul.f32 v4, v19;
	v18 =	vmul.f32 v14, v18  }
0xdb: {  	v2 =	vmul.f32 $5.000000000e-01, v5;
	v5 =	vshrl.u32 v5, $0x1;
	v10 =	vmul.f32 v10, v10  }
0xdc: {  	v19 =	vmul.f32 v3, v7;
	v5 =	vsub.s32 $0x5F3759DF, v5;
	v11 =	vld.idx.msk [tilespmem:v11+s17+$0x0], $0xffff;
	v18 =	vmul.f32 v18, v14  }
0xdd: {  	v23 =	vmul.f32 v16, v0;
	v17 =	vmul.f32 v17, v17;
	v10 =	vadd.f32 v10, v0  }
0xde: {  	v19 =	vsub.f32 $1.500000000e+00, v19;
	v18 =	vsub.f32 $1.500000000e+00, v18;
	v3 =	vmul.f32 v6, v6  }
0xdf: {  	v22 =	vmul.f32 v5, v2;
	v6 =	vadd.f32 v17, v0;
	v17 =	vshrl.u32 v10, $0x1  }
0xe0: {  	v21 =	vadd.f32 v3, v0;
	v3 =	vmul.f32 v18, v14;
	v18 =	vmul.f32 $5.000000000e-01, v10  }
0xe1: {  	v19 =	vmul.f32 v19, v7;
	v11 =	vmul.f32 v4, v11;
	v24 =	vsub.s32 $0x5F3759DF, v17  }
0xe2: {  	v16 =	vld [tilespmem:s3+$0x1090];
	v10 =	vmul.f32 v15, v13;
	v4 =	vmul.f32 v24, v18  }
0xe3: {  	v32 =	vsub.f32 $1.500000000e+00, v9;
	v22 =	vmul.f32 v5, v22;
	v9 =	vmul.f32 v8, v8;
	v13 =	vld [tilespmem:s24+$0xFFFFFFF0]  }
0xe4: {  	v14 =	vshrl.u32 v6, $0x1;
	v10 =	vmul.f32 v10, v15;
	v4 =	vmul.f32 v24, v4  }
0xe5: {  	v12 =	vmul.f32 $5.000000000e-01, v6;
	v17 =	vsub.s32 $0x5F3759DF, v14;
	v6 =	vshrl.u32 v21, $0x1  }
0xe6: {  	v14 =	vld [tilespmem:s24+$0xFFFFFFD0];
	v25 =	vsub.f32 $1.500000000e+00, v10;
	v10 =	vmul.f32 $5.000000000e-01, v21;
	v21 =	vsub.f32 $1.500000000e+00, v4  }
0xe7: {  	v33 =	vld [tilespmem:s0+$0x1020];
	v16 =	vmul.f32 v16, v16;
	v27 =	vmul.f32 v17, v12  }
0xe8: {  	v28 =	vmul.f32 v9, v0;
	v21 =	vmul.f32 v24, v21  }
0xe9: {  	s13 =	simm.s32 $0x2870;
	v7 =	vld [tilespmem:s24+$0xFFFFFFE0];
	v30 =	vadd.f32 v16, v0;
	v6 =	vsub.s32 $0x5F3759DF, v6;
	v34 =	vmul.f32 v17, v27  }
0xea: {  	v27 =	vsub.f32 v20, v23;
	v23 =	vld [tilespmem:s13+$0x0];
	v16 =	vmul.f32 v25, v15;
	v18 =	vmul.f32 v21, v18  }
0xeb: {  	s28 =	sor.u32 $0x1, s30;
	v25 =	vmul.f32 v6, v10;
	v15 =	vshrl.u32 v30, $0x1;
	v24 =	vmul.f32 v19, v19;
	v26 =	vld.idx.msk [tilespmem:v13+s17+$0x0], $0xffff  }
0xec: {  	s10 =	simm.s32 $0x38B0;
	s11 =	simm.s32 $0x3830;
	s12 =	simm.s32 $0x28B0;
	v4 =	vld [tilespmem:s13+$0xFFFFFFE0];
	v20 =	vmul.f32 v27, v33;
	v9 =	vsub.s32 $0x5F3759DF, v15;
	v15 =	vsub.f32 v8, v28  }
0xed: {  	s14 =	simm.s32 $0x8;
	s15 =	simm.s32 $0x180;
	s6 =	smin.u32 s28, s9;
	v8 =	vsub.f32 v11, v29;
	v11 =	vld [tilespmem:s12+$0xFFFFFFE0];
	v13 =	vmul.f32 $5.000000000e-01, v30;
	v28 =	vmul.f32 v24, v0  }
0xee: {  	s16 =	simm.s32 $0xC0;
	s6 =	sadd.s32 s8, s6;
	s7 =	simm.s32 $0x3870;
	v29 =	vsub.f32 $1.500000000e+00, v34;
	v24 =	vld.idx.msk [tilespmem:v14+s17+$0x0], $0xffff;
	v14 =	vmul.f32 v31, v32;
	v30 =	vmul.f32 v18, v21;
	v18 =	vmovc v3  }
.LBB2_5:
0xef: {  	s18 =	sand.u32 $0xF00, s15;
	s19 =	sand.u32 $0x40, s16;
	s14 =	sadd.s32 $0x4, s14;
	v25 =	vmul.f32 v6, v25;
	v31 =	vld [tilespmem:s0+$0x1000];
	v19 =	vsub.f32 v19, v28;
	v28 =	vmul.f32 v16, v16  }
0xf0: {  	v26 =	vmul.f32 v27, v26;
	s18 =	sor.u32 s19, s18;
	p0 =	slt.u32 s14, $0x7C;
	v17 =	vmul.f32 v17, v29;
	v29 =	vsub.f32 $1.500000000e+00, v30;
	v30 =	vld [tilespmem:s31+$0x1030]  }
0xf1: {  	v33 =	vmul.f32 v9, v13;
	v18 =	vmul.f32 v18, v3;
	v27 =	vld [tilespmem:s18+$0x10B0];
	v32 =	vsub.f32 $1.500000000e+00, v25  }
0xf2: {  	v25 =	vld [tilespmem:s18+$0x10A0];
	v29 =	vmul.f32 v29, v21;
	v21 =	vsub.f32 $1.500000000e+00, v22;
	v22 =	vmul.f32 v28, v0  }
0xf3: {  	v24 =	vmul.f32 v19, v24;
	v20 =	vsub.f32 v26, v20;
	v12 =	vmul.f32 v17, v12;
	v28 =	vld [tilespmem:s18+$0x1080]  }
0xf4: {  	v34 =	vmul.f32 v14, v1;
	v1 =	vmovc v10;
	v26 =	vmul.f32 v29, v29;
	v35 =	vld [tilespmem:s0+$0x1010];
	v16 =	vsub.f32 v16, v22;
	s0 =	smov.u32 s31;
	s31 =	smov.u32 s3;
	s3 =	smov.u32 s18  }
0xf5: {  	v10 =	vmul.f32 v12, v17;
	v12 =	vmul.f32 v19, v31;
	v22 =	vld.idx.msk [tilespmem:v23+s17+$0x0], $0xffff  }
0xf6: {  	v30 =	vmul.f32 v15, v30;
	v19 =	vmul.f32 v27, v27  }
0xf7: {  	v10 =	vsub.f32 $1.500000000e+00, v10;
	v23 =	vmul.f32 v25, v25;
	v25 =	vmul.f32 v34, v14;
	v27 =	vld.idx.msk [tilespmem:v7+s17+$0x0], $0xffff;
	v7 =	vmovc v4  }
0xf8: {  	v12 =	vsub.f32 v24, v12;
	v4 =	vmovc v11;
	v28 =	vmul.f32 v28, v28;
	v19 =	vadd.f32 v19, v0  }
0xf9: {  	v21 =	vmul.f32 v5, v21;
	v11 =	vadd.f32 v23, v0;
	v23 =	vmul.f32 v18, v0;
	[tilespmem:s11+$0xFFFFFFF0] =	vst v20  }
0xfa: {  	v18 =	vmul.f32 v10, v17;
	v10 =	vmul.f32 v16, v35;
	v20 =	vadd.f32 v28, v0;
	v24 =	vld [tilespmem:s3+$0x1090];
	[tilespmem:s11+$0xFFFFFFD0] =	vst v12  }
0xfb: {  	v5 =	vmovc v9;
	v17 =	vshrl.u32 v11, $0x1;
	v12 =	vmul.f32 $5.000000000e-01, v11;
	v11 =	vmul.f32 v15, v22  }
0xfc: {  	v9 =	vshrl.u32 v19, $0x1;
	v15 =	vmul.f32 $5.000000000e-01, v19;
	v19 =	vmul.f32 v21, v2;
	v2 =	vmovc v13;
	v22 =	vld [tilespmem:s13+$0xFFFFFFF0]  }
0xfd: {  	v13 =	vsub.s32 $0x5F3759DF, v9;
	v17 =	vsub.s32 $0x5F3759DF, v17;
	v9 =	vmul.f32 v16, v27  }
0xfe: {  	v25 =	vsub.f32 $1.500000000e+00, v25;
	v16 =	vmul.f32 v13, v15;
	v19 =	vmul.f32 v19, v21;
	v31 =	vld [tilespmem:s13+$0xFFFFFFD0];
	s13 =	smov.u32 s12  }
0xff: {  	v27 =	vshrl.u32 v20, $0x1;
	v9 =	vsub.f32 v9, v10;
	v24 =	vmul.f32 v24, v24  }
0x100: {  	v34 =	vsub.s32 $0x5F3759DF, v27;
	v16 =	vmul.f32 v13, v16;
	v27 =	vsub.f32 $1.500000000e+00, v19;
	[tilespmem:s11+$0x0] =	vst v8  }
0x101: {  	v10 =	vmul.f32 $5.000000000e-01, v20;
	v19 =	vmul.f32 v25, v14;
	v8 =	vadd.f32 v24, v0;
	[tilespmem:s11+$0xFFFFFFE0] =	vst v9;
	s11 =	smov.u32 s7;
	s7 =	smov.u32 s10  }
0x102: {  	v14 =	vmul.f32 v17, v12;
	v20 =	vsub.f32 $1.500000000e+00, v16;
	v16 =	vmul.f32 v27, v21;
	v35 =	vld [tilespmem:s0+$0x1020]  }
0x103: {  	v25 =	vmul.f32 v34, v10;
	v24 =	vmul.f32 v26, v0;
	v9 =	vshrl.u32 v8, $0x1  }
.Ltmp1:
0x104: {  	v21 =	vmul.f32 v13, v20;
	v13 =	vmul.f32 v19, v19;
	v9 =	vsub.s32 $0x5F3759DF, v9;
	v26 =	vld.idx.msk [tilespmem:v22+s17+$0x0], $0xffff;
	(pc) =	sbr.rel @p0 .LBB2_5-.Ltmp1, $4  }
0x105: {  	s12 =	sadd.s32 $0x40, s12;
	v14 =	vmul.f32 v17, v14;
	v27 =	vsub.f32 v3, v23;
	v3 =	vmovc v18;
	v22 =	vmul.f32 v5, v33  }
0x106: {  	v33 =	vmul.f32 v21, v15;
	v15 =	vsub.f32 v29, v24;
	v28 =	vmul.f32 v13, v0;
	v24 =	vld.idx.msk [tilespmem:v31+s17+$0x0], $0xffff  }
0x107: {  	v13 =	vmul.f32 $5.000000000e-01, v8;
	v8 =	vsub.f32 v11, v30;
	v23 =	vld [tilespmem:s13+$0x0];
	v20 =	vmul.f32 v27, v35  }
0x108: {  	s15 =	sadd.s32 $0x80, s15;
	s16 =	sadd.s32 $0x40, s16;
	s10 =	sadd.s32 $0x40, s10;
	v29 =	vsub.f32 $1.500000000e+00, v14;
	v14 =	vmul.f32 v6, v32;
	v6 =	vmovc v34;
	v30 =	vmul.f32 v33, v21;
	v11 =	vld [tilespmem:s12+$0xFFFFFFE0]  }
0x109: {  	v25 =	vmul.f32 v6, v25;
	v32 =	vmul.f32 v16, v16  }
0x10a: {  	v26 =	vmul.f32 v27, v26;
	v53 =	vmul.f32 v9, v13;
	v19 =	vsub.f32 v19, v28  }
0x10b: {  	v31 =	vld [tilespmem:s0+$0x1000];
	v18 =	vmul.f32 v18, v3;
	v22 =	vsub.f32 $1.500000000e+00, v22;
	v17 =	vmul.f32 v17, v29  }
0x10c: {  	v52 =	vld [tilespmem:s31+$0x1030];
	v1 =	vmul.f32 v14, v1;
	v55 =	vmul.f32 v32, v0  }
0x10d: {  	v54 =	vld [tilespmem:s13+$0xFFFFFFF0];
	v51 =	vsub.f32 $1.500000000e+00, v30;
	v24 =	vmul.f32 v19, v24;
	v5 =	vmul.f32 v5, v22  }
0x10e: {  	v58 =	vld [tilespmem:s0+$0x1010];
	v62 =	vmul.f32 v9, v53;
	v18 =	vmul.f32 v18, v0  }
0x10f: {  	v7 =	vld.idx.msk [tilespmem:v7+s17+$0x0], $0xffff;
	v25 =	vsub.f32 $1.500000000e+00, v25;
	v12 =	vmul.f32 v17, v12;
	v21 =	vmul.f32 v51, v21  }
0x110: {  	v23 =	vld.idx.msk [tilespmem:v23+s17+$0x0], $0xffff;
	v1 =	vmul.f32 v1, v14;
	v2 =	vmul.f32 v5, v2  }
0x111: {  	v56 =	vld [tilespmem:s13+$0xFFFFFFD0];
	v34 =	vmul.f32 v6, v25;
	v12 =	vmul.f32 v12, v17  }
0x112: {  	v60 =	vld [tilespmem:s31+$0x1020];
	v59 =	vsub.f32 v16, v55;
	v19 =	vmul.f32 v19, v31;
	v57 =	vmul.f32 v21, v21  }
0x113: {  	v63 =	vld [tilespmem:s12+$0x0];
	v30 =	vmul.f32 v15, v52;
	v2 =	vmul.f32 v2, v5  }
0x114: {  	v35 =	vld [tilespmem:s12+$0xFFFFFFF0];
	v1 =	vsub.f32 $1.500000000e+00, v1;
	v22 =	vmul.f32 v59, v58;
	v7 =	vmul.f32 v59, v7  }
0x115: {  	v38 =	vld [tilespmem:s12+$0xFFFFFFD0];
	v10 =	vmul.f32 v34, v10;
	v61 =	vmul.f32 v15, v23;
	v23 =	vsub.f32 $1.500000000e+00, v62  }
0x116: {  	v40 =	vld [tilespmem:s31+$0x1000];
	v12 =	vsub.f32 $1.500000000e+00, v12;
	v1 =	vmul.f32 v1, v14;
	v43 =	vmul.f32 v57, v0  }
0x117: {  	v41 =	vld [tilespmem:s3+$0x1030];
	v3 =	vsub.f32 v3, v18;
	v10 =	vmul.f32 v10, v34;
	v37 =	vmul.f32 v9, v23  }
0x118: {  	v28 =	vld.idx.msk [tilespmem:v54+s17+$0x0], $0xffff;
	v2 =	vsub.f32 $1.500000000e+00, v2;
	v12 =	vmul.f32 v12, v17;
	v39 =	vmul.f32 v1, v1  }
0x119: {  	v44 =	vld [tilespmem:s31+$0x1010];
	v36 =	vsub.f32 v26, v20;
	v17 =	vmul.f32 v3, v60;
	v42 =	vmul.f32 v37, v13  }
0x11a: {  	v4 =	vld.idx.msk [tilespmem:v4+s17+$0x0], $0xffff;
	v21 =	vsub.f32 v21, v43;
	v2 =	vmul.f32 v2, v5;
	v5 =	vmul.f32 v39, v0  }
0x11b: {  	v33 =	vld.idx.msk [tilespmem:v56+s17+$0x0], $0xffff;
	v10 =	vsub.f32 $1.500000000e+00, v10;
	v47 =	vmul.f32 v12, v12;
	v13 =	vmul.f32 v42, v37  }
0x11c: {  	v48 =	vld [tilespmem:s3+$0x1020];
	[tilespmem:s11+$0x0] =	vst v8;
	v19 =	vsub.f32 v24, v19;
	v60 =	vmul.f32 v21, v41;
	v46 =	vmul.f32 v2, v2  }
0x11d: {  	[tilespmem:s11+$0xFFFFFFF0] =	vst v36;
	v52 =	vld [tilespmem:s3+$0x1000];
	v6 =	vmul.f32 v10, v34;
	v3 =	vmul.f32 v3, v28;
	v13 =	vsub.f32 $1.500000000e+00, v13  }
0x11e: {  	v58 =	vld.idx.msk [tilespmem:v11+s17+$0x0], $0xffff;
	v1 =	vsub.f32 v1, v5;
	v51 =	vmul.f32 v47, v0;
	v5 =	vmul.f32 v46, v0  }
0x11f: {  	v7 =	vsub.f32 v7, v22;
	v45 =	vld.idx.msk [tilespmem:v63+s17+$0x0], $0xffff;
	v50 =	vmul.f32 v6, v6;
	v9 =	vmul.f32 v13, v37  }
0x120: {  	v20 =	vld.idx.msk [tilespmem:v38+s17+$0x0], $0xffff;
	v49 =	vmul.f32 v1, v33;
	v1 =	vmul.f32 v1, v40;
	v2 =	vsub.f32 v2, v5  }
0x121: {  	v14 =	vld.idx.msk [tilespmem:v35+s17+$0x0], $0xffff;
	v15 =	vsub.f32 v61, v30;
	v53 =	vmul.f32 v50, v0;
	v54 =	vmul.f32 v9, v9  }
0x122: {  	v55 =	vld [tilespmem:s3+$0x1010];
	[tilespmem:s11+$0xFFFFFFD0] =	vst v19;
	v3 =	vsub.f32 v3, v17;
	v56 =	vmul.f32 v2, v44;
	v2 =	vmul.f32 v2, v4  }
0x123: {  	[tilespmem:s11+$0xFFFFFFE0] =	vst v7;
	v1 =	vsub.f32 v49, v1;
	v6 =	vsub.f32 v6, v53;
	v59 =	vmul.f32 v54, v0  }
0x124: {  	[tilespmem:s7+$0x0] =	vst v15;
	v61 =	vmul.f32 v21, v45;
	v57 =	vsub.f32 v12, v51;
	v2 =	vsub.f32 v2, v56  }
0x125: {  	[tilespmem:s7+$0xFFFFFFD0] =	vst v1;
	v1 =	vmul.f32 v6, v20;
	v6 =	vmul.f32 v6, v52;
	v7 =	vsub.f32 v9, v59  }
0x126: {  	v63 =	vsub.f32 v61, v60;
	[tilespmem:s7+$0xFFFFFFF0] =	vst v3;
	v3 =	vmul.f32 v57, v48;
	v4 =	vmul.f32 v57, v14  }
0x127: {  	[tilespmem:s7+$0xFFFFFFE0] =	vst v2;
	v1 =	vsub.f32 v1, v6;
	v2 =	vmul.f32 v7, v55;
	v62 =	vmul.f32 v7, v58  }
0x128: {  	[tilespmem:s10+$0x0] =	vst v63;
	v3 =	vsub.f32 v4, v3  }
0x129: {  	[tilespmem:s10+$0xFFFFFFD0] =	vst v1;
	v1 =	vsub.f32 v62, v2  }
0x12a: {  	s24 =	sshll.u32 s6, $0x8;
	[tilespmem:s10+$0xFFFFFFF0] =	vst v3  }
0x12b: {  	s25 =	simm.s32 $0x3800;
	s26 =	sadd.s32 $0x3, s30;
	s0 =	sadd.s32 s4, s24;
	[tilespmem:s10+$0xFFFFFFE0] =	vst v1  }
0x12c: {  	[hbm4b:s0+s5] =	stream.linear.scatter [tilespmem:s25], [sflag:$0x4], $0x800, $0x38;
	[tilespmem:$0x11080] =	vst v63  }
0x12d: {  	s29 =	sadd.s32 $0x1, s29;
	s0 =	smin.u32 s26, s9  }
0x12e: {  	p0 =	sne.s32 s29, $0x31;
	s0 =	sadd.s32 s8, s0  }
.Ltmp2:
0x12f: {  	s28 =	sshll.u32 s0, $0x9;
	(pc) =	sbr.rel @p0 .LBB2_2-.Ltmp2, $4  }
0x130: {  	s30 =	simm.s32 $0x1000;
	s0 =	sshll.u32 s0, $0x8;
	s3 =	sadd.s32 s1, s28  }
0x131: {  	[tilespmem:s30], [sflag:$0x2] =	stream.linear.gather [hbm4b:s3+s5], $0x1000, $0x38;
	[tilespmem:$0x11080] =	vst v63  }
0x132: {  	s31 =	simm.s32 $0x2800;
	s0 =	sadd.s32 s2, s0  }
0x133: {  	[tilespmem:s31], [sflag:$0x2] =	stream.linear.gather [hbm4b:s0+s5], $0x800, $0x38;
	[tilespmem:$0x11080] =	vst v63  }
0x134: {  	_ =	swait.ge [sflag:s21], $0x1000  }
0x135: {  	[sflag:s21] =	ssyncset.done $0x0  }
0x136: {  	[sflag:s21] =	ssyncadd.s32 $0xFFFFF000  }
0x137: {  	_ =	swait.ge [sflag:s21], $0x800  }
0x138: {  	[sflag:s21] =	ssyncset.done $0x0  }
0x139: {  	[sflag:s21] =	ssyncadd.s32 $0xFFFFF800  }
0x13a: {  	_ =	swait.ge [sflag:s23], $0x1000  }
0x13b: {  	[sflag:s23] =	ssyncset.done $0x0  }
0x13c: {  	[sflag:s23] =	ssyncadd.s32 $0xFFFFF000  }
0x13d: {  	_ =	swait.ge [sflag:s23], $0x800  }
0x13e: {  	[sflag:s23] =	ssyncset.done $0x0  }
0x13f: {  	s0 =	simm.s32 $0x3;
	[sflag:s23] =	ssyncadd.s32 $0xFFFFF800  }
0x140: {  	_ =	swait.ge [sflag:s0], $0x800  }
0x141: {  	[sflag:s0] =	ssyncset.done $0x0  }
0x142: {  	s3 =	simm.s32 $0x4;
	[sflag:s0] =	ssyncadd.s32 $0xFFFFF800  }
0x143: {  	_ =	swait.ge [sflag:s3], $0x800  }
0x144: {  	s6 =	rddreg [dreg:$0xc]  }
0x145: {  	s31 =	rddreg [dreg:$0xb];
	s6 =	sadd.s32 $0x1, s6  }
0x146: {  	p0 =	sne.s32 s6, s31  }
.Ltmp3:
0x147: {  	_ = 	snop;
	(pc) =	sbr.rel @p0 .LBB2_1-.Ltmp3, $3  }
0x148: {  	_ =	sdelay $0x1  }
0x149: {  	[sflag:s3] =	ssyncset.done $0x0  }
0x14a: {  	[sflag:s3] =	ssyncadd.s32 $0xFFFFF800  }
0x14b: {  	_ =	sfence.sel $0x180000  }
0x14c: {  	[bflag:$0x0] =	sbarrier.arrive $0xFFFF  }
0x14d: {  	_ =	strace $0x9000004D  }
0x14e: {  	s0 =	stileid.u32;
	[bflag:$0x2] =	sbarrier.arrive $0xFFFF  }
0x14f: {  	p0 =	sne.s32 s0, $0x0;
	s0 =	rddreg [dreg:$0x4]  }
0x150: {  	s0 =	sadd.s32 @!p0 $0x100000, s0  }
0x151: {  	[sflag:s0] =	ssyncadd.tile.s32 @!p0 $0x1;
	_ =	shalt  }
.Lfunc_end2:
_tile_overlayer_lowered:
.L_overlay_start_2:
0x152: {  	(tag) =	ssettag $0x2  }
0x153: {  	s0 =	rddreg [dreg:$0x0];
	s2 =	stileid.u32  }
0x154: {  	s1 =	rddreg [dreg:$0x1];
	p0 =	sne.s32 s2, $0x0  }
0x155: {  	s3 =	rddreg [dreg:$0x2];
	[bflag:$0x3] =	sbarrier.arrive $0xFFFF;
	s2 =	simm.s32 @!p0 $0x1C05  }
0x156: {  	[timem:s3], [sflag:s2] =	dma.local @!p0 [hbm:s0], s1  }
0x157: {  	s0 =	simm.s32 @!p0 $0x5  }
0x158: {  	_ =	swait.ge @!p0 [sflag:s0], s1  }
0x159: {  	s1 =	ssub.s32 @!p0 $0x0, s1;
	[sflag:s0] =	ssyncset.done @!p0 $0x0  }
0x15a: {  	[sflag:s0] =	ssyncadd.s32 @!p0 s1  }
0x15b: {  	[bflag:$0x3] =	sbarrier.arrive $0xFFFF  }
0x15c: {  	_ =	shalt  }

// kernel: kernel.5.cloned.1.call-start
scs
__scs_entry_jumppad:
0x0: {  	(pc) =	sbr.rel $0x88, $3  }
0x1: {  	(tag) =	ssettag $0x0;
	lr =	simm.s32 $0x1  }
0x2: {  	[smem:$0x3F9D] =	sst lr;
	_ =	strace $0xD0000000  }
0x3: {  	_ = 	snop  }
0x4: {  	_ = 	snop  }
0x5: {  	_ = 	snop  }
0x6: {  	_ = 	snop  }
0x7: {  	_ = 	snop  }
__scs_overlays_trampoline_lowered:
0x8: {  	[smem:$0x3FAC] =	sst s0  }
0x9: {  	[smem:$0x3FAD] =	sst s1  }
0xa: {  	[smem:$0x3FAE] =	sst s2  }
0xb: {  	[smem:$0x3FAF] =	sst s3  }
0xc: {  	[smem:$0x3FB0] =	sst s4  }
0xd: {  	[smem:$0x3FB1] =	sst s5  }
0xe: {  	[smem:$0x3FB2] =	sst s6  }
0xf: {  	[smem:$0x3FB3] =	sst s7  }
0x10: {  	[smem:$0x3FB4] =	sst s8  }
0x11: {  	[smem:$0x3FB5] =	sst s9;
	s0 =	simm.s32 @!p0 $0x0  }
0x12: {  	s1 =	sld [smem:$0x3F9B];
	s0 =	simm.s32 @p0 $0x1  }
0x13: {  	[smem:$0x3FB6] =	sst s0;
	s0 =	simm.s32 @!p1 $0x0  }
0x14: {  	s2 =	sld [smem:$0x3F9A];
	s0 =	simm.s32 @p1 $0x1  }
0x15: {  	[smem:$0x3FB7] =	sst s0;
	s0 =	simm.s32 @!p2 $0x0  }
0x16: {  	s3 =	sld [smem:$0x3FDB];
	s0 =	simm.s32 @p2 $0x1  }
0x17: {  	s4 =	simm.s32 $0x1BF5;
	[smem:$0x3FB9] =	sst s0  }
0x18: {  	s0 =	sld [smem:$0x3F9C];
	_ =	swait.ge [sflag:s4], $0x0  }
0x19: {  	s7 =	sld [smem:$0x3F9D]  }
0x1a: {  	s8 =	sadd.s32 $0xFFFFE003, lr  }
0x1b: {  	s9 =	sadd.s32 $0xFFFFFEF7, lr;
	s5 =	simm.s32 $0xFFFFFFFF;
	p2 =	slt.u32 s8, $0xFFFFF086  }
0x1c: {  	p1 =	slt.u32 s9, $0xF7A;
	s5 =	simm.s32 @!p2 $0x0  }
0x1d: {  	s5 =	simm.s32 @p1 $0x1;
	p0 =	seq.s32 s7, s2  }
0x1e: {  	s7 =	smul.u32 @!p0 $0xF7A, s2;
	p2 =	seq.s32 @!p0 s5, $0x0  }
0x1f: {  	s9 =	smul.u32 $0xF7A, s1;
	s8 =	simm.s32 @!p0 $0x1BF5;
	p2 =	por !p2, p0  }
0x20: {  	[sflag:s8] =	ssyncset.s32 @!p0 $0xFFFFF086;
	s6 =	sadd.s32 @!p0 s3, s7;
	s7 =	simm.s32 @!p0 $0x108  }
0x21: {  	s3 =	sadd.s32 s3, s9;
	s6 =	sadd.s32 @!p0 $0x88, s6;
	s7 =	simm.s32 @p2 $0x1082  }
0x22: {  	[simem:s7], [sflag:s8] =	dma.local @!p0 [hbm:s6], $0xF7A  }
0x23: {  	s9 =	sor.u32 $0xD0000000, s2;
	s6 =	simm.s32 $0x108;
	_ =	swait.ge @!p0 [sflag:s8], $0x0  }
0x24: {  	s3 =	sadd.s32 $0x88, s3;
	s6 =	simm.s32 @!p1 $0x1082;
	[sflag:s4] =	ssyncset.s32 $0xFFFFF086  }
0x25: {  	[simem:s6], [sflag:s4] =	dma.local [hbm:s3], $0xF7A  }
0x26: {  	[smem:$0x3F9D] =	sst s1;
	(tag) =	ssettag s2;
	_ =	strace s9  }
0x27: {  	s1 =	sld [smem:$0x3FAD]  }
0x28: {  	s2 =	sld [smem:$0x3FAE]  }
0x29: {  	s4 =	sld [smem:$0x3FB0]  }
0x2a: {  	p0 =	seq.s32 s5, $0x0;
	s5 =	sld [smem:$0x3FB1]  }
0x2b: {  	s6 =	sld [smem:$0x3FB2]  }
0x2c: {  	s7 =	sld [smem:$0x3FB3]  }
0x2d: {  	s3 =	simm.s32 $0x108;
	s8 =	sld [smem:$0x3FB4]  }
0x2e: {  	s3 =	simm.s32 @!p0 $0x1082;
	s9 =	sld [smem:$0x3FB5]  }
0x2f: {  	lr =	sadd.s32 s0, s3;
	s0 =	sld [smem:$0x3FAC]  }
0x30: {  	s3 =	sld [smem:$0x3FAF]  }
0x31: {  	[smem:$0x3FB8] =	sst s10  }
0x32: {  	s10 =	sld [smem:$0x3FB6];
	_ =	sdelay $0x3  }
0x33: {  	p0 =	seq.s32 s10, $0x1;
	s10 =	sld [smem:$0x3FB8];
	_ =	sdelay $0x3  }
0x34: {  	[smem:$0x3FB8] =	sst s10  }
0x35: {  	s10 =	sld [smem:$0x3FB7];
	_ =	sdelay $0x3  }
0x36: {  	p1 =	seq.s32 s10, $0x1;
	s10 =	sld [smem:$0x3FB8];
	_ =	sdelay $0x3  }
0x37: {  	[smem:$0x3FB8] =	sst s10  }
0x38: {  	s10 =	sld [smem:$0x3FB9]  }
0x39: {  	_ = 	snop;
	(pc) =	sbr.ind lr, $3  }
0x3a: {  	_ = 	snop  }
0x3b: {  	_ = 	snop  }
0x3c: {  	p2 =	seq.s32 s10, $0x1;
	s10 =	sld [smem:$0x3FB8]  }
0x3d: {  	_ =	shalt  }
0x3e: {  	_ =	shalt  }
0x3f: {  	_ =	shalt  }
0x40: {  	_ =	shalt  }
0x41: {  	_ =	shalt  }
0x42: {  	_ =	shalt  }
0x43: {  	_ =	shalt  }
0x44: {  	_ =	shalt  }
0x45: {  	_ =	shalt  }
0x46: {  	_ =	shalt  }
0x47: {  	_ =	shalt  }
0x48: {  	_ =	shalt  }
0x49: {  	_ =	shalt  }
0x4a: {  	_ =	shalt  }
0x4b: {  	_ =	shalt  }
0x4c: {  	_ =	shalt  }
0x4d: {  	_ =	shalt  }
0x4e: {  	_ =	shalt  }
0x4f: {  	_ =	shalt  }
0x50: {  	_ =	shalt  }
0x51: {  	_ =	shalt  }
0x52: {  	_ =	shalt  }
0x53: {  	_ =	shalt  }
0x54: {  	_ =	shalt  }
0x55: {  	_ =	shalt  }
0x56: {  	_ =	shalt  }
0x57: {  	_ =	shalt  }
0x58: {  	_ =	shalt  }
0x59: {  	_ =	shalt  }
0x5a: {  	_ =	shalt  }
0x5b: {  	_ =	shalt  }
0x5c: {  	_ =	shalt  }
0x5d: {  	_ =	shalt  }
0x5e: {  	_ =	shalt  }
0x5f: {  	_ =	shalt  }
0x60: {  	_ =	shalt  }
0x61: {  	_ =	shalt  }
0x62: {  	_ =	shalt  }
0x63: {  	_ =	shalt  }
0x64: {  	_ =	shalt  }
0x65: {  	_ =	shalt  }
0x66: {  	_ =	shalt  }
0x67: {  	_ =	shalt  }
0x68: {  	_ =	shalt  }
0x69: {  	_ =	shalt  }
0x6a: {  	_ =	shalt  }
0x6b: {  	_ =	shalt  }
0x6c: {  	_ =	shalt  }
0x6d: {  	_ =	shalt  }
0x6e: {  	_ =	shalt  }
0x6f: {  	_ =	shalt  }
0x70: {  	_ =	shalt  }
0x71: {  	_ =	shalt  }
0x72: {  	_ =	shalt  }
0x73: {  	_ =	shalt  }
0x74: {  	_ =	shalt  }
0x75: {  	_ =	shalt  }
0x76: {  	_ =	shalt  }
0x77: {  	_ =	shalt  }
0x78: {  	_ =	shalt  }
0x79: {  	_ =	shalt  }
0x7a: {  	_ =	shalt  }
0x7b: {  	_ =	shalt  }
0x7c: {  	_ =	shalt  }
0x7d: {  	_ =	shalt  }
0x7e: {  	_ =	shalt  }
0x7f: {  	_ =	shalt  }
0x80: {  	_ =	shalt  }
0x81: {  	_ =	shalt  }
0x82: {  	_ =	shalt  }
0x83: {  	_ =	shalt  }
0x84: {  	_ =	shalt  }
0x85: {  	_ =	shalt  }
0x86: {  	_ =	shalt  }
0x87: {  	_ =	shalt  }
.Lfunc_end0:
.L_simem_size_0:
called_computation_lowered:
.L_overlay_start_0:
0x88: {  	s2 =	sld [smem:$0x3FD9]  }
0x89: {  	s3 =	sld [smem:$0x3FFE];
	_ =	sdelay $0x1  }
0x8a: {  	s1 =	srdreg.scid  }
0x8b: {  	s0 =	sand.u32 $0x1, s1  }
0x8c: {  	s17 =	sshll.u32 s0, $0xA;
	s2 =	sadd.s32 s3, s2  }
0x8d: {  	s2 =	sadd.s32 s2, s17  }
0x8e: {  	[smem:$0x3FC4] =	sst s2  }
0x8f: {  	_ = 	snop  }
0x90: {  	s2 =	sld [smem:$0x3FC9]  }
0x91: {  	s18 =	sld [smem:$0x3FC7]  }
0x92: {  	s4 =	sld [smem:$0x3FD0];
	(tm) =	ssettm $0x1  }
0x93: {  	s5 =	sld [smem:$0x3FFB];
	_ =	sdelay $0x3  }
0x94: {  	_ =	strace s5  }
0x95: {  	s5 =	sld [smem:$0x3FFC];
	_ =	sdelay $0x3  }
0x96: {  	_ =	strace s5  }
0x97: {  	s5 =	sld [smem:$0x3FFD];
	_ =	sdelay $0x3  }
0x98: {  	_ =	strace s5  }
0x99: {  	_ =	strace $0x8FFFFFFF  }
0x9a: {  	s19 =	sld [smem:$0x3FDB];
	_ =	sdelay $0x1  }
0x9b: {  	s6 =	simm.s32 $_scs_section_size  }
0x9c: {  	s7 =	simm.s32 $_size__tile_overlayer_lowered;
	s8 =	simm.s32 $_tile_overlayer_lowered  }
0x9d: {  	s22 =	simm.s32 $0x1BFF;
	s21 =	sshll.u32 s8, $0x1;
	s5 =	sadd.s32 s6, s19  }
0x9e: {  	s9 =	simm.s32 $0x0;
	s20 =	sshll.u32 s7, $0x1;
	s7 =	sadd.s32 s21, s5  }
0x9f: {  	[timem:s9], [sflag:s22] =	dma.local [hbm:s7], s20  }
0xa0: {  	_ =	swait.ge [sflag:s22], s20  }
0xa1: {  	s6 =	ssub.s32 $0x0, s20;
	[sflag:s22] =	ssyncset.done $0x0  }
0xa2: {  	[sflag:s22] =	ssyncadd.s32 s6;
	_ =	sdelay $0x1  }
0xa3: {  	s23 =	simm.s32 $0x1B8B  }
0xa4: {  	_ =	swait.ge [sflag:s23], $0x1  }
0xa5: {  	[sflag:s23] =	ssyncset.done $0x0  }
0xa6: {  	s25 =	simm.s32 $0x1B8E;
	s24 =	sld [smem:$0x3FFE];
	[sflag:s23] =	ssyncadd.s32 $0xFFFFFFFF  }
0xa7: {  	s26 =	simm.s32 $execute0_lowered;
	[smem:$0x3FD2] =	sst s25  }
0xa8: {  	s7 =	sshll.u32 s26, $0x1;
	_ =	strace $0x80000046;
	[dreg:$0x1] =	wrdreg $0xFFFFFFFF  }
0xa9: {  	s28 =	simm.s32 $_size_execute0_lowered;
	s5 =	sadd.s32 s5, s7;
	[dreg:$0x0] =	wrdreg $0x0  }
0xaa: {  	s7 =	sshll.u32 s28, $0x1;
	[dreg:$0x2] =	wrdreg s5  }
0xab: {  	[dreg:$0x3] =	wrdreg s7  }
0xac: {  	[dreg:$0x4] =	wrdreg $0xC0  }
0xad: {  	_ =	task [dreg:s9], $0x5FFFF  }
0xae: {  	[dreg:$0x1] =	wrdreg $0xFFFFFFFF  }
0xaf: {  	[dreg:$0x0] =	wrdreg $0x60  }
0xb0: {  	[dreg:$0x2] =	wrdreg s2  }
0xb1: {  	[dreg:$0x3] =	wrdreg s18  }
0xb2: {  	[dreg:$0x4] =	wrdreg s24  }
0xb3: {  	[dreg:$0x5] =	wrdreg s4  }
0xb4: {  	[dreg:$0x6] =	wrdreg $0x9  }
0xb5: {  	_ =	task.clear_ibuf [dreg:s9], $0x7FFFF;
	_ =	strace $0x90000046  }
0xb6: {  	s29 =	simm.s32 $0x9;
	_ =	strace $0x80000048  }
0xb7: {  	_ =	swait.ge [sflag:s29], $0x1  }
0xb8: {  	[sflag:s29] =	ssyncadd.s32 $0xFFFFFFFF  }
0xb9: {  	_ =	strace $0x90000048  }
0xba: {  	_ =	sfence  }
0xbb: {  	s30 =	sld [smem:$0x0];
	_ =	sdelay $0x2  }
0xbc: {  	s31 =	sshll.u32 s1, $0xD;
	s1 =	sshrl.u32 s1, $0x2  }
0xbd: {  	s3 =	sand.u32 $0x4000, s31;
	s1 =	sadd.s32 s1, s30  }
0xbe: {  	s0 =	sor.u32 s3, s0;
	s1 =	sshll.u32 s1, $0x11  }
0xbf: {  	s0 =	sor.u32 s1, s0  }
0xc0: {  	s0 =	sadd.s32 $0x8F2B, s0  }
0xc1: {  	[sflag:s0] =	ssyncadd.remote.s32 $0x1  }
0xc2: {  	_ =	sfence.sel $0xFFFF  }
0xc3: {  	[dreg:$0x0] =	wrdreg $0xFFFFFFFF;
	(pc) =	sbr.abs _section_cstart, $3  }
0xc4: {  	[dreg:$0x1] =	wrdreg $0xFFFFFFFF  }
0xc5: {  	_ =	task.clear_ibuf [dreg:s9], $0x2FFFF;
	_ =	strace $0x9FFFFFFF  }
0xc6: {  	(tm) =	ssettm $0x7FFFFFFF  }
0xc7: {  	_ =	shalt  }
tec
execute0_lowered:
.L_overlay_start_1:
0x0: {  	(tag) =	ssettag $0x1  }
0x1: {  	s1 =	rddreg [dreg:$0x0]  }
0x2: {  	s2 =	rddreg [dreg:$0x1]  }
0x3: {  	s0 =	rddreg [dreg:$0x2];
	s3 =	srdreg.scid  }
0x4: {  	s4 =	stileid.u32;
	s5 =	rddreg [dreg:$0x3];
	s21 =	simm.s32 $0x2000  }
0x5: {  	s28 =	simm.s32 $0x1000;
	s22 =	simm.s32 $0x1;
	s23 =	simm.s32 $0x3080  }
0x6: {  	s24 =	simm.s32 $0x10080;
	s25 =	simm.s32 $0x2;
	s3 =	sand.u32 $0x1, s3  }
0x7: {  	s6 =	sshll.u32 s4, $0x1;
	s4 =	simm.s32 $0x0;
	s7 =	sadd.s32 $0x1200, s0  }
0x8: {  	s6 =	sor.u32 s3, s6;
	[smem:$0x7FF] =	sst s4;
	s3 =	ssub.s32 $0x2, s3  }
0x9: {  	s9 =	smul.u32 $0x1A00, s6;
	_ =	strace $0x80000047;
	[dreg:$0x5] =	wrdreg s7  }
0xa: {  	s26 =	sshrl.u32 s3, $0x1;
	s8 =	smul.u32 $0x61, s6;
	s10 =	smin.u32 s6, $0x15  }
0xb: {  	p0 =	slt.u32 s6, $0x15;
	s6 =	simm.s32 $0x62;
	s3 =	ssub.s32 s3, s26  }
0xc: {  	s6 =	simm.s32 @!p0 $0x61;
	s0 =	sadd.s32 s9, s0;
	s7 =	sadd.s32 s10, s8  }
0xd: {  	s8 =	simm.s32 $0x61;
	s13 =	sadd.s32 $0xFFFFFFFF, s6;
	s5 =	sadd.s32 s5, s9  }
0xe: {  	s31 =	smax.u32 s3, $0x1;
	s10 =	sshll.u32 s7, $0x9;
	s11 =	sadd.s32 $0x1, s7  }
0xf: {  	s12 =	sshll.u32 s7, $0x8;
	[dreg:$0xa] =	wrdreg s5;
	s0 =	sadd.s32 $0x1400, s0  }
0x10: {  	[dreg:$0xc] =	wrdreg s31;
	s10 =	sadd.s32 s1, s10;
	s29 =	sshll.u32 s11, $0x9  }
.Ltmp0:
0x11: {  	s11 =	sshll.u32 s11, $0x8;
	[dreg:$0xb] =	wrdreg s0;
	(pc) =	sbr.rel .LBB2_1-.Ltmp0, $4  }
0x12: {  	s12 =	sadd.s32 s2, s12;
	[dreg:$0x6] =	wrdreg s10;
	s10 =	sand.u32 $0x1FFFFE00, s29  }
0x13: {  	[dreg:$0x7] =	wrdreg s12;
	s30 =	sand.u32 $0x1FFFFF00, s11;
	s10 =	sadd.s32 s1, s10  }
0x14: {  	s3 =	simm.s32 $0x0;
	[dreg:$0x8] =	wrdreg s10;
	s10 =	sadd.s32 s2, s30  }
0x15: {  	v0 =	vimm.f32 $0.0e+00;
	vm0 =	vmxor vm0, vm0;
	vm1 =	vmmov $0x1;
	s8 =	simm.s32 @!p0 $0x60;
	s5 =	simm.s32 $0x3;
	[dreg:$0x9] =	wrdreg s10  }
.LBB2_13:
0x16: {  	p0 =	slt.s32 s31, $0x0  }
0x17: {  	(xrf2) =	vadd.scan.msk.f32 @!p0 $0xffff, v2  }
0x18: {  	(xrf2) =	vadd.scan.msk.f32 @!p0 $0xffff, v7;
	_ =	sdelay $0x3  }
0x19: {  	v1 =	vmov @!p0 s31  }
0x1a: {  	v1 =	vand.u32 @!p0 $0x7FFFFFFF, v1  }
0x1b: {  	v1 =	vbroadcast @!p0 v1, $0x0;
	_ =	sdelay $0x2  }
0x1c: {  	v2, _, _ =	vpop @!p0 (xrf2)  }
0x1d: {  	v2 =	vbroadcast @!p0 v2, $0xF;
	v3, _, _ =	vpop @!p0 (xrf2)  }
0x1e: {  	s0 =	simm.s32 @!p0 $0x3080;
	v3 =	vbroadcast @!p0 v3, $0xF  }
0x1f: {  	[tilespmem:v1+s0+$0x0] =	vst.idx.add.f32.msk @!p0 $0x1, v2;
	s0 =	simm.s32 @!p0 $0x10080  }
0x20: {  	[tilespmem:v1+s0+$0x0] =	vst.idx.add.f32.msk @!p0 $0x1, v3  }
0x21: {  	_ =	swait.ge [sflag:s22], $0x1000  }
0x22: {  	[sflag:s22] =	ssyncset.done $0x0  }
0x23: {  	[sflag:s22] =	ssyncadd.s32 $0xFFFFF000  }
0x24: {  	_ =	swait.ge [sflag:s22], $0x800  }
0x25: {  	[sflag:s22] =	ssyncset.done $0x0  }
0x26: {  	[sflag:s22] =	ssyncadd.s32 $0xFFFFF800  }
0x27: {  	_ =	swait.ge [sflag:s25], $0x1000  }
0x28: {  	[sflag:s25] =	ssyncset.done $0x0  }
0x29: {  	[sflag:s25] =	ssyncadd.s32 $0xFFFFF000  }
0x2a: {  	_ =	swait.ge [sflag:s25], $0x800  }
0x2b: {  	[sflag:s25] =	ssyncset.done $0x0  }
0x2c: {  	s5 =	simm.s32 $0x3;
	s29 =	rddreg [dreg:$0xa];
	[sflag:s25] =	ssyncadd.s32 $0xFFFFF800  }
0x2d: {  	[hbm4b:s29+s4] =	stream.linear.scatter [tilespmem:s23], [sflag:$0x3], $0xD000, $0x38;
	[tilespmem:$0x1D080] =	vst v63  }
0x2e: {  	_ =	swait.ge [sflag:s5], $0xD000  }
0x2f: {  	[sflag:s5] =	ssyncset.done $0x0  }
0x30: {  	s30 =	rddreg [dreg:$0xb];
	[sflag:s5] =	ssyncadd.s32 $0xFFFF3000  }
0x31: {  	[hbm4b:s30+s4] =	stream.linear.scatter [tilespmem:s24], [sflag:$0x3], $0xD000, $0x38;
	[tilespmem:$0x1D080] =	vst v63  }
0x32: {  	_ =	swait.ge [sflag:s5], $0xD000  }
0x33: {  	s3 =	rddreg [dreg:$0xd]  }
0x34: {  	s31 =	rddreg [dreg:$0xc];
	s3 =	sadd.s32 $0x1, s3  }
0x35: {  	p0 =	sne.s32 s3, s31  }
.Ltmp1:
0x36: {  	_ = 	snop;
	(pc) =	sbr.rel @!p0 .LBB2_14-.Ltmp1, $3  }
0x37: {  	_ =	sdelay $0x1  }
0x38: {  	[sflag:s5] =	ssyncset.done $0x0  }
0x39: {  	[sflag:s5] =	ssyncadd.s32 $0xFFFF3000  }
.LBB2_1:
0x3a: {  	[dreg:$0xd] =	wrdreg s3  }
0x3b: {  	s0 =	rddreg [dreg:$0x5];
	s30 =	simm.s32 $0x3000  }
0x3c: {  	[tilespmem:s30], [sflag:$0x3] =	stream.linear.gather [hbm4b:s0+s4], $0x80, $0x38;
	[tilespmem:$0x1D080] =	vst v63  }
0x3d: {  	_ =	swait.ge [sflag:s5], $0x80  }
0x3e: {  	[sflag:s5] =	ssyncset.done $0x0  }
0x3f: {  	s31 =	simm.s32 $0x30A0;
	[sflag:s5] =	ssyncadd.s32 $0xFFFFFF80  }
0x40: {  	v1 =	vld [tilespmem:$0x3000];
	[tilespmem:s31+$0xFFFFFFF0] =	vst v0  }
0x41: {  	[tilespmem:s31+$0x0] =	vst v0  }
0x42: {  	[tilespmem:s31+$0x10] =	vst v0  }
0x43: {  	s0 =	simm.s32 $0x100A0;
	[tilespmem:s31+$0xFFFFFFE0] =	vst v0  }
0x44: {  	[tilespmem:s0+$0xFFFFFFF0] =	vst v0  }
0x45: {  	[tilespmem:s0+$0x0] =	vst v0  }
0x46: {  	[tilespmem:s0+$0x10] =	vst v0  }
0x47: {  	s3 =	simm.s32 $0x0;
	s5 =	simm.s32 $0x30E0;
	[tilespmem:s0+$0xFFFFFFE0] =	vst v0  }
.LBB2_2:
0x48: {  	[tilespmem:s5+$0xFFFFFFF0] =	vst v0;
	s0 =	sadd.s32 $0x40, s0  }
0x49: {  	s3 =	sadd.s32 $0x4, s3;
	[tilespmem:s0+$0xFFFFFFF0] =	vst v0  }
0x4a: {  	p0 =	slt.u32 s3, $0xCFC;
	[tilespmem:s5+$0x0] =	vst v0  }
.Ltmp2:
0x4b: {  	[tilespmem:s0+$0x0] =	vst v0;
	(pc) =	sbr.rel @p0 .LBB2_2-.Ltmp2, $4  }
0x4c: {  	[tilespmem:s5+$0x10] =	vst v0  }
0x4d: {  	[tilespmem:s0+$0x10] =	vst v0  }
0x4e: {  	[tilespmem:s5+$0xFFFFFFE0] =	vst v0  }
0x4f: {  	s5 =	sadd.s32 $0x40, s5;
	[tilespmem:s0+$0xFFFFFFE0] =	vst v0  }
0x50: {  	s5 =	simm.s32 $0x0;
	s0 =	rddreg [dreg:$0x6]  }
0x51: {  	[tilespmem:s5], [sflag:$0x1] =	stream.linear.gather [hbm4b:s0+s5], $0x1000, $0x38;
	[tilespmem:$0x1D080] =	vst v63  }
0x52: {  	s20 =	rddreg [dreg:$0x7]  }
0x53: {  	[tilespmem:s21], [sflag:$0x1] =	stream.linear.gather [hbm4b:s20+s5], $0x800, $0x38;
	[tilespmem:$0x1D080] =	vst v63  }
.Ltmp3:
0x54: {  	s26 =	rddreg [dreg:$0x8];
	(pc) =	sbr.rel .LBB2_4-.Ltmp3, $4  }
0x55: {  	s30 =	rddreg [dreg:$0x9]  }
0x56: {  	[tilespmem:s28], [sflag:$0x2] =	stream.linear.gather [hbm4b:s26+s5], $0x1000, $0x38;
	[tilespmem:$0x1D080] =	vst v63  }
0x57: {  	s3 =	simm.s32 $0x2800;
	s31 =	simm.s32 $0xFFFFFFFF;
	s29 =	simm.s32 $0x0  }
0x58: {  	v7 =	vimm.f32 $0.0e+00;
	v2 =	vimm.f32 $0.0e+00;
	[tilespmem:s3], [sflag:$0x2] =	stream.linear.gather [hbm4b:s30+s5], $0x800, $0x38;
	[tilespmem:$0x1D080] =	vst v63  }
.LBB2_12:
0x59: {  	s0 =	sadd.s32 $0x3, s30  }
0x5a: {  	s29 =	sadd.s32 $0x1, s29;
	s0 =	smin.u32 s0, s8  }
0x5b: {  	p0 =	sne.s32 s29, $0x31;
	s0 =	sadd.s32 s7, s0  }
.Ltmp4:
0x5c: {  	s3 =	sshll.u32 s0, $0x9;
	(pc) =	sbr.rel @!p0 .LBB2_13-.Ltmp4, $4  }
0x5d: {  	s0 =	sshll.u32 s0, $0x8;
	s3 =	sadd.s32 s1, s3  }
0x5e: {  	[tilespmem:s28], [sflag:$0x2] =	stream.linear.gather [hbm4b:s3+s4], $0x1000, $0x38;
	[tilespmem:$0x1D080] =	vst v63  }
0x5f: {  	s30 =	simm.s32 $0x2800;
	s0 =	sadd.s32 s2, s0  }
0x60: {  	[tilespmem:s30], [sflag:$0x2] =	stream.linear.gather [hbm4b:s0+s4], $0x800, $0x38;
	[tilespmem:$0x1D080] =	vst v63  }
.LBB2_4:
0x61: {  	s30 =	sshll.u32 s29, $0x1  }
0x62: {  	_ =	swait.ge [sflag:s22], $0x1000;
	p0 =	sge.u32 s30, s6  }
.Ltmp5:
0x63: {  	[sflag:s22] =	ssyncset.done $0x0;
	(pc) =	sbr.rel @p0 .LBB2_8-.Ltmp5, $4  }
0x64: {  	[sflag:s22] =	ssyncadd.s32 $0xFFFFF000  }
0x65: {  	_ =	swait.ge [sflag:s22], $0x800  }
0x66: {  	[sflag:s22] =	ssyncset.done $0x0  }
0x67: {  	[sflag:s22] =	ssyncadd.s32 $0xFFFFF800  }
0x68: {  	p0 =	por $0x0, $0x0  }
0x69: {  	s0 =	simm.s32 $0x1;
	s3 =	simm.s32 $0x2020;
	s14 =	simm.s32 $0x0  }
0x6a: {  	s0 =	simm.s32 @!p0 $0x0;
	s5 =	sand.u32 $0x7, s14;
	v13 =	vld [tilespmem:s3+$0xFFFFFFF0]  }
0x6b: {  	v14 =	vld [tilespmem:s3+$0x0];
	s0 =	sshll.u32 s0, $0x6;
	s5 =	sshll.u32 s5, $0x4  }
0x6c: {  	s9 =	sand.u32 $0x3, s14;
	v15 =	vld [tilespmem:s3+$0x10];
	s0 =	sadd.s32 $0x0, s0;
	s5 =	sadd.s32 $0x0, s5  }
0x6d: {  	v16 =	vld [tilespmem:s3+$0xFFFFFFE0];
	s21 =	sshll.u32 s9, $0x5;
	s0 =	sor.u32 $0x80, s0;
	s26 =	sadd.s32 $0x10, s5  }
0x6e: {  	s5 =	sadd.s32 $0x30, s5;
	v3 =	vld [tilespmem:s0+$0x0];
	s0 =	sadd.s32 $0x0, s21;
	s9 =	sor.u32 $0x80, s26  }
0x6f: {  	s5 =	sor.u32 $0x80, s5;
	s0 =	sadd.s32 $0x20, s0;
	v4 =	vld [tilespmem:s9+$0x0]  }
0x70: {  	v5 =	vld [tilespmem:s5+$0x0];
	s0 =	sor.u32 $0x80, s0  }
0x71: {  	(v2sf) =	vpush v13, $0xF;
	v6 =	vld [tilespmem:s0+$0x0]  }
0x72: {  	(v2sf) =	vpush v14, $0xF  }
0x73: {  	(v2sf) =	vpush v15, $0xF;
	v3 =	vmul.f32 v3, v3;
	_ =	sdelay $0x1  }
0x74: {  	(v2sf) =	vpush v16, $0xF;
	v4 =	vmul.f32 v4, v4;
	v3 =	vadd.f32 v3, v1  }
0x75: {  	v5 =	vmul.f32 v5, v5;
	v6 =	vmul.f32 v6, v6  }
0x76: {  	v4 =	vadd.f32 v4, v1;
	v8 =	vshrl.u32 v3, $0x1;
	v3 =	vmul.f32 $5.000000000e-01, v3  }
0x77: {  	v5 =	vadd.f32 v5, v1;
	v8 =	vsub.s32 $0x5F3759DF, v8  }
0x78: {  	v6 =	vadd.f32 v6, v1;
	v10 =	vshrl.u32 v4, $0x1;
	v9 =	vmul.f32 v8, v3  }
0x79: {  	v4 =	vmul.f32 $5.000000000e-01, v4;
	v11 =	vshrl.u32 v5, $0x1;
	v5 =	vmul.f32 $5.000000000e-01, v5  }
0x7a: {  	v10 =	vsub.s32 $0x5F3759DF, v10;
	v11 =	vsub.s32 $0x5F3759DF, v11;
	v9 =	vmul.f32 v8, v9  }
0x7b: {  	vm3 =	vmmov vm0;
	v17 =	vmul.f32 v10, v4;
	v18 =	vmul.f32 v11, v5  }
0x7c: {  	v12 =	vshrl.u32 v6, $0x1;
	v6 =	vmul.f32 $5.000000000e-01, v6;
	v9 =	vsub.f32 $1.500000000e+00, v9  }
0x7d: {  	p1 =	sgt.s32 s31, $0x0;
	s10 =	smov.u32 s31;
	v12 =	vsub.s32 $0x5F3759DF, v12;
	v17 =	vmul.f32 v10, v17;
	v18 =	vmul.f32 v11, v18  }
0x7e: {  	p5 =	sgt.s32 s31, $0xFFFFFFFF;
	s12 =	simm.s32 $0x0;
	s17 =	simm.s32 $0x10;
	vm5 =	vmmov vm0;
	v8 =	vmul.f32 v8, v9;
	v9 =	vmul.f32 v12, v6  }
0x7f: {  	s19 =	simm.s32 $0x20;
	vm7 =	vmmov vm0;
	vm2 =	vmmov vm0;
	s10 =	simm.s32 @!p1 $0x0;
	v17 =	vsub.f32 $1.500000000e+00, v17;
	s9 =	spop (v2sf)  }
0x80: {  	s15 =	sand.u32 $0x50, s17;
	s0 =	sand.u32 $0xF00, s14;
	v18 =	vsub.f32 $1.500000000e+00, v18;
	s3 =	spop (v2sf);
	v3 =	vmul.f32 v8, v3;
	v9 =	vmul.f32 v12, v9  }
0x81: {  	v19 =	vmov s10;
	p4 =	sgt.s32 s9, $0x0;
	s10 =	smov.u32 s9;
	v10 =	vmul.f32 v10, v17;
	v17 =	vbroadcast v13, $0xF;
	s5 =	spop (v2sf)  }
0x82: {  	v11 =	vmul.f32 v11, v18;
	p2 =	sgt.s32 s3, $0xFFFFFFFF;
	p1 =	sgt.s32 s3, $0x0;
	s10 =	simm.s32 @!p4 $0x0;
	v3 =	vmul.f32 v3, v8;
	v9 =	vsub.f32 $1.500000000e+00, v9  }
0x83: {  	v18 =	vbroadcast v16, $0xF;
	s11 =	smov.u32 s3;
	p3 =	sne.s32 s5, s3;
	s28 =	spop (v2sf);
	v28 =	vmov s10;
	v4 =	vmul.f32 v10, v4  }
0x84: {  	s11 =	simm.s32 @!p1 $0x0;
	v5 =	vmul.f32 v11, v5;
	p2 =	por !p2, !p3;
	p6 =	sne.s32 s28, s31;
	v3 =	vsub.f32 $1.500000000e+00, v3;
	v9 =	vmul.f32 v12, v9  }
0x85: {  	vm6 =	vne.s32 v16, v18;
	v18 =	vbroadcast v15, $0xF;
	p3 =	sgt.s32 s28, $0xFFFFFFFF;
	p4 =	sgt.s32 s28, $0x0;
	p1 =	por !p5, !p6;
	v4 =	vmul.f32 v4, v10  }
0x86: {  	v25 =	vmov s11;
	p2 =	por !p2, !p2;
	p5 =	sne.s32 s9, s28;
	p1 =	por !p1, !p1;
	v3 =	vmul.f32 v3, v8;
	v6 =	vmul.f32 v9, v6  }
0x87: {  	(xrf2) =	vadd.scan.msk.f32 $0xffff, v2;
	s11 =	smov.u32 s28;
	vm3 =	vmneg @p2 vm3;
	p2 =	por !p3, !p5;
	vm5 =	vmneg @p1 vm5;
	p1 =	seq.s32 s28, s31;
	v4 =	vsub.f32 $1.500000000e+00, v4  }
0x88: {  	vm9 =	vne.s32 v13, v17;
	p3 =	por !p2, !p2;
	p2 =	seq.s32 s9, s28;
	s28 =	simm.s32 $0x2;
	v8 =	vmul.f32 v3, v3;
	v6 =	vmul.f32 v6, v9  }
0x89: {  	s12 =	sand.u32 $0x40, s12;
	s18 =	sor.u32 s15, s0;
	vm10 =	vmmov vm6;
	v5 =	vmul.f32 v5, v11;
	s15 =	sand.u32 $0x3, s28;
	v4 =	vmul.f32 v4, v10  }
0x8a: {  	s16 =	simm.s32 $0x4;
	s12 =	sor.u32 s12, s0;
	v21 =	vld [tilespmem:s18+$0x0];
	vm8 =	vne.s32 v15, v18;
	s18 =	sshll.u32 s15, $0x5;
	v8 =	vmul.f32 v8, v1;
	v6 =	vsub.f32 $1.500000000e+00, v6  }
0x8b: {  	s21 =	sand.u32 $0x7, s16;
	v12 =	vbroadcast v14, $0xF;
	v5 =	vsub.f32 $1.500000000e+00, v5;
	v10 =	vld [tilespmem:s12+$0x0];
	s12 =	sand.u32 $0x60, s19;
	s19 =	sadd.s32 $0x80, s18;
	v20 =	vmul.f32 v4, v4  }
0x8c: {  	s14 =	sshll.u32 s21, $0x4;
	p6 =	sgt.s32 s9, $0xFFFFFFFF;
	vm7 =	vmneg @p3 vm7;
	s21 =	sadd.s32 $0x20, s19;
	v26 =	vsub.f32 v3, v8;
	v8 =	vmul.f32 v6, v9  }
0x8d: {  	p5 =	sne.s32 s3, s9;
	p3 =	seq.s32 s3, s9;
	v61 =	vpsel !p1, $0x0, v7;
	v11 =	vmul.f32 v5, v11;
	s9 =	sor.u32 $0x80, s21;
	v3 =	vmul.f32 v20, v1  }
0x8e: {  	s20 =	simm.s32 $0x2060;
	v34 =	vld [tilespmem:s9+$0x0];
	v6 =	vbroadcast v19, $0x0;
	v9 =	vsel vm6, $0x0, v26;
	v19 =	vmul.f32 v8, v8  }
0x8f: {  	p0 =	por !p0, !p0;
	s17 =	simm.s32 $0x1;
	v5 =	vmul.f32 v11, v11;
	v23 =	vsub.f32 v4, v3;
	v3 =	vpsel !p1, $0x0, v2;
	v2 =	vld [tilespmem:s20+$0xFFFFFFF0]  }
0x90: {  	s17 =	simm.s32 @!p0 $0x0;
	v27 =	vmul.f32 v26, v10;
	v4 =	vld [tilespmem:s20+$0xFFFFFFE0];
	v3 =	vadd.f32 v9, v3;
	v10 =	vmul.f32 v19, v1  }
0x91: {  	s26 =	sshll.u32 s17, $0x6;
	p5 =	por !p6, !p5;
	vm11 =	vne.s32 v14, v12;
	v19 =	vmul.f32 v5, v1;
	v24 =	vmul.f32 v23, v21;
	v5 =	vld [tilespmem:s20+$0x0];
	v9, _, _ =	vpop (xrf2)  }
0x92: {  	s16 =	sadd.s32 $0x80, s26;
	p5 =	por !p5, !p5;
	s12 =	sor.u32 s12, s0;
	v21 =	vsel vm9, $0x0, v23;
	(xrf2) =	vadd.scan.msk.f32 $0xffff, v3;
	v17 =	vbroadcast v9, $0xF;
	v9 =	vpsel !p2, $0x0, v3;
	v3 =	vld [tilespmem:s20+$0x10]  }
0x93: {  	s14 =	sadd.s32 $0x80, s14;
	vm2 =	vmneg @p5 vm2;
	vm7 =	vmmov vm7;
	v9 =	vadd.f32 v21, v9;
	v21 =	vld [tilespmem:s12+$0x0];
	s12 =	sor.u32 $0x80, s16  }
0x94: {  	vm2 =	vmand vm2, vm1;
	v34 =	vmul.f32 v34, v34;
	v29 =	vsub.f32 v8, v10;
	s16 =	sadd.s32 $0x30, s14;
	v10 =	vld [tilespmem:s12+$0x0]  }
0x95: {  	[tilespmem:v16+s23+$0x0] =	vst.idx.add.f32.msk vm6, v26;
	v20 =	vsel vm6, $0x0, v27;
	vm6 =	vmand vm3, vm1;
	vm3 =	vmmov vm0;
	s20 =	sadd.s32 $0x10, s14;
	s17 =	sor.u32 $0x80, s16  }
0x96: {  	v34 =	vadd.f32 v34, v1;
	v20 =	vadd.f32 v20, v61;
	v22 =	vsel vm9, $0x0, v24;
	s26 =	sor.u32 $0x80, s20;
	v30 =	vld [tilespmem:s17+$0x0]  }
0x97: {  	v31 =	vsub.f32 v11, v19;
	(v2sf) =	vpush v2, $0xF;
	v11 =	vbroadcast v4, $0xF;
	v32 =	vld [tilespmem:s26+$0x0]  }
0x98: {  	v12 =	vsel vm11, $0x0, v29;
	(xrf2) =	vadd.scan.msk.f32 $0xffff, v9;
	v9 =	vpsel !p3, $0x0, v9;
	(v2sf) =	vpush v5, $0xF  }
0x99: {  	v18 =	vadd.f32 v12, v9;
	(v2sf) =	vpush v3, $0xF;
	v9 =	vmul.f32 v10, v10  }
0x9a: {  	[tilespmem:v16+s24+$0x0] =	vst.idx.add.f32.msk vm10, v27;
	v19 =	vbroadcast v2, $0xF;
	v40 =	vshrl.u32 v34, $0x1;
	v27 =	vmul.f32 $5.000000000e-01, v34  }
0x9b: {  	v16 =	vsub.s32 $0x5F3759DF, v40;
	v10 =	vmul.f32 v30, v30;
	v30 =	vadd.f32 v9, v1  }
0x9c: {  	vm4 =	vne.s32 v4, v11;
	(v2sf) =	vpush v4, $0xF;
	v32 =	vmul.f32 v32, v32  }
0x9d: {  	v36 =	vadd.f32 v10, v1;
	v10 =	vshrl.u32 v30, $0x1;
	v30 =	vmul.f32 $5.000000000e-01, v30  }
0x9e: {  	s11 =	simm.s32 @!p4 $0x0;
	s28 =	simm.s32 $0x30;
	v11 =	vbroadcast v5, $0xF;
	v32 =	vadd.f32 v32, v1;
	v54 =	vsub.s32 $0x5F3759DF, v10  }
0x9f: {  	s9 =	sand.u32 $0x70, s28;
	v8 =	vmov s11;
	v58 =	vmul.f32 v16, v27;
	v37 =	vmul.f32 v54, v30  }
0xa0: {  	s0 =	sor.u32 s9, s0;
	v39 =	vshrl.u32 v32, $0x1;
	v32 =	vmul.f32 $5.000000000e-01, v32;
	v38 =	vshrl.u32 v36, $0x1  }
0xa1: {  	v60 =	vld [tilespmem:s0+$0x0];
	v36 =	vmul.f32 $5.000000000e-01, v36;
	v39 =	vsub.s32 $0x5F3759DF, v39;
	v37 =	vmul.f32 v54, v37  }
0xa2: {  	[tilespmem:v13+s23+$0x0] =	vst.idx.add.f32.msk vm9, v23;
	v12 =	vbroadcast v3, $0xF;
	v38 =	vsub.s32 $0x5F3759DF, v38;
	v55 =	vmul.f32 v39, v32  }
0xa3: {  	p4 =	seq.s32 s5, s3;
	s3 =	smov.u32 s5;
	p5 =	sgt.s32 s5, $0x0;
	[tilespmem:v13+s24+$0x0] =	vst.idx.add.f32.msk vm9, v24;
	v24 =	vmul.f32 v16, v58;
	v41 =	vmul.f32 v38, v36;
	v26 =	vsub.f32 $1.500000000e+00, v37  }
0xa4: {  	s3 =	simm.s32 @!p5 $0x0;
	[tilespmem:v14+s23+$0x0] =	vst.idx.add.f32.msk vm11, v29;
	v33 =	vmul.f32 v29, v21;
	v21 =	vsel vm8, $0x0, v31;
	v57 =	vmul.f32 v39, v55  }
0xa5: {  	[tilespmem:v15+s23+$0x0] =	vst.idx.add.f32.msk vm8, v31;
	v29 =	vmov s3;
	v59 =	vmul.f32 v38, v41;
	v26 =	vmul.f32 v54, v26  }
0xa6: {  	v31 =	vmul.f32 v31, v60;
	v24 =	vsub.f32 $1.500000000e+00, v24;
	[tilespmem:v14+s24+$0x0] =	vst.idx.add.f32.msk vm11, v33;
	v14 =	vbroadcast v28, $0x0;
	s12 =	spop (v2sf)  }
0xa7: {  	v9, _, _ =	vpop (xrf2);
	s3 =	spop (v2sf);
	v28 =	vsub.f32 $1.500000000e+00, v59;
	v23 =	vmul.f32 v26, v30;
	v30 =	vsub.f32 $1.500000000e+00, v57  }
0xa8: {  	vm9 =	vmand vm5, vm1;
	v16 =	vmul.f32 v16, v24;
	v9 =	vbroadcast v9, $0xF;
	p5 =	sgt.s32 s3, $0x0;
	s10 =	smov.u32 s3;
	s31 =	spop (v2sf)  }
0xa9: {  	v35 =	vpsel !p4, $0x0, v18;
	p6 =	sgt.s32 s3, $0xFFFFFFFF;
	s10 =	simm.s32 @!p5 $0x0;
	v28 =	vmul.f32 v38, v28;
	p5 =	sne.s32 s31, s3;
	v30 =	vmul.f32 v39, v30  }
0xaa: {  	v21 =	vadd.f32 v21, v35;
	v10 =	vbroadcast v25, $0x0;
	p5 =	por !p6, !p5;
	v23 =	vmul.f32 v23, v26  }
0xab: {  	vm5 =	vmmov vm0;
	v25, _, _ =	vpop (xrf2);
	s14 =	spop (v2sf);
	v24 =	vmul.f32 v28, v36;
	p5 =	por !p5, !p5;
	v32 =	vmul.f32 v30, v32  }
0xac: {  	(xrf2) =	vadd.scan.msk.f32 $0xffff, v21;
	v25 =	vbroadcast v25, $0xF;
	p6 =	sne.s32 s14, s5;
	vm3 =	vmneg @p5 vm3;
	p5 =	sgt.s32 s5, $0xFFFFFFFF;
	v23 =	vsub.f32 $1.500000000e+00, v23  }
0xad: {  	p0 =	por !p0, !p0;
	v56 =	vsel vm11, $0x0, v33;
	(xrf2) =	vadd.scan.msk.f32 $0xffff, v7;
	v24 =	vmul.f32 v24, v28;
	p5 =	por !p5, !p6;
	v7 =	vmul.f32 v32, v30  }
0xae: {  	s11 =	simm.s32 $0x40;
	(xrf2) =	vadd.scan.msk.f32 $0xffff, v20;
	v13 =	vmov s10;
	s10 =	simm.s32 $0x80;
	p1 =	por !p5, !p5;
	v23 =	vmul.f32 v23, v26;
	v26 =	vmul.f32 v16, v27  }
0xaf: {  	s15 =	simm.s32 $0x50;
	[tilespmem:v14+s23+$0x0] =	vst.idx.add.f32.msk vm2, v25;
	s9 =	sand.u32 $0xF00, s10;
	s10 =	sand.u32 $0x40, s11;
	v24 =	vsub.f32 $1.500000000e+00, v24;
	vm5 =	vmneg @p1 vm5;
	v25 =	vsub.f32 $1.500000000e+00, v7  }
0xb0: {  	s19 =	simm.s32 $0x60;
	s17 =	simm.s32 $0x70;
	s10 =	sor.u32 s10, s9;
	v7 =	vpsel !p2, $0x0, v20;
	v20 =	vmul.f32 v23, v23;
	v26 =	vmul.f32 v26, v16  }
0xb1: {  	s0 =	simm.s32 $0x4;
	s20 =	sand.u32 $0x60, s19;
	s21 =	sand.u32 $0x70, s17;
	v62 =	vld [tilespmem:s10+$0x0];
	v22 =	vadd.f32 v22, v7;
	v7 =	vbroadcast v29, $0x0;
	v30 =	vmul.f32 v25, v30  }
0xb2: {  	[tilespmem:v6+s23+$0x0] =	vst.idx.add.f32.msk vm9, v17;
	s18 =	smov.u32 s12;
	s11 =	sand.u32 $0x50, s15;
	s26 =	smov.u32 s14;
	v17 =	vmul.f32 v20, v1;
	v20 =	vsub.f32 $1.500000000e+00, v26;
	v25 =	vmul.f32 v24, v28  }
0xb3: {  	[tilespmem:v15+s24+$0x0] =	vst.idx.add.f32.msk vm8, v31;
	s16 =	sor.u32 s11, s9;
	s28 =	sor.u32 s20, s9;
	s11 =	simm.s32 $0x4;
	v24 =	vsel vm8, $0x0, v31;
	v26 =	vpsel !p3, $0x0, v22;
	v27 =	vmul.f32 v30, v30  }
0xb4: {  	s10 =	simm.s32 $0x20A0;
	p6 =	sne.s32 s12, s14;
	p2 =	sgt.s32 s12, $0x0;
	v28 =	vadd.f32 v56, v26;
	v26 =	vld [tilespmem:s16+$0x0];
	v63 =	vsub.f32 v23, v17;
	v29 =	vmul.f32 v20, v16  }
0xb5: {  	p5 =	sgt.s32 s14, $0x0;
	s18 =	simm.s32 @!p2 $0x0;
	p2 =	sgt.s32 s14, $0xFFFFFFFF;
	vm8 =	vne.s32 v2, v19;
	(xrf2) =	vadd.scan.msk.f32 $0xffff, v22;
	v22 =	vmul.f32 v25, v25;
	v16 =	vmul.f32 v27, v1  }
0xb6: {  	p1 =	sgt.s32 s12, $0xFFFFFFFF;
	s26 =	simm.s32 @!p5 $0x0;
	p2 =	por !p2, !p6;
	v17, _, _ =	vpop (xrf2);
	v27 =	vpsel !p4, $0x0, v28;
	v15 =	vmul.f32 v29, v29;
	v20 =	vmul.f32 v63, v62  }
0xb7: {  	p5 =	sne.s32 s3, s12;
	p6 =	por !p2, !p2;
	v32 =	vsel vm4, $0x0, v63;
	p4 =	seq.s32 s14, s5;
	[tilespmem:v4+s23+$0x0] =	vst.idx.add.f32.msk vm4, v63;
	v22 =	vmul.f32 v22, v1;
	v19, _, _ =	vpop (xrf2);
	v16 =	vsub.f32 v30, v16  }
0xb8: {  	p3 =	por !p1, !p5;
	p2 =	seq.s32 s12, s14;
	p1 =	seq.s32 s3, s12;
	(xrf2) =	vadd.scan.msk.f32 $0xffff, v18;
	v18 =	vpsel !p4, $0x0, v21;
	v23 =	vbroadcast v19, $0xF;
	v31 =	vmul.f32 v15, v1  }
0xb9: {  	s16 =	sor.u32 s21, s9;
	s9 =	simm.s32 $0x8;
	s5 =	simm.s32 $0x100;
	v15 =	vsel vm4, $0x0, v20;
	v30 =	vld [tilespmem:s28+$0x0];
	v19 =	vmul.f32 v16, v26;
	v33 =	vsel vm8, $0x0, v16;
	v26, _, _ =	vpop (xrf2);
	(xrf2) =	vadd.scan.msk.f32 $0xffff, v28  }
.LBB2_6:
0xba: {  	s14 =	simm.s32 $0x1;
	v28 =	vld [tilespmem:s10+$0xFFFFFFF0]  }
0xbb: {  	v17 =	vbroadcast v17, $0xF;
	s14 =	simm.s32 @!p0 $0x0  }
0xbc: {  	s15 =	sand.u32 $0x7, s9;
	v18 =	vadd.f32 v32, v18;
	v24 =	vadd.f32 v24, v27;
	vm12 =	vmmov vm4;
	v44 =	vld [tilespmem:s10+$0xFFFFFFE0];
	s14 =	sshll.u32 s14, $0x6  }
0xbd: {  	vm11 =	vmmov vm0;
	v27 =	vmov s18;
	v34 =	vld [tilespmem:s10+$0x0];
	v36 =	vbroadcast v8, $0x0;
	s15 =	sshll.u32 s15, $0x4;
	s14 =	sadd.s32 s14, s5  }
0xbe: {  	s19 =	sand.u32 $0x3, s11;
	v8 =	vmov s26;
	vm10 =	vne.s32 v3, v12;
	[tilespmem:v6+s24+$0x0] =	vst.idx.add.f32.msk vm9, v23;
	s15 =	sadd.s32 s15, s5;
	v35 =	vpsel !p2, $0x0, v18;
	s14 =	sor.u32 $0x80, s14  }
0xbf: {  	s19 =	sshll.u32 s19, $0x5;
	vm13 =	vne.s32 v5, v11;
	s28 =	sadd.s32 $0x10, s15;
	v33 =	vadd.f32 v33, v35;
	s15 =	sadd.s32 $0x30, s15;
	v11 =	vld [tilespmem:s14+$0x0];
	(v2sf) =	vpush v28, $0xF  }
0xc0: {  	vm7 =	vmand vm7, vm1;
	v39 =	vbroadcast v26, $0xF;
	vm11 =	vmneg @p6 vm11;
	s21 =	sadd.s32 s5, s19;
	(xrf2) =	vadd.scan.msk.f32 $0xffff, v18;
	v18 =	vld [tilespmem:s10+$0x10];
	s20 =	sor.u32 $0x80, s15  }
0xc1: {  	v21 =	vsel vm8, $0x0, v19;
	v29 =	vsub.f32 v29, v31;
	v6 =	vmov v7;
	s18 =	sadd.s32 $0x20, s21;
	v37, _, _ =	vpop (xrf2);
	(xrf2) =	vadd.scan.msk.f32 $0xffff, v33;
	v7 =	vld [tilespmem:s20+$0x0]  }
0xc2: {  	v25 =	vsub.f32 v25, v22;
	vm9 =	vmand vm5, vm1;
	vm5 =	vmmov vm0;
	s18 =	sor.u32 $0x80, s18  }
0xc3: {  	s12 =	simm.s32 @!p1 $0x0;
	v45 =	vsel vm13, $0x0, v29;
	s19 =	sor.u32 $0x80, s28;
	v31 =	vbroadcast v37, $0xF;
	v47 =	vld [tilespmem:s18+$0x0];
	(v2sf) =	vpush v34, $0xF  }
0xc4: {  	s12 =	simm.s32 @p1 $0x1;
	v30 =	vmul.f32 v29, v30;
	v23 =	vpsel !p1, $0x0, v33;
	v48 =	vld [tilespmem:s19+$0x0];
	v12, _, _ =	vpop (xrf2);
	v50 =	vmul.f32 v11, v11  }
0xc5: {  	s0 =	sadd.s32 $0x4, s0;
	[smem:$0x7FB] =	sst s12;
	s12 =	simm.s32 @!p0 $0x0;
	v46 =	vbroadcast v44, $0xF;
	(v2sf) =	vpush v18, $0xF;
	[tilespmem:v14+s24+$0x0] =	vst.idx.add.f32.msk vm2, v31;
	v40 =	vbroadcast v12, $0xF;
	v12, _, _ =	vpop (xrf2)  }
0xc6: {  	s12 =	simm.s32 @p0 $0x1;
	p0 =	slt.u32 s0, $0x7C;
	[tilespmem:v5+s23+$0x0] =	vst.idx.add.f32.msk vm13, v29;
	v14 =	vbroadcast v12, $0xF;
	v7 =	vmul.f32 v7, v7;
	v29 =	vadd.f32 v50, v1  }
0xc7: {  	s14 =	simm.s32 @!p0 $0x0;
	v23 =	vadd.f32 v45, v23;
	vm2 =	vmmov vm0;
	(v2sf) =	vpush v44, $0xF;
	[tilespmem:v10+s23+$0x0] =	vst.idx.add.f32.msk vm6, v40  }
0xc8: {  	s14 =	simm.s32 @p0 $0x1;
	p0 =	seq.s32 s31, s3;
	v7 =	vadd.f32 v7, v1;
	[tilespmem:v10+s24+$0x0] =	vst.idx.add.f32.msk vm6, v14;
	v10 =	vshrl.u32 v29, $0x1;
	v14 =	vmul.f32 $5.000000000e-01, v29  }
0xc9: {  	v49 =	vpsel !p0, $0x0, v23;
	v29 =	vmul.f32 v48, v48;
	v31 =	vsub.s32 $0x5F3759DF, v10  }
0xca: {  	v51 =	vmul.f32 v47, v47;
	v26, _, _ =	vpop (xrf2);
	v55 =	vshrl.u32 v7, $0x1;
	v53 =	vmul.f32 v31, v14  }
0xcb: {  	p1 =	por !p3, !p3;
	[tilespmem:v36+s23+$0x0] =	vst.idx.add.f32.msk vm7, v9;
	v7 =	vmul.f32 $5.000000000e-01, v7;
	v10 =	vbroadcast v13, $0x0;
	v13, _, _ =	vpop (xrf2);
	v29 =	vadd.f32 v29, v1  }
0xcc: {  	s17 =	sadd.s32 $0x40, s17;
	[smem:$0x7FA] =	sst s12;
	s12 =	smov.u32 s31;
	[tilespmem:v4+s24+$0x0] =	vst.idx.add.f32.msk vm12, v20;
	vm2 =	vmneg @p1 vm2;
	v54 =	vbroadcast v13, $0xF;
	v20 =	vmul.f32 v31, v53  }
0xcd: {  	s19 =	sadd.s32 $0xFFFFFFD0, s17;
	s20 =	sadd.s32 $0xFFFFFFE0, s17;
	s28 =	sld [smem:$0x7FA];
	[tilespmem:v36+s24+$0x0] =	vst.idx.add.f32.msk vm7, v39;
	v13 =	vadd.f32 v51, v1;
	v56 =	vshrl.u32 v29, $0x1;
	v29 =	vmul.f32 $5.000000000e-01, v29  }
0xce: {  	[smem:$0x7FD] =	sst s14;
	s3 =	simm.s32 @!p0 $0x0;
	[tilespmem:v2+s23+$0x0] =	vst.idx.add.f32.msk vm8, v16;
	v33 =	vsub.s32 $0x5F3759DF, v55;
	v32 =	vsub.s32 $0x5F3759DF, v56;
	v16 =	vsub.f32 $1.500000000e+00, v20;
	s14 =	spop (v2sf)  }
0xcf: {  	s19 =	sand.u32 $0x40, s19;
	s3 =	simm.s32 @p0 $0x1;
	v57 =	vshrl.u32 v13, $0x1;
	v59 =	vmul.f32 $5.000000000e-01, v13;
	v20 =	vmul.f32 v32, v29;
	p0 =	sgt.s32 s14, $0xFFFFFFFF  }
0xd0: {  	p1 =	sgt.s32 s31, $0x0;
	[smem:$0x7FC] =	sst s3;
	[tilespmem:v2+s24+$0x0] =	vst.idx.add.f32.msk vm8, v19;
	v58 =	vmul.f32 v33, v7;
	v19 =	vsub.s32 $0x5F3759DF, v57;
	v16 =	vmul.f32 v31, v16;
	s3 =	simm.s32 @!p0 $0x0  }
0xd1: {  	v38 =	vsel vm10, $0x0, v25;
	s31 =	simm.s32 @!p1 $0x0;
	p5 =	sgt.s32 s14, $0x0;
	v13 =	vmul.f32 v32, v20;
	v20 =	vmul.f32 v19, v59;
	s3 =	simm.s32 @p0 $0x1  }
0xd2: {  	v22 =	vbroadcast v28, $0xF;
	vm4 =	vne.s32 v44, v46;
	s18 =	smov.u32 s14;
	v31 =	vmul.f32 v33, v58;
	[smem:$0x7F9] =	sst s3;
	s3 =	spop (v2sf)  }
0xd3: {  	s20 =	sand.u32 $0x50, s20;
	v2 =	vmovc v28;
	v28 =	vmov s31;
	s18 =	simm.s32 @!p5 $0x0;
	v60 =	vmul.f32 v16, v14;
	v20 =	vmul.f32 v19, v20;
	p0 =	sgt.s32 s3, $0xFFFFFFFF  }
0xd4: {  	v61 =	vsub.f32 $1.500000000e+00, v13;
	v14 =	vbroadcast v27, $0x0;
	v27 =	vsub.f32 $1.500000000e+00, v31;
	p6 =	sgt.s32 s3, $0x0;
	s31 =	spop (v2sf);
	s15 =	smov.u32 s3  }
0xd5: {  	v9 =	vbroadcast v26, $0xF;
	v26 =	vadd.f32 v38, v49;
	s21 =	sld [smem:$0x7F9];
	p3 =	sne.s32 s31, s3;
	s15 =	simm.s32 @!p6 $0x0;
	v20 =	vsub.f32 $1.500000000e+00, v20  }
0xd6: {  	p6 =	sgt.s32 s12, $0xFFFFFFFF;
	v32 =	vmul.f32 v32, v61;
	v27 =	vmul.f32 v33, v27;
	p1 =	por !p0, !p3;
	v13 =	vmov s15;
	s15 =	spop (v2sf)  }
0xd7: {  	v31 =	vmul.f32 v60, v16;
	p0 =	por p2, p2;
	p2 =	sne.s32 s15, s12;
	p5 =	sgt.s32 s15, $0xFFFFFFFF;
	v19 =	vmul.f32 v19, v20;
	v20 =	vpsel !p4, $0x0, v24  }
0xd8: {  	v52 =	vld [tilespmem:s16+$0x0];
	(xrf2) =	vadd.scan.msk.f32 $0xffff, v26;
	p3 =	por !p1, !p1;
	v29 =	vmul.f32 v32, v29;
	v7 =	vmul.f32 v27, v7;
	p1 =	por !p6, !p2;
	p2 =	sne.s32 s14, s15;
	v15 =	vadd.f32 v15, v20  }
0xd9: {  	vm7 =	vmmov vm11;
	vm2 =	vmand vm2, vm1;
	s16 =	sand.u32 $0x70, s17;
	(xrf2) =	vadd.scan.msk.f32 $0xffff, v24;
	v31 =	vsub.f32 $1.500000000e+00, v31;
	p2 =	por !p5, !p2;
	p5 =	seq.s32 s21, $0x1  }
0xda: {  	[tilespmem:v6+s23+$0x0] =	vst.idx.add.f32.msk vm9, v17;
	v24 =	vmul.f32 v29, v32;
	v29 =	vmul.f32 v7, v27;
	s21 =	sadd.s32 $0xFFFFFFF0, s17;
	v7 =	vpsel !p0, $0x0, v15;
	p0 =	seq.s32 s28, $0x1;
	s28 =	sand.u32 $0xF00, s5  }
0xdb: {  	[tilespmem:v5+s24+$0x0] =	vst.idx.add.f32.msk vm13, v30;
	v30 =	vsel vm13, $0x0, v30;
	v11 =	vbroadcast v34, $0xF;
	v12 =	vbroadcast v18, $0xF;
	s21 =	sand.u32 $0x60, s21;
	s19 =	sor.u32 s19, s28;
	s20 =	sor.u32 s20, s28  }
0xdc: {  	vm8 =	vne.s32 v2, v22;
	vm6 =	vmand vm3, vm1;
	v16 =	vmul.f32 v31, v16;
	s16 =	sor.u32 s16, s28;
	v62 =	vld [tilespmem:s19+$0x0];
	s19 =	sor.u32 s21, s28;
	s28 =	sld [smem:$0x7FB]  }
0xdd: {  	vm3 =	vmmov vm0;
	v20 =	vmul.f32 v19, v59;
	v31 =	vmul.f32 v25, v52  }
0xde: {  	(xrf2) =	vadd.scan.msk.f32 $0xffff, v15;
	v24 =	vsub.f32 $1.500000000e+00, v24;
	v15 =	vmul.f32 v16, v16;
	v21 =	vadd.f32 v21, v7  }
0xdf: {  	vm3 =	vmneg @p3 vm3;
	v20 =	vmul.f32 v20, v19;
	v7 =	vbroadcast v28, $0x0;
	s21 =	sld [smem:$0x7FC];
	p4 =	seq.s32 s28, $0x1  }
0xe0: {  	v4 =	vmovc v44;
	v28 =	vmul.f32 v24, v32;
	v24 =	vsub.f32 $1.500000000e+00, v29;
	s28 =	sld [smem:$0x7FD];
	v29 =	vpsel !p4, $0x0, v21  }
0xe1: {  	[tilespmem:v3+s23+$0x0] =	vst.idx.add.f32.msk vm10, v25;
	p3 =	sne.s32 s3, s14;
	v15 =	vmul.f32 v15, v1;
	v20 =	vsub.f32 $1.500000000e+00, v20;
	v63 =	vadd.f32 v30, v29  }
0xe2: {  	v17, _, _ =	vpop (xrf2);
	p3 =	por !p5, !p3;
	[tilespmem:v3+s24+$0x0] =	vst.idx.add.f32.msk vm10, v31;
	v3 =	vmov v18;
	v32 =	vmul.f32 v28, v28;
	v25 =	vmul.f32 v24, v27;
	p5 =	seq.s32 s21, $0x1  }
0xe3: {  	p1 =	por !p1, !p1;
	v18, _, _ =	vpop (xrf2);
	(xrf2) =	vadd.scan.msk.f32 $0xffff, v21;
	v15 =	vsub.f32 v16, v15;
	v21 =	vld [tilespmem:s20+$0x0];
	v29 =	vmul.f32 v20, v19;
	v27 =	vpsel !p5, $0x0, v63;
	p5 =	seq.s32 s28, $0x1  }
.Ltmp6:
0xe4: {  	vm5 =	vmneg @p1 vm5;
	(xrf2) =	vadd.scan.msk.f32 $0xffff, v23;
	v23 =	vbroadcast v18, $0xF;
	v16 =	vmul.f32 v32, v1;
	(pc) =	sbr.rel @p5 .LBB2_6-.Ltmp6, $4  }
0xe5: {  	s9 =	sadd.s32 $0x4, s9;
	s11 =	sadd.s32 $0x2, s11;
	s10 =	sadd.s32 $0x40, s10;
	v24 =	vsel vm10, $0x0, v31;
	v20 =	vmul.f32 v15, v62;
	v22 =	vmul.f32 v29, v29  }
0xe6: {  	s26 =	smov.u32 s15;
	p6 =	sgt.s32 s15, $0x0;
	[tilespmem:v14+s23+$0x0] =	vst.idx.add.f32.msk vm2, v54;
	p4 =	seq.s32 s15, s12;
	v19 =	vmul.f32 v25, v25;
	v32 =	vsel vm4, $0x0, v15;
	v16 =	vsub.f32 v28, v16  }
0xe7: {  	v5 =	vmovc v34;
	s26 =	simm.s32 @!p6 $0x0;
	p6 =	por !p2, !p2;
	s5 =	sadd.s32 $0x80, s5;
	[tilespmem:v4+s23+$0x0] =	vst.idx.add.f32.msk vm4, v15;
	v18 =	vpsel !p4, $0x0, v26;
	v15 =	vsel vm4, $0x0, v20;
	v31 =	vmul.f32 v22, v1  }
0xe8: {  	p2 =	seq.s32 s14, s15;
	p1 =	seq.s32 s3, s14;
	p0 =	por !p0, !p0;
	v30 =	vld [tilespmem:s19+$0x0];
	v26, _, _ =	vpop (xrf2);
	(xrf2) =	vadd.scan.msk.f32 $0xffff, v63;
	v22 =	vmul.f32 v19, v1;
	v19 =	vmul.f32 v16, v21;
	v33 =	vsel vm8, $0x0, v16  }
0xe9: {  	_ =	sdelay $0x1  }
0xea: {  	v18 =	vadd.f32 v32, v18;
	v21 =	vadd.f32 v24, v27  }
0xeb: {  	v8 =	vbroadcast v8, $0x0  }
0xec: {  	vm7 =	vmand vm7, vm1;
	v42 =	vpsel !p2, $0x0, v18;
	v43 =	vpsel !p4, $0x0, v21  }
0xed: {  	vm11 =	vne.s32 v5, v11;
	v27 =	vadd.f32 v33, v42;
	v11 =	vadd.f32 v15, v43;
	v28, _, _ =	vpop (xrf2)  }
0xee: {  	vm10 =	vmmov vm4;
	v29 =	vsub.f32 v29, v31;
	v44, _, _ =	vpop (xrf2);
	(xrf2) =	vadd.scan.msk.f32 $0xffff, v18  }
0xef: {  	[tilespmem:v6+s24+$0x0] =	vst.idx.add.f32.msk vm9, v23;
	v41 =	vsel vm8, $0x0, v19;
	v47 =	vpsel !p2, $0x0, v11;
	(xrf2) =	vadd.scan.msk.f32 $0xffff, v27  }
0xf0: {  	v6 =	vsel vm11, $0x0, v29;
	v48 =	vpsel !p1, $0x0, v27;
	v49 =	vadd.f32 v41, v47;
	(xrf2) =	vadd.scan.msk.f32 $0xffff, v21  }
0xf1: {  	[tilespmem:v2+s23+$0x0] =	vst.idx.add.f32.msk vm8, v16;
	v45 =	vbroadcast v28, $0xF;
	v6 =	vadd.f32 v6, v48;
	v51, _, _ =	vpop (xrf2);
	(xrf2) =	vadd.scan.msk.f32 $0xffff, v11  }
0xf2: {  	vm15 =	vne.s32 v3, v12;
	v52 =	vbroadcast v26, $0xF;
	[tilespmem:v8+s23+$0x0] =	vst.idx.add.f32.msk vm7, v9;
	(xrf2) =	vadd.scan.msk.f32 $0xffff, v49  }
0xf3: {  	v50 =	vmul.f32 v29, v30;
	v46 =	vbroadcast v44, $0xF;
	[tilespmem:v14+s24+$0x0] =	vst.idx.add.f32.msk vm2, v45;
	(xrf2) =	vadd.scan.msk.f32 $0xffff, v6  }
0xf4: {  	p0 =	por !p3, !p3;
	v55 =	vmov s18;
	vm2 =	vmmov vm0;
	[tilespmem:v8+s24+$0x0] =	vst.idx.add.f32.msk vm7, v52;
	v53 =	vbroadcast v51, $0xF  }
0xf5: {  	v54 =	vsel vm11, $0x0, v50;
	[tilespmem:v10+s23+$0x0] =	vst.idx.add.f32.msk vm6, v46;
	v12 =	vpsel !p1, $0x0, v49;
	vm2 =	vmneg @p0 vm2  }
0xf6: {  	v9 =	vadd.f32 v54, v12;
	vm2 =	vmand vm2, vm1;
	[tilespmem:v10+s24+$0x0] =	vst.idx.add.f32.msk vm6, v53;
	v10 =	vbroadcast v55, $0x0  }
0xf7: {  	v8 =	vld [tilespmem:s16+$0x0]  }
0xf8: {  	[tilespmem:v5+s23+$0x0] =	vst.idx.add.f32.msk vm11, v29;
	(xrf2) =	vadd.scan.msk.f32 $0xffff, v9;
	v57, _, _ =	vpop (xrf2)  }
0xf9: {  	vm5 =	vmand vm5, vm1;
	[tilespmem:v4+s24+$0x0] =	vst.idx.add.f32.msk vm10, v20;
	v4, _, _ =	vpop (xrf2)  }
0xfa: {  	v56 =	vsub.f32 v25, v22;
	[tilespmem:v5+s24+$0x0] =	vst.idx.add.f32.msk vm11, v50;
	vm6 =	vmmov vm0;
	v5, _, _ =	vpop (xrf2);
	v4 =	vbroadcast v4, $0xF  }
0xfb: {  	v13 =	vbroadcast v13, $0x0;
	vm3 =	vmand vm3, vm1;
	[tilespmem:v2+s24+$0x0] =	vst.idx.add.f32.msk vm8, v19;
	vm6 =	vmneg @p6 vm6;
	v2, _, _ =	vpop (xrf2)  }
0xfc: {  	v59 =	vmov s26;
	vm6 =	vmmov vm6;
	[tilespmem:v10+s23+$0x0] =	vst.idx.add.f32.msk vm2, v4;
	v4 =	vmul.f32 v56, v8;
	v60, _, _ =	vpop (xrf2)  }
0xfd: {  	v58 =	vbroadcast v17, $0xF;
	[tilespmem:v3+s23+$0x0] =	vst.idx.add.f32.msk vm15, v56;
	vm6 =	vmand vm6, vm1;
	v8 =	vbroadcast v59, $0x0;
	v61, _, _ =	vpop (xrf2)  }
0xfe: {  	v5 =	vbroadcast v5, $0xF;
	[tilespmem:v3+s24+$0x0] =	vst.idx.add.f32.msk vm15, v4;
	v3 =	vbroadcast v61, $0xF  }
0xff: {  	[tilespmem:v7+s23+$0x0] =	vst.idx.add.f32.msk vm5, v58;
	v62 =	vbroadcast v60, $0xF  }
0x100: {  	[tilespmem:v7+s24+$0x0] =	vst.idx.add.f32.msk vm5, v5  }
0x101: {  	v5 =	vbroadcast v57, $0xF;
	[tilespmem:v10+s24+$0x0] =	vst.idx.add.f32.msk vm2, v62  }
0x102: {  	v63 =	vbroadcast v2, $0xF;
	[tilespmem:v13+s23+$0x0] =	vst.idx.add.f32.msk vm3, v3;
	v3, _, _ =	vpop (xrf2)  }
0x103: {  	p6 =	seq.s32 s31, s3;
	v7 =	vsel vm15, $0x0, v56;
	[tilespmem:v8+s23+$0x0] =	vst.idx.add.f32.msk vm6, v5;
	v3 =	vbroadcast v3, $0xF  }
0x104: {  	v2 =	vpsel !p6, $0x0, v6;
	v4 =	vsel vm15, $0x0, v4;
	v5 =	vpsel !p6, $0x0, v9;
	[tilespmem:v8+s24+$0x0] =	vst.idx.add.f32.msk vm6, v63  }
0x105: {  	s21 =	simm.s32 $0x2000;
	s28 =	simm.s32 $0x1000;
	v2 =	vadd.f32 v7, v2;
	v7 =	vadd.f32 v4, v5;
	[tilespmem:v13+s24+$0x0] =	vst.idx.add.f32.msk vm3, v3  }
.LBB2_8:
0x106: {  	s0 =	sadd.s32 $0x2, s30  }
0x107: {  	s0 =	smin.u32 s0, s8  }
0x108: {  	s3 =	sadd.s32 s7, s0  }
0x109: {  	s0 =	sshll.u32 s3, $0x9  }
0x10a: {  	s3 =	sshll.u32 s3, $0x8;
	s5 =	sadd.s32 s1, s0;
	s0 =	simm.s32 $0x0  }
0x10b: {  	[tilespmem:s0], [sflag:$0x1] =	stream.linear.gather [hbm4b:s5+s0], $0x1000, $0x38;
	[tilespmem:$0x1D080] =	vst v63  }
0x10c: {  	s3 =	sadd.s32 s2, s3  }
0x10d: {  	[tilespmem:s21], [sflag:$0x1] =	stream.linear.gather [hbm4b:s3+s0], $0x800, $0x38;
	[tilespmem:$0x1D080] =	vst v63  }
0x10e: {  	p0 =	sge.u32 s30, s13;
	_ =	swait.ge [sflag:s25], $0x1000  }
.Ltmp7:
0x10f: {  	[sflag:s25] =	ssyncset.done $0x0;
	(pc) =	sbr.rel @p0 .LBB2_12-.Ltmp7, $4  }
0x110: {  	[sflag:s25] =	ssyncadd.s32 $0xFFFFF000  }
0x111: {  	_ =	swait.ge [sflag:s25], $0x800  }
0x112: {  	[sflag:s25] =	ssyncset.done $0x0  }
0x113: {  	[sflag:s25] =	ssyncadd.s32 $0xFFFFF800  }
0x114: {  	s3 =	sand.u32 $0xF00, s0  }
0x115: {  	s10 =	sand.u32 $0x40, s0;
	s11 =	sor.u32 $0x1000, s3  }
0x116: {  	s12 =	sor.u32 $0x10, s10;
	s5 =	sor.u32 s10, s11  }
0x117: {  	s3 =	sor.u32 s12, s11;
	v3 =	vld [tilespmem:s5+$0x80]  }
0x118: {  	v4 =	vld [tilespmem:s3+$0x80];
	_ =	sdelay $0x2  }
0x119: {  	s17 =	sand.u32 $0x780, s0;
	s14 =	sor.u32 $0x20, s10  }
0x11a: {  	s15 =	sor.u32 $0x2800, s17;
	s9 =	sor.u32 s14, s11;
	v3 =	vmul.f32 v3, v3  }
0x11b: {  	s18 =	sor.u32 $0x30, s10;
	s14 =	sor.u32 s14, s15;
	v5 =	vld [tilespmem:s9+$0x80];
	v4 =	vmul.f32 v4, v4  }
0x11c: {  	s16 =	sor.u32 s18, s15;
	v11 =	vld [tilespmem:s14+$0x0];
	v3 =	vadd.f32 v3, v1  }
0x11d: {  	s0 =	sor.u32 s18, s11;
	v9 =	vld [tilespmem:s16+$0x0];
	v8 =	vadd.f32 v4, v1  }
0x11e: {  	s10 =	sor.u32 s10, s15;
	v12 =	vld [tilespmem:s0+$0x80];
	v6 =	vshrl.u32 v3, $0x1;
	v3 =	vmul.f32 $5.000000000e-01, v3  }
0x11f: {  	v4 =	vld [tilespmem:s10+$0x0];
	v13 =	vshrl.u32 v8, $0x1;
	v8 =	vmul.f32 $5.000000000e-01, v8;
	v6 =	vsub.s32 $0x5F3759DF, v6  }
0x120: {  	v13 =	vsub.s32 $0x5F3759DF, v13;
	v10 =	vmul.f32 v6, v3  }
0x121: {  	v5 =	vmul.f32 v5, v5;
	v14 =	vmul.f32 v13, v8  }
0x122: {  	(v2sf) =	vpush v11, $0xF;
	v10 =	vmul.f32 v6, v10  }
0x123: {  	(v2sf) =	vpush v9, $0xF;
	v5 =	vadd.f32 v5, v1;
	v14 =	vmul.f32 v13, v14  }
0x124: {  	v12 =	vmul.f32 v12, v12;
	(v2sf) =	vpush v4, $0xF;
	v15 =	vsub.f32 $1.500000000e+00, v10  }
0x125: {  	s19 =	sor.u32 s12, s15;
	v16 =	vshrl.u32 v5, $0x1;
	v5 =	vmul.f32 $5.000000000e-01, v5;
	v14 =	vsub.f32 $1.500000000e+00, v14  }
0x126: {  	v10 =	vld [tilespmem:s19+$0x0];
	v6 =	vmul.f32 v6, v15;
	v15 =	vsub.s32 $0x5F3759DF, v16  }
0x127: {  	v12 =	vadd.f32 v12, v1;
	v13 =	vmul.f32 v13, v14;
	v16 =	vmul.f32 v15, v5  }
0x128: {  	v3 =	vmul.f32 v6, v3  }
0x129: {  	v14 =	vshrl.u32 v12, $0x1;
	v8 =	vmul.f32 v13, v8;
	v16 =	vmul.f32 v15, v16  }
0x12a: {  	v17 =	vmul.f32 $5.000000000e-01, v12;
	v14 =	vsub.s32 $0x5F3759DF, v14;
	v3 =	vmul.f32 v3, v6  }
0x12b: {  	(v2sf) =	vpush v10, $0xF;
	v8 =	vmul.f32 v8, v13;
	v12 =	vsub.f32 $1.500000000e+00, v16  }
0x12c: {  	v16 =	vmul.f32 v14, v17;
	v3 =	vsub.f32 $1.500000000e+00, v3  }
0x12d: {  	p0 =	sgt.s32 s31, $0x0;
	s10 =	smov.u32 s31;
	v8 =	vsub.f32 $1.500000000e+00, v8;
	v15 =	vmul.f32 v15, v12  }
0x12e: {  	vm5 =	vmmov vm0;
	s10 =	simm.s32 @!p0 $0x0;
	v16 =	vmul.f32 v14, v16;
	v3 =	vmul.f32 v3, v6  }
0x12f: {  	v6 =	vmov s10;
	v13 =	vmul.f32 v8, v13;
	v8 =	vbroadcast v10, $0xF  }
0x130: {  	v5 =	vmul.f32 v15, v5;
	v12 =	vbroadcast v6, $0x0;
	v16 =	vsub.f32 $1.500000000e+00, v16  }
0x131: {  	vm8 =	vmmov vm0;
	s20 =	spop (v2sf);
	v6 =	vbroadcast v11, $0xF;
	v18 =	vmul.f32 v3, v3  }
0x132: {  	vm9 =	vmmov vm0;
	v19 =	vld [tilespmem:s5+$0x0];
	s5 =	spop (v2sf);
	v5 =	vmul.f32 v5, v15;
	v14 =	vmul.f32 v14, v16  }
0x133: {  	(xrf2) =	vadd.scan.msk.f32 $0xffff, v2;
	vm2 =	vne.s32 v10, v8;
	s11 =	spop (v2sf);
	v16 =	vbroadcast v4, $0xF;
	v18 =	vmul.f32 v18, v1  }
0x134: {  	p5 =	sgt.s32 s31, $0xFFFFFFFF;
	v20 =	vmul.f32 v13, v13;
	p1 =	seq.s32 s11, s31;
	p2 =	sne.s32 s11, s31;
	vm7 =	vne.s32 v11, v6;
	v5 =	vsub.f32 $1.500000000e+00, v5  }
0x135: {  	(xrf2) =	vadd.scan.msk.f32 $0xffff, v7;
	p0 =	por !p5, !p2;
	v2 =	vpsel !p1, $0x0, v2;
	vm4 =	vne.s32 v4, v16;
	v8 =	vsub.f32 v3, v18  }
0x136: {  	v33 =	vpsel !p1, $0x0, v7;
	v17 =	vmul.f32 v14, v17;
	p0 =	por !p0, !p0;
	v3 =	vmul.f32 v5, v15  }
0x137: {  	s17 =	simm.s32 $0x40;
	vm5 =	vmneg @p0 vm5;
	v5 =	vmul.f32 v20, v1;
	v15 =	vsel vm4, $0x0, v8  }
0x138: {  	s16 =	simm.s32 $0x80;
	s10 =	smov.u32 s20;
	p2 =	sgt.s32 s20, $0x0;
	v16 =	vmul.f32 v8, v19;
	v18 =	vmul.f32 v3, v3;
	v2 =	vadd.f32 v15, v2  }
0x139: {  	s10 =	simm.s32 @!p2 $0x0;
	v20 =	vld [tilespmem:s3+$0x0];
	s3 =	sand.u32 $0xF00, s16;
	s16 =	sand.u32 $0x40, s17;
	v15 =	vbroadcast v9, $0xF;
	v13 =	vsub.f32 v13, v5;
	v5 =	vmul.f32 v17, v14  }
0x13a: {  	v21 =	vmov s10;
	vm6 =	vmand vm5, vm1;
	vm5 =	vmmov vm0;
	v19 =	vld [tilespmem:s9+$0x0];
	s18 =	sor.u32 $0x1000, s3;
	s14 =	sor.u32 $0x10, s16;
	s15 =	spop (v2sf)  }
0x13b: {  	s26 =	sor.u32 $0x30, s16;
	s10 =	sor.u32 s16, s18;
	v22 =	vsel vm4, $0x0, v16;
	p0 =	seq.s32 s15, s11;
	v18 =	vmul.f32 v18, v1;
	v5 =	vsub.f32 $1.500000000e+00, v5;
	[tilespmem:v4+s23+$0x0] =	vst.idx.add.f32.msk vm4, v8  }
0x13c: {  	s3 =	sor.u32 s26, s18;
	p6 =	sne.s32 s20, s15;
	vm3 =	vne.s32 v9, v15;
	(xrf2) =	vadd.scan.msk.f32 $0xffff, v2;
	p4 =	sgt.s32 s15, $0xFFFFFFFF;
	v2 =	vpsel !p0, $0x0, v2;
	[tilespmem:v4+s24+$0x0] =	vst.idx.add.f32.msk vm4, v16  }
0x13d: {  	v23 =	vld [tilespmem:s10+$0x80];
	p3 =	sgt.s32 s15, $0x0;
	s19 =	smov.u32 s15;
	p2 =	por !p4, !p6;
	v16 =	vadd.f32 v22, v33;
	v15, _, _ =	vpop (xrf2);
	v18 =	vsub.f32 v3, v18;
	v5 =	vmul.f32 v5, v14  }
0x13e: {  	s9 =	sor.u32 s14, s18;
	s19 =	simm.s32 @!p3 $0x0;
	v3 =	vsel vm2, $0x0, v13;
	p2 =	por !p2, !p2;
	v17 =	vbroadcast v15, $0xF;
	v15 =	vmul.f32 v13, v20;
	v20 =	vld [tilespmem:s3+$0x80]  }
0x13f: {  	p5 =	sgt.s32 s20, $0xFFFFFFFF;
	p3 =	sgt.s32 s5, $0x0;
	v14 =	vld [tilespmem:s9+$0x80];
	v2 =	vadd.f32 v3, v2;
	v3 =	vmov s19;
	s19 =	smov.u32 s5;
	v24, _, _ =	vpop (xrf2);
	vm5 =	vmneg @p2 vm5  }
0x140: {  	p4 =	sne.s32 s5, s20;
	v19 =	vmul.f32 v18, v19;
	v6 =	vsel vm7, $0x0, v18;
	s19 =	simm.s32 @!p3 $0x0;
	p3 =	seq.s32 s20, s15;
	v24 =	vbroadcast v24, $0xF  }
0x141: {  	p2 =	por !p5, !p4;
	v29 =	vmul.f32 v5, v5;
	v26 =	vsel vm2, $0x0, v15;
	v28 =	vpsel !p3, $0x0, v2  }
0x142: {  	p4 =	por !p2, !p2;
	v52 =	vadd.f32 v6, v28;
	v6 =	vbroadcast v21, $0x0;
	v21 =	vmul.f32 v23, v23  }
0x143: {  	v27 =	vmov s19;
	vm8 =	vmneg @p4 vm8;
	s19 =	sor.u32 $0x20, s16;
	v20 =	vmul.f32 v20, v20  }
0x144: {  	s17 =	sand.u32 $0x780, s17;
	v23 =	vmul.f32 v29, v1;
	s12 =	sor.u32 s19, s18;
	v14 =	vmul.f32 v14, v14;
	v21 =	vadd.f32 v21, v1  }
0x145: {  	p2 =	seq.s32 s5, s20;
	s20 =	sor.u32 $0x2800, s17;
	(xrf2) =	vadd.scan.msk.f32 $0xffff, v2;
	v25 =	vsel vm7, $0x0, v19;
	v2 =	vbroadcast v27, $0x0;
	v32 =	vld [tilespmem:s12+$0x80];
	v20 =	vadd.f32 v20, v1  }
0x146: {  	p6 =	sgt.s32 s11, $0xFFFFFFFF;
	p5 =	sne.s32 s15, s11;
	s17 =	sor.u32 s19, s20;
	v23 =	vsub.f32 v5, v23;
	v30 =	vadd.f32 v14, v1;
	v5 =	vshrl.u32 v21, $0x1  }
0x147: {  	p4 =	por !p6, !p5;
	s18 =	sor.u32 s26, s20;
	v14 =	vbroadcast v3, $0x0;
	v31 =	vsub.s32 $0x5F3759DF, v5;
	v5 =	vld [tilespmem:s17+$0x0];
	v3 =	vshrl.u32 v20, $0x1  }
0x148: {  	p1 =	por !p4, !p4;
	vm4 =	vmand vm8, vm1;
	vm8 =	vmand vm5, vm1;
	v36 =	vsub.s32 $0x5F3759DF, v3;
	v3 =	vld [tilespmem:s18+$0x0]  }
0x149: {  	p4 =	sgt.s32 s11, $0x0;
	vm9 =	vmneg @p1 vm9;
	v28 =	vpsel !p2, $0x0, v52;
	v21 =	vmul.f32 $5.000000000e-01, v21  }
0x14a: {  	[tilespmem:v11+s23+$0x0] =	vst.idx.add.f32.msk vm7, v18;
	s16 =	sor.u32 s16, s20;
	s11 =	simm.s32 @!p4 $0x0;
	v34 =	vshrl.u32 v30, $0x1;
	v30 =	vmul.f32 $5.000000000e-01, v30;
	v4 =	vmul.f32 v32, v32  }
0x14b: {  	v7 =	vld [tilespmem:s16+$0x0];
	v54 =	vmov s11;
	v35 =	vmul.f32 v31, v21;
	v34 =	vsub.s32 $0x5F3759DF, v34  }
0x14c: {  	[tilespmem:v11+s24+$0x0] =	vst.idx.add.f32.msk vm7, v19;
	v8 =	vmul.f32 v34, v30;
	v32 =	vadd.f32 v4, v1;
	(v2sf) =	vpush v5, $0xF  }
0x14d: {  	s20 =	sor.u32 s14, s20;
	(xrf2) =	vadd.scan.msk.f32 $0xffff, v52;
	vm7 =	vmand vm9, vm1;
	v35 =	vmul.f32 v31, v35;
	(v2sf) =	vpush v3, $0xF  }
0x14e: {  	v53, _, _ =	vpop (xrf2);
	(xrf2) =	vadd.scan.msk.f32 $0xffff, v16;
	v4 =	vld [tilespmem:s20+$0x0];
	v8 =	vmul.f32 v34, v8;
	v18 =	vshrl.u32 v32, $0x1;
	v32 =	vmul.f32 $5.000000000e-01, v32  }
0x14f: {  	v29 =	vbroadcast v53, $0xF;
	v22 =	vsub.f32 $1.500000000e+00, v35;
	v18 =	vsub.s32 $0x5F3759DF, v18  }
0x150: {  	v56 =	vld [tilespmem:s0+$0x0];
	v55 =	vsub.f32 $1.500000000e+00, v8;
	v19 =	vmul.f32 v18, v32;
	(v2sf) =	vpush v7, $0xF  }
0x151: {  	[tilespmem:v10+s23+$0x0] =	vst.idx.add.f32.msk vm2, v13;
	v16 =	vpsel !p0, $0x0, v16;
	v20 =	vmul.f32 $5.000000000e-01, v20;
	v22 =	vmul.f32 v31, v22  }
0x152: {  	v16 =	vadd.f32 v26, v16;
	v11 =	vmul.f32 v34, v55;
	v19 =	vmul.f32 v18, v19  }
0x153: {  	[tilespmem:v12+s23+$0x0] =	vst.idx.add.f32.msk vm6, v17;
	v61 =	vbroadcast v7, $0xF;
	v21 =	vmul.f32 v22, v21;
	(v2sf) =	vpush v4, $0xF  }
0x154: {  	[tilespmem:v12+s24+$0x0] =	vst.idx.add.f32.msk vm6, v24;
	v58 =	vmul.f32 v36, v20;
	v38, _, _ =	vpop (xrf2);
	v12 =	vmul.f32 v11, v30;
	v13 =	vsub.f32 $1.500000000e+00, v19  }
0x155: {  	v37 =	vsel vm3, $0x0, v23;
	(xrf2) =	vadd.scan.msk.f32 $0xffff, v16;
	v38 =	vbroadcast v38, $0xF;
	v17 =	vmul.f32 v21, v22  }
0x156: {  	[tilespmem:v10+s24+$0x0] =	vst.idx.add.f32.msk vm2, v15;
	v57 =	vpsel !p3, $0x0, v16;
	v19 =	vmul.f32 v23, v56;
	v12 =	vmul.f32 v12, v11  }
0x157: {  	[tilespmem:v9+s23+$0x0] =	vst.idx.add.f32.msk vm3, v23;
	v60, _, _ =	vpop (xrf2);
	v21 =	vbroadcast v54, $0x0;
	v16 =	vsub.f32 $1.500000000e+00, v17;
	v17 =	vadd.f32 v25, v57  }
0x158: {  	v18 =	vmul.f32 v18, v13;
	[tilespmem:v9+s24+$0x0] =	vst.idx.add.f32.msk vm3, v19;
	v9 =	vbroadcast v4, $0xF;
	v12 =	vsub.f32 $1.500000000e+00, v12;
	v13, _, _ =	vpop (xrf2)  }
0x159: {  	v16 =	vmul.f32 v16, v22;
	(xrf2) =	vadd.scan.msk.f32 $0xffff, v17;
	v15 =	vpsel !p2, $0x0, v17;
	v17 =	vbroadcast v13, $0xF  }
0x15a: {  	v59 =	vadd.f32 v37, v28;
	v13 =	vmul.f32 v12, v11;
	v11 =	vmul.f32 v18, v32  }
0x15b: {  	v23 =	vld [tilespmem:s10+$0x0];
	v19 =	vsel vm3, $0x0, v19;
	v22 =	vmul.f32 v36, v58;
	v10 =	vmul.f32 v16, v16;
	s10 =	spop (v2sf)  }
0x15c: {  	vm2 =	vne.s32 v4, v9;
	v9 =	vadd.f32 v19, v15;
	v15 =	vld [tilespmem:s9+$0x0];
	v11 =	vmul.f32 v11, v18;
	s31 =	spop (v2sf)  }
0x15d: {  	v8 =	vbroadcast v5, $0xF;
	v22 =	vsub.f32 $1.500000000e+00, v22;
	[tilespmem:v21+s23+$0x0] =	vst.idx.add.f32.msk vm7, v29;
	v12 =	vmul.f32 v10, v1;
	p3 =	sne.s32 s31, s10  }
0x15e: {  	s0 =	simm.s32 $0x4;
	v63 =	vbroadcast v3, $0xF;
	[tilespmem:v21+s24+$0x0] =	vst.idx.add.f32.msk vm7, v17;
	v21 =	vmul.f32 v13, v13;
	v11 =	vsub.f32 $1.500000000e+00, v11;
	s9 =	simm.s32 @!p3 $0x0  }
0x15f: {  	p5 =	sgt.s32 s5, $0xFFFFFFFF;
	v19, _, _ =	vpop (xrf2);
	v10 =	vmul.f32 v36, v22;
	v22 =	vbroadcast v60, $0xF;
	v16 =	vsub.f32 v16, v12;
	s26 =	spop (v2sf);
	s9 =	simm.s32 @p3 $0x1  }
0x160: {  	vm5 =	vne.s32 v7, v61;
	p2 =	sgt.s32 s10, $0x0;
	v12 =	vbroadcast v19, $0xF;
	v19 =	vmul.f32 v11, v18;
	p1 =	seq.s32 s26, s5;
	[smem:$0x7F8] =	sst s9  }
0x161: {  	vm6 =	vmmov vm0;
	v17 =	vmul.f32 v10, v20;
	v18 =	vmul.f32 v16, v23;
	p6 =	sne.s32 s26, s5;
	s11 =	smov.u32 s26;
	s5 =	simm.s32 $0x100;
	[tilespmem:v6+s23+$0x0] =	vst.idx.add.f32.msk vm4, v22  }
0x162: {  	v11 =	vsel vm5, $0x0, v16;
	v23 =	vmul.f32 v19, v19;
	p4 =	sgt.s32 s26, $0xFFFFFFFF;
	s15 =	spop (v2sf);
	v62 =	vpsel !p1, $0x0, v59;
	p0 =	por !p5, !p6;
	[tilespmem:v14+s23+$0x0] =	vst.idx.add.f32.msk vm8, v38  }
0x163: {  	(xrf2) =	vadd.scan.msk.f32 $0xffff, v59;
	v20 =	vmul.f32 v21, v1;
	p3 =	seq.s32 s15, s26;
	s9 =	smov.u32 s10;
	p0 =	por !p0, !p0;
	v21 =	vadd.f32 v11, v62;
	[tilespmem:v14+s24+$0x0] =	vst.idx.add.f32.msk vm8, v12  }
0x164: {  	vm3 =	vne.s32 v3, v63;
	(xrf2) =	vadd.scan.msk.f32 $0xffff, v9;
	p5 =	sne.s32 s15, s26;
	v23 =	vmul.f32 v23, v1;
	s9 =	simm.s32 @!p2 $0x0;
	p2 =	sgt.s32 s26, $0x0;
	v22, _, _ =	vpop (xrf2);
	vm6 =	vmneg @p0 vm6;
	v14 =	vld [tilespmem:s12+$0x0]  }
0x165: {  	p6 =	sne.s32 s10, s15;
	s11 =	simm.s32 @!p2 $0x0;
	v11 =	vmov s9;
	s9 =	simm.s32 $0x80;
	v22 =	vbroadcast v22, $0xF;
	v12 =	vsel vm5, $0x0, v18;
	(xrf2) =	vadd.scan.msk.f32 $0xffff, v21  }
.LBB2_10:
0x166: {  	[tilespmem:v7+s23+$0x0] =	vst.idx.add.f32.msk vm5, v16;
	vm6 =	vmand vm6, vm1;
	v13 =	vsub.f32 v13, v20  }
0x167: {  	s12 =	sand.u32 $0xF00, s5;
	s16 =	sand.u32 $0x40, s9;
	v21 =	vpsel !p3, $0x0, v21;
	v17 =	vmul.f32 v17, v10;
	[tilespmem:v6+s24+$0x0] =	vst.idx.add.f32.msk vm4, v22;
	v16 =	vsub.f32 v19, v23  }
0x168: {  	p0 =	sgt.s32 s15, $0x0;
	p2 =	sgt.s32 s15, $0xFFFFFFFF;
	v9 =	vpsel !p1, $0x0, v9;
	s18 =	sor.u32 $0x1000, s12;
	vm7 =	vne.s32 v5, v8;
	[tilespmem:v7+s24+$0x0] =	vst.idx.add.f32.msk vm5, v18;
	vm5 =	vmmov vm0  }
0x169: {  	s19 =	smov.u32 s15;
	s26 =	sor.u32 $0x30, s16;
	vm4 =	vmmov vm0;
	s14 =	sor.u32 s16, s18;
	[tilespmem:v4+s23+$0x0] =	vst.idx.add.f32.msk vm2, v13;
	v7 =	vmul.f32 v16, v14;
	v14 =	vsub.f32 $1.500000000e+00, v17  }
0x16a: {  	s17 =	sor.u32 $0x10, s16;
	p2 =	por !p2, !p6;
	v9 =	vadd.f32 v12, v9;
	s20 =	sor.u32 s26, s18;
	v19 =	vsel vm2, $0x0, v13;
	v8 =	vsel vm7, $0x0, v16;
	v17 =	vld [tilespmem:s14+$0x80]  }
0x16b: {  	s19 =	simm.s32 @!p0 $0x0;
	s12 =	sor.u32 s17, s18;
	p0 =	por !p2, !p2;
	v15 =	vmul.f32 v13, v15;
	v18 =	vadd.f32 v19, v21;
	v21 =	vld [tilespmem:s20+$0x80];
	v10 =	vmul.f32 v14, v10  }
0x16c: {  	vm5 =	vmneg @p0 vm5;
	v19 =	vmov s19;
	s19 =	sld [smem:$0x7F8];
	v13 =	vsel vm7, $0x0, v7;
	v14 =	vld [tilespmem:s12+$0x80]  }
0x16d: {  	p5 =	por !p4, !p5;
	p4 =	seq.s32 s10, s15;
	v22 =	vsel vm2, $0x0, v15;
	[tilespmem:v4+s24+$0x0] =	vst.idx.add.f32.msk vm2, v15;
	v15 =	vmov s11;
	v20, _, _ =	vpop (xrf2);
	v24 =	vmul.f32 v10, v10  }
0x16e: {  	s15 =	smov.u32 s31;
	p2 =	sgt.s32 s31, $0x0;
	v23 =	vpsel !p4, $0x0, v18;
	[tilespmem:v5+s23+$0x0] =	vst.idx.add.f32.msk vm7, v16;
	v6 =	vbroadcast v20, $0xF;
	v20, _, _ =	vpop (xrf2);
	(xrf2) =	vadd.scan.msk.f32 $0xffff, v18  }
0x16f: {  	p6 =	sgt.s32 s10, $0xFFFFFFFF;
	s15 =	simm.s32 @!p2 $0x0;
	p2 =	seq.s32 s19, $0x1;
	v8 =	vadd.f32 v8, v23;
	[tilespmem:v5+s24+$0x0] =	vst.idx.add.f32.msk vm7, v7;
	v20 =	vbroadcast v20, $0xF;
	v16 =	vmul.f32 v24, v1  }
0x170: {  	s19 =	sand.u32 $0x780, s9;
	p6 =	por !p6, !p2;
	v18 =	vmov s15;
	p2 =	seq.s32 s31, s10;
	[tilespmem:v2+s23+$0x0] =	vst.idx.add.f32.msk vm6, v6;
	v6 =	vbroadcast v11, $0x0;
	v11 =	vmul.f32 v17, v17  }
0x171: {  	s10 =	sor.u32 $0x2800, s19;
	s19 =	sor.u32 $0x20, s16;
	v23, _, _ =	vpop (xrf2);
	(xrf2) =	vadd.scan.msk.f32 $0xffff, v8;
	v17 =	vpsel !p2, $0x0, v8;
	v8 =	vmul.f32 v21, v21;
	v7 =	vmul.f32 v14, v14;
	v14 =	vld [tilespmem:s3+$0x0]  }
0x172: {  	v15 =	vbroadcast v15, $0x0;
	v18 =	vbroadcast v18, $0x0;
	s3 =	smov.u32 s20;
	s20 =	sor.u32 s16, s10;
	s16 =	sor.u32 s19, s18;
	[tilespmem:v2+s24+$0x0] =	vst.idx.add.f32.msk vm6, v20;
	v5 =	vadd.f32 v11, v1  }
0x173: {  	v10 =	vsub.f32 v10, v16;
	v20 =	vld [tilespmem:s16+$0x80];
	v8 =	vadd.f32 v8, v1;
	v11 =	vbroadcast v19, $0x0  }
0x174: {  	p6 =	por !p6, !p6;
	v2 =	vmovc v18;
	v18 =	vshrl.u32 v5, $0x1;
	v19 =	vmul.f32 $5.000000000e-01, v5;
	v5 =	vadd.f32 v7, v1  }
0x175: {  	vm7 =	vmand vm5, vm1;
	vm4 =	vmneg @p6 vm4;
	s19 =	sor.u32 s19, s10;
	v16 =	vbroadcast v23, $0xF;
	[tilespmem:v3+s23+$0x0] =	vst.idx.add.f32.msk vm3, v10  }
0x176: {  	s17 =	sor.u32 s17, s10;
	s10 =	sor.u32 s26, s10;
	v18 =	vsub.s32 $0x5F3759DF, v18;
	v21 =	vshrl.u32 v5, $0x1;
	v23 =	vmul.f32 $5.000000000e-01, v5;
	v5 =	vld [tilespmem:s19+$0x0]  }
0x177: {  	vm6 =	vmmov vm0;
	v7 =	vshrl.u32 v8, $0x1;
	v27 =	vld [tilespmem:s10+$0x0];
	v25 =	vmul.f32 v18, v19  }
0x178: {  	v26 =	vmul.f32 $5.000000000e-01, v8;
	v55 =	vsub.s32 $0x5F3759DF, v7;
	v4 =	vmul.f32 v20, v20;
	v8, _, _ =	vpop (xrf2)  }
0x179: {  	v7 =	vld [tilespmem:s20+$0x0];
	v21 =	vsub.s32 $0x5F3759DF, v21;
	v29 =	vbroadcast v8, $0xF;
	v8 =	vmul.f32 v18, v25  }
0x17a: {  	p1 =	por !p5, !p5;
	vm4 =	vmand vm4, vm1;
	v56 =	vmul.f32 v21, v23;
	v30 =	vadd.f32 v4, v1  }
0x17b: {  	vm6 =	vmneg @p1 vm6;
	v4 =	vld [tilespmem:s17+$0x0];
	v20 =	vsub.f32 $1.500000000e+00, v8;
	(v2sf) =	vpush v5, $0xF  }
0x17c: {  	v28 =	vsel vm3, $0x0, v10;
	v25 =	vmul.f32 v21, v56;
	(v2sf) =	vpush v27, $0xF  }
0x17d: {  	v12, _, _ =	vpop (xrf2);
	(xrf2) =	vadd.scan.msk.f32 $0xffff, v9;
	v9 =	vpsel !p3, $0x0, v9;
	v57 =	vshrl.u32 v30, $0x1;
	v18 =	vmul.f32 v18, v20  }
0x17e: {  	v30 =	vmul.f32 $5.000000000e-01, v30;
	(v2sf) =	vpush v7, $0xF;
	v20 =	vsub.f32 $1.500000000e+00, v25  }
0x17f: {  	v9 =	vadd.f32 v22, v9;
	v25 =	vsub.s32 $0x5F3759DF, v57;
	v19 =	vmul.f32 v18, v19  }
0x180: {  	(v2sf) =	vpush v4, $0xF;
	v20 =	vmul.f32 v21, v20;
	v21 =	vmul.f32 v25, v30  }
0x181: {  	v14 =	vmul.f32 v10, v14;
	v22 =	vadd.f32 v28, v17;
	v17 =	vmul.f32 v19, v18  }
0x182: {  	(xrf2) =	vadd.scan.msk.f32 $0xffff, v9;
	v19 =	vpsel !p4, $0x0, v9;
	v9 =	vmul.f32 v20, v23;
	v21 =	vmul.f32 v25, v21  }
0x183: {  	vm6 =	vmand vm6, vm1;
	v12 =	vbroadcast v12, $0xF;
	v23 =	vmul.f32 v55, v26  }
0x184: {  	v13 =	vadd.f32 v13, v19;
	v9 =	vmul.f32 v9, v20;
	v19 =	vsub.f32 $1.500000000e+00, v21  }
0x185: {  	v8 =	vbroadcast v5, $0xF;
	v58 =	vbroadcast v4, $0xF;
	v17 =	vsub.f32 $1.500000000e+00, v17  }
0x186: {  	v10 =	vmul.f32 v55, v23;
	(xrf2) =	vadd.scan.msk.f32 $0xffff, v13;
	v9 =	vsub.f32 $1.500000000e+00, v9;
	v19 =	vmul.f32 v25, v19  }
0x187: {  	v59 =	vld [tilespmem:s14+$0x0];
	vm2 =	vne.s32 v4, v58;
	v21 =	vbroadcast v7, $0xF;
	v18 =	vmul.f32 v17, v18  }
0x188: {  	[tilespmem:v3+s24+$0x0] =	vst.idx.add.f32.msk vm3, v14;
	v3, _, _ =	vpop (xrf2);
	v17 =	vpsel !p2, $0x0, v13;
	v13 =	vmul.f32 v9, v20;
	v9 =	vmul.f32 v19, v30  }
0x189: {  	s0 =	sadd.s32 $0x4, s0;
	s5 =	sadd.s32 $0x80, s5;
	[tilespmem:v15+s23+$0x0] =	vst.idx.add.f32.msk vm6, v16;
	v16 =	vbroadcast v3, $0xF;
	v3 =	vmovc v27;
	v10 =	vsub.f32 $1.500000000e+00, v10;
	v23 =	vmul.f32 v18, v18  }
0x18a: {  	p0 =	slt.u32 s0, $0x7C;
	s15 =	smov.u32 s31;
	[tilespmem:v6+s23+$0x0] =	vst.idx.add.f32.msk vm4, v12;
	vm5 =	vne.s32 v7, v21;
	v63 =	vbroadcast v3, $0xF;
	v60 =	vmul.f32 v9, v19;
	s10 =	spop (v2sf)  }
0x18b: {  	s9 =	sadd.s32 $0x40, s9;
	p5 =	sgt.s32 s15, $0xFFFFFFFF;
	[tilespmem:v15+s24+$0x0] =	vst.idx.add.f32.msk vm6, v16;
	vm6 =	vmmov vm0;
	v10 =	vmul.f32 v55, v10;
	v20 =	vmul.f32 v23, v1;
	s31 =	spop (v2sf)  }
0x18c: {  	v15 =	vld [tilespmem:s12+$0x0];
	v9 =	vsel vm3, $0x0, v14;
	v61 =	vmul.f32 v13, v13;
	p1 =	sgt.s32 s10, $0x0;
	v27 =	vsub.f32 $1.500000000e+00, v60;
	s12 =	smov.u32 s10;
	p2 =	sne.s32 s31, s10  }
0x18d: {  	v9 =	vadd.f32 v9, v17;
	v17 =	vmul.f32 v10, v26;
	v16 =	vsub.f32 v18, v20;
	s12 =	simm.s32 @!p1 $0x0;
	s26 =	spop (v2sf);
	s11 =	simm.s32 @!p2 $0x0  }
.Ltmp8:
0x18e: {  	v14 =	vld [tilespmem:s16+$0x0];
	vm3 =	vne.s32 v3, v63;
	v23, _, _ =	vpop (xrf2);
	v20 =	vmul.f32 v61, v1;
	p1 =	seq.s32 s26, s15;
	p6 =	sne.s32 s26, s15;
	v19 =	vmul.f32 v27, v19;
	(pc) =	sbr.rel @p0 .LBB2_10-.Ltmp8, $4  }
0x18f: {  	[tilespmem:v11+s23+$0x0] =	vst.idx.add.f32.msk vm7, v29;
	v23 =	vbroadcast v23, $0xF;
	p4 =	sgt.s32 s26, $0x0;
	v12 =	vsel vm5, $0x0, v16;
	s15 =	spop (v2sf);
	s11 =	simm.s32 @p2 $0x1;
	v21 =	vpsel !p1, $0x0, v22  }
0x190: {  	(xrf2) =	vadd.scan.msk.f32 $0xffff, v22;
	v18 =	vmul.f32 v16, v59;
	p2 =	por !p5, !p6;
	v22, _, _ =	vpop (xrf2);
	p3 =	seq.s32 s15, s26;
	p5 =	sne.s32 s15, s26;
	v21 =	vadd.f32 v12, v21;
	v62 =	vmul.f32 v19, v19  }
0x191: {  	(xrf2) =	vadd.scan.msk.f32 $0xffff, v9;
	[tilespmem:v11+s24+$0x0] =	vst.idx.add.f32.msk vm7, v23;
	v11 =	vmov s12;
	[smem:$0x7F8] =	sst s11;
	s11 =	smov.u32 s26;
	p2 =	por !p2, !p2;
	v22 =	vbroadcast v22, $0xF  }
0x192: {  	p6 =	sne.s32 s10, s15;
	v12 =	vsel vm5, $0x0, v18;
	s11 =	simm.s32 @!p4 $0x0;
	vm6 =	vmneg @p2 vm6;
	p4 =	sgt.s32 s26, $0xFFFFFFFF;
	v23 =	vmul.f32 v62, v1;
	(xrf2) =	vadd.scan.msk.f32 $0xffff, v21  }
0x193: {  	v13 =	vsub.f32 v13, v20;
	_ =	sdelay $0x1  }
0x194: {  	v21 =	vpsel !p3, $0x0, v21;
	v20 =	vsel vm2, $0x0, v13  }
0x195: {  	v19 =	vsub.f32 v19, v23;
	v20 =	vadd.f32 v20, v21  }
0x196: {  	vm7 =	vne.s32 v5, v8;
	p0 =	seq.s32 s10, s15  }
0x197: {  	v9 =	vpsel !p1, $0x0, v9;
	v50 =	vsel vm7, $0x0, v19;
	v21 =	vpsel !p0, $0x0, v20  }
0x198: {  	v17 =	vmul.f32 v17, v10;
	v8 =	vmul.f32 v13, v15;
	v15 =	vadd.f32 v50, v21  }
0x199: {  	[tilespmem:v6+s24+$0x0] =	vst.idx.add.f32.msk vm4, v22;
	v9 =	vadd.f32 v12, v9;
	(xrf2) =	vadd.scan.msk.f32 $0xffff, v20  }
0x19a: {  	[tilespmem:v7+s23+$0x0] =	vst.idx.add.f32.msk vm5, v16;
	v17 =	vsub.f32 $1.500000000e+00, v17;
	(xrf2) =	vadd.scan.msk.f32 $0xffff, v15  }
0x19b: {  	[tilespmem:v7+s24+$0x0] =	vst.idx.add.f32.msk vm5, v18;
	v12 =	vpsel !p3, $0x0, v9;
	v51 =	vsel vm2, $0x0, v8;
	(xrf2) =	vadd.scan.msk.f32 $0xffff, v9  }
0x19c: {  	v14 =	vmul.f32 v19, v14;
	v53 =	vmul.f32 v17, v10;
	v12 =	vadd.f32 v51, v12  }
0x19d: {  	vm13 =	vmand vm6, vm1;
	[tilespmem:v4+s23+$0x0] =	vst.idx.add.f32.msk vm2, v13  }
0x19e: {  	s0 =	sld [smem:$0x7F8];
	v6 =	vsel vm7, $0x0, v14;
	v7 =	vmul.f32 v53, v53;
	v52 =	vpsel !p0, $0x0, v12  }
0x19f: {  	v55 =	vld [tilespmem:s3+$0x0];
	v57 =	vmov s11;
	v6 =	vadd.f32 v6, v52  }
0x1a0: {  	vm6 =	vmmov vm0;
	p3 =	por !p4, !p5;
	[tilespmem:v4+s24+$0x0] =	vst.idx.add.f32.msk vm2, v8;
	v54, _, _ =	vpop (xrf2);
	v7 =	vmul.f32 v7, v1;
	(xrf2) =	vadd.scan.msk.f32 $0xffff, v12  }
0x1a1: {  	vm5 =	vmmov vm0;
	p4 =	sgt.s32 s10, $0xFFFFFFFF;
	p2 =	seq.s32 s0, $0x1;
	[tilespmem:v5+s23+$0x0] =	vst.idx.add.f32.msk vm7, v19;
	p0 =	por !p3, !p3;
	v10 =	vbroadcast v54, $0xF;
	v56, _, _ =	vpop (xrf2);
	(xrf2) =	vadd.scan.msk.f32 $0xffff, v6  }
0x1a2: {  	p5 =	sgt.s32 s15, $0xFFFFFFFF;
	p1 =	por !p4, !p2;
	[tilespmem:v5+s24+$0x0] =	vst.idx.add.f32.msk vm7, v14;
	vm5 =	vmneg @p0 vm5;
	v13 =	vbroadcast v56, $0xF;
	v58, _, _ =	vpop (xrf2);
	v7 =	vsub.f32 v53, v7  }
0x1a3: {  	v61 =	vbroadcast v11, $0x0;
	p2 =	sgt.s32 s15, $0x0;
	v5 =	vbroadcast v57, $0x0;
	p0 =	por !p5, !p6;
	p1 =	por !p1, !p1;
	vm5 =	vmand vm5, vm1;
	[tilespmem:v2+s23+$0x0] =	vst.idx.add.f32.msk vm13, v10;
	v60, _, _ =	vpop (xrf2)  }
0x1a4: {  	vm7 =	vmmov vm0;
	s15 =	simm.s32 @!p2 $0x0;
	vm6 =	vmneg @p1 vm6;
	p0 =	por !p0, !p0;
	[tilespmem:v2+s24+$0x0] =	vst.idx.add.f32.msk vm13, v13;
	v12 =	vmul.f32 v7, v55;
	v2, _, _ =	vpop (xrf2)  }
0x1a5: {  	v59 =	vmov s15;
	vm7 =	vmneg @p0 vm7;
	vm14 =	vmand vm6, vm1;
	[tilespmem:v3+s23+$0x0] =	vst.idx.add.f32.msk vm3, v7;
	v4, _, _ =	vpop (xrf2)  }
0x1a6: {  	v62 =	vbroadcast v59, $0x0;
	vm15 =	vmand vm7, vm1;
	[tilespmem:v3+s24+$0x0] =	vst.idx.add.f32.msk vm3, v12;
	v3 =	vbroadcast v4, $0xF  }
0x1a7: {  	v63 =	vbroadcast v58, $0xF;
	v2 =	vbroadcast v2, $0xF;
	_ =	sdelay $0x1  }
0x1a8: {  	[tilespmem:v5+s23+$0x0] =	vst.idx.add.f32.msk vm5, v63  }
.Ltmp9:
0x1a9: {  	v4 =	vbroadcast v60, $0xF;
	[tilespmem:v5+s24+$0x0] =	vst.idx.add.f32.msk vm5, v3;
	v3, _, _ =	vpop (xrf2);
	(pc) =	sbr.rel .LBB2_12-.Ltmp9, $4  }
0x1aa: {  	p6 =	seq.s32 s31, s10;
	[tilespmem:v61+s23+$0x0] =	vst.idx.add.f32.msk vm14, v2;
	v3 =	vbroadcast v3, $0xF;
	v2, _, _ =	vpop (xrf2)  }
0x1ab: {  	v6 =	vpsel !p6, $0x0, v6;
	[tilespmem:v62+s23+$0x0] =	vst.idx.add.f32.msk vm15, v4;
	v4 =	vbroadcast v2, $0xF  }
0x1ac: {  	v5 =	vpsel !p6, $0x0, v15;
	v2 =	vsel vm3, $0x0, v7;
	v7 =	vsel vm3, $0x0, v12;
	[tilespmem:v62+s24+$0x0] =	vst.idx.add.f32.msk vm15, v3  }
0x1ad: {  	v2 =	vadd.f32 v2, v5;
	v7 =	vadd.f32 v7, v6;
	[tilespmem:v61+s24+$0x0] =	vst.idx.add.f32.msk vm14, v4  }
.LBB2_14:
0x1ae: {  	_ =	sfence.sel $0x180000  }
0x1af: {  	[bflag:$0x0] =	sbarrier.arrive $0xFFFF  }
0x1b0: {  	_ =	strace $0x90000047  }
0x1b1: {  	s0 =	stileid.u32;
	[bflag:$0x2] =	sbarrier.arrive $0xFFFF  }
0x1b2: {  	p0 =	sne.s32 s0, $0x0;
	s0 =	rddreg [dreg:$0x4]  }
0x1b3: {  	s0 =	sadd.s32 @!p0 $0x100000, s0  }
0x1b4: {  	[sflag:s0] =	ssyncadd.tile.s32 @!p0 $0x1;
	_ =	shalt  }
.Lfunc_end2:
_tile_overlayer_lowered:
.L_overlay_start_2:
0x1b5: {  	(tag) =	ssettag $0x2  }
0x1b6: {  	s0 =	rddreg [dreg:$0x0];
	s2 =	stileid.u32  }
0x1b7: {  	s1 =	rddreg [dreg:$0x1];
	p0 =	sne.s32 s2, $0x0  }
0x1b8: {  	s3 =	rddreg [dreg:$0x2];
	[bflag:$0x3] =	sbarrier.arrive $0xFFFF;
	s2 =	simm.s32 @!p0 $0x1C03  }
0x1b9: {  	[timem:s3], [sflag:s2] =	dma.local @!p0 [hbm:s0], s1  }
0x1ba: {  	s0 =	simm.s32 @!p0 $0x3  }
0x1bb: {  	_ =	swait.ge @!p0 [sflag:s0], s1  }
0x1bc: {  	s1 =	ssub.s32 @!p0 $0x0, s1;
	[sflag:s0] =	ssyncset.done @!p0 $0x0  }
0x1bd: {  	[sflag:s0] =	ssyncadd.s32 @!p0 s1  }
0x1be: {  	[bflag:$0x3] =	sbarrier.arrive $0xFFFF  }
0x1bf: {  	_ =	shalt  }

// kernel: kernel.8.cloned.1.call-start
scs
__scs_entry_jumppad:
0x0: {  	(pc) =	sbr.rel $0x88, $3  }
0x1: {  	(tag) =	ssettag $0x0;
	lr =	simm.s32 $0x1  }
0x2: {  	[smem:$0x3F9D] =	sst lr;
	_ =	strace $0xD0000000  }
0x3: {  	_ = 	snop  }
0x4: {  	_ = 	snop  }
0x5: {  	_ = 	snop  }
0x6: {  	_ = 	snop  }
0x7: {  	_ = 	snop  }
__scs_overlays_trampoline_lowered:
0x8: {  	[smem:$0x3FAC] =	sst s0  }
0x9: {  	[smem:$0x3FAD] =	sst s1  }
0xa: {  	[smem:$0x3FAE] =	sst s2  }
0xb: {  	[smem:$0x3FAF] =	sst s3  }
0xc: {  	[smem:$0x3FB0] =	sst s4  }
0xd: {  	[smem:$0x3FB1] =	sst s5  }
0xe: {  	[smem:$0x3FB2] =	sst s6  }
0xf: {  	[smem:$0x3FB3] =	sst s7  }
0x10: {  	[smem:$0x3FB4] =	sst s8  }
0x11: {  	[smem:$0x3FB5] =	sst s9;
	s0 =	simm.s32 @!p0 $0x0  }
0x12: {  	s1 =	sld [smem:$0x3F9B];
	s0 =	simm.s32 @p0 $0x1  }
0x13: {  	[smem:$0x3FB6] =	sst s0;
	s0 =	simm.s32 @!p1 $0x0  }
0x14: {  	s2 =	sld [smem:$0x3F9A];
	s0 =	simm.s32 @p1 $0x1  }
0x15: {  	[smem:$0x3FB7] =	sst s0;
	s0 =	simm.s32 @!p2 $0x0  }
0x16: {  	s3 =	sld [smem:$0x3FDB];
	s0 =	simm.s32 @p2 $0x1  }
0x17: {  	s4 =	simm.s32 $0x1BF5;
	[smem:$0x3FB9] =	sst s0  }
0x18: {  	s0 =	sld [smem:$0x3F9C];
	_ =	swait.ge [sflag:s4], $0x0  }
0x19: {  	s7 =	sld [smem:$0x3F9D]  }
0x1a: {  	s8 =	sadd.s32 $0xFFFFE003, lr  }
0x1b: {  	s9 =	sadd.s32 $0xFFFFFEF7, lr;
	s5 =	simm.s32 $0xFFFFFFFF;
	p2 =	slt.u32 s8, $0xFFFFF086  }
0x1c: {  	p1 =	slt.u32 s9, $0xF7A;
	s5 =	simm.s32 @!p2 $0x0  }
0x1d: {  	s5 =	simm.s32 @p1 $0x1;
	p0 =	seq.s32 s7, s2  }
0x1e: {  	s7 =	smul.u32 @!p0 $0xF7A, s2;
	p2 =	seq.s32 @!p0 s5, $0x0  }
0x1f: {  	s9 =	smul.u32 $0xF7A, s1;
	s8 =	simm.s32 @!p0 $0x1BF5;
	p2 =	por !p2, p0  }
0x20: {  	[sflag:s8] =	ssyncset.s32 @!p0 $0xFFFFF086;
	s6 =	sadd.s32 @!p0 s3, s7;
	s7 =	simm.s32 @!p0 $0x108  }
0x21: {  	s3 =	sadd.s32 s3, s9;
	s6 =	sadd.s32 @!p0 $0x88, s6;
	s7 =	simm.s32 @p2 $0x1082  }
0x22: {  	[simem:s7], [sflag:s8] =	dma.local @!p0 [hbm:s6], $0xF7A  }
0x23: {  	s9 =	sor.u32 $0xD0000000, s2;
	s6 =	simm.s32 $0x108;
	_ =	swait.ge @!p0 [sflag:s8], $0x0  }
0x24: {  	s3 =	sadd.s32 $0x88, s3;
	s6 =	simm.s32 @!p1 $0x1082;
	[sflag:s4] =	ssyncset.s32 $0xFFFFF086  }
0x25: {  	[simem:s6], [sflag:s4] =	dma.local [hbm:s3], $0xF7A  }
0x26: {  	[smem:$0x3F9D] =	sst s1;
	(tag) =	ssettag s2;
	_ =	strace s9  }
0x27: {  	s1 =	sld [smem:$0x3FAD]  }
0x28: {  	s2 =	sld [smem:$0x3FAE]  }
0x29: {  	s4 =	sld [smem:$0x3FB0]  }
0x2a: {  	p0 =	seq.s32 s5, $0x0;
	s5 =	sld [smem:$0x3FB1]  }
0x2b: {  	s6 =	sld [smem:$0x3FB2]  }
0x2c: {  	s7 =	sld [smem:$0x3FB3]  }
0x2d: {  	s3 =	simm.s32 $0x108;
	s8 =	sld [smem:$0x3FB4]  }
0x2e: {  	s3 =	simm.s32 @!p0 $0x1082;
	s9 =	sld [smem:$0x3FB5]  }
0x2f: {  	lr =	sadd.s32 s0, s3;
	s0 =	sld [smem:$0x3FAC]  }
0x30: {  	s3 =	sld [smem:$0x3FAF]  }
0x31: {  	[smem:$0x3FB8] =	sst s10  }
0x32: {  	s10 =	sld [smem:$0x3FB6];
	_ =	sdelay $0x3  }
0x33: {  	p0 =	seq.s32 s10, $0x1;
	s10 =	sld [smem:$0x3FB8];
	_ =	sdelay $0x3  }
0x34: {  	[smem:$0x3FB8] =	sst s10  }
0x35: {  	s10 =	sld [smem:$0x3FB7];
	_ =	sdelay $0x3  }
0x36: {  	p1 =	seq.s32 s10, $0x1;
	s10 =	sld [smem:$0x3FB8];
	_ =	sdelay $0x3  }
0x37: {  	[smem:$0x3FB8] =	sst s10  }
0x38: {  	s10 =	sld [smem:$0x3FB9]  }
0x39: {  	_ = 	snop;
	(pc) =	sbr.ind lr, $3  }
0x3a: {  	_ = 	snop  }
0x3b: {  	_ = 	snop  }
0x3c: {  	p2 =	seq.s32 s10, $0x1;
	s10 =	sld [smem:$0x3FB8]  }
0x3d: {  	_ =	shalt  }
0x3e: {  	_ =	shalt  }
0x3f: {  	_ =	shalt  }
0x40: {  	_ =	shalt  }
0x41: {  	_ =	shalt  }
0x42: {  	_ =	shalt  }
0x43: {  	_ =	shalt  }
0x44: {  	_ =	shalt  }
0x45: {  	_ =	shalt  }
0x46: {  	_ =	shalt  }
0x47: {  	_ =	shalt  }
0x48: {  	_ =	shalt  }
0x49: {  	_ =	shalt  }
0x4a: {  	_ =	shalt  }
0x4b: {  	_ =	shalt  }
0x4c: {  	_ =	shalt  }
0x4d: {  	_ =	shalt  }
0x4e: {  	_ =	shalt  }
0x4f: {  	_ =	shalt  }
0x50: {  	_ =	shalt  }
0x51: {  	_ =	shalt  }
0x52: {  	_ =	shalt  }
0x53: {  	_ =	shalt  }
0x54: {  	_ =	shalt  }
0x55: {  	_ =	shalt  }
0x56: {  	_ =	shalt  }
0x57: {  	_ =	shalt  }
0x58: {  	_ =	shalt  }
0x59: {  	_ =	shalt  }
0x5a: {  	_ =	shalt  }
0x5b: {  	_ =	shalt  }
0x5c: {  	_ =	shalt  }
0x5d: {  	_ =	shalt  }
0x5e: {  	_ =	shalt  }
0x5f: {  	_ =	shalt  }
0x60: {  	_ =	shalt  }
0x61: {  	_ =	shalt  }
0x62: {  	_ =	shalt  }
0x63: {  	_ =	shalt  }
0x64: {  	_ =	shalt  }
0x65: {  	_ =	shalt  }
0x66: {  	_ =	shalt  }
0x67: {  	_ =	shalt  }
0x68: {  	_ =	shalt  }
0x69: {  	_ =	shalt  }
0x6a: {  	_ =	shalt  }
0x6b: {  	_ =	shalt  }
0x6c: {  	_ =	shalt  }
0x6d: {  	_ =	shalt  }
0x6e: {  	_ =	shalt  }
0x6f: {  	_ =	shalt  }
0x70: {  	_ =	shalt  }
0x71: {  	_ =	shalt  }
0x72: {  	_ =	shalt  }
0x73: {  	_ =	shalt  }
0x74: {  	_ =	shalt  }
0x75: {  	_ =	shalt  }
0x76: {  	_ =	shalt  }
0x77: {  	_ =	shalt  }
0x78: {  	_ =	shalt  }
0x79: {  	_ =	shalt  }
0x7a: {  	_ =	shalt  }
0x7b: {  	_ =	shalt  }
0x7c: {  	_ =	shalt  }
0x7d: {  	_ =	shalt  }
0x7e: {  	_ =	shalt  }
0x7f: {  	_ =	shalt  }
0x80: {  	_ =	shalt  }
0x81: {  	_ =	shalt  }
0x82: {  	_ =	shalt  }
0x83: {  	_ =	shalt  }
0x84: {  	_ =	shalt  }
0x85: {  	_ =	shalt  }
0x86: {  	_ =	shalt  }
0x87: {  	_ =	shalt  }
.Lfunc_end0:
.L_simem_size_0:
called_computation.1_lowered:
.L_overlay_start_0:
0x88: {  	s2 =	sld [smem:$0x3FD9]  }
0x89: {  	s3 =	sld [smem:$0x3FFE];
	_ =	sdelay $0x1  }
0x8a: {  	s1 =	srdreg.scid  }
0x8b: {  	s0 =	sand.u32 $0x1, s1  }
0x8c: {  	s17 =	sshll.u32 s0, $0xA;
	s2 =	sadd.s32 s3, s2  }
0x8d: {  	s2 =	sadd.s32 s2, s17  }
0x8e: {  	[smem:$0x3FC4] =	sst s2  }
0x8f: {  	_ = 	snop  }
0x90: {  	s2 =	sld [smem:$0x3FD0];
	(tm) =	ssettm $0x1  }
0x91: {  	s18 =	sld [smem:$0x3FFB];
	_ =	sdelay $0x3  }
0x92: {  	_ =	strace s18  }
0x93: {  	s3 =	sld [smem:$0x3FFC];
	_ =	sdelay $0x3  }
0x94: {  	_ =	strace s3  }
0x95: {  	s3 =	sld [smem:$0x3FFD];
	_ =	sdelay $0x3  }
0x96: {  	_ =	strace s3  }
0x97: {  	_ =	strace $0x8FFFFFFF  }
0x98: {  	s19 =	sld [smem:$0x3FDB];
	_ =	sdelay $0x1  }
0x99: {  	s4 =	simm.s32 $_scs_section_size  }
0x9a: {  	s5 =	simm.s32 $_size__tile_overlayer_lowered;
	s6 =	simm.s32 $_tile_overlayer_lowered  }
0x9b: {  	s22 =	simm.s32 $0x1BFF;
	s21 =	sshll.u32 s6, $0x1;
	s3 =	sadd.s32 s4, s19  }
0x9c: {  	s7 =	simm.s32 $0x0;
	s20 =	sshll.u32 s5, $0x1;
	s5 =	sadd.s32 s21, s3  }
0x9d: {  	[timem:s7], [sflag:s22] =	dma.local [hbm:s5], s20  }
0x9e: {  	_ =	swait.ge [sflag:s22], s20  }
0x9f: {  	s4 =	ssub.s32 $0x0, s20;
	[sflag:s22] =	ssyncset.done $0x0  }
0xa0: {  	[sflag:s22] =	ssyncadd.s32 s4;
	_ =	sdelay $0x1  }
0xa1: {  	s23 =	simm.s32 $0x1B8B  }
0xa2: {  	_ =	swait.ge [sflag:s23], $0x1  }
0xa3: {  	[sflag:s23] =	ssyncset.done $0x0  }
0xa4: {  	s25 =	simm.s32 $0x1B8E;
	s24 =	sld [smem:$0x3FFE];
	[sflag:s23] =	ssyncadd.s32 $0xFFFFFFFF  }
0xa5: {  	s26 =	simm.s32 $execute0_lowered;
	[smem:$0x3FD2] =	sst s25  }
0xa6: {  	s5 =	sshll.u32 s26, $0x1;
	_ =	strace $0x80000049;
	[dreg:$0x1] =	wrdreg $0xFFFFFFFF  }
0xa7: {  	s28 =	simm.s32 $_size_execute0_lowered;
	s3 =	sadd.s32 s3, s5;
	[dreg:$0x0] =	wrdreg $0x0  }
0xa8: {  	s5 =	sshll.u32 s28, $0x1;
	[dreg:$0x2] =	wrdreg s3  }
0xa9: {  	[dreg:$0x3] =	wrdreg s5  }
0xaa: {  	[dreg:$0x4] =	wrdreg $0xC0  }
0xab: {  	_ =	task [dreg:s7], $0x5FFFF  }
0xac: {  	[dreg:$0x1] =	wrdreg $0xFFFFFFFF  }
0xad: {  	[dreg:$0x0] =	wrdreg $0x60  }
0xae: {  	[dreg:$0x2] =	wrdreg s2  }
0xaf: {  	[dreg:$0x3] =	wrdreg s24  }
0xb0: {  	[dreg:$0x4] =	wrdreg $0x9  }
0xb1: {  	_ =	task.clear_ibuf [dreg:s7], $0x5FFFF;
	_ =	strace $0x90000049  }
0xb2: {  	s29 =	simm.s32 $0x9;
	_ =	strace $0x8000004B  }
0xb3: {  	_ =	swait.ge [sflag:s29], $0x1  }
0xb4: {  	[sflag:s29] =	ssyncadd.s32 $0xFFFFFFFF  }
0xb5: {  	_ =	strace $0x9000004B  }
0xb6: {  	_ =	sfence  }
0xb7: {  	s30 =	sld [smem:$0x0];
	_ =	sdelay $0x2  }
0xb8: {  	s31 =	sshll.u32 s1, $0xD;
	s1 =	sshrl.u32 s1, $0x2  }
0xb9: {  	s3 =	sand.u32 $0x4000, s31;
	s1 =	sadd.s32 s1, s30  }
0xba: {  	s0 =	sor.u32 s3, s0;
	s1 =	sshll.u32 s1, $0x11  }
0xbb: {  	s0 =	sor.u32 s1, s0  }
0xbc: {  	s0 =	sadd.s32 $0x8F2B, s0  }
0xbd: {  	[sflag:s0] =	ssyncadd.remote.s32 $0x1  }
0xbe: {  	_ =	sfence.sel $0xFFFF  }
0xbf: {  	[dreg:$0x0] =	wrdreg $0xFFFFFFFF;
	(pc) =	sbr.abs _section_cstart, $3  }
0xc0: {  	[dreg:$0x1] =	wrdreg $0xFFFFFFFF  }
0xc1: {  	_ =	task.clear_ibuf [dreg:s7], $0x2FFFF;
	_ =	strace $0x9FFFFFFF  }
0xc2: {  	(tm) =	ssettm $0x7FFFFFFF  }
0xc3: {  	_ =	shalt  }
tec
execute0_lowered:
.L_overlay_start_1:
0x0: {  	(tag) =	ssettag $0x1  }
0x1: {  	s0 =	srdreg.scid;
	s1 =	stileid.u32  }
0x2: {  	s0 =	sand.u32 $0x1, s0;
	s1 =	sshll.u32 s1, $0x1  }
0x3: {  	s1 =	sor.u32 s0, s1  }
0x4: {  	s4 =	rddreg [dreg:$0x0];
	s1 =	smul.u32 $0x680, s1  }
0x5: {  	s7 =	rddreg [dreg:$0x1];
	s2 =	simm.s32 $0x0  }
0x6: {  	[smem:$0x7FF] =	sst s2;
	s0 =	ssub.s32 $0x2, s0;
	s8 =	sshrl.u32 s1, $0x3  }
0x7: {  	s6 =	sadd.s32 $0x1400, s7;
	s22 =	sshrl.u32 s0, $0x1;
	s23 =	sadd.s32 $0x1A00, s8  }
0x8: {  	_ =	strace $0x8000004A;
	s10 =	ssub.s32 s0, s22;
	s24 =	sadd.s32 s4, s23  }
0x9: {  	s25 =	sadd.s32 $0x3400, s8;
	s0 =	sadd.s32 s6, s23;
	[dreg:$0x3] =	wrdreg s24  }
0xa: {  	s3 =	sadd.s32 $0x4E00, s8;
	s26 =	sadd.s32 s4, s25;
	[dreg:$0x4] =	wrdreg s0  }
0xb: {  	s9 =	sadd.s32 $0x6800, s8;
	s5 =	sadd.s32 s4, s3;
	[dreg:$0x5] =	wrdreg s26  }
0xc: {  	s12 =	sadd.s32 $0x8200, s8;
	s11 =	sadd.s32 s4, s9;
	[dreg:$0x7] =	wrdreg s5  }
0xd: {  	s14 =	sadd.s32 $0x9C00, s8;
	s13 =	sadd.s32 s4, s12;
	[dreg:$0x9] =	wrdreg s11  }
0xe: {  	s16 =	sadd.s32 $0xB600, s8;
	s15 =	sadd.s32 s4, s14;
	[dreg:$0xb] =	wrdreg s13  }
0xf: {  	s18 =	sadd.s32 $0xD000, s8;
	s17 =	sadd.s32 s4, s16;
	[dreg:$0xd] =	wrdreg s15  }
0x10: {  	s20 =	sadd.s32 $0xEA00, s8;
	s19 =	sadd.s32 s4, s18;
	[dreg:$0xf] =	wrdreg s17  }
0x11: {  	s22 =	sadd.s32 $0x10400, s8;
	s21 =	sadd.s32 s4, s20;
	[dreg:$0x11] =	wrdreg s19  }
0x12: {  	s23 =	sadd.s32 s4, s22;
	[dreg:$0x13] =	wrdreg s21  }
0x13: {  	s0 =	sadd.s32 s6, s25;
	[dreg:$0x15] =	wrdreg s23  }
0x14: {  	s24 =	sadd.s32 $0x11E00, s8;
	[dreg:$0x6] =	wrdreg s0;
	s0 =	sadd.s32 s6, s3  }
0x15: {  	s26 =	sadd.s32 $0x13800, s8;
	s25 =	sadd.s32 s4, s24;
	[dreg:$0x8] =	wrdreg s0  }
0x16: {  	s3 =	sadd.s32 s4, s26;
	[dreg:$0x17] =	wrdreg s25  }
0x17: {  	s5 =	sadd.s32 $0x15200, s8;
	s0 =	sadd.s32 s6, s9;
	[dreg:$0x19] =	wrdreg s3  }
0x18: {  	s10 =	smax.u32 s10, $0x1;
	s9 =	sadd.s32 s4, s5;
	[dreg:$0xa] =	wrdreg s0  }
0x19: {  	s11 =	sadd.s32 $0x16C00, s8;
	s0 =	sadd.s32 s6, s12;
	[dreg:$0x1b] =	wrdreg s9  }
0x1a: {  	s13 =	sadd.s32 $0x18600, s8;
	s12 =	sadd.s32 s4, s11;
	[dreg:$0xc] =	wrdreg s0  }
0x1b: {  	s15 =	sor.u32 $0x1A000, s8;
	s0 =	sadd.s32 s6, s14;
	[dreg:$0x1d] =	wrdreg s12  }
0x1c: {  	s17 =	sadd.s32 $0x1BA00, s8;
	s14 =	sadd.s32 s4, s13;
	[dreg:$0xe] =	wrdreg s0  }
0x1d: {  	s19 =	sadd.s32 $0x1D400, s8;
	s0 =	sadd.s32 s6, s16;
	[dreg:$0x1f] =	wrdreg s14  }
0x1e: {  	s21 =	sadd.s32 $0x1EE00, s8;
	s16 =	sadd.s32 s4, s15;
	[dreg:$0x10] =	wrdreg s0  }
0x1f: {  	s23 =	sadd.s32 $0x20800, s8;
	s0 =	sadd.s32 s6, s18;
	[smem:$0x7EE] =	sst s16  }
0x20: {  	s25 =	sadd.s32 $0x22200, s8;
	s18 =	sadd.s32 s4, s17;
	[dreg:$0x12] =	wrdreg s0  }
0x21: {  	s3 =	sadd.s32 $0x23C00, s8;
	s0 =	sadd.s32 s6, s20;
	[smem:$0x7F0] =	sst s18  }
0x22: {  	s9 =	sadd.s32 $0x25600, s8;
	s20 =	sadd.s32 s4, s19;
	[dreg:$0x14] =	wrdreg s0  }
0x23: {  	s12 =	sadd.s32 $0x27000, s8;
	s0 =	sadd.s32 s6, s22;
	[smem:$0x7F2] =	sst s20  }
0x24: {  	s14 =	sadd.s32 $0x2A400, s8;
	s22 =	sadd.s32 s4, s21;
	[dreg:$0x16] =	wrdreg s0  }
0x25: {  	s16 =	sadd.s32 $0x2D800, s8;
	s0 =	sadd.s32 s6, s24;
	[smem:$0x7F4] =	sst s22  }
0x26: {  	s28 =	sadd.s32 s4, s16;
	s24 =	sadd.s32 s4, s23;
	[dreg:$0x18] =	wrdreg s0  }
0x27: {  	s29 =	sadd.s32 s6, s16;
	s0 =	sadd.s32 s6, s26;
	[smem:$0x7F6] =	sst s24  }
0x28: {  	s18 =	sadd.s32 $0x30C00, s8;
	s26 =	sadd.s32 s4, s25;
	[dreg:$0x1a] =	wrdreg s0  }
0x29: {  	s20 =	sadd.s32 s6, s12;
	s0 =	sadd.s32 s6, s5;
	[smem:$0x7F8] =	sst s26  }
0x2a: {  	s1 =	sadd.s32 s4, s18;
	s5 =	sadd.s32 s4, s3;
	[dreg:$0x1c] =	wrdreg s0  }
0x2b: {  	s24 =	sadd.s32 s6, s14;
	s0 =	sadd.s32 s6, s11;
	[smem:$0x7FA] =	sst s5  }
0x2c: {  	s11 =	sadd.s32 s4, s9;
	s5 =	sadd.s32 $0x32600, s8;
	[dreg:$0x1e] =	wrdreg s0  }
0x2d: {  	s0 =	sadd.s32 s6, s13;
	[smem:$0x7FC] =	sst s11;
	s13 =	sadd.s32 $0x28A00, s8  }
0x2e: {  	s11 =	simm.s32 $0x2;
	[smem:$0x7ED] =	sst s0;
	s0 =	sadd.s32 s6, s15  }
0x2f: {  	s22 =	sadd.s32 s6, s13;
	s15 =	sadd.s32 $0x2BE00, s8;
	[smem:$0x7EF] =	sst s0  }
0x30: {  	s0 =	sadd.s32 s6, s17;
	s26 =	sadd.s32 s6, s15;
	s17 =	sadd.s32 $0x2F200, s8  }
0x31: {  	[smem:$0x7F1] =	sst s0;
	s0 =	sadd.s32 s6, s19;
	s19 =	sadd.s32 s4, s12  }
0x32: {  	s30 =	sadd.s32 s4, s17;
	s31 =	sadd.s32 s6, s17;
	s12 =	simm.s32 $0x1  }
0x33: {  	[smem:$0x7F3] =	sst s0;
	s0 =	sadd.s32 s6, s21;
	s21 =	sadd.s32 s4, s13  }
0x34: {  	s13 =	simm.s32 $0x0;
	[smem:$0x7F5] =	sst s0;
	s0 =	sadd.s32 s6, s23  }
0x35: {  	s23 =	sadd.s32 s4, s14;
	[smem:$0x7F7] =	sst s0;
	s0 =	sadd.s32 s6, s25  }
0x36: {  	s25 =	sadd.s32 s4, s15;
	[smem:$0x7F9] =	sst s0;
	s0 =	sadd.s32 s6, s3  }
0x37: {  	s3 =	sadd.s32 s4, s8;
	s4 =	sadd.s32 s4, s5;
	s5 =	sadd.s32 s6, s5  }
0x38: {  	[smem:$0x7FB] =	sst s0;
	s0 =	sadd.s32 s6, s9;
	s9 =	sadd.s32 s8, s7  }
0x39: {  	s7 =	sadd.s32 $0x1200, s7;
	[smem:$0x7FD] =	sst s0;
	s0 =	sadd.s32 s6, s18  }
0x3a: {  	s6 =	sadd.s32 s6, s8;
	s8 =	sadd.s32 $0x35400, s9;
	s9 =	sadd.s32 $0x36E00, s9  }
.LBB2_1:
0x3b: {  	s14 =	simm.s32 $0x1AD00  }
0x3c: {  	[tilespmem:s14], [sflag:$0x2] =	stream.linear.gather [hbm4b:s7+s2], $0x80, $0x38;
	[tilespmem:$0x1AD80] =	vst v63  }
0x3d: {  	_ =	swait.ge [sflag:s11], $0x80  }
0x3e: {  	[sflag:s11] =	ssyncset.done $0x0  }
0x3f: {  	s16 =	simm.s32 $0x1A000;
	[sflag:s11] =	ssyncadd.s32 $0xFFFFFF80  }
0x40: {  	v0 =	vld [tilespmem:$0x1AD00];
	[tilespmem:s16], [sflag:$0x2] =	stream.linear.gather [hbm4b:s8+s2], $0x680, $0x38  }
0x41: {  	_ =	swait.ge [sflag:s11], $0x680  }
0x42: {  	[sflag:s11] =	ssyncset.done $0x0  }
0x43: {  	[sflag:s11] =	ssyncadd.s32 $0xFFFFF980  }
0x44: {  	[tilespmem:s2], [sflag:$0x1] =	stream.linear.gather [hbm4b:s3+s2], $0x680, $0x38;
	[tilespmem:$0x1AD80] =	vst v63  }
0x45: {  	s17 =	simm.s32 $0xD000;
	s18 =	rddreg [dreg:$0x3]  }
0x46: {  	[tilespmem:s17], [sflag:$0x1] =	stream.linear.gather [hbm4b:s6+s2], $0x680, $0x38;
	[tilespmem:$0x1AD80] =	vst v63  }
0x47: {  	s15 =	simm.s32 $0x680;
	s17 =	rddreg [dreg:$0x5]  }
0x48: {  	[tilespmem:s15], [sflag:$0x1] =	stream.linear.gather [hbm4b:s18+s2], $0x680, $0x38;
	[tilespmem:$0x1AD80] =	vst v63  }
0x49: {  	s16 =	simm.s32 $0xD680;
	s15 =	rddreg [dreg:$0x4]  }
0x4a: {  	[tilespmem:s16], [sflag:$0x1] =	stream.linear.gather [hbm4b:s15+s2], $0x680, $0x38;
	[tilespmem:$0x1AD80] =	vst v63  }
0x4b: {  	s18 =	simm.s32 $0xD00;
	s15 =	rddreg [dreg:$0x6]  }
0x4c: {  	[tilespmem:s18], [sflag:$0x1] =	stream.linear.gather [hbm4b:s17+s2], $0x680, $0x38;
	[tilespmem:$0x1AD80] =	vst v63  }
0x4d: {  	s16 =	simm.s32 $0xDD00;
	s17 =	rddreg [dreg:$0x7]  }
0x4e: {  	[tilespmem:s16], [sflag:$0x1] =	stream.linear.gather [hbm4b:s15+s2], $0x680, $0x38;
	[tilespmem:$0x1AD80] =	vst v63  }
0x4f: {  	s18 =	simm.s32 $0x1380;
	s15 =	rddreg [dreg:$0x8]  }
0x50: {  	[tilespmem:s18], [sflag:$0x1] =	stream.linear.gather [hbm4b:s17+s2], $0x680, $0x38;
	[tilespmem:$0x1AD80] =	vst v63  }
0x51: {  	s16 =	simm.s32 $0xE380;
	s17 =	rddreg [dreg:$0x9]  }
0x52: {  	[tilespmem:s16], [sflag:$0x1] =	stream.linear.gather [hbm4b:s15+s2], $0x680, $0x38;
	[tilespmem:$0x1AD80] =	vst v63  }
0x53: {  	s18 =	simm.s32 $0x1A00;
	s15 =	rddreg [dreg:$0xa]  }
0x54: {  	[tilespmem:s18], [sflag:$0x1] =	stream.linear.gather [hbm4b:s17+s2], $0x680, $0x38;
	[tilespmem:$0x1AD80] =	vst v63  }
0x55: {  	s16 =	simm.s32 $0xEA00;
	s17 =	rddreg [dreg:$0xb]  }
0x56: {  	[tilespmem:s16], [sflag:$0x1] =	stream.linear.gather [hbm4b:s15+s2], $0x680, $0x38;
	[tilespmem:$0x1AD80] =	vst v63  }
0x57: {  	s18 =	simm.s32 $0x2080;
	s15 =	rddreg [dreg:$0xc]  }
0x58: {  	[tilespmem:s18], [sflag:$0x1] =	stream.linear.gather [hbm4b:s17+s2], $0x680, $0x38;
	[tilespmem:$0x1AD80] =	vst v63  }
0x59: {  	s16 =	simm.s32 $0xF080;
	s17 =	rddreg [dreg:$0xd]  }
0x5a: {  	[tilespmem:s16], [sflag:$0x1] =	stream.linear.gather [hbm4b:s15+s2], $0x680, $0x38;
	[tilespmem:$0x1AD80] =	vst v63  }
0x5b: {  	s18 =	simm.s32 $0x2700;
	s15 =	rddreg [dreg:$0xe]  }
0x5c: {  	[tilespmem:s18], [sflag:$0x1] =	stream.linear.gather [hbm4b:s17+s2], $0x680, $0x38;
	[tilespmem:$0x1AD80] =	vst v63  }
0x5d: {  	s16 =	simm.s32 $0xF700;
	s17 =	rddreg [dreg:$0xf]  }
0x5e: {  	[tilespmem:s16], [sflag:$0x1] =	stream.linear.gather [hbm4b:s15+s2], $0x680, $0x38;
	[tilespmem:$0x1AD80] =	vst v63  }
0x5f: {  	s18 =	simm.s32 $0x2D80;
	s15 =	rddreg [dreg:$0x10]  }
0x60: {  	[tilespmem:s18], [sflag:$0x1] =	stream.linear.gather [hbm4b:s17+s2], $0x680, $0x38;
	[tilespmem:$0x1AD80] =	vst v63  }
0x61: {  	s16 =	simm.s32 $0xFD80;
	s17 =	rddreg [dreg:$0x11]  }
0x62: {  	[tilespmem:s16], [sflag:$0x1] =	stream.linear.gather [hbm4b:s15+s2], $0x680, $0x38;
	[tilespmem:$0x1AD80] =	vst v63  }
0x63: {  	s18 =	simm.s32 $0x3400;
	s15 =	rddreg [dreg:$0x12]  }
0x64: {  	[tilespmem:s18], [sflag:$0x1] =	stream.linear.gather [hbm4b:s17+s2], $0x680, $0x38;
	[tilespmem:$0x1AD80] =	vst v63  }
0x65: {  	s16 =	simm.s32 $0x10400;
	s17 =	rddreg [dreg:$0x13]  }
0x66: {  	[tilespmem:s16], [sflag:$0x1] =	stream.linear.gather [hbm4b:s15+s2], $0x680, $0x38;
	[tilespmem:$0x1AD80] =	vst v63  }
0x67: {  	s18 =	simm.s32 $0x3A80;
	s15 =	rddreg [dreg:$0x14]  }
0x68: {  	[tilespmem:s18], [sflag:$0x1] =	stream.linear.gather [hbm4b:s17+s2], $0x680, $0x38;
	[tilespmem:$0x1AD80] =	vst v63  }
0x69: {  	s16 =	simm.s32 $0x10A80;
	s17 =	rddreg [dreg:$0x15]  }
0x6a: {  	[tilespmem:s16], [sflag:$0x1] =	stream.linear.gather [hbm4b:s15+s2], $0x680, $0x38;
	[tilespmem:$0x1AD80] =	vst v63  }
0x6b: {  	s18 =	simm.s32 $0x4100;
	s15 =	rddreg [dreg:$0x16]  }
0x6c: {  	[tilespmem:s18], [sflag:$0x1] =	stream.linear.gather [hbm4b:s17+s2], $0x680, $0x38;
	[tilespmem:$0x1AD80] =	vst v63  }
0x6d: {  	s16 =	simm.s32 $0x11100;
	s17 =	rddreg [dreg:$0x17]  }
0x6e: {  	[tilespmem:s16], [sflag:$0x1] =	stream.linear.gather [hbm4b:s15+s2], $0x680, $0x38;
	[tilespmem:$0x1AD80] =	vst v63  }
0x6f: {  	s18 =	simm.s32 $0x4780;
	s15 =	rddreg [dreg:$0x18]  }
0x70: {  	[tilespmem:s18], [sflag:$0x1] =	stream.linear.gather [hbm4b:s17+s2], $0x680, $0x38;
	[tilespmem:$0x1AD80] =	vst v63  }
0x71: {  	s16 =	simm.s32 $0x11780;
	s17 =	rddreg [dreg:$0x19]  }
0x72: {  	[tilespmem:s16], [sflag:$0x1] =	stream.linear.gather [hbm4b:s15+s2], $0x680, $0x38;
	[tilespmem:$0x1AD80] =	vst v63  }
0x73: {  	s18 =	simm.s32 $0x4E00;
	s15 =	rddreg [dreg:$0x1a]  }
0x74: {  	[tilespmem:s18], [sflag:$0x1] =	stream.linear.gather [hbm4b:s17+s2], $0x680, $0x38;
	[tilespmem:$0x1AD80] =	vst v63  }
0x75: {  	s16 =	simm.s32 $0x11E00;
	s17 =	rddreg [dreg:$0x1b]  }
0x76: {  	[tilespmem:s16], [sflag:$0x1] =	stream.linear.gather [hbm4b:s15+s2], $0x680, $0x38;
	[tilespmem:$0x1AD80] =	vst v63  }
0x77: {  	s18 =	simm.s32 $0x5480;
	s15 =	rddreg [dreg:$0x1c]  }
0x78: {  	[tilespmem:s18], [sflag:$0x1] =	stream.linear.gather [hbm4b:s17+s2], $0x680, $0x38;
	[tilespmem:$0x1AD80] =	vst v63  }
0x79: {  	s16 =	simm.s32 $0x12480;
	s17 =	rddreg [dreg:$0x1d]  }
0x7a: {  	[tilespmem:s16], [sflag:$0x1] =	stream.linear.gather [hbm4b:s15+s2], $0x680, $0x38;
	[tilespmem:$0x1AD80] =	vst v63  }
0x7b: {  	s18 =	simm.s32 $0x5B00;
	s15 =	rddreg [dreg:$0x1e]  }
0x7c: {  	[tilespmem:s18], [sflag:$0x1] =	stream.linear.gather [hbm4b:s17+s2], $0x680, $0x38;
	[tilespmem:$0x1AD80] =	vst v63  }
0x7d: {  	s16 =	simm.s32 $0x12B00;
	s17 =	rddreg [dreg:$0x1f]  }
0x7e: {  	[tilespmem:s16], [sflag:$0x1] =	stream.linear.gather [hbm4b:s15+s2], $0x680, $0x38;
	[tilespmem:$0x1AD80] =	vst v63  }
0x7f: {  	s18 =	simm.s32 $0x6180;
	s15 =	sld [smem:$0x7ED]  }
0x80: {  	[tilespmem:s18], [sflag:$0x1] =	stream.linear.gather [hbm4b:s17+s2], $0x680, $0x38;
	[tilespmem:$0x1AD80] =	vst v63  }
0x81: {  	s16 =	simm.s32 $0x13180;
	s17 =	sld [smem:$0x7EE]  }
0x82: {  	[tilespmem:s16], [sflag:$0x1] =	stream.linear.gather [hbm4b:s15+s2], $0x680, $0x38;
	[tilespmem:$0x1AD80] =	vst v63  }
0x83: {  	s18 =	simm.s32 $0x6800;
	s15 =	sld [smem:$0x7EF]  }
0x84: {  	[tilespmem:s18], [sflag:$0x1] =	stream.linear.gather [hbm4b:s17+s2], $0x680, $0x38;
	[tilespmem:$0x1AD80] =	vst v63  }
0x85: {  	s16 =	simm.s32 $0x13800;
	s17 =	sld [smem:$0x7F0]  }
0x86: {  	[tilespmem:s16], [sflag:$0x1] =	stream.linear.gather [hbm4b:s15+s2], $0x680, $0x38;
	[tilespmem:$0x1AD80] =	vst v63  }
0x87: {  	s18 =	simm.s32 $0x6E80;
	s15 =	sld [smem:$0x7F1]  }
0x88: {  	[tilespmem:s18], [sflag:$0x1] =	stream.linear.gather [hbm4b:s17+s2], $0x680, $0x38;
	[tilespmem:$0x1AD80] =	vst v63  }
0x89: {  	s16 =	simm.s32 $0x13E80;
	s17 =	sld [smem:$0x7F2]  }
0x8a: {  	[tilespmem:s16], [sflag:$0x1] =	stream.linear.gather [hbm4b:s15+s2], $0x680, $0x38;
	[tilespmem:$0x1AD80] =	vst v63  }
0x8b: {  	s18 =	simm.s32 $0x7500;
	s15 =	sld [smem:$0x7F3]  }
0x8c: {  	[tilespmem:s18], [sflag:$0x1] =	stream.linear.gather [hbm4b:s17+s2], $0x680, $0x38;
	[tilespmem:$0x1AD80] =	vst v63  }
0x8d: {  	s16 =	simm.s32 $0x14500;
	s17 =	sld [smem:$0x7F4]  }
0x8e: {  	[tilespmem:s16], [sflag:$0x1] =	stream.linear.gather [hbm4b:s15+s2], $0x680, $0x38;
	[tilespmem:$0x1AD80] =	vst v63  }
0x8f: {  	s18 =	simm.s32 $0x7B80;
	s15 =	sld [smem:$0x7F5]  }
0x90: {  	[tilespmem:s18], [sflag:$0x1] =	stream.linear.gather [hbm4b:s17+s2], $0x680, $0x38;
	[tilespmem:$0x1AD80] =	vst v63  }
0x91: {  	s16 =	simm.s32 $0x14B80;
	s17 =	sld [smem:$0x7F6]  }
0x92: {  	[tilespmem:s16], [sflag:$0x1] =	stream.linear.gather [hbm4b:s15+s2], $0x680, $0x38;
	[tilespmem:$0x1AD80] =	vst v63  }
0x93: {  	s18 =	simm.s32 $0x8200;
	s15 =	sld [smem:$0x7F7]  }
0x94: {  	[tilespmem:s18], [sflag:$0x1] =	stream.linear.gather [hbm4b:s17+s2], $0x680, $0x38;
	[tilespmem:$0x1AD80] =	vst v63  }
0x95: {  	s16 =	simm.s32 $0x15200;
	s17 =	sld [smem:$0x7F8]  }
0x96: {  	[tilespmem:s16], [sflag:$0x1] =	stream.linear.gather [hbm4b:s15+s2], $0x680, $0x38;
	[tilespmem:$0x1AD80] =	vst v63  }
0x97: {  	s18 =	simm.s32 $0x8880;
	s15 =	sld [smem:$0x7F9]  }
0x98: {  	[tilespmem:s18], [sflag:$0x1] =	stream.linear.gather [hbm4b:s17+s2], $0x680, $0x38;
	[tilespmem:$0x1AD80] =	vst v63  }
0x99: {  	s16 =	simm.s32 $0x15880;
	s17 =	sld [smem:$0x7FA]  }
0x9a: {  	[tilespmem:s16], [sflag:$0x1] =	stream.linear.gather [hbm4b:s15+s2], $0x680, $0x38;
	[tilespmem:$0x1AD80] =	vst v63  }
0x9b: {  	s18 =	simm.s32 $0x8F00;
	s15 =	sld [smem:$0x7FB]  }
0x9c: {  	[tilespmem:s18], [sflag:$0x1] =	stream.linear.gather [hbm4b:s17+s2], $0x680, $0x38;
	[tilespmem:$0x1AD80] =	vst v63  }
0x9d: {  	s16 =	simm.s32 $0x15F00;
	s17 =	sld [smem:$0x7FC]  }
0x9e: {  	[tilespmem:s16], [sflag:$0x1] =	stream.linear.gather [hbm4b:s15+s2], $0x680, $0x38;
	[tilespmem:$0x1AD80] =	vst v63  }
0x9f: {  	s18 =	simm.s32 $0x9580;
	s16 =	sld [smem:$0x7FD]  }
0xa0: {  	[tilespmem:s18], [sflag:$0x1] =	stream.linear.gather [hbm4b:s17+s2], $0x680, $0x38;
	[tilespmem:$0x1AD80] =	vst v63  }
0xa1: {  	s17 =	simm.s32 $0x16580  }
0xa2: {  	[tilespmem:s17], [sflag:$0x1] =	stream.linear.gather [hbm4b:s16+s2], $0x680, $0x38;
	[tilespmem:$0x1AD80] =	vst v63  }
0xa3: {  	s18 =	simm.s32 $0x9C00  }
0xa4: {  	[tilespmem:s18], [sflag:$0x1] =	stream.linear.gather [hbm4b:s19+s2], $0x680, $0x38;
	[tilespmem:$0x1AD80] =	vst v63  }
0xa5: {  	s15 =	simm.s32 $0x16C00  }
0xa6: {  	[tilespmem:s15], [sflag:$0x1] =	stream.linear.gather [hbm4b:s20+s2], $0x680, $0x38;
	[tilespmem:$0x1AD80] =	vst v63  }
0xa7: {  	s16 =	simm.s32 $0xA280  }
0xa8: {  	[tilespmem:s16], [sflag:$0x1] =	stream.linear.gather [hbm4b:s21+s2], $0x680, $0x38;
	[tilespmem:$0x1AD80] =	vst v63  }
0xa9: {  	s17 =	simm.s32 $0x17280  }
0xaa: {  	[tilespmem:s17], [sflag:$0x1] =	stream.linear.gather [hbm4b:s22+s2], $0x680, $0x38;
	[tilespmem:$0x1AD80] =	vst v63  }
0xab: {  	s18 =	simm.s32 $0xA900  }
0xac: {  	[tilespmem:s18], [sflag:$0x1] =	stream.linear.gather [hbm4b:s23+s2], $0x680, $0x38;
	[tilespmem:$0x1AD80] =	vst v63  }
0xad: {  	s15 =	simm.s32 $0x17900  }
0xae: {  	[tilespmem:s15], [sflag:$0x1] =	stream.linear.gather [hbm4b:s24+s2], $0x680, $0x38;
	[tilespmem:$0x1AD80] =	vst v63  }
0xaf: {  	s16 =	simm.s32 $0xAF80  }
0xb0: {  	[tilespmem:s16], [sflag:$0x1] =	stream.linear.gather [hbm4b:s25+s2], $0x680, $0x38;
	[tilespmem:$0x1AD80] =	vst v63  }
0xb1: {  	s17 =	simm.s32 $0x17F80  }
0xb2: {  	[tilespmem:s17], [sflag:$0x1] =	stream.linear.gather [hbm4b:s26+s2], $0x680, $0x38;
	[tilespmem:$0x1AD80] =	vst v63  }
0xb3: {  	s18 =	simm.s32 $0xB600  }
0xb4: {  	[tilespmem:s18], [sflag:$0x1] =	stream.linear.gather [hbm4b:s28+s2], $0x680, $0x38;
	[tilespmem:$0x1AD80] =	vst v63  }
0xb5: {  	s15 =	simm.s32 $0x18600  }
0xb6: {  	[tilespmem:s15], [sflag:$0x1] =	stream.linear.gather [hbm4b:s29+s2], $0x680, $0x38;
	[tilespmem:$0x1AD80] =	vst v63  }
0xb7: {  	s16 =	simm.s32 $0xBC80  }
0xb8: {  	[tilespmem:s16], [sflag:$0x1] =	stream.linear.gather [hbm4b:s30+s2], $0x680, $0x38;
	[tilespmem:$0x1AD80] =	vst v63  }
0xb9: {  	s17 =	simm.s32 $0x18C80  }
0xba: {  	[tilespmem:s17], [sflag:$0x1] =	stream.linear.gather [hbm4b:s31+s2], $0x680, $0x38;
	[tilespmem:$0x1AD80] =	vst v63  }
0xbb: {  	s18 =	simm.s32 $0xC300  }
0xbc: {  	[tilespmem:s18], [sflag:$0x1] =	stream.linear.gather [hbm4b:s1+s2], $0x680, $0x38;
	[tilespmem:$0x1AD80] =	vst v63  }
0xbd: {  	s15 =	simm.s32 $0x19300  }
0xbe: {  	[tilespmem:s15], [sflag:$0x1] =	stream.linear.gather [hbm4b:s0+s2], $0x680, $0x38;
	[tilespmem:$0x1AD80] =	vst v63  }
0xbf: {  	s16 =	simm.s32 $0xC980  }
0xc0: {  	[tilespmem:s16], [sflag:$0x1] =	stream.linear.gather [hbm4b:s4+s2], $0x680, $0x38;
	[tilespmem:$0x1AD80] =	vst v63  }
0xc1: {  	s17 =	simm.s32 $0x19980  }
0xc2: {  	[tilespmem:s17], [sflag:$0x1] =	stream.linear.gather [hbm4b:s5+s2], $0x680, $0x38;
	[tilespmem:$0x1AD80] =	vst v63  }
0xc3: {  	_ =	swait.ge [sflag:s12], $0x680  }
0xc4: {  	[sflag:s12] =	ssyncset.done $0x0  }
0xc5: {  	[sflag:s12] =	ssyncadd.s32 $0xFFFFF980  }
0xc6: {  	_ =	swait.ge [sflag:s12], $0x680  }
0xc7: {  	[sflag:s12] =	ssyncset.done $0x0  }
0xc8: {  	[sflag:s12] =	ssyncadd.s32 $0xFFFFF980  }
0xc9: {  	_ =	swait.ge [sflag:s12], $0x680  }
0xca: {  	[sflag:s12] =	ssyncset.done $0x0  }
0xcb: {  	[sflag:s12] =	ssyncadd.s32 $0xFFFFF980  }
0xcc: {  	_ =	swait.ge [sflag:s12], $0x680  }
0xcd: {  	[sflag:s12] =	ssyncset.done $0x0  }
0xce: {  	[sflag:s12] =	ssyncadd.s32 $0xFFFFF980  }
0xcf: {  	_ =	swait.ge [sflag:s12], $0x680  }
0xd0: {  	[sflag:s12] =	ssyncset.done $0x0  }
0xd1: {  	[sflag:s12] =	ssyncadd.s32 $0xFFFFF980  }
0xd2: {  	_ =	swait.ge [sflag:s12], $0x680  }
0xd3: {  	[sflag:s12] =	ssyncset.done $0x0  }
0xd4: {  	[sflag:s12] =	ssyncadd.s32 $0xFFFFF980  }
0xd5: {  	_ =	swait.ge [sflag:s12], $0x680  }
0xd6: {  	[sflag:s12] =	ssyncset.done $0x0  }
0xd7: {  	[sflag:s12] =	ssyncadd.s32 $0xFFFFF980  }
0xd8: {  	_ =	swait.ge [sflag:s12], $0x680  }
0xd9: {  	[sflag:s12] =	ssyncset.done $0x0  }
0xda: {  	[sflag:s12] =	ssyncadd.s32 $0xFFFFF980  }
0xdb: {  	_ =	swait.ge [sflag:s12], $0x680  }
0xdc: {  	[sflag:s12] =	ssyncset.done $0x0  }
0xdd: {  	[sflag:s12] =	ssyncadd.s32 $0xFFFFF980  }
0xde: {  	_ =	swait.ge [sflag:s12], $0x680  }
0xdf: {  	[sflag:s12] =	ssyncset.done $0x0  }
0xe0: {  	[sflag:s12] =	ssyncadd.s32 $0xFFFFF980  }
0xe1: {  	_ =	swait.ge [sflag:s12], $0x680  }
0xe2: {  	[sflag:s12] =	ssyncset.done $0x0  }
0xe3: {  	[sflag:s12] =	ssyncadd.s32 $0xFFFFF980  }
0xe4: {  	_ =	swait.ge [sflag:s12], $0x680  }
0xe5: {  	[sflag:s12] =	ssyncset.done $0x0  }
0xe6: {  	[sflag:s12] =	ssyncadd.s32 $0xFFFFF980  }
0xe7: {  	_ =	swait.ge [sflag:s12], $0x680  }
0xe8: {  	[sflag:s12] =	ssyncset.done $0x0  }
0xe9: {  	[sflag:s12] =	ssyncadd.s32 $0xFFFFF980  }
0xea: {  	_ =	swait.ge [sflag:s12], $0x680  }
0xeb: {  	[sflag:s12] =	ssyncset.done $0x0  }
0xec: {  	[sflag:s12] =	ssyncadd.s32 $0xFFFFF980  }
0xed: {  	_ =	swait.ge [sflag:s12], $0x680  }
0xee: {  	[sflag:s12] =	ssyncset.done $0x0  }
0xef: {  	[sflag:s12] =	ssyncadd.s32 $0xFFFFF980  }
0xf0: {  	_ =	swait.ge [sflag:s12], $0x680  }
0xf1: {  	[sflag:s12] =	ssyncset.done $0x0  }
0xf2: {  	[sflag:s12] =	ssyncadd.s32 $0xFFFFF980  }
0xf3: {  	_ =	swait.ge [sflag:s12], $0x680  }
0xf4: {  	[sflag:s12] =	ssyncset.done $0x0  }
0xf5: {  	[sflag:s12] =	ssyncadd.s32 $0xFFFFF980  }
0xf6: {  	_ =	swait.ge [sflag:s12], $0x680  }
0xf7: {  	[sflag:s12] =	ssyncset.done $0x0  }
0xf8: {  	[sflag:s12] =	ssyncadd.s32 $0xFFFFF980  }
0xf9: {  	_ =	swait.ge [sflag:s12], $0x680  }
0xfa: {  	[sflag:s12] =	ssyncset.done $0x0  }
0xfb: {  	[sflag:s12] =	ssyncadd.s32 $0xFFFFF980  }
0xfc: {  	_ =	swait.ge [sflag:s12], $0x680  }
0xfd: {  	[sflag:s12] =	ssyncset.done $0x0  }
0xfe: {  	[sflag:s12] =	ssyncadd.s32 $0xFFFFF980  }
0xff: {  	_ =	swait.ge [sflag:s12], $0x680  }
0x100: {  	[sflag:s12] =	ssyncset.done $0x0  }
0x101: {  	[sflag:s12] =	ssyncadd.s32 $0xFFFFF980  }
0x102: {  	_ =	swait.ge [sflag:s12], $0x680  }
0x103: {  	[sflag:s12] =	ssyncset.done $0x0  }
0x104: {  	[sflag:s12] =	ssyncadd.s32 $0xFFFFF980  }
0x105: {  	_ =	swait.ge [sflag:s12], $0x680  }
0x106: {  	[sflag:s12] =	ssyncset.done $0x0  }
0x107: {  	[sflag:s12] =	ssyncadd.s32 $0xFFFFF980  }
0x108: {  	_ =	swait.ge [sflag:s12], $0x680  }
0x109: {  	[sflag:s12] =	ssyncset.done $0x0  }
0x10a: {  	[sflag:s12] =	ssyncadd.s32 $0xFFFFF980  }
0x10b: {  	_ =	swait.ge [sflag:s12], $0x680  }
0x10c: {  	[sflag:s12] =	ssyncset.done $0x0  }
0x10d: {  	[sflag:s12] =	ssyncadd.s32 $0xFFFFF980  }
0x10e: {  	_ =	swait.ge [sflag:s12], $0x680  }
0x10f: {  	[sflag:s12] =	ssyncset.done $0x0  }
0x110: {  	[sflag:s12] =	ssyncadd.s32 $0xFFFFF980  }
0x111: {  	_ =	swait.ge [sflag:s12], $0x680  }
0x112: {  	[sflag:s12] =	ssyncset.done $0x0  }
0x113: {  	[sflag:s12] =	ssyncadd.s32 $0xFFFFF980  }
0x114: {  	_ =	swait.ge [sflag:s12], $0x680  }
0x115: {  	[sflag:s12] =	ssyncset.done $0x0  }
0x116: {  	[sflag:s12] =	ssyncadd.s32 $0xFFFFF980  }
0x117: {  	_ =	swait.ge [sflag:s12], $0x680  }
0x118: {  	[sflag:s12] =	ssyncset.done $0x0  }
0x119: {  	[sflag:s12] =	ssyncadd.s32 $0xFFFFF980  }
0x11a: {  	_ =	swait.ge [sflag:s12], $0x680  }
0x11b: {  	[sflag:s12] =	ssyncset.done $0x0  }
0x11c: {  	[sflag:s12] =	ssyncadd.s32 $0xFFFFF980  }
0x11d: {  	_ =	swait.ge [sflag:s12], $0x680  }
0x11e: {  	[sflag:s12] =	ssyncset.done $0x0  }
0x11f: {  	[sflag:s12] =	ssyncadd.s32 $0xFFFFF980  }
0x120: {  	_ =	swait.ge [sflag:s12], $0x680  }
0x121: {  	[sflag:s12] =	ssyncset.done $0x0  }
0x122: {  	[sflag:s12] =	ssyncadd.s32 $0xFFFFF980  }
0x123: {  	_ =	swait.ge [sflag:s12], $0x680  }
0x124: {  	[sflag:s12] =	ssyncset.done $0x0  }
0x125: {  	[sflag:s12] =	ssyncadd.s32 $0xFFFFF980  }
0x126: {  	_ =	swait.ge [sflag:s12], $0x680  }
0x127: {  	[sflag:s12] =	ssyncset.done $0x0  }
0x128: {  	[sflag:s12] =	ssyncadd.s32 $0xFFFFF980  }
0x129: {  	_ =	swait.ge [sflag:s12], $0x680  }
0x12a: {  	[sflag:s12] =	ssyncset.done $0x0  }
0x12b: {  	[sflag:s12] =	ssyncadd.s32 $0xFFFFF980  }
0x12c: {  	_ =	swait.ge [sflag:s12], $0x680  }
0x12d: {  	[sflag:s12] =	ssyncset.done $0x0  }
0x12e: {  	[sflag:s12] =	ssyncadd.s32 $0xFFFFF980  }
0x12f: {  	_ =	swait.ge [sflag:s12], $0x680  }
0x130: {  	[sflag:s12] =	ssyncset.done $0x0  }
0x131: {  	[sflag:s12] =	ssyncadd.s32 $0xFFFFF980  }
0x132: {  	_ =	swait.ge [sflag:s12], $0x680  }
0x133: {  	[sflag:s12] =	ssyncset.done $0x0  }
0x134: {  	[sflag:s12] =	ssyncadd.s32 $0xFFFFF980  }
0x135: {  	_ =	swait.ge [sflag:s12], $0x680  }
0x136: {  	[sflag:s12] =	ssyncset.done $0x0  }
0x137: {  	[sflag:s12] =	ssyncadd.s32 $0xFFFFF980  }
0x138: {  	_ =	swait.ge [sflag:s12], $0x680  }
0x139: {  	[sflag:s12] =	ssyncset.done $0x0  }
0x13a: {  	[sflag:s12] =	ssyncadd.s32 $0xFFFFF980  }
0x13b: {  	_ =	swait.ge [sflag:s12], $0x680  }
0x13c: {  	[sflag:s12] =	ssyncset.done $0x0  }
0x13d: {  	[sflag:s12] =	ssyncadd.s32 $0xFFFFF980  }
0x13e: {  	_ =	swait.ge [sflag:s12], $0x680  }
0x13f: {  	[sflag:s12] =	ssyncset.done $0x0  }
0x140: {  	[sflag:s12] =	ssyncadd.s32 $0xFFFFF980  }
0x141: {  	_ =	swait.ge [sflag:s12], $0x680  }
0x142: {  	[sflag:s12] =	ssyncset.done $0x0  }
0x143: {  	[sflag:s12] =	ssyncadd.s32 $0xFFFFF980  }
0x144: {  	_ =	swait.ge [sflag:s12], $0x680  }
0x145: {  	[sflag:s12] =	ssyncset.done $0x0  }
0x146: {  	[sflag:s12] =	ssyncadd.s32 $0xFFFFF980  }
0x147: {  	_ =	swait.ge [sflag:s12], $0x680  }
0x148: {  	[sflag:s12] =	ssyncset.done $0x0  }
0x149: {  	[sflag:s12] =	ssyncadd.s32 $0xFFFFF980  }
0x14a: {  	_ =	swait.ge [sflag:s12], $0x680  }
0x14b: {  	[sflag:s12] =	ssyncset.done $0x0  }
0x14c: {  	[sflag:s12] =	ssyncadd.s32 $0xFFFFF980  }
0x14d: {  	_ =	swait.ge [sflag:s12], $0x680  }
0x14e: {  	[sflag:s12] =	ssyncset.done $0x0  }
0x14f: {  	[sflag:s12] =	ssyncadd.s32 $0xFFFFF980  }
0x150: {  	_ =	swait.ge [sflag:s12], $0x680  }
0x151: {  	[sflag:s12] =	ssyncset.done $0x0  }
0x152: {  	[sflag:s12] =	ssyncadd.s32 $0xFFFFF980  }
0x153: {  	_ =	swait.ge [sflag:s12], $0x680  }
0x154: {  	[sflag:s12] =	ssyncset.done $0x0  }
0x155: {  	[sflag:s12] =	ssyncadd.s32 $0xFFFFF980  }
0x156: {  	_ =	swait.ge [sflag:s12], $0x680  }
0x157: {  	[sflag:s12] =	ssyncset.done $0x0  }
0x158: {  	[sflag:s12] =	ssyncadd.s32 $0xFFFFF980  }
0x159: {  	_ =	swait.ge [sflag:s12], $0x680  }
0x15a: {  	[sflag:s12] =	ssyncset.done $0x0  }
0x15b: {  	[sflag:s12] =	ssyncadd.s32 $0xFFFFF980  }
0x15c: {  	_ =	swait.ge [sflag:s12], $0x680  }
0x15d: {  	[sflag:s12] =	ssyncset.done $0x0  }
0x15e: {  	[sflag:s12] =	ssyncadd.s32 $0xFFFFF980  }
0x15f: {  	_ =	swait.ge [sflag:s12], $0x680  }
0x160: {  	[sflag:s12] =	ssyncset.done $0x0  }
0x161: {  	[sflag:s12] =	ssyncadd.s32 $0xFFFFF980  }
0x162: {  	_ =	swait.ge [sflag:s12], $0x680  }
0x163: {  	[sflag:s12] =	ssyncset.done $0x0  }
0x164: {  	[sflag:s12] =	ssyncadd.s32 $0xFFFFF980  }
0x165: {  	_ =	swait.ge [sflag:s12], $0x680  }
0x166: {  	[sflag:s12] =	ssyncset.done $0x0  }
0x167: {  	[sflag:s12] =	ssyncadd.s32 $0xFFFFF980  }
0x168: {  	_ =	swait.ge [sflag:s12], $0x680  }
0x169: {  	[sflag:s12] =	ssyncset.done $0x0  }
0x16a: {  	[sflag:s12] =	ssyncadd.s32 $0xFFFFF980  }
0x16b: {  	_ =	swait.ge [sflag:s12], $0x680  }
0x16c: {  	[sflag:s12] =	ssyncset.done $0x0  }
0x16d: {  	[sflag:s12] =	ssyncadd.s32 $0xFFFFF980  }
0x16e: {  	_ =	swait.ge [sflag:s12], $0x680  }
0x16f: {  	[sflag:s12] =	ssyncset.done $0x0  }
0x170: {  	[sflag:s12] =	ssyncadd.s32 $0xFFFFF980  }
0x171: {  	_ =	swait.ge [sflag:s12], $0x680  }
0x172: {  	[sflag:s12] =	ssyncset.done $0x0  }
0x173: {  	[sflag:s12] =	ssyncadd.s32 $0xFFFFF980  }
0x174: {  	_ =	swait.ge [sflag:s12], $0x680  }
0x175: {  	[sflag:s12] =	ssyncset.done $0x0  }
0x176: {  	[sflag:s12] =	ssyncadd.s32 $0xFFFFF980  }
0x177: {  	_ =	swait.ge [sflag:s12], $0x680  }
0x178: {  	[sflag:s12] =	ssyncset.done $0x0  }
0x179: {  	[sflag:s12] =	ssyncadd.s32 $0xFFFFF980  }
0x17a: {  	_ =	swait.ge [sflag:s12], $0x680  }
0x17b: {  	[sflag:s12] =	ssyncset.done $0x0  }
0x17c: {  	[sflag:s12] =	ssyncadd.s32 $0xFFFFF980  }
0x17d: {  	_ =	swait.ge [sflag:s12], $0x680  }
0x17e: {  	[sflag:s12] =	ssyncset.done $0x0  }
0x17f: {  	[sflag:s12] =	ssyncadd.s32 $0xFFFFF980  }
0x180: {  	_ =	swait.ge [sflag:s12], $0x680  }
0x181: {  	[sflag:s12] =	ssyncset.done $0x0  }
0x182: {  	s14 =	simm.s32 $0x0;
	[sflag:s12] =	ssyncadd.s32 $0xFFFFF980  }
0x183: {  	v1 =	vld [tilespmem:s14+$0x0]  }
0x184: {  	s15 =	sand.u32 $0x7F0, s2  }
0x185: {  	v2 =	vld [tilespmem:s15+$0x680];
	_ =	sdelay $0x1  }
0x186: {  	v3 =	vld [tilespmem:s15+$0xD00]  }
0x187: {  	v1 =	vadd.f32 $0.0e+00, v1  }
0x188: {  	v4 =	vld [tilespmem:s15+$0x1380]  }
0x189: {  	v1 =	vadd.f32 v2, v1  }
0x18a: {  	v2 =	vld [tilespmem:s15+$0x1A00]  }
0x18b: {  	v5 =	vld [tilespmem:s14+$0xD000];
	v1 =	vadd.f32 v3, v1  }
0x18c: {  	v3 =	vld [tilespmem:s15+$0x2080]  }
0x18d: {  	v30 =	vld [tilespmem:s15+$0x2700];
	v1 =	vadd.f32 v4, v1  }
0x18e: {  	v6 =	vld [tilespmem:s15+$0xD680]  }
0x18f: {  	v7 =	vld [tilespmem:s15+$0xDD00];
	v1 =	vadd.f32 v2, v1  }
0x190: {  	v2 =	vld [tilespmem:s15+$0x2D80]  }
0x191: {  	v8 =	vld [tilespmem:s15+$0xE380];
	v5 =	vadd.f32 $0.0e+00, v5;
	v1 =	vadd.f32 v3, v1  }
0x192: {  	v3 =	vld [tilespmem:s15+$0x3400]  }
0x193: {  	v31 =	vld [tilespmem:s15+$0x3A80];
	v5 =	vadd.f32 v6, v5;
	v1 =	vadd.f32 v30, v1  }
0x194: {  	v32 =	vld [tilespmem:s15+$0xEA00]  }
0x195: {  	v33 =	vld [tilespmem:s15+$0xF080];
	v5 =	vadd.f32 v7, v5;
	v1 =	vadd.f32 v2, v1  }
0x196: {  	v2 =	vld [tilespmem:s15+$0x4100]  }
0x197: {  	v34 =	vld [tilespmem:s15+$0xF700];
	v5 =	vadd.f32 v8, v5;
	v1 =	vadd.f32 v3, v1  }
0x198: {  	v3 =	vld [tilespmem:s15+$0x4780]  }
0x199: {  	v35 =	vld [tilespmem:s15+$0x4E00];
	v5 =	vadd.f32 v32, v5;
	v1 =	vadd.f32 v31, v1  }
0x19a: {  	s16 =	sadd.s32 $0x3400, s15;
	v36 =	vld [tilespmem:s15+$0xFD80]  }
0x19b: {  	v37 =	vld [tilespmem:s16+$0xD000];
	v5 =	vadd.f32 v33, v5;
	v1 =	vadd.f32 v2, v1  }
0x19c: {  	s18 =	sadd.s32 $0x3A80, s15;
	v2 =	vld [tilespmem:s15+$0x5480]  }
0x19d: {  	v38 =	vld [tilespmem:s18+$0xD000];
	v5 =	vadd.f32 v34, v5;
	v1 =	vadd.f32 v3, v1  }
0x19e: {  	v3 =	vld [tilespmem:s15+$0x5B00]  }
0x19f: {  	s17 =	sadd.s32 $0x4100, s15;
	v39 =	vld [tilespmem:s15+$0x6180];
	v5 =	vadd.f32 v36, v5;
	v1 =	vadd.f32 v35, v1  }
0x1a0: {  	v40 =	vld [tilespmem:s17+$0xD000];
	s18 =	sadd.s32 $0x4780, s15  }
0x1a1: {  	v41 =	vld [tilespmem:s18+$0xD000];
	v5 =	vadd.f32 v37, v5;
	v1 =	vadd.f32 v2, v1  }
0x1a2: {  	s17 =	sadd.s32 $0x4E00, s15;
	v2 =	vld [tilespmem:s14+$0x6800]  }
0x1a3: {  	v42 =	vld [tilespmem:s17+$0xD000];
	v5 =	vadd.f32 v38, v5;
	v1 =	vadd.f32 v3, v1  }
0x1a4: {  	v3 =	vld [tilespmem:s15+$0x6E80]  }
0x1a5: {  	v43 =	vld [tilespmem:s15+$0x7500];
	s18 =	sadd.s32 $0x5480, s15;
	v5 =	vadd.f32 v40, v5;
	v1 =	vadd.f32 v39, v1  }
0x1a6: {  	s17 =	sadd.s32 $0x5B00, s15;
	v44 =	vld [tilespmem:s18+$0xD000]  }
0x1a7: {  	v45 =	vld [tilespmem:s17+$0xD000];
	v5 =	vadd.f32 v41, v5;
	v1 =	vadd.f32 v2, v1  }
0x1a8: {  	s18 =	sadd.s32 $0x6180, s15;
	v2 =	vld [tilespmem:s15+$0x7B80]  }
0x1a9: {  	v46 =	vld [tilespmem:s18+$0xD000];
	v5 =	vadd.f32 v42, v5;
	v1 =	vadd.f32 v3, v1  }
0x1aa: {  	v3 =	vld [tilespmem:s15+$0x8200]  }
0x1ab: {  	v47 =	vld [tilespmem:s14+$0x13800];
	v5 =	vadd.f32 v44, v5;
	v1 =	vadd.f32 v43, v1  }
0x1ac: {  	v48 =	vld [tilespmem:s15+$0x8880];
	s17 =	sadd.s32 $0x6E80, s15  }
0x1ad: {  	v49 =	vld [tilespmem:s17+$0xD000];
	v5 =	vadd.f32 v45, v5;
	v1 =	vadd.f32 v2, v1  }
0x1ae: {  	s18 =	sadd.s32 $0x7500, s15;
	v2 =	vld [tilespmem:s15+$0x8F00]  }
0x1af: {  	v50 =	vld [tilespmem:s18+$0xD000];
	v5 =	vadd.f32 v46, v5;
	v1 =	vadd.f32 v3, v1  }
0x1b0: {  	v3 =	vld [tilespmem:s15+$0x9580]  }
0x1b1: {  	v51 =	vld [tilespmem:s15+$0x9C00];
	s17 =	sadd.s32 $0x7B80, s15;
	v5 =	vadd.f32 v47, v5;
	v1 =	vadd.f32 v48, v1  }
0x1b2: {  	v52 =	vld [tilespmem:s17+$0xD000];
	s18 =	sadd.s32 $0x8200, s15  }
0x1b3: {  	v53 =	vld [tilespmem:s18+$0xD000];
	v5 =	vadd.f32 v49, v5;
	v1 =	vadd.f32 v2, v1  }
0x1b4: {  	s17 =	sadd.s32 $0x8880, s15;
	v2 =	vld [tilespmem:s15+$0xA280]  }
0x1b5: {  	v54 =	vld [tilespmem:s17+$0xD000];
	v5 =	vadd.f32 v50, v5;
	v1 =	vadd.f32 v3, v1  }
0x1b6: {  	v3 =	vld [tilespmem:s15+$0xA900]  }
0x1b7: {  	v55 =	vld [tilespmem:s15+$0xAF80];
	s18 =	sadd.s32 $0x8F00, s15;
	v5 =	vadd.f32 v52, v5;
	v1 =	vadd.f32 v51, v1  }
0x1b8: {  	s17 =	sadd.s32 $0x9580, s15;
	v56 =	vld [tilespmem:s18+$0xD000]  }
0x1b9: {  	v57 =	vld [tilespmem:s17+$0xD000];
	v5 =	vadd.f32 v53, v5;
	v1 =	vadd.f32 v2, v1  }
0x1ba: {  	s18 =	sadd.s32 $0x9C00, s15;
	v2 =	vld [tilespmem:s15+$0xB600]  }
0x1bb: {  	v58 =	vld [tilespmem:s18+$0xD000];
	v5 =	vadd.f32 v54, v5;
	v1 =	vadd.f32 v3, v1  }
0x1bc: {  	v3 =	vld [tilespmem:s15+$0xBC80]  }
0x1bd: {  	v59 =	vld [tilespmem:s15+$0xC300];
	s17 =	sadd.s32 $0xA280, s15;
	v5 =	vadd.f32 v56, v5;
	v1 =	vadd.f32 v55, v1  }
0x1be: {  	v60 =	vld [tilespmem:s17+$0xD000];
	s18 =	sadd.s32 $0xA900, s15  }
0x1bf: {  	v61 =	vld [tilespmem:s18+$0xD000];
	v5 =	vadd.f32 v57, v5;
	v1 =	vadd.f32 v2, v1  }
0x1c0: {  	v2 =	vld [tilespmem:s15+$0xC980]  }
0x1c1: {  	s17 =	sadd.s32 $0xAF80, s15;
	v5 =	vadd.f32 v58, v5;
	v1 =	vadd.f32 v3, v1  }
0x1c2: {  	v3 =	vld [tilespmem:s17+$0xD000]  }
0x1c3: {  	s18 =	sadd.s32 $0xB600, s15;
	v5 =	vadd.f32 v60, v5;
	v1 =	vadd.f32 v59, v1  }
0x1c4: {  	v62 =	vld [tilespmem:s18+$0xD000]  }
0x1c5: {  	v5 =	vadd.f32 v61, v5;
	s17 =	sadd.s32 $0xBC80, s15;
	v1 =	vadd.f32 v2, v1  }
0x1c6: {  	v2 =	vld [tilespmem:s17+$0xD000]  }
0x1c7: {  	s18 =	sadd.s32 $0xC300, s15;
	v3 =	vadd.f32 v3, v5;
	v1 =	vadd.f32 v1, v0  }
0x1c8: {  	v63 =	vld [tilespmem:s18+$0xD000]  }
0x1c9: {  	s15 =	sadd.s32 $0xC980, s15;
	v3 =	vadd.f32 v62, v3;
	(erf) = vrcp.f32 v1  }
0x1ca: {  	v1 =	vld [tilespmem:s15+$0xD000]  }
0x1cb: {  	v2 =	vadd.f32 v2, v3  }
0x1cc: {  	v3 =	vld [tilespmem:s14+$0x1A000]  }
0x1cd: {  	v2 =	vadd.f32 v63, v2;
	_ =	sdelay $0x1  }
0x1ce: {  	v1 =	vadd.f32 v1, v2;
	_ =	sdelay $0x1  }
0x1cf: {  	v1 =	vadd.f32 v1, v3  }
0x1d0: {  	v2 =	vpop (erf)  }
0x1d1: {  	s16 =	simm.s32 $0x80;
	s18 =	simm.s32 $0x10;
	s15 =	simm.s32 $0x0;
	v1 =	vmul.f32 v2, v1  }
.LBB2_2:
0x1d2: {  	p0 =	sne.s32 s16, $0x19C0;
	v2 =	vld [tilespmem:s18+$0x0];
	s15 =	sadd.s32 $0x10, s15  }
0x1d3: {  	s17 =	sand.u32 $0x7F0, s15;
	[tilespmem:s14+$0x1A680] =	vst v1;
	s14 =	smov.u32 s18  }
0x1d4: {  	v1 =	vld [tilespmem:s17+$0x680];
	_ =	sdelay $0x1  }
0x1d5: {  	v3 =	vld [tilespmem:s17+$0xD00]  }
0x1d6: {  	v2 =	vadd.f32 $0.0e+00, v2  }
0x1d7: {  	v4 =	vld [tilespmem:s17+$0x1380]  }
0x1d8: {  	v1 =	vadd.f32 v1, v2  }
0x1d9: {  	v2 =	vld [tilespmem:s17+$0x1A00]  }
0x1da: {  	v5 =	vld [tilespmem:s14+$0xD000];
	v1 =	vadd.f32 v3, v1  }
0x1db: {  	v3 =	vld [tilespmem:s17+$0x2080]  }
0x1dc: {  	v1 =	vadd.f32 v4, v1;
	v4 =	vld [tilespmem:s17+$0x2700]  }
0x1dd: {  	v6 =	vld [tilespmem:s17+$0xD680]  }
0x1de: {  	v1 =	vadd.f32 v2, v1;
	v2 =	vld [tilespmem:s17+$0x2D80]  }
0x1df: {  	v7 =	vld [tilespmem:s17+$0xDD00]  }
0x1e0: {  	v5 =	vadd.f32 $0.0e+00, v5;
	v1 =	vadd.f32 v3, v1;
	v3 =	vld [tilespmem:s17+$0x3400]  }
0x1e1: {  	v8 =	vld [tilespmem:s17+$0xE380]  }
0x1e2: {  	v5 =	vadd.f32 v6, v5;
	v1 =	vadd.f32 v4, v1;
	v4 =	vld [tilespmem:s17+$0x3A80]  }
0x1e3: {  	v6 =	vld [tilespmem:s17+$0xEA00]  }
0x1e4: {  	v5 =	vadd.f32 v7, v5;
	v1 =	vadd.f32 v2, v1;
	v2 =	vld [tilespmem:s17+$0x4100]  }
0x1e5: {  	v7 =	vld [tilespmem:s17+$0xF080]  }
0x1e6: {  	v5 =	vadd.f32 v8, v5;
	v1 =	vadd.f32 v3, v1;
	v3 =	vld [tilespmem:s17+$0x4780]  }
0x1e7: {  	v8 =	vld [tilespmem:s17+$0xF700]  }
0x1e8: {  	v5 =	vadd.f32 v6, v5;
	v1 =	vadd.f32 v4, v1;
	v4 =	vld [tilespmem:s17+$0x4E00]  }
0x1e9: {  	v6 =	vld [tilespmem:s17+$0xFD80]  }
0x1ea: {  	s18 =	sadd.s32 $0x3400, s17;
	v5 =	vadd.f32 v7, v5;
	v1 =	vadd.f32 v2, v1;
	v2 =	vld [tilespmem:s17+$0x5480]  }
0x1eb: {  	v7 =	vld [tilespmem:s18+$0xD000]  }
0x1ec: {  	s18 =	sadd.s32 $0x3A80, s17;
	v5 =	vadd.f32 v8, v5;
	v1 =	vadd.f32 v3, v1;
	v3 =	vld [tilespmem:s17+$0x5B00]  }
0x1ed: {  	v8 =	vld [tilespmem:s18+$0xD000]  }
0x1ee: {  	s18 =	sadd.s32 $0x4100, s17;
	v5 =	vadd.f32 v6, v5;
	v1 =	vadd.f32 v4, v1;
	v4 =	vld [tilespmem:s17+$0x6180]  }
0x1ef: {  	v6 =	vld [tilespmem:s18+$0xD000]  }
0x1f0: {  	s18 =	sadd.s32 $0x4780, s17;
	v5 =	vadd.f32 v7, v5;
	v1 =	vadd.f32 v2, v1;
	v2 =	vld [tilespmem:s14+$0x6800]  }
0x1f1: {  	v7 =	vld [tilespmem:s18+$0xD000]  }
0x1f2: {  	s18 =	sadd.s32 $0x4E00, s17;
	v5 =	vadd.f32 v8, v5;
	v1 =	vadd.f32 v3, v1;
	v3 =	vld [tilespmem:s17+$0x6E80]  }
0x1f3: {  	v8 =	vld [tilespmem:s18+$0xD000]  }
0x1f4: {  	s18 =	sadd.s32 $0x5480, s17;
	v5 =	vadd.f32 v6, v5;
	v1 =	vadd.f32 v4, v1;
	v4 =	vld [tilespmem:s17+$0x7500]  }
0x1f5: {  	v6 =	vld [tilespmem:s18+$0xD000]  }
0x1f6: {  	s18 =	sadd.s32 $0x5B00, s17;
	v5 =	vadd.f32 v7, v5;
	v1 =	vadd.f32 v2, v1;
	v2 =	vld [tilespmem:s17+$0x7B80]  }
0x1f7: {  	v7 =	vld [tilespmem:s18+$0xD000]  }
0x1f8: {  	s18 =	sadd.s32 $0x6180, s17;
	v5 =	vadd.f32 v8, v5;
	v1 =	vadd.f32 v3, v1;
	v3 =	vld [tilespmem:s17+$0x8200]  }
0x1f9: {  	v8 =	vld [tilespmem:s18+$0xD000]  }
0x1fa: {  	v5 =	vadd.f32 v6, v5;
	v6 =	vld [tilespmem:s14+$0x13800];
	v1 =	vadd.f32 v4, v1  }
0x1fb: {  	v4 =	vld [tilespmem:s17+$0x8880]  }
0x1fc: {  	s18 =	sadd.s32 $0x6E80, s17;
	v5 =	vadd.f32 v7, v5;
	v1 =	vadd.f32 v2, v1;
	v2 =	vld [tilespmem:s17+$0x8F00]  }
0x1fd: {  	v7 =	vld [tilespmem:s18+$0xD000]  }
0x1fe: {  	s18 =	sadd.s32 $0x7500, s17;
	v5 =	vadd.f32 v8, v5;
	v1 =	vadd.f32 v3, v1;
	v3 =	vld [tilespmem:s17+$0x9580]  }
0x1ff: {  	v8 =	vld [tilespmem:s18+$0xD000]  }
0x200: {  	s18 =	sadd.s32 $0x7B80, s17;
	v5 =	vadd.f32 v6, v5;
	v1 =	vadd.f32 v4, v1;
	v4 =	vld [tilespmem:s17+$0x9C00]  }
0x201: {  	v6 =	vld [tilespmem:s18+$0xD000]  }
0x202: {  	s18 =	sadd.s32 $0x8200, s17;
	v5 =	vadd.f32 v7, v5;
	v1 =	vadd.f32 v2, v1;
	v2 =	vld [tilespmem:s17+$0xA280]  }
0x203: {  	v7 =	vld [tilespmem:s18+$0xD000]  }
0x204: {  	s18 =	sadd.s32 $0x8880, s17;
	v5 =	vadd.f32 v8, v5;
	v1 =	vadd.f32 v3, v1;
	v3 =	vld [tilespmem:s17+$0xA900]  }
0x205: {  	v8 =	vld [tilespmem:s18+$0xD000]  }
0x206: {  	s18 =	sadd.s32 $0x8F00, s17;
	v5 =	vadd.f32 v6, v5;
	v1 =	vadd.f32 v4, v1;
	v4 =	vld [tilespmem:s17+$0xAF80]  }
0x207: {  	v6 =	vld [tilespmem:s18+$0xD000]  }
0x208: {  	s18 =	sadd.s32 $0x9580, s17;
	v5 =	vadd.f32 v7, v5;
	v1 =	vadd.f32 v2, v1;
	v2 =	vld [tilespmem:s17+$0xB600]  }
0x209: {  	v7 =	vld [tilespmem:s18+$0xD000]  }
0x20a: {  	s18 =	sadd.s32 $0x9C00, s17;
	v5 =	vadd.f32 v8, v5;
	v1 =	vadd.f32 v3, v1;
	v3 =	vld [tilespmem:s17+$0xBC80]  }
0x20b: {  	v8 =	vld [tilespmem:s18+$0xD000]  }
0x20c: {  	s18 =	sadd.s32 $0xA280, s17;
	v5 =	vadd.f32 v6, v5;
	v1 =	vadd.f32 v4, v1;
	v4 =	vld [tilespmem:s17+$0xC300]  }
0x20d: {  	v6 =	vld [tilespmem:s18+$0xD000]  }
0x20e: {  	s18 =	sadd.s32 $0xA900, s17;
	v5 =	vadd.f32 v7, v5;
	v1 =	vadd.f32 v2, v1;
	v2 =	vld [tilespmem:s17+$0xC980]  }
0x20f: {  	v7 =	vld [tilespmem:s18+$0xD000]  }
0x210: {  	s18 =	sadd.s32 $0xAF80, s17;
	v5 =	vadd.f32 v8, v5;
	v1 =	vadd.f32 v3, v1  }
0x211: {  	v3 =	vld [tilespmem:s18+$0xD000]  }
0x212: {  	s18 =	sadd.s32 $0xB600, s17;
	v5 =	vadd.f32 v6, v5;
	v1 =	vadd.f32 v4, v1  }
0x213: {  	v4 =	vld [tilespmem:s18+$0xD000]  }
0x214: {  	s18 =	sadd.s32 $0xBC80, s17;
	v5 =	vadd.f32 v7, v5;
	v1 =	vadd.f32 v2, v1  }
0x215: {  	v2 =	vld [tilespmem:s18+$0xD000]  }
0x216: {  	s18 =	sadd.s32 $0xC300, s17;
	v3 =	vadd.f32 v3, v5;
	v1 =	vadd.f32 v1, v0  }
0x217: {  	v5 =	vld [tilespmem:s18+$0xD000]  }
0x218: {  	s17 =	sadd.s32 $0xC980, s17;
	v3 =	vadd.f32 v4, v3;
	(erf) = vrcp.f32 v1  }
0x219: {  	v1 =	vld [tilespmem:s17+$0xD000]  }
0x21a: {  	v2 =	vadd.f32 v2, v3  }
0x21b: {  	v3 =	vld [tilespmem:s14+$0x1A000]  }
0x21c: {  	v2 =	vadd.f32 v5, v2;
	_ =	sdelay $0x1  }
.Ltmp0:
0x21d: {  	v1 =	vadd.f32 v1, v2;
	(pc) =	sbr.rel @p0 .LBB2_2-.Ltmp0, $4  }
0x21e: {  	_ = 	snop  }
0x21f: {  	v1 =	vadd.f32 v1, v3  }
0x220: {  	v2 =	vpop (erf)  }
0x221: {  	s18 =	sshra.s32 s16, $0x2;
	s16 =	sadd.s32 $0x40, s16;
	v1 =	vmul.f32 v2, v1  }
0x222: {  	v2 =	vld [tilespmem:s18+$0x0];
	s15 =	sadd.s32 $0x10, s15  }
0x223: {  	s15 =	sand.u32 $0x7F0, s15;
	[tilespmem:s14+$0x1A680] =	vst v1  }
0x224: {  	v1 =	vld [tilespmem:s15+$0x680];
	_ =	sdelay $0x1  }
0x225: {  	v3 =	vld [tilespmem:s15+$0xD00]  }
0x226: {  	v2 =	vadd.f32 $0.0e+00, v2  }
0x227: {  	v4 =	vld [tilespmem:s15+$0x1380]  }
0x228: {  	v1 =	vadd.f32 v1, v2  }
0x229: {  	v58 =	vld [tilespmem:s15+$0x1A00]  }
0x22a: {  	v5 =	vld [tilespmem:s18+$0xD000];
	v1 =	vadd.f32 v3, v1  }
0x22b: {  	v59 =	vld [tilespmem:s15+$0x2080]  }
0x22c: {  	v60 =	vld [tilespmem:s15+$0x2700];
	v1 =	vadd.f32 v4, v1  }
0x22d: {  	v6 =	vld [tilespmem:s15+$0xD680]  }
0x22e: {  	v61 =	vld [tilespmem:s15+$0x2D80];
	v1 =	vadd.f32 v58, v1  }
0x22f: {  	v7 =	vld [tilespmem:s15+$0xDD00]  }
0x230: {  	v62 =	vld [tilespmem:s15+$0x3400];
	v5 =	vadd.f32 $0.0e+00, v5;
	v1 =	vadd.f32 v59, v1  }
0x231: {  	v8 =	vld [tilespmem:s15+$0xE380]  }
0x232: {  	v63 =	vld [tilespmem:s15+$0x3A80];
	v5 =	vadd.f32 v6, v5;
	v1 =	vadd.f32 v60, v1  }
0x233: {  	v12 =	vld [tilespmem:s15+$0xEA00]  }
0x234: {  	v13 =	vld [tilespmem:s15+$0x4100];
	v5 =	vadd.f32 v7, v5;
	v1 =	vadd.f32 v61, v1  }
0x235: {  	v14 =	vld [tilespmem:s15+$0xF080]  }
0x236: {  	v15 =	vld [tilespmem:s15+$0x4780];
	v5 =	vadd.f32 v8, v5;
	v1 =	vadd.f32 v62, v1  }
0x237: {  	v16 =	vld [tilespmem:s15+$0xF700]  }
0x238: {  	v17 =	vld [tilespmem:s15+$0x4E00];
	v5 =	vadd.f32 v12, v5;
	v1 =	vadd.f32 v63, v1  }
0x239: {  	v18 =	vld [tilespmem:s15+$0xFD80]  }
0x23a: {  	s17 =	sadd.s32 $0x3400, s15;
	v19 =	vld [tilespmem:s15+$0x5480];
	v5 =	vadd.f32 v14, v5;
	v1 =	vadd.f32 v13, v1  }
0x23b: {  	v20 =	vld [tilespmem:s17+$0xD000]  }
0x23c: {  	s16 =	sadd.s32 $0x3A80, s15;
	v21 =	vld [tilespmem:s15+$0x5B00];
	v5 =	vadd.f32 v16, v5;
	v1 =	vadd.f32 v15, v1  }
0x23d: {  	v22 =	vld [tilespmem:s16+$0xD000]  }
0x23e: {  	v23 =	vld [tilespmem:s15+$0x6180];
	s17 =	sadd.s32 $0x4100, s15;
	v5 =	vadd.f32 v18, v5;
	v1 =	vadd.f32 v17, v1  }
0x23f: {  	v24 =	vld [tilespmem:s17+$0xD000]  }
0x240: {  	v25 =	vld [tilespmem:s18+$0x6800];
	s16 =	sadd.s32 $0x4780, s15;
	v5 =	vadd.f32 v20, v5;
	v1 =	vadd.f32 v19, v1  }
0x241: {  	v26 =	vld [tilespmem:s16+$0xD000]  }
0x242: {  	v27 =	vld [tilespmem:s15+$0x6E80];
	s17 =	sadd.s32 $0x4E00, s15;
	v5 =	vadd.f32 v22, v5;
	v1 =	vadd.f32 v21, v1  }
0x243: {  	v28 =	vld [tilespmem:s17+$0xD000]  }
0x244: {  	v29 =	vld [tilespmem:s15+$0x7500];
	s16 =	sadd.s32 $0x5480, s15;
	v5 =	vadd.f32 v24, v5;
	v1 =	vadd.f32 v23, v1  }
0x245: {  	v30 =	vld [tilespmem:s16+$0xD000]  }
0x246: {  	v31 =	vld [tilespmem:s15+$0x7B80];
	s17 =	sadd.s32 $0x5B00, s15;
	v5 =	vadd.f32 v26, v5;
	v1 =	vadd.f32 v25, v1  }
0x247: {  	v32 =	vld [tilespmem:s17+$0xD000]  }
0x248: {  	v33 =	vld [tilespmem:s15+$0x8200];
	s16 =	sadd.s32 $0x6180, s15;
	v5 =	vadd.f32 v28, v5;
	v1 =	vadd.f32 v27, v1  }
0x249: {  	v34 =	vld [tilespmem:s16+$0xD000]  }
0x24a: {  	v35 =	vld [tilespmem:s18+$0x13800];
	v5 =	vadd.f32 v30, v5;
	v1 =	vadd.f32 v29, v1  }
0x24b: {  	v36 =	vld [tilespmem:s15+$0x8880]  }
0x24c: {  	v37 =	vld [tilespmem:s15+$0x8F00];
	s17 =	sadd.s32 $0x6E80, s15;
	v5 =	vadd.f32 v32, v5;
	v1 =	vadd.f32 v31, v1  }
0x24d: {  	v38 =	vld [tilespmem:s17+$0xD000]  }
0x24e: {  	v39 =	vld [tilespmem:s15+$0x9580];
	s16 =	sadd.s32 $0x7500, s15;
	v5 =	vadd.f32 v34, v5;
	v1 =	vadd.f32 v33, v1  }
0x24f: {  	v40 =	vld [tilespmem:s16+$0xD000]  }
0x250: {  	v41 =	vld [tilespmem:s15+$0x9C00];
	s17 =	sadd.s32 $0x7B80, s15;
	v5 =	vadd.f32 v35, v5;
	v1 =	vadd.f32 v36, v1  }
0x251: {  	v42 =	vld [tilespmem:s17+$0xD000]  }
0x252: {  	v43 =	vld [tilespmem:s15+$0xA280];
	s16 =	sadd.s32 $0x8200, s15;
	v5 =	vadd.f32 v38, v5;
	v1 =	vadd.f32 v37, v1  }
0x253: {  	v44 =	vld [tilespmem:s16+$0xD000]  }
0x254: {  	v45 =	vld [tilespmem:s15+$0xA900];
	s17 =	sadd.s32 $0x8880, s15;
	v5 =	vadd.f32 v40, v5;
	v1 =	vadd.f32 v39, v1  }
0x255: {  	v46 =	vld [tilespmem:s17+$0xD000]  }
0x256: {  	v47 =	vld [tilespmem:s15+$0xAF80];
	s16 =	sadd.s32 $0x8F00, s15;
	v5 =	vadd.f32 v42, v5;
	v1 =	vadd.f32 v41, v1  }
0x257: {  	v48 =	vld [tilespmem:s16+$0xD000]  }
0x258: {  	v49 =	vld [tilespmem:s15+$0xB600];
	s17 =	sadd.s32 $0x9580, s15;
	v5 =	vadd.f32 v44, v5;
	v1 =	vadd.f32 v43, v1  }
0x259: {  	v50 =	vld [tilespmem:s17+$0xD000]  }
0x25a: {  	v51 =	vld [tilespmem:s15+$0xBC80];
	s16 =	sadd.s32 $0x9C00, s15;
	v5 =	vadd.f32 v46, v5;
	v1 =	vadd.f32 v45, v1  }
0x25b: {  	v52 =	vld [tilespmem:s16+$0xD000]  }
0x25c: {  	v53 =	vld [tilespmem:s15+$0xC300];
	s17 =	sadd.s32 $0xA280, s15;
	v5 =	vadd.f32 v48, v5;
	v1 =	vadd.f32 v47, v1  }
0x25d: {  	v54 =	vld [tilespmem:s17+$0xD000]  }
0x25e: {  	v55 =	vld [tilespmem:s15+$0xC980];
	s16 =	sadd.s32 $0xA900, s15;
	v5 =	vadd.f32 v50, v5;
	v1 =	vadd.f32 v49, v1  }
0x25f: {  	v56 =	vld [tilespmem:s16+$0xD000]  }
0x260: {  	s17 =	sadd.s32 $0xAF80, s15;
	v5 =	vadd.f32 v52, v5;
	v1 =	vadd.f32 v51, v1  }
0x261: {  	v57 =	vld [tilespmem:s17+$0xD000]  }
0x262: {  	s16 =	sadd.s32 $0xB600, s15;
	v5 =	vadd.f32 v54, v5;
	v1 =	vadd.f32 v53, v1  }
0x263: {  	v58 =	vld [tilespmem:s16+$0xD000]  }
0x264: {  	s17 =	sadd.s32 $0xBC80, s15;
	v5 =	vadd.f32 v56, v5;
	v1 =	vadd.f32 v55, v1  }
0x265: {  	v59 =	vld [tilespmem:s17+$0xD000]  }
0x266: {  	s16 =	sadd.s32 $0xC300, s15;
	v3 =	vadd.f32 v57, v5;
	v0 =	vadd.f32 v1, v0  }
0x267: {  	v60 =	vld [tilespmem:s16+$0xD000]  }
0x268: {  	s17 =	sadd.s32 $0xC980, s15;
	v3 =	vadd.f32 v58, v3;
	(erf) = vrcp.f32 v0  }
0x269: {  	v61 =	vld [tilespmem:s17+$0xD000]  }
0x26a: {  	v2 =	vadd.f32 v59, v3  }
0x26b: {  	v62 =	vld [tilespmem:s18+$0x1A000]  }
0x26c: {  	v1 =	vadd.f32 v60, v2;
	_ =	sdelay $0x1  }
0x26d: {  	v0 =	vadd.f32 v61, v1;
	_ =	sdelay $0x1  }
0x26e: {  	v0 =	vadd.f32 v0, v62  }
0x26f: {  	v63 =	vpop (erf)  }
0x270: {  	s13 =	sadd.s32 $0x1, s13;
	v0 =	vmul.f32 v63, v0  }
0x271: {  	p0 =	sne.s32 s13, s10  }
.Ltmp1:
0x272: {  	[tilespmem:s18+$0x1A680] =	vst v0;
	s18 =	simm.s32 $0x1A680;
	(pc) =	sbr.rel @p0 .LBB2_1-.Ltmp1, $4  }
0x273: {  	[hbm4b:s9+s2] =	stream.linear.scatter [tilespmem:s18], [sflag:$0x2], $0x680, $0x38;
	[tilespmem:$0x1AD80] =	vst v63  }
0x274: {  	_ =	swait.ge [sflag:s11], $0x680  }
0x275: {  	[sflag:s11] =	ssyncset.done $0x0  }
0x276: {  	[sflag:s11] =	ssyncadd.s32 $0xFFFFF980  }
0x277: {  	_ =	sfence.sel $0x180000  }
0x278: {  	[bflag:$0x0] =	sbarrier.arrive $0xFFFF  }
0x279: {  	_ =	strace $0x9000004A  }
0x27a: {  	s0 =	stileid.u32;
	[bflag:$0x2] =	sbarrier.arrive $0xFFFF  }
0x27b: {  	p0 =	sne.s32 s0, $0x0;
	s0 =	rddreg [dreg:$0x2]  }
0x27c: {  	s0 =	sadd.s32 @!p0 $0x100000, s0  }
0x27d: {  	[sflag:s0] =	ssyncadd.tile.s32 @!p0 $0x1;
	_ =	shalt  }
.Lfunc_end2:
_tile_overlayer_lowered:
.L_overlay_start_2:
0x27e: {  	(tag) =	ssettag $0x2  }
0x27f: {  	s0 =	rddreg [dreg:$0x0];
	s2 =	stileid.u32  }
0x280: {  	s1 =	rddreg [dreg:$0x1];
	p0 =	sne.s32 s2, $0x0  }
0x281: {  	s3 =	rddreg [dreg:$0x2];
	[bflag:$0x3] =	sbarrier.arrive $0xFFFF;
	s2 =	simm.s32 @!p0 $0x1C02  }
0x282: {  	[timem:s3], [sflag:s2] =	dma.local @!p0 [hbm:s0], s1  }
0x283: {  	s0 =	simm.s32 @!p0 $0x2  }
0x284: {  	_ =	swait.ge @!p0 [sflag:s0], s1  }
0x285: {  	s1 =	ssub.s32 @!p0 $0x0, s1;
	[sflag:s0] =	ssyncset.done @!p0 $0x0  }
0x286: {  	[sflag:s0] =	ssyncadd.s32 @!p0 s1  }
0x287: {  	[bflag:$0x3] =	sbarrier.arrive $0xFFFF  }
0x288: {  	_ =	shalt  }

</sc_bundles>
